<compile_context>
chip_gen: v7x
topology: tpu7x:2x2x1
jax: 0.10.2.dev20260603
libtpu: 0.0.44.dev20260713+nightly
codegen_flags: <defaults>
</compile_context>

<pallas_src>
import functools

import jax
import jax.numpy as jnp
from jax import lax
from jax.experimental import pallas as pl
from jax.experimental.pallas import tpu as pltpu
from jax.experimental.pallas import tpu_sc as plsc

N = 10000
NPAD = 10000
E = 320000
D = 128
NEG_SLOPE = (1.0 / 8.0 + 1.0 / 3.0) / 2.0

NC = 2
NS = 16
K = 40
NBUF_A = 6
NBUF_B = 8
K_B = 80
ROWS_PER_TILE = NPAD // NS
ZROWS = 25
Z16 = 125

_mesh = plsc.VectorSubcoreMesh(core_axis_name="c", subcore_axis_name="s")
_sc_params = pltpu.CompilerParams(use_tc_tiling_on_sc=False)


def _zero_acc(zer_hbm, zbuf, acc, rowbase):
    pltpu.sync_copy(zer_hbm, zbuf)
    for i in range(ROWS_PER_TILE // ZROWS):
        pltpu.sync_copy(zbuf, acc.at[pl.ds(rowbase + i * ZROWS, ZROWS)])


def _seg_pipeline(ei_hbm, acc, idxb, rows, semi, semg, sems, ebase, nchunks,
                  k, nbuf, skew_i, skew_g,
                  *, table_hbm=None, ea_hbm=None,
                  degacc=None, onesv=None, semd=None):
    gather = table_hbm is not None

    def idx_src(i):
        return ei_hbm.at[:, pl.ds(ebase + i * k, k)]

    def idx_start(i, b):
        pltpu.async_copy(idx_src(i), idxb.at[b], semi.at[b])

    def idx_wait(b):
        pltpu.make_async_copy(idx_src(0), idxb.at[b], semi.at[b]).wait()

    def rd_start(i, b):
        if gather:
            pltpu.async_copy(table_hbm.at[idxb.at[b, 0]], rows.at[b],
                             semg.at[b])
        else:
            pltpu.async_copy(ea_hbm.at[pl.ds(ebase + i * k, k)], rows.at[b],
                             semg.at[b])

    def rd_wait(b):
        if gather:
            pltpu.make_async_copy(table_hbm.at[idxb.at[b, 0]], rows.at[b],
                                  semg.at[b]).wait()
        else:
            pltpu.make_async_copy(ea_hbm.at[pl.ds(ebase, k)], rows.at[b],
                                  semg.at[b]).wait()

    def sc_start(b):
        pltpu.async_copy(rows.at[b], acc.at[idxb.at[b, 1]], sems.at[b],
                         add=True)
        if degacc is not None:
            pltpu.async_copy(onesv, degacc.at[idxb.at[b, 1]], semd.at[b],
                             add=True)

    def sc_wait(b):
        pltpu.make_async_copy(rows.at[b], acc.at[idxb.at[b, 1]],
                              sems.at[b]).wait()
        if degacc is not None:
            pltpu.make_async_copy(onesv, degacc.at[idxb.at[b, 1]],
                                  semd.at[b]).wait()

    for j in range(skew_i):
        idx_start(j, j)
    for j in range(skew_g):
        idx_wait(j)
        rd_start(j, j)

    def body(i, _):
        slot = lax.rem(i, nbuf)
        sg = lax.rem(i + skew_g, nbuf)
        si = lax.rem(i + skew_i, nbuf)

        rd_wait(slot)
        sc_start(slot)

        @pl.when(i + skew_i < nchunks)
        def _():
            @pl.when(i + skew_i >= nbuf)
            def _():
                sc_wait(si)
            idx_start(i + skew_i, si)

        @pl.when(i + skew_g < nchunks)
        def _():
            idx_wait(sg)
            rd_start(i + skew_g, sg)
        return 0

    lax.fori_loop(0, nchunks, body, 0)
    for b in range(nbuf):
        sc_wait(b)


@functools.partial(
    pl.kernel,
    out_type=[
        jax.ShapeDtypeStruct((NPAD, D), jnp.float32),
        jax.ShapeDtypeStruct((NPAD, D), jnp.float32),
        jax.ShapeDtypeStruct((NPAD, 16), jnp.float32),
    ],
    mesh=_mesh,
    compiler_params=_sc_params,
    scratch_types=[
        pltpu.VMEM_SHARED((NPAD, D), jnp.float32),
        pltpu.VMEM_SHARED((NPAD, 16), jnp.float32),
        pltpu.VMEM((NBUF_A, 2, K), jnp.int32),
        pltpu.VMEM((NBUF_A, K, D), jnp.float32),
        pltpu.VMEM((K, 16), jnp.float32),
        pltpu.VMEM((ZROWS, D), jnp.float32),
        pltpu.VMEM((Z16, 16), jnp.float32),
        pltpu.SemaphoreType.DMA((NBUF_A,)),
        pltpu.SemaphoreType.DMA((NBUF_A,)),
        pltpu.SemaphoreType.DMA((NBUF_A,)),
        pltpu.SemaphoreType.DMA((NBUF_A,)),
    ],
)
def _sc_pre(x_hbm, ea_hbm, ei_hbm, zer_hbm, zer16_hbm, ones_hbm,
            eagg_hbm, s1_hbm, deg_hbm,
            acc, degacc, idxb, rows, onesv, zbuf, zbuf16,
            semi, semg, sems, semd):
    c = lax.axis_index("c")
    s = lax.axis_index("s")
    rowbase = s * ROWS_PER_TILE
    ebase = s * (E // NS)
    nchunks = (E // NS) // K

    _zero_acc(zer_hbm, zbuf, acc, rowbase)

    @pl.when(c == 0)
    def _():
        pltpu.sync_copy(zer16_hbm, zbuf16)
        for i in range(ROWS_PER_TILE // Z16):
            pltpu.sync_copy(zbuf16, degacc.at[pl.ds(rowbase + i * Z16, Z16)])
        pltpu.sync_copy(ones_hbm, onesv)

    plsc.subcore_barrier()

    @pl.when(c == 0)
    def _():
        _seg_pipeline(ei_hbm, acc, idxb, rows, semi, semg, sems,
                      ebase, nchunks, K, NBUF_A, 4, 2, ea_hbm=ea_hbm,
                      degacc=degacc, onesv=onesv, semd=semd)

    @pl.when(c == 1)
    def _():
        _seg_pipeline(ei_hbm, acc, idxb, rows, semi, semg, sems,
                      ebase, nchunks, K, NBUF_A, 4, 2, table_hbm=x_hbm)

    plsc.subcore_barrier()

    sl = pl.ds(rowbase, ROWS_PER_TILE)

    @pl.when(c == 0)
    def _():
        pltpu.sync_copy(acc.at[sl], eagg_hbm.at[sl])
        pltpu.sync_copy(degacc.at[sl], deg_hbm.at[sl])

    @pl.when(c == 1)
    def _():
        pltpu.sync_copy(acc.at[sl], s1_hbm.at[sl])


@functools.partial(
    pl.kernel,
    out_type=[jax.ShapeDtypeStruct((NC, NPAD, D), jnp.bfloat16)],
    mesh=_mesh,
    compiler_params=_sc_params,
    scratch_types=[
        pltpu.VMEM_SHARED((NPAD, D), jnp.bfloat16),
        pltpu.VMEM((NBUF_B, 2, K_B), jnp.int32),
        pltpu.VMEM((NBUF_B, K_B, D), jnp.bfloat16),
        pltpu.VMEM((ZROWS, D), jnp.bfloat16),
        pltpu.SemaphoreType.DMA((NBUF_B,)),
        pltpu.SemaphoreType.DMA((NBUF_B,)),
        pltpu.SemaphoreType.DMA((NBUF_B,)),
    ],
)
def _sc_segsum(h_hbm, ei_hbm, zer_hbm, out_hbm,
               acc, idxb, rows, zbuf, semi, semg, sems):
    c = lax.axis_index("c")
    s = lax.axis_index("s")
    rowbase = s * ROWS_PER_TILE
    wid = c * NS + s
    ebase = wid * (E // (NC * NS))
    nchunks = (E // (NC * NS)) // K_B

    _zero_acc(zer_hbm, zbuf, acc, rowbase)
    plsc.subcore_barrier()

    _seg_pipeline(ei_hbm, acc, idxb, rows, semi, semg, sems,
                  ebase, nchunks, K_B, NBUF_B, 6, 3, table_hbm=h_hbm)

    plsc.subcore_barrier()
    sl = pl.ds(rowbase, ROWS_PER_TILE)
    pltpu.sync_copy(acc.at[sl], out_hbm.at[c, sl])


def _dense_body(h_ref, p_ref, eagg_ref, deg_ref, w1_ref, w2_ref, w3_ref,
                out_ref):
    h = h_ref[...]
    ssum = jnp.sum(p_ref[...].astype(jnp.float32), axis=0)
    deg = deg_ref[...][:, :1]
    iso = deg == 0.0
    agg = (ssum + eagg_ref[...]) / jnp.maximum(deg, 1.0)
    dn = (((1,), (1,)), ((), ()))
    prec = lax.Precision.DEFAULT
    a = lax.dot_general(agg, w1_ref[...], dn, precision=prec,
                        preferred_element_type=jnp.float32)
    a = a + lax.dot_general(h, w2_ref[...], dn, precision=prec,
                            preferred_element_type=jnp.float32)
    b = lax.dot_general(h, w3_ref[...], dn, precision=prec,
                        preferred_element_type=jnp.float32)
    z = jnp.where(iso, b, a)
    out_ref[...] = jnp.where(z >= 0, z, NEG_SLOPE * z)


def _dense(h, s_parts, eagg, deg, W1, W2, W3):
    P = s_parts.shape[0]
    B = 1000
    wspec = pl.BlockSpec((D, D), lambda i: (0, 0))
    return pl.pallas_call(
        _dense_body,
        grid=(NPAD // B,),
        in_specs=[
            pl.BlockSpec((B, D), lambda i: (i, 0)),
            pl.BlockSpec((P, B, D), lambda i: (0, i, 0)),
            pl.BlockSpec((B, D), lambda i: (i, 0)),
            pl.BlockSpec((B, 16), lambda i: (i, 0)),
            wspec, wspec, wspec,
        ],
        out_specs=pl.BlockSpec((B, D), lambda i: (i, 0)),
        out_shape=jax.ShapeDtypeStruct((NPAD, D), jnp.float32),
    )(h, s_parts, eagg, deg, W1, W2, W3)


def kernel(x, edge_attr, edge_index, W1_0, W2_0, W3_0, W1_1, W2_1, W3_1):
    zer = jnp.zeros((ZROWS, D), jnp.float32)
    zer16 = jnp.zeros((Z16, 16), jnp.float32)
    ones16 = jnp.ones((K, 16), jnp.float32)

    zerh = jnp.zeros((ZROWS, D), jnp.bfloat16)
    eagg, s1, deg = _sc_pre(x, edge_attr, edge_index, zer, zer16, ones16)
    h1 = _dense(x, s1[None].astype(jnp.float32) if s1.dtype != jnp.float32
                else s1[None], eagg, deg, W1_0, W2_0, W3_0)
    (s2,) = _sc_segsum(h1.astype(jnp.bfloat16), edge_index, zerh)
    h2 = _dense(h1, s2, eagg, deg, W1_1, W2_1, W3_1)
    return (h2, edge_attr)

# --- scband reference (transcript-rebuilt; emitter-appended) ---
"""Pipeline reference for scband-omega-rel-graph-conv-35450660061270 (READ-ONLY COPY).

The authoritative reference and input builder live on the scoring server;
editing this copy changes nothing except your own understanding.
"""

import jax, jax.numpy as jnp
import numpy as np

N = 10000
E = 320000
D = 128
H = 128
NEG_SLOPE = (1.0/8.0 + 1.0/3.0) / 2.0  # rrelu eval-mode slope


def setup_inputs(seed: int = 0) -> dict:
    key = jax.random.key(seed)
    ks = jax.random.split(key, 12)
    x = jax.random.normal(ks[0], (N, D), dtype=jnp.float32)
    edge_attr = jax.random.normal(ks[1], (E, D), dtype=jnp.float32)
    edge_index = jax.random.randint(ks[2], (2, E), 0, N, dtype=jnp.int32)
    s_in = 1.0 / np.sqrt(D)
    s_h = 1.0 / np.sqrt(H)
    # layer 0: input_size -> hidden_size
    W1_0 = jax.random.uniform(ks[3], (H, D), jnp.float32, -s_in, s_in)
    W2_0 = jax.random.uniform(ks[4], (H, D), jnp.float32, -s_in, s_in)
    W3_0 = jax.random.uniform(ks[5], (H, D), jnp.float32, -s_in, s_in)
    # layer 1: hidden_size -> hidden_size
    W1_1 = jax.random.uniform(ks[6], (H, H), jnp.float32, -s_h, s_h)
    W2_1 = jax.random.uniform(ks[7], (H, H), jnp.float32, -s_h, s_h)
    W3_1 = jax.random.uniform(ks[8], (H, H), jnp.float32, -s_h, s_h)
    return {"x": x, "edge_attr": edge_attr, "edge_index": edge_index,
            "W1_0": W1_0, "W2_0": W2_0, "W3_0": W3_0,
            "W1_1": W1_1, "W2_1": W2_1, "W3_1": W3_1}


def _layer(h, e, src, dst, W1, W2, W3):
    n = h.shape[0]
    self_msg = h @ W2.T
    iso_msg = h @ W3.T
    deg = jnp.zeros((n,), dtype=h.dtype).at[dst].add(1.0)
    isolated = (deg == 0)
    self_msg = jnp.where(isolated[:, None], iso_msg, self_msg)
    # message: linear1(src_h + edge_h)
    msg = (jnp.take(h, src, axis=0) + e) @ W1.T
    agg = jax.ops.segment_sum(msg, dst, num_segments=n)
    agg = jnp.where(isolated[:, None], 0.0, agg / jnp.maximum(deg, 1.0)[:, None])
    z = agg + self_msg
    out = jnp.where(z >= 0, z, NEG_SLOPE * z)  # rrelu, eval mode
    # dropout is identity in eval mode
    return out, e


def reference(x, edge_attr, edge_index, W1_0, W2_0, W3_0, W1_1, W2_1, W3_1):
    src = edge_index[0]
    dst = edge_index[1]
    h, e = _layer(x, edge_attr, src, dst, W1_0, W2_0, W3_0)
    h, e = _layer(h, e, src, dst, W1_1, W2_1, W3_1)
    return (h, e)

if __name__ == "__main__":
    import jax
    _d = setup_inputs()
    print(jax.jit(kernel)(*tuple(_d.values())))

</pallas_src>

<mosaic_0001>
#map = affine_map<(d0, d1) -> (0, 0)>
module attributes {stable_mosaic.version = 14 : i64} {
  func.func @_sc_pre(%arg0: i32, %arg1: i32, %arg2: memref<10000x128xf32, #tpu.memory_space<hbm>>, %arg3: memref<320000x128xf32, #tpu.memory_space<hbm>>, %arg4: memref<2x320000xi32, #tpu.memory_space<hbm>>, %arg5: memref<25x128xf32, #tpu.memory_space<hbm>>, %arg6: memref<125x16xf32, #tpu.memory_space<hbm>>, %arg7: memref<40x16xf32, #tpu.memory_space<hbm>>, %arg8: memref<10000x128xf32, #tpu.memory_space<hbm>>, %arg9: memref<10000x128xf32, #tpu.memory_space<hbm>>, %arg10: memref<10000x16xf32, #tpu.memory_space<hbm>>, %arg11: memref<10000x128xf32, #tpu.memory_space<vmem_shared>>, %arg12: memref<10000x16xf32, #tpu.memory_space<vmem_shared>>, %arg13: memref<6x2x40xi32, #tpu.memory_space<vmem>>, %arg14: memref<6x40x128xf32, #tpu.memory_space<vmem>>, %arg15: memref<40x16xf32, #tpu.memory_space<vmem>>, %arg16: memref<25x128xf32, #tpu.memory_space<vmem>>, %arg17: memref<125x16xf32, #tpu.memory_space<vmem>>, %arg18: memref<6x!tpu.dma_semaphore, #tpu.memory_space<semaphore_mem>>, %arg19: memref<6x!tpu.dma_semaphore, #tpu.memory_space<semaphore_mem>>, %arg20: memref<6x!tpu.dma_semaphore, #tpu.memory_space<semaphore_mem>>, %arg21: memref<6x!tpu.dma_semaphore, #tpu.memory_space<semaphore_mem>>) attributes {dimension_semantics = [#tpu.dimension_semantics<core_parallel>, #tpu.dimension_semantics<subcore_parallel>], iteration_bounds = array<i64: 2, 16>, scalar_prefetch = 0 : i64, scratch_operands = 11 : i64, tpu.core_type = #tpu.core_type<sc_vector_subcore>, window_params = [{transform_indices = #map}, {transform_indices = #map}, {transform_indices = #map}, {transform_indices = #map}, {transform_indices = #map}, {transform_indices = #map}, {transform_indices = #map}, {transform_indices = #map}, {transform_indices = #map}]} {
    %mul3A = arith.constant 625 : i32
    %mul3A_0 = arith.muli %arg1, %mul3A : i32
    %mul3A_1 = arith.constant 20000 : i32
    %mul3A_2 = arith.muli %arg1, %mul3A_1 : i32
    "tpu.region"() ({
      %run_scoped3A = tpu.sem_alloc : memref<!tpu.dma_semaphore, #tpu.memory_space<semaphore_mem>>
      tpu.enqueue_dma source(%arg5 : memref<25x128xf32, #tpu.memory_space<hbm>>) target(%arg16 : memref<25x128xf32, #tpu.memory_space<vmem>>) target_semaphore(%run_scoped3A : memref<!tpu.dma_semaphore, #tpu.memory_space<semaphore_mem>>)
      tpu.wait_dma2 semaphore(%run_scoped3A : memref<!tpu.dma_semaphore, #tpu.memory_space<semaphore_mem>>) src(%arg5 : memref<25x128xf32, #tpu.memory_space<hbm>>) dst(%arg16 : memref<25x128xf32, #tpu.memory_space<vmem>>)
      tpu.yield
    }) : () -> ()
    %add3A = arith.constant 0 : i32
    %add3A_3 = arith.addi %mul3A_0, %add3A : i32
    "tpu.region"() ({
      %run_scoped3A = tpu.sem_alloc : memref<!tpu.dma_semaphore, #tpu.memory_space<semaphore_mem>>
      %dma_start3A = arith.constant 0 : i32
      %dma_start3A_75 = tpu.memref_slice %arg11[%add3A_3, %dma_start3A] : memref<10000x128xf32, #tpu.memory_space<vmem_shared>> -> memref<25x128xf32, #tpu.memory_space<vmem_shared>>
      %dma_start3A_76 = arith.constant 0 : i32
      %dma_start3A_77 = tpu.memref_slice %arg11[%add3A_3, %dma_start3A_76] : memref<10000x128xf32, #tpu.memory_space<vmem_shared>> -> memref<25x128xf32, #tpu.memory_space<vmem_shared>>
      tpu.enqueue_dma source(%arg16 : memref<25x128xf32, #tpu.memory_space<vmem>>) target(%dma_start3A_77 : memref<25x128xf32, #tpu.memory_space<vmem_shared>>) target_semaphore(%run_scoped3A : memref<!tpu.dma_semaphore, #tpu.memory_space<semaphore_mem>>)
      %dma_wait3A = arith.constant 0 : i32
      %dma_wait3A_78 = tpu.memref_slice %arg11[%add3A_3, %dma_wait3A] : memref<10000x128xf32, #tpu.memory_space<vmem_shared>> -> memref<25x128xf32, #tpu.memory_space<vmem_shared>>
      %dma_wait3A_79 = arith.constant 0 : i32
      %dma_wait3A_80 = tpu.memref_slice %arg11[%add3A_3, %dma_wait3A_79] : memref<10000x128xf32, #tpu.memory_space<vmem_shared>> -> memref<25x128xf32, #tpu.memory_space<vmem_shared>>
      tpu.wait_dma2 semaphore(%run_scoped3A : memref<!tpu.dma_semaphore, #tpu.memory_space<semaphore_mem>>) src(%arg16 : memref<25x128xf32, #tpu.memory_space<vmem>>) dst(%dma_wait3A_80 : memref<25x128xf32, #tpu.memory_space<vmem_shared>>)
      tpu.yield
    }) : () -> ()
    %add3A_4 = arith.constant 25 : i32
    %add3A_5 = arith.addi %mul3A_0, %add3A_4 : i32
    "tpu.region"() ({
      %run_scoped3A = tpu.sem_alloc : memref<!tpu.dma_semaphore, #tpu.memory_space<semaphore_mem>>
      %dma_start3A = arith.constant 0 : i32
      %dma_start3A_75 = tpu.memref_slice %arg11[%add3A_5, %dma_start3A] : memref<10000x128xf32, #tpu.memory_space<vmem_shared>> -> memref<25x128xf32, #tpu.memory_space<vmem_shared>>
      %dma_start3A_76 = arith.constant 0 : i32
      %dma_start3A_77 = tpu.memref_slice %arg11[%add3A_5, %dma_start3A_76] : memref<10000x128xf32, #tpu.memory_space<vmem_shared>> -> memref<25x128xf32, #tpu.memory_space<vmem_shared>>
      tpu.enqueue_dma source(%arg16 : memref<25x128xf32, #tpu.memory_space<vmem>>) target(%dma_start3A_77 : memref<25x128xf32, #tpu.memory_space<vmem_shared>>) target_semaphore(%run_scoped3A : memref<!tpu.dma_semaphore, #tpu.memory_space<semaphore_mem>>)
      %dma_wait3A = arith.constant 0 : i32
      %dma_wait3A_78 = tpu.memref_slice %arg11[%add3A_5, %dma_wait3A] : memref<10000x128xf32, #tpu.memory_space<vmem_shared>> -> memref<25x128xf32, #tpu.memory_space<vmem_shared>>
      %dma_wait3A_79 = arith.constant 0 : i32
      %dma_wait3A_80 = tpu.memref_slice %arg11[%add3A_5, %dma_wait3A_79] : memref<10000x128xf32, #tpu.memory_space<vmem_shared>> -> memref<25x128xf32, #tpu.memory_space<vmem_shared>>
      tpu.wait_dma2 semaphore(%run_scoped3A : memref<!tpu.dma_semaphore, #tpu.memory_space<semaphore_mem>>) src(%arg16 : memref<25x128xf32, #tpu.memory_space<vmem>>) dst(%dma_wait3A_80 : memref<25x128xf32, #tpu.memory_space<vmem_shared>>)
      tpu.yield
    }) : () -> ()
    %add3A_6 = arith.constant 50 : i32
    %add3A_7 = arith.addi %mul3A_0, %add3A_6 : i32
    "tpu.region"() ({
      %run_scoped3A = tpu.sem_alloc : memref<!tpu.dma_semaphore, #tpu.memory_space<semaphore_mem>>
      %dma_start3A = arith.constant 0 : i32
      %dma_start3A_75 = tpu.memref_slice %arg11[%add3A_7, %dma_start3A] : memref<10000x128xf32, #tpu.memory_space<vmem_shared>> -> memref<25x128xf32, #tpu.memory_space<vmem_shared>>
      %dma_start3A_76 = arith.constant 0 : i32
      %dma_start3A_77 = tpu.memref_slice %arg11[%add3A_7, %dma_start3A_76] : memref<10000x128xf32, #tpu.memory_space<vmem_shared>> -> memref<25x128xf32, #tpu.memory_space<vmem_shared>>
      tpu.enqueue_dma source(%arg16 : memref<25x128xf32, #tpu.memory_space<vmem>>) target(%dma_start3A_77 : memref<25x128xf32, #tpu.memory_space<vmem_shared>>) target_semaphore(%run_scoped3A : memref<!tpu.dma_semaphore, #tpu.memory_space<semaphore_mem>>)
      %dma_wait3A = arith.constant 0 : i32
      %dma_wait3A_78 = tpu.memref_slice %arg11[%add3A_7, %dma_wait3A] : memref<10000x128xf32, #tpu.memory_space<vmem_shared>> -> memref<25x128xf32, #tpu.memory_space<vmem_shared>>
      %dma_wait3A_79 = arith.constant 0 : i32
      %dma_wait3A_80 = tpu.memref_slice %arg11[%add3A_7, %dma_wait3A_79] : memref<10000x128xf32, #tpu.memory_space<vmem_shared>> -> memref<25x128xf32, #tpu.memory_space<vmem_shared>>
      tpu.wait_dma2 semaphore(%run_scoped3A : memref<!tpu.dma_semaphore, #tpu.memory_space<semaphore_mem>>) src(%arg16 : memref<25x128xf32, #tpu.memory_space<vmem>>) dst(%dma_wait3A_80 : memref<25x128xf32, #tpu.memory_space<vmem_shared>>)
      tpu.yield
    }) : () -> ()
    %add3A_8 = arith.constant 75 : i32
    %add3A_9 = arith.addi %mul3A_0, %add3A_8 : i32
    "tpu.region"() ({
      %run_scoped3A = tpu.sem_alloc : memref<!tpu.dma_semaphore, #tpu.memory_space<semaphore_mem>>
      %dma_start3A = arith.constant 0 : i32
      %dma_start3A_75 = tpu.memref_slice %arg11[%add3A_9, %dma_start3A] : memref<10000x128xf32, #tpu.memory_space<vmem_shared>> -> memref<25x128xf32, #tpu.memory_space<vmem_shared>>
      %dma_start3A_76 = arith.constant 0 : i32
      %dma_start3A_77 = tpu.memref_slice %arg11[%add3A_9, %dma_start3A_76] : memref<10000x128xf32, #tpu.memory_space<vmem_shared>> -> memref<25x128xf32, #tpu.memory_space<vmem_shared>>
      tpu.enqueue_dma source(%arg16 : memref<25x128xf32, #tpu.memory_space<vmem>>) target(%dma_start3A_77 : memref<25x128xf32, #tpu.memory_space<vmem_shared>>) target_semaphore(%run_scoped3A : memref<!tpu.dma_semaphore, #tpu.memory_space<semaphore_mem>>)
      %dma_wait3A = arith.constant 0 : i32
      %dma_wait3A_78 = tpu.memref_slice %arg11[%add3A_9, %dma_wait3A] : memref<10000x128xf32, #tpu.memory_space<vmem_shared>> -> memref<25x128xf32, #tpu.memory_space<vmem_shared>>
      %dma_wait3A_79 = arith.constant 0 : i32
      %dma_wait3A_80 = tpu.memref_slice %arg11[%add3A_9, %dma_wait3A_79] : memref<10000x128xf32, #tpu.memory_space<vmem_shared>> -> memref<25x128xf32, #tpu.memory_space<vmem_shared>>
      tpu.wait_dma2 semaphore(%run_scoped3A : memref<!tpu.dma_semaphore, #tpu.memory_space<semaphore_mem>>) src(%arg16 : memref<25x128xf32, #tpu.memory_space<vmem>>) dst(%dma_wait3A_80 : memref<25x128xf32, #tpu.memory_space<vmem_shared>>)
      tpu.yield
    }) : () -> ()
    %add3A_10 = arith.constant 100 : i32
    %add3A_11 = arith.addi %mul3A_0, %add3A_10 : i32
    "tpu.region"() ({
      %run_scoped3A = tpu.sem_alloc : memref<!tpu.dma_semaphore, #tpu.memory_space<semaphore_mem>>
      %dma_start3A = arith.constant 0 : i32
      %dma_start3A_75 = tpu.memref_slice %arg11[%add3A_11, %dma_start3A] : memref<10000x128xf32, #tpu.memory_space<vmem_shared>> -> memref<25x128xf32, #tpu.memory_space<vmem_shared>>
      %dma_start3A_76 = arith.constant 0 : i32
      %dma_start3A_77 = tpu.memref_slice %arg11[%add3A_11, %dma_start3A_76] : memref<10000x128xf32, #tpu.memory_space<vmem_shared>> -> memref<25x128xf32, #tpu.memory_space<vmem_shared>>
      tpu.enqueue_dma source(%arg16 : memref<25x128xf32, #tpu.memory_space<vmem>>) target(%dma_start3A_77 : memref<25x128xf32, #tpu.memory_space<vmem_shared>>) target_semaphore(%run_scoped3A : memref<!tpu.dma_semaphore, #tpu.memory_space<semaphore_mem>>)
      %dma_wait3A = arith.constant 0 : i32
      %dma_wait3A_78 = tpu.memref_slice %arg11[%add3A_11, %dma_wait3A] : memref<10000x128xf32, #tpu.memory_space<vmem_shared>> -> memref<25x128xf32, #tpu.memory_space<vmem_shared>>
      %dma_wait3A_79 = arith.constant 0 : i32
      %dma_wait3A_80 = tpu.memref_slice %arg11[%add3A_11, %dma_wait3A_79] : memref<10000x128xf32, #tpu.memory_space<vmem_shared>> -> memref<25x128xf32, #tpu.memory_space<vmem_shared>>
      tpu.wait_dma2 semaphore(%run_scoped3A : memref<!tpu.dma_semaphore, #tpu.memory_space<semaphore_mem>>) src(%arg16 : memref<25x128xf32, #tpu.memory_space<vmem>>) dst(%dma_wait3A_80 : memref<25x128xf32, #tpu.memory_space<vmem_shared>>)
      tpu.yield
    }) : () -> ()
    %add3A_12 = arith.constant 125 : i32
    %add3A_13 = arith.addi %mul3A_0, %add3A_12 : i32
    "tpu.region"() ({
      %run_scoped3A = tpu.sem_alloc : memref<!tpu.dma_semaphore, #tpu.memory_space<semaphore_mem>>
      %dma_start3A = arith.constant 0 : i32
      %dma_start3A_75 = tpu.memref_slice %arg11[%add3A_13, %dma_start3A] : memref<10000x128xf32, #tpu.memory_space<vmem_shared>> -> memref<25x128xf32, #tpu.memory_space<vmem_shared>>
      %dma_start3A_76 = arith.constant 0 : i32
      %dma_start3A_77 = tpu.memref_slice %arg11[%add3A_13, %dma_start3A_76] : memref<10000x128xf32, #tpu.memory_space<vmem_shared>> -> memref<25x128xf32, #tpu.memory_space<vmem_shared>>
      tpu.enqueue_dma source(%arg16 : memref<25x128xf32, #tpu.memory_space<vmem>>) target(%dma_start3A_77 : memref<25x128xf32, #tpu.memory_space<vmem_shared>>) target_semaphore(%run_scoped3A : memref<!tpu.dma_semaphore, #tpu.memory_space<semaphore_mem>>)
      %dma_wait3A = arith.constant 0 : i32
      %dma_wait3A_78 = tpu.memref_slice %arg11[%add3A_13, %dma_wait3A] : memref<10000x128xf32, #tpu.memory_space<vmem_shared>> -> memref<25x128xf32, #tpu.memory_space<vmem_shared>>
      %dma_wait3A_79 = arith.constant 0 : i32
      %dma_wait3A_80 = tpu.memref_slice %arg11[%add3A_13, %dma_wait3A_79] : memref<10000x128xf32, #tpu.memory_space<vmem_shared>> -> memref<25x128xf32, #tpu.memory_space<vmem_shared>>
      tpu.wait_dma2 semaphore(%run_scoped3A : memref<!tpu.dma_semaphore, #tpu.memory_space<semaphore_mem>>) src(%arg16 : memref<25x128xf32, #tpu.memory_space<vmem>>) dst(%dma_wait3A_80 : memref<25x128xf32, #tpu.memory_space<vmem_shared>>)
      tpu.yield
    }) : () -> ()
    %add3A_14 = arith.constant 150 : i32
    %add3A_15 = arith.addi %mul3A_0, %add3A_14 : i32
    "tpu.region"() ({
      %run_scoped3A = tpu.sem_alloc : memref<!tpu.dma_semaphore, #tpu.memory_space<semaphore_mem>>
      %dma_start3A = arith.constant 0 : i32
      %dma_start3A_75 = tpu.memref_slice %arg11[%add3A_15, %dma_start3A] : memref<10000x128xf32, #tpu.memory_space<vmem_shared>> -> memref<25x128xf32, #tpu.memory_space<vmem_shared>>
      %dma_start3A_76 = arith.constant 0 : i32
      %dma_start3A_77 = tpu.memref_slice %arg11[%add3A_15, %dma_start3A_76] : memref<10000x128xf32, #tpu.memory_space<vmem_shared>> -> memref<25x128xf32, #tpu.memory_space<vmem_shared>>
      tpu.enqueue_dma source(%arg16 : memref<25x128xf32, #tpu.memory_space<vmem>>) target(%dma_start3A_77 : memref<25x128xf32, #tpu.memory_space<vmem_shared>>) target_semaphore(%run_scoped3A : memref<!tpu.dma_semaphore, #tpu.memory_space<semaphore_mem>>)
      %dma_wait3A = arith.constant 0 : i32
      %dma_wait3A_78 = tpu.memref_slice %arg11[%add3A_15, %dma_wait3A] : memref<10000x128xf32, #tpu.memory_space<vmem_shared>> -> memref<25x128xf32, #tpu.memory_space<vmem_shared>>
      %dma_wait3A_79 = arith.constant 0 : i32
      %dma_wait3A_80 = tpu.memref_slice %arg11[%add3A_15, %dma_wait3A_79] : memref<10000x128xf32, #tpu.memory_space<vmem_shared>> -> memref<25x128xf32, #tpu.memory_space<vmem_shared>>
      tpu.wait_dma2 semaphore(%run_scoped3A : memref<!tpu.dma_semaphore, #tpu.memory_space<semaphore_mem>>) src(%arg16 : memref<25x128xf32, #tpu.memory_space<vmem>>) dst(%dma_wait3A_80 : memref<25x128xf32, #tpu.memory_space<vmem_shared>>)
      tpu.yield
    }) : () -> ()
    %add3A_16 = arith.constant 175 : i32
    %add3A_17 = arith.addi %mul3A_0, %add3A_16 : i32
    "tpu.region"() ({
      %run_scoped3A = tpu.sem_alloc : memref<!tpu.dma_semaphore, #tpu.memory_space<semaphore_mem>>
      %dma_start3A = arith.constant 0 : i32
      %dma_start3A_75 = tpu.memref_slice %arg11[%add3A_17, %dma_start3A] : memref<10000x128xf32, #tpu.memory_space<vmem_shared>> -> memref<25x128xf32, #tpu.memory_space<vmem_shared>>
      %dma_start3A_76 = arith.constant 0 : i32
      %dma_start3A_77 = tpu.memref_slice %arg11[%add3A_17, %dma_start3A_76] : memref<10000x128xf32, #tpu.memory_space<vmem_shared>> -> memref<25x128xf32, #tpu.memory_space<vmem_shared>>
      tpu.enqueue_dma source(%arg16 : memref<25x128xf32, #tpu.memory_space<vmem>>) target(%dma_start3A_77 : memref<25x128xf32, #tpu.memory_space<vmem_shared>>) target_semaphore(%run_scoped3A : memref<!tpu.dma_semaphore, #tpu.memory_space<semaphore_mem>>)
      %dma_wait3A = arith.constant 0 : i32
      %dma_wait3A_78 = tpu.memref_slice %arg11[%add3A_17, %dma_wait3A] : memref<10000x128xf32, #tpu.memory_space<vmem_shared>> -> memref<25x128xf32, #tpu.memory_space<vmem_shared>>
      %dma_wait3A_79 = arith.constant 0 : i32
      %dma_wait3A_80 = tpu.memref_slice %arg11[%add3A_17, %dma_wait3A_79] : memref<10000x128xf32, #tpu.memory_space<vmem_shared>> -> memref<25x128xf32, #tpu.memory_space<vmem_shared>>
      tpu.wait_dma2 semaphore(%run_scoped3A : memref<!tpu.dma_semaphore, #tpu.memory_space<semaphore_mem>>) src(%arg16 : memref<25x128xf32, #tpu.memory_space<vmem>>) dst(%dma_wait3A_80 : memref<25x128xf32, #tpu.memory_space<vmem_shared>>)
      tpu.yield
    }) : () -> ()
    %add3A_18 = arith.constant 200 : i32
    %add3A_19 = arith.addi %mul3A_0, %add3A_18 : i32
    "tpu.region"() ({
      %run_scoped3A = tpu.sem_alloc : memref<!tpu.dma_semaphore, #tpu.memory_space<semaphore_mem>>
      %dma_start3A = arith.constant 0 : i32
      %dma_start3A_75 = tpu.memref_slice %arg11[%add3A_19, %dma_start3A] : memref<10000x128xf32, #tpu.memory_space<vmem_shared>> -> memref<25x128xf32, #tpu.memory_space<vmem_shared>>
      %dma_start3A_76 = arith.constant 0 : i32
      %dma_start3A_77 = tpu.memref_slice %arg11[%add3A_19, %dma_start3A_76] : memref<10000x128xf32, #tpu.memory_space<vmem_shared>> -> memref<25x128xf32, #tpu.memory_space<vmem_shared>>
      tpu.enqueue_dma source(%arg16 : memref<25x128xf32, #tpu.memory_space<vmem>>) target(%dma_start3A_77 : memref<25x128xf32, #tpu.memory_space<vmem_shared>>) target_semaphore(%run_scoped3A : memref<!tpu.dma_semaphore, #tpu.memory_space<semaphore_mem>>)
      %dma_wait3A = arith.constant 0 : i32
      %dma_wait3A_78 = tpu.memref_slice %arg11[%add3A_19, %dma_wait3A] : memref<10000x128xf32, #tpu.memory_space<vmem_shared>> -> memref<25x128xf32, #tpu.memory_space<vmem_shared>>
      %dma_wait3A_79 = arith.constant 0 : i32
      %dma_wait3A_80 = tpu.memref_slice %arg11[%add3A_19, %dma_wait3A_79] : memref<10000x128xf32, #tpu.memory_space<vmem_shared>> -> memref<25x128xf32, #tpu.memory_space<vmem_shared>>
      tpu.wait_dma2 semaphore(%run_scoped3A : memref<!tpu.dma_semaphore, #tpu.memory_space<semaphore_mem>>) src(%arg16 : memref<25x128xf32, #tpu.memory_space<vmem>>) dst(%dma_wait3A_80 : memref<25x128xf32, #tpu.memory_space<vmem_shared>>)
      tpu.yield
    }) : () -> ()
    %add3A_20 = arith.constant 225 : i32
    %add3A_21 = arith.addi %mul3A_0, %add3A_20 : i32
    "tpu.region"() ({
      %run_scoped3A = tpu.sem_alloc : memref<!tpu.dma_semaphore, #tpu.memory_space<semaphore_mem>>
      %dma_start3A = arith.constant 0 : i32
      %dma_start3A_75 = tpu.memref_slice %arg11[%add3A_21, %dma_start3A] : memref<10000x128xf32, #tpu.memory_space<vmem_shared>> -> memref<25x128xf32, #tpu.memory_space<vmem_shared>>
      %dma_start3A_76 = arith.constant 0 : i32
      %dma_start3A_77 = tpu.memref_slice %arg11[%add3A_21, %dma_start3A_76] : memref<10000x128xf32, #tpu.memory_space<vmem_shared>> -> memref<25x128xf32, #tpu.memory_space<vmem_shared>>
      tpu.enqueue_dma source(%arg16 : memref<25x128xf32, #tpu.memory_space<vmem>>) target(%dma_start3A_77 : memref<25x128xf32, #tpu.memory_space<vmem_shared>>) target_semaphore(%run_scoped3A : memref<!tpu.dma_semaphore, #tpu.memory_space<semaphore_mem>>)
      %dma_wait3A = arith.constant 0 : i32
      %dma_wait3A_78 = tpu.memref_slice %arg11[%add3A_21, %dma_wait3A] : memref<10000x128xf32, #tpu.memory_space<vmem_shared>> -> memref<25x128xf32, #tpu.memory_space<vmem_shared>>
      %dma_wait3A_79 = arith.constant 0 : i32
      %dma_wait3A_80 = tpu.memref_slice %arg11[%add3A_21, %dma_wait3A_79] : memref<10000x128xf32, #tpu.memory_space<vmem_shared>> -> memref<25x128xf32, #tpu.memory_space<vmem_shared>>
      tpu.wait_dma2 semaphore(%run_scoped3A : memref<!tpu.dma_semaphore, #tpu.memory_space<semaphore_mem>>) src(%arg16 : memref<25x128xf32, #tpu.memory_space<vmem>>) dst(%dma_wait3A_80 : memref<25x128xf32, #tpu.memory_space<vmem_shared>>)
      tpu.yield
    }) : () -> ()
    %add3A_22 = arith.constant 250 : i32
    %add3A_23 = arith.addi %mul3A_0, %add3A_22 : i32
    "tpu.region"() ({
      %run_scoped3A = tpu.sem_alloc : memref<!tpu.dma_semaphore, #tpu.memory_space<semaphore_mem>>
      %dma_start3A = arith.constant 0 : i32
      %dma_start3A_75 = tpu.memref_slice %arg11[%add3A_23, %dma_start3A] : memref<10000x128xf32, #tpu.memory_space<vmem_shared>> -> memref<25x128xf32, #tpu.memory_space<vmem_shared>>
      %dma_start3A_76 = arith.constant 0 : i32
      %dma_start3A_77 = tpu.memref_slice %arg11[%add3A_23, %dma_start3A_76] : memref<10000x128xf32, #tpu.memory_space<vmem_shared>> -> memref<25x128xf32, #tpu.memory_space<vmem_shared>>
      tpu.enqueue_dma source(%arg16 : memref<25x128xf32, #tpu.memory_space<vmem>>) target(%dma_start3A_77 : memref<25x128xf32, #tpu.memory_space<vmem_shared>>) target_semaphore(%run_scoped3A : memref<!tpu.dma_semaphore, #tpu.memory_space<semaphore_mem>>)
      %dma_wait3A = arith.constant 0 : i32
      %dma_wait3A_78 = tpu.memref_slice %arg11[%add3A_23, %dma_wait3A] : memref<10000x128xf32, #tpu.memory_space<vmem_shared>> -> memref<25x128xf32, #tpu.memory_space<vmem_shared>>
      %dma_wait3A_79 = arith.constant 0 : i32
      %dma_wait3A_80 = tpu.memref_slice %arg11[%add3A_23, %dma_wait3A_79] : memref<10000x128xf32, #tpu.memory_space<vmem_shared>> -> memref<25x128xf32, #tpu.memory_space<vmem_shared>>
      tpu.wait_dma2 semaphore(%run_scoped3A : memref<!tpu.dma_semaphore, #tpu.memory_space<semaphore_mem>>) src(%arg16 : memref<25x128xf32, #tpu.memory_space<vmem>>) dst(%dma_wait3A_80 : memref<25x128xf32, #tpu.memory_space<vmem_shared>>)
      tpu.yield
    }) : () -> ()
    %add3A_24 = arith.constant 275 : i32
    %add3A_25 = arith.addi %mul3A_0, %add3A_24 : i32
    "tpu.region"() ({
      %run_scoped3A = tpu.sem_alloc : memref<!tpu.dma_semaphore, #tpu.memory_space<semaphore_mem>>
      %dma_start3A = arith.constant 0 : i32
      %dma_start3A_75 = tpu.memref_slice %arg11[%add3A_25, %dma_start3A] : memref<10000x128xf32, #tpu.memory_space<vmem_shared>> -> memref<25x128xf32, #tpu.memory_space<vmem_shared>>
      %dma_start3A_76 = arith.constant 0 : i32
      %dma_start3A_77 = tpu.memref_slice %arg11[%add3A_25, %dma_start3A_76] : memref<10000x128xf32, #tpu.memory_space<vmem_shared>> -> memref<25x128xf32, #tpu.memory_space<vmem_shared>>
      tpu.enqueue_dma source(%arg16 : memref<25x128xf32, #tpu.memory_space<vmem>>) target(%dma_start3A_77 : memref<25x128xf32, #tpu.memory_space<vmem_shared>>) target_semaphore(%run_scoped3A : memref<!tpu.dma_semaphore, #tpu.memory_space<semaphore_mem>>)
      %dma_wait3A = arith.constant 0 : i32
      %dma_wait3A_78 = tpu.memref_slice %arg11[%add3A_25, %dma_wait3A] : memref<10000x128xf32, #tpu.memory_space<vmem_shared>> -> memref<25x128xf32, #tpu.memory_space<vmem_shared>>
      %dma_wait3A_79 = arith.constant 0 : i32
      %dma_wait3A_80 = tpu.memref_slice %arg11[%add3A_25, %dma_wait3A_79] : memref<10000x128xf32, #tpu.memory_space<vmem_shared>> -> memref<25x128xf32, #tpu.memory_space<vmem_shared>>
      tpu.wait_dma2 semaphore(%run_scoped3A : memref<!tpu.dma_semaphore, #tpu.memory_space<semaphore_mem>>) src(%arg16 : memref<25x128xf32, #tpu.memory_space<vmem>>) dst(%dma_wait3A_80 : memref<25x128xf32, #tpu.memory_space<vmem_shared>>)
      tpu.yield
    }) : () -> ()
    %add3A_26 = arith.constant 300 : i32
    %add3A_27 = arith.addi %mul3A_0, %add3A_26 : i32
    "tpu.region"() ({
      %run_scoped3A = tpu.sem_alloc : memref<!tpu.dma_semaphore, #tpu.memory_space<semaphore_mem>>
      %dma_start3A = arith.constant 0 : i32
      %dma_start3A_75 = tpu.memref_slice %arg11[%add3A_27, %dma_start3A] : memref<10000x128xf32, #tpu.memory_space<vmem_shared>> -> memref<25x128xf32, #tpu.memory_space<vmem_shared>>
      %dma_start3A_76 = arith.constant 0 : i32
      %dma_start3A_77 = tpu.memref_slice %arg11[%add3A_27, %dma_start3A_76] : memref<10000x128xf32, #tpu.memory_space<vmem_shared>> -> memref<25x128xf32, #tpu.memory_space<vmem_shared>>
      tpu.enqueue_dma source(%arg16 : memref<25x128xf32, #tpu.memory_space<vmem>>) target(%dma_start3A_77 : memref<25x128xf32, #tpu.memory_space<vmem_shared>>) target_semaphore(%run_scoped3A : memref<!tpu.dma_semaphore, #tpu.memory_space<semaphore_mem>>)
      %dma_wait3A = arith.constant 0 : i32
      %dma_wait3A_78 = tpu.memref_slice %arg11[%add3A_27, %dma_wait3A] : memref<10000x128xf32, #tpu.memory_space<vmem_shared>> -> memref<25x128xf32, #tpu.memory_space<vmem_shared>>
      %dma_wait3A_79 = arith.constant 0 : i32
      %dma_wait3A_80 = tpu.memref_slice %arg11[%add3A_27, %dma_wait3A_79] : memref<10000x128xf32, #tpu.memory_space<vmem_shared>> -> memref<25x128xf32, #tpu.memory_space<vmem_shared>>
      tpu.wait_dma2 semaphore(%run_scoped3A : memref<!tpu.dma_semaphore, #tpu.memory_space<semaphore_mem>>) src(%arg16 : memref<25x128xf32, #tpu.memory_space<vmem>>) dst(%dma_wait3A_80 : memref<25x128xf32, #tpu.memory_space<vmem_shared>>)
      tpu.yield
    }) : () -> ()
    %add3A_28 = arith.constant 325 : i32
    %add3A_29 = arith.addi %mul3A_0, %add3A_28 : i32
    "tpu.region"() ({
      %run_scoped3A = tpu.sem_alloc : memref<!tpu.dma_semaphore, #tpu.memory_space<semaphore_mem>>
      %dma_start3A = arith.constant 0 : i32
      %dma_start3A_75 = tpu.memref_slice %arg11[%add3A_29, %dma_start3A] : memref<10000x128xf32, #tpu.memory_space<vmem_shared>> -> memref<25x128xf32, #tpu.memory_space<vmem_shared>>
      %dma_start3A_76 = arith.constant 0 : i32
      %dma_start3A_77 = tpu.memref_slice %arg11[%add3A_29, %dma_start3A_76] : memref<10000x128xf32, #tpu.memory_space<vmem_shared>> -> memref<25x128xf32, #tpu.memory_space<vmem_shared>>
      tpu.enqueue_dma source(%arg16 : memref<25x128xf32, #tpu.memory_space<vmem>>) target(%dma_start3A_77 : memref<25x128xf32, #tpu.memory_space<vmem_shared>>) target_semaphore(%run_scoped3A : memref<!tpu.dma_semaphore, #tpu.memory_space<semaphore_mem>>)
      %dma_wait3A = arith.constant 0 : i32
      %dma_wait3A_78 = tpu.memref_slice %arg11[%add3A_29, %dma_wait3A] : memref<10000x128xf32, #tpu.memory_space<vmem_shared>> -> memref<25x128xf32, #tpu.memory_space<vmem_shared>>
      %dma_wait3A_79 = arith.constant 0 : i32
      %dma_wait3A_80 = tpu.memref_slice %arg11[%add3A_29, %dma_wait3A_79] : memref<10000x128xf32, #tpu.memory_space<vmem_shared>> -> memref<25x128xf32, #tpu.memory_space<vmem_shared>>
      tpu.wait_dma2 semaphore(%run_scoped3A : memref<!tpu.dma_semaphore, #tpu.memory_space<semaphore_mem>>) src(%arg16 : memref<25x128xf32, #tpu.memory_space<vmem>>) dst(%dma_wait3A_80 : memref<25x128xf32, #tpu.memory_space<vmem_shared>>)
      tpu.yield
    }) : () -> ()
    %add3A_30 = arith.constant 350 : i32
    %add3A_31 = arith.addi %mul3A_0, %add3A_30 : i32
    "tpu.region"() ({
      %run_scoped3A = tpu.sem_alloc : memref<!tpu.dma_semaphore, #tpu.memory_space<semaphore_mem>>
      %dma_start3A = arith.constant 0 : i32
      %dma_start3A_75 = tpu.memref_slice %arg11[%add3A_31, %dma_start3A] : memref<10000x128xf32, #tpu.memory_space<vmem_shared>> -> memref<25x128xf32, #tpu.memory_space<vmem_shared>>
      %dma_start3A_76 = arith.constant 0 : i32
      %dma_start3A_77 = tpu.memref_slice %arg11[%add3A_31, %dma_start3A_76] : memref<10000x128xf32, #tpu.memory_space<vmem_shared>> -> memref<25x128xf32, #tpu.memory_space<vmem_shared>>
      tpu.enqueue_dma source(%arg16 : memref<25x128xf32, #tpu.memory_space<vmem>>) target(%dma_start3A_77 : memref<25x128xf32, #tpu.memory_space<vmem_shared>>) target_semaphore(%run_scoped3A : memref<!tpu.dma_semaphore, #tpu.memory_space<semaphore_mem>>)
      %dma_wait3A = arith.constant 0 : i32
      %dma_wait3A_78 = tpu.memref_slice %arg11[%add3A_31, %dma_wait3A] : memref<10000x128xf32, #tpu.memory_space<vmem_shared>> -> memref<25x128xf32, #tpu.memory_space<vmem_shared>>
      %dma_wait3A_79 = arith.constant 0 : i32
      %dma_wait3A_80 = tpu.memref_slice %arg11[%add3A_31, %dma_wait3A_79] : memref<10000x128xf32, #tpu.memory_space<vmem_shared>> -> memref<25x128xf32, #tpu.memory_space<vmem_shared>>
      tpu.wait_dma2 semaphore(%run_scoped3A : memref<!tpu.dma_semaphore, #tpu.memory_space<semaphore_mem>>) src(%arg16 : memref<25x128xf32, #tpu.memory_space<vmem>>) dst(%dma_wait3A_80 : memref<25x128xf32, #tpu.memory_space<vmem_shared>>)
      tpu.yield
    }) : () -> ()
    %add3A_32 = arith.constant 375 : i32
    %add3A_33 = arith.addi %mul3A_0, %add3A_32 : i32
    "tpu.region"() ({
      %run_scoped3A = tpu.sem_alloc : memref<!tpu.dma_semaphore, #tpu.memory_space<semaphore_mem>>
      %dma_start3A = arith.constant 0 : i32
      %dma_start3A_75 = tpu.memref_slice %arg11[%add3A_33, %dma_start3A] : memref<10000x128xf32, #tpu.memory_space<vmem_shared>> -> memref<25x128xf32, #tpu.memory_space<vmem_shared>>
      %dma_start3A_76 = arith.constant 0 : i32
      %dma_start3A_77 = tpu.memref_slice %arg11[%add3A_33, %dma_start3A_76] : memref<10000x128xf32, #tpu.memory_space<vmem_shared>> -> memref<25x128xf32, #tpu.memory_space<vmem_shared>>
      tpu.enqueue_dma source(%arg16 : memref<25x128xf32, #tpu.memory_space<vmem>>) target(%dma_start3A_77 : memref<25x128xf32, #tpu.memory_space<vmem_shared>>) target_semaphore(%run_scoped3A : memref<!tpu.dma_semaphore, #tpu.memory_space<semaphore_mem>>)
      %dma_wait3A = arith.constant 0 : i32
      %dma_wait3A_78 = tpu.memref_slice %arg11[%add3A_33, %dma_wait3A] : memref<10000x128xf32, #tpu.memory_space<vmem_shared>> -> memref<25x128xf32, #tpu.memory_space<vmem_shared>>
      %dma_wait3A_79 = arith.constant 0 : i32
      %dma_wait3A_80 = tpu.memref_slice %arg11[%add3A_33, %dma_wait3A_79] : memref<10000x128xf32, #tpu.memory_space<vmem_shared>> -> memref<25x128xf32, #tpu.memory_space<vmem_shared>>
      tpu.wait_dma2 semaphore(%run_scoped3A : memref<!tpu.dma_semaphore, #tpu.memory_space<semaphore_mem>>) src(%arg16 : memref<25x128xf32, #tpu.memory_space<vmem>>) dst(%dma_wait3A_80 : memref<25x128xf32, #tpu.memory_space<vmem_shared>>)
      tpu.yield
    }) : () -> ()
    %add3A_34 = arith.constant 400 : i32
    %add3A_35 = arith.addi %mul3A_0, %add3A_34 : i32
    "tpu.region"() ({
      %run_scoped3A = tpu.sem_alloc : memref<!tpu.dma_semaphore, #tpu.memory_space<semaphore_mem>>
      %dma_start3A = arith.constant 0 : i32
      %dma_start3A_75 = tpu.memref_slice %arg11[%add3A_35, %dma_start3A] : memref<10000x128xf32, #tpu.memory_space<vmem_shared>> -> memref<25x128xf32, #tpu.memory_space<vmem_shared>>
      %dma_start3A_76 = arith.constant 0 : i32
      %dma_start3A_77 = tpu.memref_slice %arg11[%add3A_35, %dma_start3A_76] : memref<10000x128xf32, #tpu.memory_space<vmem_shared>> -> memref<25x128xf32, #tpu.memory_space<vmem_shared>>
      tpu.enqueue_dma source(%arg16 : memref<25x128xf32, #tpu.memory_space<vmem>>) target(%dma_start3A_77 : memref<25x128xf32, #tpu.memory_space<vmem_shared>>) target_semaphore(%run_scoped3A : memref<!tpu.dma_semaphore, #tpu.memory_space<semaphore_mem>>)
      %dma_wait3A = arith.constant 0 : i32
      %dma_wait3A_78 = tpu.memref_slice %arg11[%add3A_35, %dma_wait3A] : memref<10000x128xf32, #tpu.memory_space<vmem_shared>> -> memref<25x128xf32, #tpu.memory_space<vmem_shared>>
      %dma_wait3A_79 = arith.constant 0 : i32
      %dma_wait3A_80 = tpu.memref_slice %arg11[%add3A_35, %dma_wait3A_79] : memref<10000x128xf32, #tpu.memory_space<vmem_shared>> -> memref<25x128xf32, #tpu.memory_space<vmem_shared>>
      tpu.wait_dma2 semaphore(%run_scoped3A : memref<!tpu.dma_semaphore, #tpu.memory_space<semaphore_mem>>) src(%arg16 : memref<25x128xf32, #tpu.memory_space<vmem>>) dst(%dma_wait3A_80 : memref<25x128xf32, #tpu.memory_space<vmem_shared>>)
      tpu.yield
    }) : () -> ()
    %add3A_36 = arith.constant 425 : i32
    %add3A_37 = arith.addi %mul3A_0, %add3A_36 : i32
    "tpu.region"() ({
      %run_scoped3A = tpu.sem_alloc : memref<!tpu.dma_semaphore, #tpu.memory_space<semaphore_mem>>
      %dma_start3A = arith.constant 0 : i32
      %dma_start3A_75 = tpu.memref_slice %arg11[%add3A_37, %dma_start3A] : memref<10000x128xf32, #tpu.memory_space<vmem_shared>> -> memref<25x128xf32, #tpu.memory_space<vmem_shared>>
      %dma_start3A_76 = arith.constant 0 : i32
      %dma_start3A_77 = tpu.memref_slice %arg11[%add3A_37, %dma_start3A_76] : memref<10000x128xf32, #tpu.memory_space<vmem_shared>> -> memref<25x128xf32, #tpu.memory_space<vmem_shared>>
      tpu.enqueue_dma source(%arg16 : memref<25x128xf32, #tpu.memory_space<vmem>>) target(%dma_start3A_77 : memref<25x128xf32, #tpu.memory_space<vmem_shared>>) target_semaphore(%run_scoped3A : memref<!tpu.dma_semaphore, #tpu.memory_space<semaphore_mem>>)
      %dma_wait3A = arith.constant 0 : i32
      %dma_wait3A_78 = tpu.memref_slice %arg11[%add3A_37, %dma_wait3A] : memref<10000x128xf32, #tpu.memory_space<vmem_shared>> -> memref<25x128xf32, #tpu.memory_space<vmem_shared>>
      %dma_wait3A_79 = arith.constant 0 : i32
      %dma_wait3A_80 = tpu.memref_slice %arg11[%add3A_37, %dma_wait3A_79] : memref<10000x128xf32, #tpu.memory_space<vmem_shared>> -> memref<25x128xf32, #tpu.memory_space<vmem_shared>>
      tpu.wait_dma2 semaphore(%run_scoped3A : memref<!tpu.dma_semaphore, #tpu.memory_space<semaphore_mem>>) src(%arg16 : memref<25x128xf32, #tpu.memory_space<vmem>>) dst(%dma_wait3A_80 : memref<25x128xf32, #tpu.memory_space<vmem_shared>>)
      tpu.yield
    }) : () -> ()
    %add3A_38 = arith.constant 450 : i32
    %add3A_39 = arith.addi %mul3A_0, %add3A_38 : i32
    "tpu.region"() ({
      %run_scoped3A = tpu.sem_alloc : memref<!tpu.dma_semaphore, #tpu.memory_space<semaphore_mem>>
      %dma_start3A = arith.constant 0 : i32
      %dma_start3A_75 = tpu.memref_slice %arg11[%add3A_39, %dma_start3A] : memref<10000x128xf32, #tpu.memory_space<vmem_shared>> -> memref<25x128xf32, #tpu.memory_space<vmem_shared>>
      %dma_start3A_76 = arith.constant 0 : i32
      %dma_start3A_77 = tpu.memref_slice %arg11[%add3A_39, %dma_start3A_76] : memref<10000x128xf32, #tpu.memory_space<vmem_shared>> -> memref<25x128xf32, #tpu.memory_space<vmem_shared>>
      tpu.enqueue_dma source(%arg16 : memref<25x128xf32, #tpu.memory_space<vmem>>) target(%dma_start3A_77 : memref<25x128xf32, #tpu.memory_space<vmem_shared>>) target_semaphore(%run_scoped3A : memref<!tpu.dma_semaphore, #tpu.memory_space<semaphore_mem>>)
      %dma_wait3A = arith.constant 0 : i32
      %dma_wait3A_78 = tpu.memref_slice %arg11[%add3A_39, %dma_wait3A] : memref<10000x128xf32, #tpu.memory_space<vmem_shared>> -> memref<25x128xf32, #tpu.memory_space<vmem_shared>>
      %dma_wait3A_79 = arith.constant 0 : i32
      %dma_wait3A_80 = tpu.memref_slice %arg11[%add3A_39, %dma_wait3A_79] : memref<10000x128xf32, #tpu.memory_space<vmem_shared>> -> memref<25x128xf32, #tpu.memory_space<vmem_shared>>
      tpu.wait_dma2 semaphore(%run_scoped3A : memref<!tpu.dma_semaphore, #tpu.memory_space<semaphore_mem>>) src(%arg16 : memref<25x128xf32, #tpu.memory_space<vmem>>) dst(%dma_wait3A_80 : memref<25x128xf32, #tpu.memory_space<vmem_shared>>)
      tpu.yield
    }) : () -> ()
    %add3A_40 = arith.constant 475 : i32
    %add3A_41 = arith.addi %mul3A_0, %add3A_40 : i32
    "tpu.region"() ({
      %run_scoped3A = tpu.sem_alloc : memref<!tpu.dma_semaphore, #tpu.memory_space<semaphore_mem>>
      %dma_start3A = arith.constant 0 : i32
      %dma_start3A_75 = tpu.memref_slice %arg11[%add3A_41, %dma_start3A] : memref<10000x128xf32, #tpu.memory_space<vmem_shared>> -> memref<25x128xf32, #tpu.memory_space<vmem_shared>>
      %dma_start3A_76 = arith.constant 0 : i32
      %dma_start3A_77 = tpu.memref_slice %arg11[%add3A_41, %dma_start3A_76] : memref<10000x128xf32, #tpu.memory_space<vmem_shared>> -> memref<25x128xf32, #tpu.memory_space<vmem_shared>>
      tpu.enqueue_dma source(%arg16 : memref<25x128xf32, #tpu.memory_space<vmem>>) target(%dma_start3A_77 : memref<25x128xf32, #tpu.memory_space<vmem_shared>>) target_semaphore(%run_scoped3A : memref<!tpu.dma_semaphore, #tpu.memory_space<semaphore_mem>>)
      %dma_wait3A = arith.constant 0 : i32
      %dma_wait3A_78 = tpu.memref_slice %arg11[%add3A_41, %dma_wait3A] : memref<10000x128xf32, #tpu.memory_space<vmem_shared>> -> memref<25x128xf32, #tpu.memory_space<vmem_shared>>
      %dma_wait3A_79 = arith.constant 0 : i32
      %dma_wait3A_80 = tpu.memref_slice %arg11[%add3A_41, %dma_wait3A_79] : memref<10000x128xf32, #tpu.memory_space<vmem_shared>> -> memref<25x128xf32, #tpu.memory_space<vmem_shared>>
      tpu.wait_dma2 semaphore(%run_scoped3A : memref<!tpu.dma_semaphore, #tpu.memory_space<semaphore_mem>>) src(%arg16 : memref<25x128xf32, #tpu.memory_space<vmem>>) dst(%dma_wait3A_80 : memref<25x128xf32, #tpu.memory_space<vmem_shared>>)
      tpu.yield
    }) : () -> ()
    %add3A_42 = arith.constant 500 : i32
    %add3A_43 = arith.addi %mul3A_0, %add3A_42 : i32
    "tpu.region"() ({
      %run_scoped3A = tpu.sem_alloc : memref<!tpu.dma_semaphore, #tpu.memory_space<semaphore_mem>>
      %dma_start3A = arith.constant 0 : i32
      %dma_start3A_75 = tpu.memref_slice %arg11[%add3A_43, %dma_start3A] : memref<10000x128xf32, #tpu.memory_space<vmem_shared>> -> memref<25x128xf32, #tpu.memory_space<vmem_shared>>
      %dma_start3A_76 = arith.constant 0 : i32
      %dma_start3A_77 = tpu.memref_slice %arg11[%add3A_43, %dma_start3A_76] : memref<10000x128xf32, #tpu.memory_space<vmem_shared>> -> memref<25x128xf32, #tpu.memory_space<vmem_shared>>
      tpu.enqueue_dma source(%arg16 : memref<25x128xf32, #tpu.memory_space<vmem>>) target(%dma_start3A_77 : memref<25x128xf32, #tpu.memory_space<vmem_shared>>) target_semaphore(%run_scoped3A : memref<!tpu.dma_semaphore, #tpu.memory_space<semaphore_mem>>)
      %dma_wait3A = arith.constant 0 : i32
      %dma_wait3A_78 = tpu.memref_slice %arg11[%add3A_43, %dma_wait3A] : memref<10000x128xf32, #tpu.memory_space<vmem_shared>> -> memref<25x128xf32, #tpu.memory_space<vmem_shared>>
      %dma_wait3A_79 = arith.constant 0 : i32
      %dma_wait3A_80 = tpu.memref_slice %arg11[%add3A_43, %dma_wait3A_79] : memref<10000x128xf32, #tpu.memory_space<vmem_shared>> -> memref<25x128xf32, #tpu.memory_space<vmem_shared>>
      tpu.wait_dma2 semaphore(%run_scoped3A : memref<!tpu.dma_semaphore, #tpu.memory_space<semaphore_mem>>) src(%arg16 : memref<25x128xf32, #tpu.memory_space<vmem>>) dst(%dma_wait3A_80 : memref<25x128xf32, #tpu.memory_space<vmem_shared>>)
      tpu.yield
    }) : () -> ()
    %add3A_44 = arith.constant 525 : i32
    %add3A_45 = arith.addi %mul3A_0, %add3A_44 : i32
    "tpu.region"() ({
      %run_scoped3A = tpu.sem_alloc : memref<!tpu.dma_semaphore, #tpu.memory_space<semaphore_mem>>
      %dma_start3A = arith.constant 0 : i32
      %dma_start3A_75 = tpu.memref_slice %arg11[%add3A_45, %dma_start3A] : memref<10000x128xf32, #tpu.memory_space<vmem_shared>> -> memref<25x128xf32, #tpu.memory_space<vmem_shared>>
      %dma_start3A_76 = arith.constant 0 : i32
      %dma_start3A_77 = tpu.memref_slice %arg11[%add3A_45, %dma_start3A_76] : memref<10000x128xf32, #tpu.memory_space<vmem_shared>> -> memref<25x128xf32, #tpu.memory_space<vmem_shared>>
      tpu.enqueue_dma source(%arg16 : memref<25x128xf32, #tpu.memory_space<vmem>>) target(%dma_start3A_77 : memref<25x128xf32, #tpu.memory_space<vmem_shared>>) target_semaphore(%run_scoped3A : memref<!tpu.dma_semaphore, #tpu.memory_space<semaphore_mem>>)
      %dma_wait3A = arith.constant 0 : i32
      %dma_wait3A_78 = tpu.memref_slice %arg11[%add3A_45, %dma_wait3A] : memref<10000x128xf32, #tpu.memory_space<vmem_shared>> -> memref<25x128xf32, #tpu.memory_space<vmem_shared>>
      %dma_wait3A_79 = arith.constant 0 : i32
      %dma_wait3A_80 = tpu.memref_slice %arg11[%add3A_45, %dma_wait3A_79] : memref<10000x128xf32, #tpu.memory_space<vmem_shared>> -> memref<25x128xf32, #tpu.memory_space<vmem_shared>>
      tpu.wait_dma2 semaphore(%run_scoped3A : memref<!tpu.dma_semaphore, #tpu.memory_space<semaphore_mem>>) src(%arg16 : memref<25x128xf32, #tpu.memory_space<vmem>>) dst(%dma_wait3A_80 : memref<25x128xf32, #tpu.memory_space<vmem_shared>>)
      tpu.yield
    }) : () -> ()
    %add3A_46 = arith.constant 550 : i32
    %add3A_47 = arith.addi %mul3A_0, %add3A_46 : i32
    "tpu.region"() ({
      %run_scoped3A = tpu.sem_alloc : memref<!tpu.dma_semaphore, #tpu.memory_space<semaphore_mem>>
      %dma_start3A = arith.constant 0 : i32
      %dma_start3A_75 = tpu.memref_slice %arg11[%add3A_47, %dma_start3A] : memref<10000x128xf32, #tpu.memory_space<vmem_shared>> -> memref<25x128xf32, #tpu.memory_space<vmem_shared>>
      %dma_start3A_76 = arith.constant 0 : i32
      %dma_start3A_77 = tpu.memref_slice %arg11[%add3A_47, %dma_start3A_76] : memref<10000x128xf32, #tpu.memory_space<vmem_shared>> -> memref<25x128xf32, #tpu.memory_space<vmem_shared>>
      tpu.enqueue_dma source(%arg16 : memref<25x128xf32, #tpu.memory_space<vmem>>) target(%dma_start3A_77 : memref<25x128xf32, #tpu.memory_space<vmem_shared>>) target_semaphore(%run_scoped3A : memref<!tpu.dma_semaphore, #tpu.memory_space<semaphore_mem>>)
      %dma_wait3A = arith.constant 0 : i32
      %dma_wait3A_78 = tpu.memref_slice %arg11[%add3A_47, %dma_wait3A] : memref<10000x128xf32, #tpu.memory_space<vmem_shared>> -> memref<25x128xf32, #tpu.memory_space<vmem_shared>>
      %dma_wait3A_79 = arith.constant 0 : i32
      %dma_wait3A_80 = tpu.memref_slice %arg11[%add3A_47, %dma_wait3A_79] : memref<10000x128xf32, #tpu.memory_space<vmem_shared>> -> memref<25x128xf32, #tpu.memory_space<vmem_shared>>
      tpu.wait_dma2 semaphore(%run_scoped3A : memref<!tpu.dma_semaphore, #tpu.memory_space<semaphore_mem>>) src(%arg16 : memref<25x128xf32, #tpu.memory_space<vmem>>) dst(%dma_wait3A_80 : memref<25x128xf32, #tpu.memory_space<vmem_shared>>)
      tpu.yield
    }) : () -> ()
    %add3A_48 = arith.constant 575 : i32
    %add3A_49 = arith.addi %mul3A_0, %add3A_48 : i32
    "tpu.region"() ({
      %run_scoped3A = tpu.sem_alloc : memref<!tpu.dma_semaphore, #tpu.memory_space<semaphore_mem>>
      %dma_start3A = arith.constant 0 : i32
      %dma_start3A_75 = tpu.memref_slice %arg11[%add3A_49, %dma_start3A] : memref<10000x128xf32, #tpu.memory_space<vmem_shared>> -> memref<25x128xf32, #tpu.memory_space<vmem_shared>>
      %dma_start3A_76 = arith.constant 0 : i32
      %dma_start3A_77 = tpu.memref_slice %arg11[%add3A_49, %dma_start3A_76] : memref<10000x128xf32, #tpu.memory_space<vmem_shared>> -> memref<25x128xf32, #tpu.memory_space<vmem_shared>>
      tpu.enqueue_dma source(%arg16 : memref<25x128xf32, #tpu.memory_space<vmem>>) target(%dma_start3A_77 : memref<25x128xf32, #tpu.memory_space<vmem_shared>>) target_semaphore(%run_scoped3A : memref<!tpu.dma_semaphore, #tpu.memory_space<semaphore_mem>>)
      %dma_wait3A = arith.constant 0 : i32
      %dma_wait3A_78 = tpu.memref_slice %arg11[%add3A_49, %dma_wait3A] : memref<10000x128xf32, #tpu.memory_space<vmem_shared>> -> memref<25x128xf32, #tpu.memory_space<vmem_shared>>
      %dma_wait3A_79 = arith.constant 0 : i32
      %dma_wait3A_80 = tpu.memref_slice %arg11[%add3A_49, %dma_wait3A_79] : memref<10000x128xf32, #tpu.memory_space<vmem_shared>> -> memref<25x128xf32, #tpu.memory_space<vmem_shared>>
      tpu.wait_dma2 semaphore(%run_scoped3A : memref<!tpu.dma_semaphore, #tpu.memory_space<semaphore_mem>>) src(%arg16 : memref<25x128xf32, #tpu.memory_space<vmem>>) dst(%dma_wait3A_80 : memref<25x128xf32, #tpu.memory_space<vmem_shared>>)
      tpu.yield
    }) : () -> ()
    %add3A_50 = arith.constant 600 : i32
    %add3A_51 = arith.addi %mul3A_0, %add3A_50 : i32
    "tpu.region"() ({
      %run_scoped3A = tpu.sem_alloc : memref<!tpu.dma_semaphore, #tpu.memory_space<semaphore_mem>>
      %dma_start3A = arith.constant 0 : i32
      %dma_start3A_75 = tpu.memref_slice %arg11[%add3A_51, %dma_start3A] : memref<10000x128xf32, #tpu.memory_space<vmem_shared>> -> memref<25x128xf32, #tpu.memory_space<vmem_shared>>
      %dma_start3A_76 = arith.constant 0 : i32
      %dma_start3A_77 = tpu.memref_slice %arg11[%add3A_51, %dma_start3A_76] : memref<10000x128xf32, #tpu.memory_space<vmem_shared>> -> memref<25x128xf32, #tpu.memory_space<vmem_shared>>
      tpu.enqueue_dma source(%arg16 : memref<25x128xf32, #tpu.memory_space<vmem>>) target(%dma_start3A_77 : memref<25x128xf32, #tpu.memory_space<vmem_shared>>) target_semaphore(%run_scoped3A : memref<!tpu.dma_semaphore, #tpu.memory_space<semaphore_mem>>)
      %dma_wait3A = arith.constant 0 : i32
      %dma_wait3A_78 = tpu.memref_slice %arg11[%add3A_51, %dma_wait3A] : memref<10000x128xf32, #tpu.memory_space<vmem_shared>> -> memref<25x128xf32, #tpu.memory_space<vmem_shared>>
      %dma_wait3A_79 = arith.constant 0 : i32
      %dma_wait3A_80 = tpu.memref_slice %arg11[%add3A_51, %dma_wait3A_79] : memref<10000x128xf32, #tpu.memory_space<vmem_shared>> -> memref<25x128xf32, #tpu.memory_space<vmem_shared>>
      tpu.wait_dma2 semaphore(%run_scoped3A : memref<!tpu.dma_semaphore, #tpu.memory_space<semaphore_mem>>) src(%arg16 : memref<25x128xf32, #tpu.memory_space<vmem>>) dst(%dma_wait3A_80 : memref<25x128xf32, #tpu.memory_space<vmem_shared>>)
      tpu.yield
    }) : () -> ()
    %eq3A = arith.constant 0 : i32
    %eq3A_52 = arith.cmpi eq, %arg0, %eq3A : i32
    %convert_element_type3A = arith.extui %eq3A_52 : i1 to i32
    %cond3A = arith.constant 0 : i32
    %cond3A_53 = arith.cmpi ne, %convert_element_type3A, %cond3A : i32
    scf.if %cond3A_53 {
      "tpu.region"() ({
        %run_scoped3A = tpu.sem_alloc : memref<!tpu.dma_semaphore, #tpu.memory_space<semaphore_mem>>
        tpu.enqueue_dma source(%arg6 : memref<125x16xf32, #tpu.memory_space<hbm>>) target(%arg17 : memref<125x16xf32, #tpu.memory_space<vmem>>) target_semaphore(%run_scoped3A : memref<!tpu.dma_semaphore, #tpu.memory_space<semaphore_mem>>)
        tpu.wait_dma2 semaphore(%run_scoped3A : memref<!tpu.dma_semaphore, #tpu.memory_space<semaphore_mem>>) src(%arg6 : memref<125x16xf32, #tpu.memory_space<hbm>>) dst(%arg17 : memref<125x16xf32, #tpu.memory_space<vmem>>)
        tpu.yield
      }) : () -> ()
      %add3A_75 = arith.constant 0 : i32
      %add3A_76 = arith.addi %mul3A_0, %add3A_75 : i32
      "tpu.region"() ({
        %run_scoped3A = tpu.sem_alloc : memref<!tpu.dma_semaphore, #tpu.memory_space<semaphore_mem>>
        %dma_start3A = arith.constant 0 : i32
        %dma_start3A_85 = tpu.memref_slice %arg12[%add3A_76, %dma_start3A] : memref<10000x16xf32, #tpu.memory_space<vmem_shared>> -> memref<125x16xf32, #tpu.memory_space<vmem_shared>>
        %dma_start3A_86 = arith.constant 0 : i32
        %dma_start3A_87 = tpu.memref_slice %arg12[%add3A_76, %dma_start3A_86] : memref<10000x16xf32, #tpu.memory_space<vmem_shared>> -> memref<125x16xf32, #tpu.memory_space<vmem_shared>>
        tpu.enqueue_dma source(%arg17 : memref<125x16xf32, #tpu.memory_space<vmem>>) target(%dma_start3A_87 : memref<125x16xf32, #tpu.memory_space<vmem_shared>>) target_semaphore(%run_scoped3A : memref<!tpu.dma_semaphore, #tpu.memory_space<semaphore_mem>>)
        %dma_wait3A = arith.constant 0 : i32
        %dma_wait3A_88 = tpu.memref_slice %arg12[%add3A_76, %dma_wait3A] : memref<10000x16xf32, #tpu.memory_space<vmem_shared>> -> memref<125x16xf32, #tpu.memory_space<vmem_shared>>
        %dma_wait3A_89 = arith.constant 0 : i32
        %dma_wait3A_90 = tpu.memref_slice %arg12[%add3A_76, %dma_wait3A_89] : memref<10000x16xf32, #tpu.memory_space<vmem_shared>> -> memref<125x16xf32, #tpu.memory_space<vmem_shared>>
        tpu.wait_dma2 semaphore(%run_scoped3A : memref<!tpu.dma_semaphore, #tpu.memory_space<semaphore_mem>>) src(%arg17 : memref<125x16xf32, #tpu.memory_space<vmem>>) dst(%dma_wait3A_90 : memref<125x16xf32, #tpu.memory_space<vmem_shared>>)
        tpu.yield
      }) : () -> ()
      %add3A_77 = arith.constant 125 : i32
      %add3A_78 = arith.addi %mul3A_0, %add3A_77 : i32
      "tpu.region"() ({
        %run_scoped3A = tpu.sem_alloc : memref<!tpu.dma_semaphore, #tpu.memory_space<semaphore_mem>>
        %dma_start3A = arith.constant 0 : i32
        %dma_start3A_85 = tpu.memref_slice %arg12[%add3A_78, %dma_start3A] : memref<10000x16xf32, #tpu.memory_space<vmem_shared>> -> memref<125x16xf32, #tpu.memory_space<vmem_shared>>
        %dma_start3A_86 = arith.constant 0 : i32
        %dma_start3A_87 = tpu.memref_slice %arg12[%add3A_78, %dma_start3A_86] : memref<10000x16xf32, #tpu.memory_space<vmem_shared>> -> memref<125x16xf32, #tpu.memory_space<vmem_shared>>
        tpu.enqueue_dma source(%arg17 : memref<125x16xf32, #tpu.memory_space<vmem>>) target(%dma_start3A_87 : memref<125x16xf32, #tpu.memory_space<vmem_shared>>) target_semaphore(%run_scoped3A : memref<!tpu.dma_semaphore, #tpu.memory_space<semaphore_mem>>)
        %dma_wait3A = arith.constant 0 : i32
        %dma_wait3A_88 = tpu.memref_slice %arg12[%add3A_78, %dma_wait3A] : memref<10000x16xf32, #tpu.memory_space<vmem_shared>> -> memref<125x16xf32, #tpu.memory_space<vmem_shared>>
        %dma_wait3A_89 = arith.constant 0 : i32
        %dma_wait3A_90 = tpu.memref_slice %arg12[%add3A_78, %dma_wait3A_89] : memref<10000x16xf32, #tpu.memory_space<vmem_shared>> -> memref<125x16xf32, #tpu.memory_space<vmem_shared>>
        tpu.wait_dma2 semaphore(%run_scoped3A : memref<!tpu.dma_semaphore, #tpu.memory_space<semaphore_mem>>) src(%arg17 : memref<125x16xf32, #tpu.memory_space<vmem>>) dst(%dma_wait3A_90 : memref<125x16xf32, #tpu.memory_space<vmem_shared>>)
        tpu.yield
      }) : () -> ()
      %add3A_79 = arith.constant 250 : i32
      %add3A_80 = arith.addi %mul3A_0, %add3A_79 : i32
      "tpu.region"() ({
        %run_scoped3A = tpu.sem_alloc : memref<!tpu.dma_semaphore, #tpu.memory_space<semaphore_mem>>
        %dma_start3A = arith.constant 0 : i32
        %dma_start3A_85 = tpu.memref_slice %arg12[%add3A_80, %dma_start3A] : memref<10000x16xf32, #tpu.memory_space<vmem_shared>> -> memref<125x16xf32, #tpu.memory_space<vmem_shared>>
        %dma_start3A_86 = arith.constant 0 : i32
        %dma_start3A_87 = tpu.memref_slice %arg12[%add3A_80, %dma_start3A_86] : memref<10000x16xf32, #tpu.memory_space<vmem_shared>> -> memref<125x16xf32, #tpu.memory_space<vmem_shared>>
        tpu.enqueue_dma source(%arg17 : memref<125x16xf32, #tpu.memory_space<vmem>>) target(%dma_start3A_87 : memref<125x16xf32, #tpu.memory_space<vmem_shared>>) target_semaphore(%run_scoped3A : memref<!tpu.dma_semaphore, #tpu.memory_space<semaphore_mem>>)
        %dma_wait3A = arith.constant 0 : i32
        %dma_wait3A_88 = tpu.memref_slice %arg12[%add3A_80, %dma_wait3A] : memref<10000x16xf32, #tpu.memory_space<vmem_shared>> -> memref<125x16xf32, #tpu.memory_space<vmem_shared>>
        %dma_wait3A_89 = arith.constant 0 : i32
        %dma_wait3A_90 = tpu.memref_slice %arg12[%add3A_80, %dma_wait3A_89] : memref<10000x16xf32, #tpu.memory_space<vmem_shared>> -> memref<125x16xf32, #tpu.memory_space<vmem_shared>>
        tpu.wait_dma2 semaphore(%run_scoped3A : memref<!tpu.dma_semaphore, #tpu.memory_space<semaphore_mem>>) src(%arg17 : memref<125x16xf32, #tpu.memory_space<vmem>>) dst(%dma_wait3A_90 : memref<125x16xf32, #tpu.memory_space<vmem_shared>>)
        tpu.yield
      }) : () -> ()
      %add3A_81 = arith.constant 375 : i32
      %add3A_82 = arith.addi %mul3A_0, %add3A_81 : i32
      "tpu.region"() ({
        %run_scoped3A = tpu.sem_alloc : memref<!tpu.dma_semaphore, #tpu.memory_space<semaphore_mem>>
        %dma_start3A = arith.constant 0 : i32
        %dma_start3A_85 = tpu.memref_slice %arg12[%add3A_82, %dma_start3A] : memref<10000x16xf32, #tpu.memory_space<vmem_shared>> -> memref<125x16xf32, #tpu.memory_space<vmem_shared>>
        %dma_start3A_86 = arith.constant 0 : i32
        %dma_start3A_87 = tpu.memref_slice %arg12[%add3A_82, %dma_start3A_86] : memref<10000x16xf32, #tpu.memory_space<vmem_shared>> -> memref<125x16xf32, #tpu.memory_space<vmem_shared>>
        tpu.enqueue_dma source(%arg17 : memref<125x16xf32, #tpu.memory_space<vmem>>) target(%dma_start3A_87 : memref<125x16xf32, #tpu.memory_space<vmem_shared>>) target_semaphore(%run_scoped3A : memref<!tpu.dma_semaphore, #tpu.memory_space<semaphore_mem>>)
        %dma_wait3A = arith.constant 0 : i32
        %dma_wait3A_88 = tpu.memref_slice %arg12[%add3A_82, %dma_wait3A] : memref<10000x16xf32, #tpu.memory_space<vmem_shared>> -> memref<125x16xf32, #tpu.memory_space<vmem_shared>>
        %dma_wait3A_89 = arith.constant 0 : i32
        %dma_wait3A_90 = tpu.memref_slice %arg12[%add3A_82, %dma_wait3A_89] : memref<10000x16xf32, #tpu.memory_space<vmem_shared>> -> memref<125x16xf32, #tpu.memory_space<vmem_shared>>
        tpu.wait_dma2 semaphore(%run_scoped3A : memref<!tpu.dma_semaphore, #tpu.memory_space<semaphore_mem>>) src(%arg17 : memref<125x16xf32, #tpu.memory_space<vmem>>) dst(%dma_wait3A_90 : memref<125x16xf32, #tpu.memory_space<vmem_shared>>)
        tpu.yield
      }) : () -> ()
      %add3A_83 = arith.constant 500 : i32
      %add3A_84 = arith.addi %mul3A_0, %add3A_83 : i32
      "tpu.region"() ({
        %run_scoped3A = tpu.sem_alloc : memref<!tpu.dma_semaphore, #tpu.memory_space<semaphore_mem>>
        %dma_start3A = arith.constant 0 : i32
        %dma_start3A_85 = tpu.memref_slice %arg12[%add3A_84, %dma_start3A] : memref<10000x16xf32, #tpu.memory_space<vmem_shared>> -> memref<125x16xf32, #tpu.memory_space<vmem_shared>>
        %dma_start3A_86 = arith.constant 0 : i32
        %dma_start3A_87 = tpu.memref_slice %arg12[%add3A_84, %dma_start3A_86] : memref<10000x16xf32, #tpu.memory_space<vmem_shared>> -> memref<125x16xf32, #tpu.memory_space<vmem_shared>>
        tpu.enqueue_dma source(%arg17 : memref<125x16xf32, #tpu.memory_space<vmem>>) target(%dma_start3A_87 : memref<125x16xf32, #tpu.memory_space<vmem_shared>>) target_semaphore(%run_scoped3A : memref<!tpu.dma_semaphore, #tpu.memory_space<semaphore_mem>>)
        %dma_wait3A = arith.constant 0 : i32
        %dma_wait3A_88 = tpu.memref_slice %arg12[%add3A_84, %dma_wait3A] : memref<10000x16xf32, #tpu.memory_space<vmem_shared>> -> memref<125x16xf32, #tpu.memory_space<vmem_shared>>
        %dma_wait3A_89 = arith.constant 0 : i32
        %dma_wait3A_90 = tpu.memref_slice %arg12[%add3A_84, %dma_wait3A_89] : memref<10000x16xf32, #tpu.memory_space<vmem_shared>> -> memref<125x16xf32, #tpu.memory_space<vmem_shared>>
        tpu.wait_dma2 semaphore(%run_scoped3A : memref<!tpu.dma_semaphore, #tpu.memory_space<semaphore_mem>>) src(%arg17 : memref<125x16xf32, #tpu.memory_space<vmem>>) dst(%dma_wait3A_90 : memref<125x16xf32, #tpu.memory_space<vmem_shared>>)
        tpu.yield
      }) : () -> ()
      "tpu.region"() ({
        %run_scoped3A = tpu.sem_alloc : memref<!tpu.dma_semaphore, #tpu.memory_space<semaphore_mem>>
        tpu.enqueue_dma source(%arg7 : memref<40x16xf32, #tpu.memory_space<hbm>>) target(%arg15 : memref<40x16xf32, #tpu.memory_space<vmem>>) target_semaphore(%run_scoped3A : memref<!tpu.dma_semaphore, #tpu.memory_space<semaphore_mem>>)
        tpu.wait_dma2 semaphore(%run_scoped3A : memref<!tpu.dma_semaphore, #tpu.memory_space<semaphore_mem>>) src(%arg7 : memref<40x16xf32, #tpu.memory_space<hbm>>) dst(%arg15 : memref<40x16xf32, #tpu.memory_space<vmem>>)
        tpu.yield
      }) : () -> ()
    } else {
    }
    %barrier3A = arith.constant 0 : index
    tpu.barrier barrier_id(%barrier3A)
    %eq3A_54 = arith.constant 0 : i32
    %eq3A_55 = arith.cmpi eq, %arg0, %eq3A_54 : i32
    %convert_element_type3A_56 = arith.extui %eq3A_55 : i1 to i32
    %cond3A_57 = arith.constant 0 : i32
    %cond3A_58 = arith.cmpi ne, %convert_element_type3A_56, %cond3A_57 : i32
    scf.if %cond3A_58 {
      %add3A_75 = arith.constant 0 : i32
      %add3A_76 = arith.addi %mul3A_2, %add3A_75 : i32
      %dma_start3A = arith.constant 0 : i32
      %dma_start3A_77 = arith.constant 0 : i32
      %dma_start3A_78 = arith.constant 0 : i32
      %dma_start3A_79 = arith.constant 0 : i32
      %dma_start3A_80 = tpu.memref_slice %arg13[%dma_start3A, %dma_start3A_78, %dma_start3A_79] : memref<6x2x40xi32, #tpu.memory_space<vmem>> -> memref<1x2x40xi32, #tpu.memory_space<vmem>>
      %dma_start3A_81 = tpu.memref_squeeze %dma_start3A_80 : memref<1x2x40xi32, #tpu.memory_space<vmem>> -> memref<2x40xi32, #tpu.memory_space<vmem>>
      %dma_start3A_82 = arith.constant 0 : i32
      %dma_start3A_83 = tpu.memref_slice %arg4[%dma_start3A_82, %add3A_76] : memref<2x320000xi32, #tpu.memory_space<hbm>> -> memref<2x40xi32, #tpu.memory_space<hbm>>
      %dma_start3A_84 = tpu.memref_slice %arg18[%dma_start3A_77] : memref<6x!tpu.dma_semaphore, #tpu.memory_space<semaphore_mem>> -> memref<1x!tpu.dma_semaphore, #tpu.memory_space<semaphore_mem>>
      %dma_start3A_85 = tpu.memref_squeeze %dma_start3A_84 : memref<1x!tpu.dma_semaphore, #tpu.memory_space<semaphore_mem>> -> memref<!tpu.dma_semaphore, #tpu.memory_space<semaphore_mem>>
      %dma_start3A_86 = arith.constant 0 : i32
      %dma_start3A_87 = arith.constant 0 : i32
      %dma_start3A_88 = tpu.memref_slice %arg13[%dma_start3A, %dma_start3A_86, %dma_start3A_87] : memref<6x2x40xi32, #tpu.memory_space<vmem>> -> memref<1x2x40xi32, #tpu.memory_space<vmem>>
      %dma_start3A_89 = tpu.memref_squeeze %dma_start3A_88 : memref<1x2x40xi32, #tpu.memory_space<vmem>> -> memref<2x40xi32, #tpu.memory_space<vmem>>
      %dma_start3A_90 = arith.constant 0 : i32
      %dma_start3A_91 = tpu.memref_slice %arg4[%dma_start3A_90, %add3A_76] : memref<2x320000xi32, #tpu.memory_space<hbm>> -> memref<2x40xi32, #tpu.memory_space<hbm>>
      tpu.enqueue_dma source(%dma_start3A_91 : memref<2x40xi32, #tpu.memory_space<hbm>>) target(%dma_start3A_89 : memref<2x40xi32, #tpu.memory_space<vmem>>) target_semaphore(%dma_start3A_85 : memref<!tpu.dma_semaphore, #tpu.memory_space<semaphore_mem>>)
      %add3A_92 = arith.constant 40 : i32
      %add3A_93 = arith.addi %mul3A_2, %add3A_92 : i32
      %dma_start3A_94 = arith.constant 1 : i32
      %dma_start3A_95 = arith.constant 1 : i32
      %dma_start3A_96 = arith.constant 0 : i32
      %dma_start3A_97 = arith.constant 0 : i32
      %dma_start3A_98 = tpu.memref_slice %arg13[%dma_start3A_94, %dma_start3A_96, %dma_start3A_97] : memref<6x2x40xi32, #tpu.memory_space<vmem>> -> memref<1x2x40xi32, #tpu.memory_space<vmem>>
      %dma_start3A_99 = tpu.memref_squeeze %dma_start3A_98 : memref<1x2x40xi32, #tpu.memory_space<vmem>> -> memref<2x40xi32, #tpu.memory_space<vmem>>
      %dma_start3A_100 = arith.constant 0 : i32
      %dma_start3A_101 = tpu.memref_slice %arg4[%dma_start3A_100, %add3A_93] : memref<2x320000xi32, #tpu.memory_space<hbm>> -> memref<2x40xi32, #tpu.memory_space<hbm>>
      %dma_start3A_102 = tpu.memref_slice %arg18[%dma_start3A_95] : memref<6x!tpu.dma_semaphore, #tpu.memory_space<semaphore_mem>> -> memref<1x!tpu.dma_semaphore, #tpu.memory_space<semaphore_mem>>
      %dma_start3A_103 = tpu.memref_squeeze %dma_start3A_102 : memref<1x!tpu.dma_semaphore, #tpu.memory_space<semaphore_mem>> -> memref<!tpu.dma_semaphore, #tpu.memory_space<semaphore_mem>>
      %dma_start3A_104 = arith.constant 0 : i32
      %dma_start3A_105 = arith.constant 0 : i32
      %dma_start3A_106 = tpu.memref_slice %arg13[%dma_start3A_94, %dma_start3A_104, %dma_start3A_105] : memref<6x2x40xi32, #tpu.memory_space<vmem>> -> memref<1x2x40xi32, #tpu.memory_space<vmem>>
      %dma_start3A_107 = tpu.memref_squeeze %dma_start3A_106 : memref<1x2x40xi32, #tpu.memory_space<vmem>> -> memref<2x40xi32, #tpu.memory_space<vmem>>
      %dma_start3A_108 = arith.constant 0 : i32
      %dma_start3A_109 = tpu.memref_slice %arg4[%dma_start3A_108, %add3A_93] : memref<2x320000xi32, #tpu.memory_space<hbm>> -> memref<2x40xi32, #tpu.memory_space<hbm>>
      tpu.enqueue_dma source(%dma_start3A_109 : memref<2x40xi32, #tpu.memory_space<hbm>>) target(%dma_start3A_107 : memref<2x40xi32, #tpu.memory_space<vmem>>) target_semaphore(%dma_start3A_103 : memref<!tpu.dma_semaphore, #tpu.memory_space<semaphore_mem>>)
      %add3A_110 = arith.constant 80 : i32
      %add3A_111 = arith.addi %mul3A_2, %add3A_110 : i32
      %dma_start3A_112 = arith.constant 2 : i32
      %dma_start3A_113 = arith.constant 2 : i32
      %dma_start3A_114 = arith.constant 0 : i32
      %dma_start3A_115 = arith.constant 0 : i32
      %dma_start3A_116 = tpu.memref_slice %arg13[%dma_start3A_112, %dma_start3A_114, %dma_start3A_115] : memref<6x2x40xi32, #tpu.memory_space<vmem>> -> memref<1x2x40xi32, #tpu.memory_space<vmem>>
      %dma_start3A_117 = tpu.memref_squeeze %dma_start3A_116 : memref<1x2x40xi32, #tpu.memory_space<vmem>> -> memref<2x40xi32, #tpu.memory_space<vmem>>
      %dma_start3A_118 = arith.constant 0 : i32
      %dma_start3A_119 = tpu.memref_slice %arg4[%dma_start3A_118, %add3A_111] : memref<2x320000xi32, #tpu.memory_space<hbm>> -> memref<2x40xi32, #tpu.memory_space<hbm>>
      %dma_start3A_120 = tpu.memref_slice %arg18[%dma_start3A_113] : memref<6x!tpu.dma_semaphore, #tpu.memory_space<semaphore_mem>> -> memref<1x!tpu.dma_semaphore, #tpu.memory_space<semaphore_mem>>
      %dma_start3A_121 = tpu.memref_squeeze %dma_start3A_120 : memref<1x!tpu.dma_semaphore, #tpu.memory_space<semaphore_mem>> -> memref<!tpu.dma_semaphore, #tpu.memory_space<semaphore_mem>>
      %dma_start3A_122 = arith.constant 0 : i32
      %dma_start3A_123 = arith.constant 0 : i32
      %dma_start3A_124 = tpu.memref_slice %arg13[%dma_start3A_112, %dma_start3A_122, %dma_start3A_123] : memref<6x2x40xi32, #tpu.memory_space<vmem>> -> memref<1x2x40xi32, #tpu.memory_space<vmem>>
      %dma_start3A_125 = tpu.memref_squeeze %dma_start3A_124 : memref<1x2x40xi32, #tpu.memory_space<vmem>> -> memref<2x40xi32, #tpu.memory_space<vmem>>
      %dma_start3A_126 = arith.constant 0 : i32
      %dma_start3A_127 = tpu.memref_slice %arg4[%dma_start3A_126, %add3A_111] : memref<2x320000xi32, #tpu.memory_space<hbm>> -> memref<2x40xi32, #tpu.memory_space<hbm>>
      tpu.enqueue_dma source(%dma_start3A_127 : memref<2x40xi32, #tpu.memory_space<hbm>>) target(%dma_start3A_125 : memref<2x40xi32, #tpu.memory_space<vmem>>) target_semaphore(%dma_start3A_121 : memref<!tpu.dma_semaphore, #tpu.memory_space<semaphore_mem>>)
      %add3A_128 = arith.constant 120 : i32
      %add3A_129 = arith.addi %mul3A_2, %add3A_128 : i32
      %dma_start3A_130 = arith.constant 3 : i32
      %dma_start3A_131 = arith.constant 3 : i32
      %dma_start3A_132 = arith.constant 0 : i32
      %dma_start3A_133 = arith.constant 0 : i32
      %dma_start3A_134 = tpu.memref_slice %arg13[%dma_start3A_130, %dma_start3A_132, %dma_start3A_133] : memref<6x2x40xi32, #tpu.memory_space<vmem>> -> memref<1x2x40xi32, #tpu.memory_space<vmem>>
      %dma_start3A_135 = tpu.memref_squeeze %dma_start3A_134 : memref<1x2x40xi32, #tpu.memory_space<vmem>> -> memref<2x40xi32, #tpu.memory_space<vmem>>
      %dma_start3A_136 = arith.constant 0 : i32
      %dma_start3A_137 = tpu.memref_slice %arg4[%dma_start3A_136, %add3A_129] : memref<2x320000xi32, #tpu.memory_space<hbm>> -> memref<2x40xi32, #tpu.memory_space<hbm>>
      %dma_start3A_138 = tpu.memref_slice %arg18[%dma_start3A_131] : memref<6x!tpu.dma_semaphore, #tpu.memory_space<semaphore_mem>> -> memref<1x!tpu.dma_semaphore, #tpu.memory_space<semaphore_mem>>
      %dma_start3A_139 = tpu.memref_squeeze %dma_start3A_138 : memref<1x!tpu.dma_semaphore, #tpu.memory_space<semaphore_mem>> -> memref<!tpu.dma_semaphore, #tpu.memory_space<semaphore_mem>>
      %dma_start3A_140 = arith.constant 0 : i32
      %dma_start3A_141 = arith.constant 0 : i32
      %dma_start3A_142 = tpu.memref_slice %arg13[%dma_start3A_130, %dma_start3A_140, %dma_start3A_141] : memref<6x2x40xi32, #tpu.memory_space<vmem>> -> memref<1x2x40xi32, #tpu.memory_space<vmem>>
      %dma_start3A_143 = tpu.memref_squeeze %dma_start3A_142 : memref<1x2x40xi32, #tpu.memory_space<vmem>> -> memref<2x40xi32, #tpu.memory_space<vmem>>
      %dma_start3A_144 = arith.constant 0 : i32
      %dma_start3A_145 = tpu.memref_slice %arg4[%dma_start3A_144, %add3A_129] : memref<2x320000xi32, #tpu.memory_space<hbm>> -> memref<2x40xi32, #tpu.memory_space<hbm>>
      tpu.enqueue_dma source(%dma_start3A_145 : memref<2x40xi32, #tpu.memory_space<hbm>>) target(%dma_start3A_143 : memref<2x40xi32, #tpu.memory_space<vmem>>) target_semaphore(%dma_start3A_139 : memref<!tpu.dma_semaphore, #tpu.memory_space<semaphore_mem>>)
      %add3A_146 = arith.constant 0 : i32
      %add3A_147 = arith.addi %mul3A_2, %add3A_146 : i32
      %dma_wait3A = arith.constant 0 : i32
      %dma_wait3A_148 = arith.constant 0 : i32
      %dma_wait3A_149 = arith.constant 0 : i32
      %dma_wait3A_150 = arith.constant 0 : i32
      %dma_wait3A_151 = tpu.memref_slice %arg13[%dma_wait3A, %dma_wait3A_149, %dma_wait3A_150] : memref<6x2x40xi32, #tpu.memory_space<vmem>> -> memref<1x2x40xi32, #tpu.memory_space<vmem>>
      %dma_wait3A_152 = tpu.memref_squeeze %dma_wait3A_151 : memref<1x2x40xi32, #tpu.memory_space<vmem>> -> memref<2x40xi32, #tpu.memory_space<vmem>>
      %dma_wait3A_153 = arith.constant 0 : i32
      %dma_wait3A_154 = tpu.memref_slice %arg4[%dma_wait3A_153, %add3A_147] : memref<2x320000xi32, #tpu.memory_space<hbm>> -> memref<2x40xi32, #tpu.memory_space<hbm>>
      %dma_wait3A_155 = tpu.memref_slice %arg18[%dma_wait3A_148] : memref<6x!tpu.dma_semaphore, #tpu.memory_space<semaphore_mem>> -> memref<1x!tpu.dma_semaphore, #tpu.memory_space<semaphore_mem>>
      %dma_wait3A_156 = tpu.memref_squeeze %dma_wait3A_155 : memref<1x!tpu.dma_semaphore, #tpu.memory_space<semaphore_mem>> -> memref<!tpu.dma_semaphore, #tpu.memory_space<semaphore_mem>>
      %dma_wait3A_157 = arith.constant 0 : i32
      %dma_wait3A_158 = arith.constant 0 : i32
      %dma_wait3A_159 = tpu.memref_slice %arg13[%dma_wait3A, %dma_wait3A_157, %dma_wait3A_158] : memref<6x2x40xi32, #tpu.memory_space<vmem>> -> memref<1x2x40xi32, #tpu.memory_space<vmem>>
      %dma_wait3A_160 = tpu.memref_squeeze %dma_wait3A_159 : memref<1x2x40xi32, #tpu.memory_space<vmem>> -> memref<2x40xi32, #tpu.memory_space<vmem>>
      %dma_wait3A_161 = arith.constant 0 : i32
      %dma_wait3A_162 = tpu.memref_slice %arg4[%dma_wait3A_161, %add3A_147] : memref<2x320000xi32, #tpu.memory_space<hbm>> -> memref<2x40xi32, #tpu.memory_space<hbm>>
      tpu.wait_dma2 semaphore(%dma_wait3A_156 : memref<!tpu.dma_semaphore, #tpu.memory_space<semaphore_mem>>) src(%dma_wait3A_162 : memref<2x40xi32, #tpu.memory_space<hbm>>) dst(%dma_wait3A_160 : memref<2x40xi32, #tpu.memory_space<vmem>>)
      %add3A_163 = arith.constant 0 : i32
      %add3A_164 = arith.addi %mul3A_2, %add3A_163 : i32
      %dma_start3A_165 = arith.constant 0 : i32
      %dma_start3A_166 = arith.constant 0 : i32
      %dma_start3A_167 = arith.constant 0 : i32
      %dma_start3A_168 = arith.constant 0 : i32
      %dma_start3A_169 = tpu.memref_slice %arg14[%dma_start3A_165, %dma_start3A_167, %dma_start3A_168] : memref<6x40x128xf32, #tpu.memory_space<vmem>> -> memref<1x40x128xf32, #tpu.memory_space<vmem>>
      %dma_start3A_170 = tpu.memref_squeeze %dma_start3A_169 : memref<1x40x128xf32, #tpu.memory_space<vmem>> -> memref<40x128xf32, #tpu.memory_space<vmem>>
      %dma_start3A_171 = arith.constant 0 : i32
      %dma_start3A_172 = tpu.memref_slice %arg3[%add3A_164, %dma_start3A_171] : memref<320000x128xf32, #tpu.memory_space<hbm>> -> memref<40x128xf32, #tpu.memory_space<hbm>>
      %dma_start3A_173 = tpu.memref_slice %arg19[%dma_start3A_166] : memref<6x!tpu.dma_semaphore, #tpu.memory_space<semaphore_mem>> -> memref<1x!tpu.dma_semaphore, #tpu.memory_space<semaphore_mem>>
      %dma_start3A_174 = tpu.memref_squeeze %dma_start3A_173 : memref<1x!tpu.dma_semaphore, #tpu.memory_space<semaphore_mem>> -> memref<!tpu.dma_semaphore, #tpu.memory_space<semaphore_mem>>
      %dma_start3A_175 = arith.constant 0 : i32
      %dma_start3A_176 = arith.constant 0 : i32
      %dma_start3A_177 = tpu.memref_slice %arg14[%dma_start3A_165, %dma_start3A_175, %dma_start3A_176] : memref<6x40x128xf32, #tpu.memory_space<vmem>> -> memref<1x40x128xf32, #tpu.memory_space<vmem>>
      %dma_start3A_178 = tpu.memref_squeeze %dma_start3A_177 : memref<1x40x128xf32, #tpu.memory_space<vmem>> -> memref<40x128xf32, #tpu.memory_space<vmem>>
      %dma_start3A_179 = arith.constant 0 : i32
      %dma_start3A_180 = tpu.memref_slice %arg3[%add3A_164, %dma_start3A_179] : memref<320000x128xf32, #tpu.memory_space<hbm>> -> memref<40x128xf32, #tpu.memory_space<hbm>>
      tpu.enqueue_dma source(%dma_start3A_180 : memref<40x128xf32, #tpu.memory_space<hbm>>) target(%dma_start3A_178 : memref<40x128xf32, #tpu.memory_space<vmem>>) target_semaphore(%dma_start3A_174 : memref<!tpu.dma_semaphore, #tpu.memory_space<semaphore_mem>>)
      %add3A_181 = arith.constant 0 : i32
      %add3A_182 = arith.addi %mul3A_2, %add3A_181 : i32
      %dma_wait3A_183 = arith.constant 1 : i32
      %dma_wait3A_184 = arith.constant 1 : i32
      %dma_wait3A_185 = arith.constant 0 : i32
      %dma_wait3A_186 = arith.constant 0 : i32
      %dma_wait3A_187 = tpu.memref_slice %arg13[%dma_wait3A_183, %dma_wait3A_185, %dma_wait3A_186] : memref<6x2x40xi32, #tpu.memory_space<vmem>> -> memref<1x2x40xi32, #tpu.memory_space<vmem>>
      %dma_wait3A_188 = tpu.memref_squeeze %dma_wait3A_187 : memref<1x2x40xi32, #tpu.memory_space<vmem>> -> memref<2x40xi32, #tpu.memory_space<vmem>>
      %dma_wait3A_189 = arith.constant 0 : i32
      %dma_wait3A_190 = tpu.memref_slice %arg4[%dma_wait3A_189, %add3A_182] : memref<2x320000xi32, #tpu.memory_space<hbm>> -> memref<2x40xi32, #tpu.memory_space<hbm>>
      %dma_wait3A_191 = tpu.memref_slice %arg18[%dma_wait3A_184] : memref<6x!tpu.dma_semaphore, #tpu.memory_space<semaphore_mem>> -> memref<1x!tpu.dma_semaphore, #tpu.memory_space<semaphore_mem>>
      %dma_wait3A_192 = tpu.memref_squeeze %dma_wait3A_191 : memref<1x!tpu.dma_semaphore, #tpu.memory_space<semaphore_mem>> -> memref<!tpu.dma_semaphore, #tpu.memory_space<semaphore_mem>>
      %dma_wait3A_193 = arith.constant 0 : i32
      %dma_wait3A_194 = arith.constant 0 : i32
      %dma_wait3A_195 = tpu.memref_slice %arg13[%dma_wait3A_183, %dma_wait3A_193, %dma_wait3A_194] : memref<6x2x40xi32, #tpu.memory_space<vmem>> -> memref<1x2x40xi32, #tpu.memory_space<vmem>>
      %dma_wait3A_196 = tpu.memref_squeeze %dma_wait3A_195 : memref<1x2x40xi32, #tpu.memory_space<vmem>> -> memref<2x40xi32, #tpu.memory_space<vmem>>
      %dma_wait3A_197 = arith.constant 0 : i32
      %dma_wait3A_198 = tpu.memref_slice %arg4[%dma_wait3A_197, %add3A_182] : memref<2x320000xi32, #tpu.memory_space<hbm>> -> memref<2x40xi32, #tpu.memory_space<hbm>>
      tpu.wait_dma2 semaphore(%dma_wait3A_192 : memref<!tpu.dma_semaphore, #tpu.memory_space<semaphore_mem>>) src(%dma_wait3A_198 : memref<2x40xi32, #tpu.memory_space<hbm>>) dst(%dma_wait3A_196 : memref<2x40xi32, #tpu.memory_space<vmem>>)
      %add3A_199 = arith.constant 40 : i32
      %add3A_200 = arith.addi %mul3A_2, %add3A_199 : i32
      %dma_start3A_201 = arith.constant 1 : i32
      %dma_start3A_202 = arith.constant 1 : i32
      %dma_start3A_203 = arith.constant 0 : i32
      %dma_start3A_204 = arith.constant 0 : i32
      %dma_start3A_205 = tpu.memref_slice %arg14[%dma_start3A_201, %dma_start3A_203, %dma_start3A_204] : memref<6x40x128xf32, #tpu.memory_space<vmem>> -> memref<1x40x128xf32, #tpu.memory_space<vmem>>
      %dma_start3A_206 = tpu.memref_squeeze %dma_start3A_205 : memref<1x40x128xf32, #tpu.memory_space<vmem>> -> memref<40x128xf32, #tpu.memory_space<vmem>>
      %dma_start3A_207 = arith.constant 0 : i32
      %dma_start3A_208 = tpu.memref_slice %arg3[%add3A_200, %dma_start3A_207] : memref<320000x128xf32, #tpu.memory_space<hbm>> -> memref<40x128xf32, #tpu.memory_space<hbm>>
      %dma_start3A_209 = tpu.memref_slice %arg19[%dma_start3A_202] : memref<6x!tpu.dma_semaphore, #tpu.memory_space<semaphore_mem>> -> memref<1x!tpu.dma_semaphore, #tpu.memory_space<semaphore_mem>>
      %dma_start3A_210 = tpu.memref_squeeze %dma_start3A_209 : memref<1x!tpu.dma_semaphore, #tpu.memory_space<semaphore_mem>> -> memref<!tpu.dma_semaphore, #tpu.memory_space<semaphore_mem>>
      %dma_start3A_211 = arith.constant 0 : i32
      %dma_start3A_212 = arith.constant 0 : i32
      %dma_start3A_213 = tpu.memref_slice %arg14[%dma_start3A_201, %dma_start3A_211, %dma_start3A_212] : memref<6x40x128xf32, #tpu.memory_space<vmem>> -> memref<1x40x128xf32, #tpu.memory_space<vmem>>
      %dma_start3A_214 = tpu.memref_squeeze %dma_start3A_213 : memref<1x40x128xf32, #tpu.memory_space<vmem>> -> memref<40x128xf32, #tpu.memory_space<vmem>>
      %dma_start3A_215 = arith.constant 0 : i32
      %dma_start3A_216 = tpu.memref_slice %arg3[%add3A_200, %dma_start3A_215] : memref<320000x128xf32, #tpu.memory_space<hbm>> -> memref<40x128xf32, #tpu.memory_space<hbm>>
      tpu.enqueue_dma source(%dma_start3A_216 : memref<40x128xf32, #tpu.memory_space<hbm>>) target(%dma_start3A_214 : memref<40x128xf32, #tpu.memory_space<vmem>>) target_semaphore(%dma_start3A_210 : memref<!tpu.dma_semaphore, #tpu.memory_space<semaphore_mem>>)
      %scan3A = arith.constant 0 : i32
      %scan3A_217 = arith.constant 0 : i32
      %scan3A_218 = arith.constant 500 : i32
      %scan3A_219 = arith.addi %scan3A_217, %scan3A_218 : i32
      %scan3A_220 = arith.constant 1 : i32
      %scan3A_221 = scf.for %scan3A_385 = %scan3A_217 to %scan3A_219 step %scan3A_220 iter_args(%scan3A_386 = %scan3A) -> (i32)  : i32 {
        %rem3A = arith.constant 6 : i32
        %rem3A_387 = arith.remsi %scan3A_385, %rem3A : i32
        %add3A_388 = arith.constant 2 : i32
        %add3A_389 = arith.addi %scan3A_385, %add3A_388 : i32
        %rem3A_390 = arith.constant 6 : i32
        %rem3A_391 = arith.remsi %add3A_389, %rem3A_390 : i32
        %add3A_392 = arith.constant 4 : i32
        %add3A_393 = arith.addi %scan3A_385, %add3A_392 : i32
        %rem3A_394 = arith.constant 6 : i32
        %rem3A_395 = arith.remsi %add3A_393, %rem3A_394 : i32
        %dma_wait3A_396 = arith.constant 0 : i32
        %dma_wait3A_397 = arith.constant 0 : i32
        %dma_wait3A_398 = tpu.memref_slice %arg14[%rem3A_387, %dma_wait3A_396, %dma_wait3A_397] : memref<6x40x128xf32, #tpu.memory_space<vmem>> -> memref<1x40x128xf32, #tpu.memory_space<vmem>>
        %dma_wait3A_399 = tpu.memref_squeeze %dma_wait3A_398 : memref<1x40x128xf32, #tpu.memory_space<vmem>> -> memref<40x128xf32, #tpu.memory_space<vmem>>
        %dma_wait3A_400 = arith.constant 0 : i32
        %dma_wait3A_401 = tpu.memref_slice %arg3[%mul3A_2, %dma_wait3A_400] : memref<320000x128xf32, #tpu.memory_space<hbm>> -> memref<40x128xf32, #tpu.memory_space<hbm>>
        %dma_wait3A_402 = tpu.memref_slice %arg19[%rem3A_387] : memref<6x!tpu.dma_semaphore, #tpu.memory_space<semaphore_mem>> -> memref<1x!tpu.dma_semaphore, #tpu.memory_space<semaphore_mem>>
        %dma_wait3A_403 = tpu.memref_squeeze %dma_wait3A_402 : memref<1x!tpu.dma_semaphore, #tpu.memory_space<semaphore_mem>> -> memref<!tpu.dma_semaphore, #tpu.memory_space<semaphore_mem>>
        %dma_wait3A_404 = arith.constant 0 : i32
        %dma_wait3A_405 = arith.constant 0 : i32
        %dma_wait3A_406 = tpu.memref_slice %arg14[%rem3A_387, %dma_wait3A_404, %dma_wait3A_405] : memref<6x40x128xf32, #tpu.memory_space<vmem>> -> memref<1x40x128xf32, #tpu.memory_space<vmem>>
        %dma_wait3A_407 = tpu.memref_squeeze %dma_wait3A_406 : memref<1x40x128xf32, #tpu.memory_space<vmem>> -> memref<40x128xf32, #tpu.memory_space<vmem>>
        %dma_wait3A_408 = arith.constant 0 : i32
        %dma_wait3A_409 = tpu.memref_slice %arg3[%mul3A_2, %dma_wait3A_408] : memref<320000x128xf32, #tpu.memory_space<hbm>> -> memref<40x128xf32, #tpu.memory_space<hbm>>
        tpu.wait_dma2 semaphore(%dma_wait3A_403 : memref<!tpu.dma_semaphore, #tpu.memory_space<semaphore_mem>>) src(%dma_wait3A_409 : memref<40x128xf32, #tpu.memory_space<hbm>>) dst(%dma_wait3A_407 : memref<40x128xf32, #tpu.memory_space<vmem>>)
        %dma_start3A_410 = arith.constant 1 : i32
        %dma_start3A_411 = arith.constant 0 : i32
        %dma_start3A_412 = arith.constant 0 : i32
        %dma_start3A_413 = tpu.memref_slice %arg14[%rem3A_387, %dma_start3A_411, %dma_start3A_412] : memref<6x40x128xf32, #tpu.memory_space<vmem>> -> memref<1x40x128xf32, #tpu.memory_space<vmem>>
        %dma_start3A_414 = tpu.memref_squeeze %dma_start3A_413 : memref<1x40x128xf32, #tpu.memory_space<vmem>> -> memref<40x128xf32, #tpu.memory_space<vmem>>
        %dma_start3A_415 = arith.constant 0 : i32
        %dma_start3A_416 = tpu.memref_slice %arg13[%rem3A_387, %dma_start3A_410, %dma_start3A_415] : memref<6x2x40xi32, #tpu.memory_space<vmem>> -> memref<1x1x40xi32, #tpu.memory_space<vmem>>
        %dma_start3A_417 = tpu.memref_squeeze %dma_start3A_416 : memref<1x1x40xi32, #tpu.memory_space<vmem>> -> memref<40xi32, #tpu.memory_space<vmem>>
        %dma_start3A_418 = arith.constant 0 : i32
        %dma_start3A_419 = arith.constant 0 : i32
        %dma_start3A_420 = tpu.memref_slice %arg11[%dma_start3A_418, %dma_start3A_419] : memref<10000x128xf32, #tpu.memory_space<vmem_shared>> -> memref<10000x128xf32, #tpu.memory_space<vmem_shared>>
        %dma_start3A_421 = tpu.memref_slice %arg20[%rem3A_387] : memref<6x!tpu.dma_semaphore, #tpu.memory_space<semaphore_mem>> -> memref<1x!tpu.dma_semaphore, #tpu.memory_space<semaphore_mem>>
        %dma_start3A_422 = tpu.memref_squeeze %dma_start3A_421 : memref<1x!tpu.dma_semaphore, #tpu.memory_space<semaphore_mem>> -> memref<!tpu.dma_semaphore, #tpu.memory_space<semaphore_mem>>
        tpu.enqueue_indirect_dma source(%dma_start3A_414 : memref<40x128xf32, #tpu.memory_space<vmem>>) target(%dma_start3A_420 : memref<10000x128xf32, #tpu.memory_space<vmem_shared>>) offsets(%dma_start3A_417 : memref<40xi32, #tpu.memory_space<vmem>>) semaphore(%dma_start3A_422 : memref<!tpu.dma_semaphore, #tpu.memory_space<semaphore_mem>>) {add = true}
        %dma_start3A_423 = arith.constant 1 : i32
        %dma_start3A_424 = arith.constant 0 : i32
        %dma_start3A_425 = tpu.memref_slice %arg13[%rem3A_387, %dma_start3A_423, %dma_start3A_424] : memref<6x2x40xi32, #tpu.memory_space<vmem>> -> memref<1x1x40xi32, #tpu.memory_space<vmem>>
        %dma_start3A_426 = tpu.memref_squeeze %dma_start3A_425 : memref<1x1x40xi32, #tpu.memory_space<vmem>> -> memref<40xi32, #tpu.memory_space<vmem>>
        %dma_start3A_427 = arith.constant 0 : i32
        %dma_start3A_428 = arith.constant 0 : i32
        %dma_start3A_429 = tpu.memref_slice %arg12[%dma_start3A_427, %dma_start3A_428] : memref<10000x16xf32, #tpu.memory_space<vmem_shared>> -> memref<10000x16xf32, #tpu.memory_space<vmem_shared>>
        %dma_start3A_430 = tpu.memref_slice %arg21[%rem3A_387] : memref<6x!tpu.dma_semaphore, #tpu.memory_space<semaphore_mem>> -> memref<1x!tpu.dma_semaphore, #tpu.memory_space<semaphore_mem>>
        %dma_start3A_431 = tpu.memref_squeeze %dma_start3A_430 : memref<1x!tpu.dma_semaphore, #tpu.memory_space<semaphore_mem>> -> memref<!tpu.dma_semaphore, #tpu.memory_space<semaphore_mem>>
        tpu.enqueue_indirect_dma source(%arg15 : memref<40x16xf32, #tpu.memory_space<vmem>>) target(%dma_start3A_429 : memref<10000x16xf32, #tpu.memory_space<vmem_shared>>) offsets(%dma_start3A_426 : memref<40xi32, #tpu.memory_space<vmem>>) semaphore(%dma_start3A_431 : memref<!tpu.dma_semaphore, #tpu.memory_space<semaphore_mem>>) {add = true}
        %add3A_432 = arith.constant 4 : i32
        %add3A_433 = arith.addi %scan3A_385, %add3A_432 : i32
        %lt3A = arith.constant 500 : i32
        %lt3A_434 = arith.cmpi slt, %add3A_433, %lt3A : i32
        %convert_element_type3A_435 = arith.extui %lt3A_434 : i1 to i32
        %cond3A_436 = arith.constant 0 : i32
        %cond3A_437 = arith.cmpi ne, %convert_element_type3A_435, %cond3A_436 : i32
        scf.if %cond3A_437 {
          %add3A_446 = arith.constant 4 : i32
          %add3A_447 = arith.addi %scan3A_385, %add3A_446 : i32
          %ge3A = arith.constant 6 : i32
          %ge3A_448 = arith.cmpi sge, %add3A_447, %ge3A : i32
          %convert_element_type3A_449 = arith.extui %ge3A_448 : i1 to i32
          %cond3A_450 = arith.constant 0 : i32
          %cond3A_451 = arith.cmpi ne, %convert_element_type3A_449, %cond3A_450 : i32
          scf.if %cond3A_451 {
            %dma_wait3A_471 = arith.constant 1 : i32
            %dma_wait3A_472 = arith.constant 0 : i32
            %dma_wait3A_473 = arith.constant 0 : i32
            %dma_wait3A_474 = tpu.memref_slice %arg14[%rem3A_395, %dma_wait3A_472, %dma_wait3A_473] : memref<6x40x128xf32, #tpu.memory_space<vmem>> -> memref<1x40x128xf32, #tpu.memory_space<vmem>>
            %dma_wait3A_475 = tpu.memref_squeeze %dma_wait3A_474 : memref<1x40x128xf32, #tpu.memory_space<vmem>> -> memref<40x128xf32, #tpu.memory_space<vmem>>
            %dma_wait3A_476 = arith.constant 0 : i32
            %dma_wait3A_477 = tpu.memref_slice %arg13[%rem3A_395, %dma_wait3A_471, %dma_wait3A_476] : memref<6x2x40xi32, #tpu.memory_space<vmem>> -> memref<1x1x40xi32, #tpu.memory_space<vmem>>
            %dma_wait3A_478 = tpu.memref_squeeze %dma_wait3A_477 : memref<1x1x40xi32, #tpu.memory_space<vmem>> -> memref<40xi32, #tpu.memory_space<vmem>>
            %dma_wait3A_479 = arith.constant 0 : i32
            %dma_wait3A_480 = arith.constant 0 : i32
            %dma_wait3A_481 = tpu.memref_slice %arg11[%dma_wait3A_479, %dma_wait3A_480] : memref<10000x128xf32, #tpu.memory_space<vmem_shared>> -> memref<10000x128xf32, #tpu.memory_space<vmem_shared>>
            %dma_wait3A_482 = tpu.memref_slice %arg20[%rem3A_395] : memref<6x!tpu.dma_semaphore, #tpu.memory_space<semaphore_mem>> -> memref<1x!tpu.dma_semaphore, #tpu.memory_space<semaphore_mem>>
            %dma_wait3A_483 = tpu.memref_squeeze %dma_wait3A_482 : memref<1x!tpu.dma_semaphore, #tpu.memory_space<semaphore_mem>> -> memref<!tpu.dma_semaphore, #tpu.memory_space<semaphore_mem>>
            tpu.wait_indirect_dma semaphore(%dma_wait3A_483 : memref<!tpu.dma_semaphore, #tpu.memory_space<semaphore_mem>>) src(%dma_wait3A_475 : memref<40x128xf32, #tpu.memory_space<vmem>>) dst(%dma_wait3A_481 : memref<10000x128xf32, #tpu.memory_space<vmem_shared>>)
            %dma_wait3A_484 = arith.constant 1 : i32
            %dma_wait3A_485 = arith.constant 0 : i32
            %dma_wait3A_486 = tpu.memref_slice %arg13[%rem3A_395, %dma_wait3A_484, %dma_wait3A_485] : memref<6x2x40xi32, #tpu.memory_space<vmem>> -> memref<1x1x40xi32, #tpu.memory_space<vmem>>
            %dma_wait3A_487 = tpu.memref_squeeze %dma_wait3A_486 : memref<1x1x40xi32, #tpu.memory_space<vmem>> -> memref<40xi32, #tpu.memory_space<vmem>>
            %dma_wait3A_488 = arith.constant 0 : i32
            %dma_wait3A_489 = arith.constant 0 : i32
            %dma_wait3A_490 = tpu.memref_slice %arg12[%dma_wait3A_488, %dma_wait3A_489] : memref<10000x16xf32, #tpu.memory_space<vmem_shared>> -> memref<10000x16xf32, #tpu.memory_space<vmem_shared>>
            %dma_wait3A_491 = tpu.memref_slice %arg21[%rem3A_395] : memref<6x!tpu.dma_semaphore, #tpu.memory_space<semaphore_mem>> -> memref<1x!tpu.dma_semaphore, #tpu.memory_space<semaphore_mem>>
            %dma_wait3A_492 = tpu.memref_squeeze %dma_wait3A_491 : memref<1x!tpu.dma_semaphore, #tpu.memory_space<semaphore_mem>> -> memref<!tpu.dma_semaphore, #tpu.memory_space<semaphore_mem>>
            tpu.wait_indirect_dma semaphore(%dma_wait3A_492 : memref<!tpu.dma_semaphore, #tpu.memory_space<semaphore_mem>>) src(%arg15 : memref<40x16xf32, #tpu.memory_space<vmem>>) dst(%dma_wait3A_490 : memref<10000x16xf32, #tpu.memory_space<vmem_shared>>)
          } else {
          }
          %add3A_452 = arith.constant 4 : i32
          %add3A_453 = arith.addi %scan3A_385, %add3A_452 : i32
          %mul3A_454 = arith.constant 40 : i32
          %mul3A_455 = arith.muli %add3A_453, %mul3A_454 : i32
          %add3A_456 = arith.addi %mul3A_2, %mul3A_455 : i32
          %dma_start3A_457 = arith.constant 0 : i32
          %dma_start3A_458 = arith.constant 0 : i32
          %dma_start3A_459 = tpu.memref_slice %arg13[%rem3A_395, %dma_start3A_457, %dma_start3A_458] : memref<6x2x40xi32, #tpu.memory_space<vmem>> -> memref<1x2x40xi32, #tpu.memory_space<vmem>>
          %dma_start3A_460 = tpu.memref_squeeze %dma_start3A_459 : memref<1x2x40xi32, #tpu.memory_space<vmem>> -> memref<2x40xi32, #tpu.memory_space<vmem>>
          %dma_start3A_461 = arith.constant 0 : i32
          %dma_start3A_462 = tpu.memref_slice %arg4[%dma_start3A_461, %add3A_456] : memref<2x320000xi32, #tpu.memory_space<hbm>> -> memref<2x40xi32, #tpu.memory_space<hbm>>
          %dma_start3A_463 = tpu.memref_slice %arg18[%rem3A_395] : memref<6x!tpu.dma_semaphore, #tpu.memory_space<semaphore_mem>> -> memref<1x!tpu.dma_semaphore, #tpu.memory_space<semaphore_mem>>
          %dma_start3A_464 = tpu.memref_squeeze %dma_start3A_463 : memref<1x!tpu.dma_semaphore, #tpu.memory_space<semaphore_mem>> -> memref<!tpu.dma_semaphore, #tpu.memory_space<semaphore_mem>>
          %dma_start3A_465 = arith.constant 0 : i32
          %dma_start3A_466 = arith.constant 0 : i32
          %dma_start3A_467 = tpu.memref_slice %arg13[%rem3A_395, %dma_start3A_465, %dma_start3A_466] : memref<6x2x40xi32, #tpu.memory_space<vmem>> -> memref<1x2x40xi32, #tpu.memory_space<vmem>>
          %dma_start3A_468 = tpu.memref_squeeze %dma_start3A_467 : memref<1x2x40xi32, #tpu.memory_space<vmem>> -> memref<2x40xi32, #tpu.memory_space<vmem>>
          %dma_start3A_469 = arith.constant 0 : i32
          %dma_start3A_470 = tpu.memref_slice %arg4[%dma_start3A_469, %add3A_456] : memref<2x320000xi32, #tpu.memory_space<hbm>> -> memref<2x40xi32, #tpu.memory_space<hbm>>
          tpu.enqueue_dma source(%dma_start3A_470 : memref<2x40xi32, #tpu.memory_space<hbm>>) target(%dma_start3A_468 : memref<2x40xi32, #tpu.memory_space<vmem>>) target_semaphore(%dma_start3A_464 : memref<!tpu.dma_semaphore, #tpu.memory_space<semaphore_mem>>)
        } else {
        }
        %add3A_438 = arith.constant 2 : i32
        %add3A_439 = arith.addi %scan3A_385, %add3A_438 : i32
        %lt3A_440 = arith.constant 500 : i32
        %lt3A_441 = arith.cmpi slt, %add3A_439, %lt3A_440 : i32
        %convert_element_type3A_442 = arith.extui %lt3A_441 : i1 to i32
        %cond3A_443 = arith.constant 0 : i32
        %cond3A_444 = arith.cmpi ne, %convert_element_type3A_442, %cond3A_443 : i32
        scf.if %cond3A_444 {
          %add3A_446 = arith.constant 0 : i32
          %add3A_447 = arith.addi %mul3A_2, %add3A_446 : i32
          %dma_wait3A_448 = arith.constant 0 : i32
          %dma_wait3A_449 = arith.constant 0 : i32
          %dma_wait3A_450 = tpu.memref_slice %arg13[%rem3A_391, %dma_wait3A_448, %dma_wait3A_449] : memref<6x2x40xi32, #tpu.memory_space<vmem>> -> memref<1x2x40xi32, #tpu.memory_space<vmem>>
          %dma_wait3A_451 = tpu.memref_squeeze %dma_wait3A_450 : memref<1x2x40xi32, #tpu.memory_space<vmem>> -> memref<2x40xi32, #tpu.memory_space<vmem>>
          %dma_wait3A_452 = arith.constant 0 : i32
          %dma_wait3A_453 = tpu.memref_slice %arg4[%dma_wait3A_452, %add3A_447] : memref<2x320000xi32, #tpu.memory_space<hbm>> -> memref<2x40xi32, #tpu.memory_space<hbm>>
          %dma_wait3A_454 = tpu.memref_slice %arg18[%rem3A_391] : memref<6x!tpu.dma_semaphore, #tpu.memory_space<semaphore_mem>> -> memref<1x!tpu.dma_semaphore, #tpu.memory_space<semaphore_mem>>
          %dma_wait3A_455 = tpu.memref_squeeze %dma_wait3A_454 : memref<1x!tpu.dma_semaphore, #tpu.memory_space<semaphore_mem>> -> memref<!tpu.dma_semaphore, #tpu.memory_space<semaphore_mem>>
          %dma_wait3A_456 = arith.constant 0 : i32
          %dma_wait3A_457 = arith.constant 0 : i32
          %dma_wait3A_458 = tpu.memref_slice %arg13[%rem3A_391, %dma_wait3A_456, %dma_wait3A_457] : memref<6x2x40xi32, #tpu.memory_space<vmem>> -> memref<1x2x40xi32, #tpu.memory_space<vmem>>
          %dma_wait3A_459 = tpu.memref_squeeze %dma_wait3A_458 : memref<1x2x40xi32, #tpu.memory_space<vmem>> -> memref<2x40xi32, #tpu.memory_space<vmem>>
          %dma_wait3A_460 = arith.constant 0 : i32
          %dma_wait3A_461 = tpu.memref_slice %arg4[%dma_wait3A_460, %add3A_447] : memref<2x320000xi32, #tpu.memory_space<hbm>> -> memref<2x40xi32, #tpu.memory_space<hbm>>
          tpu.wait_dma2 semaphore(%dma_wait3A_455 : memref<!tpu.dma_semaphore, #tpu.memory_space<semaphore_mem>>) src(%dma_wait3A_461 : memref<2x40xi32, #tpu.memory_space<hbm>>) dst(%dma_wait3A_459 : memref<2x40xi32, #tpu.memory_space<vmem>>)
          %add3A_462 = arith.constant 2 : i32
          %add3A_463 = arith.addi %scan3A_385, %add3A_462 : i32
          %mul3A_464 = arith.constant 40 : i32
          %mul3A_465 = arith.muli %add3A_463, %mul3A_464 : i32
          %add3A_466 = arith.addi %mul3A_2, %mul3A_465 : i32
          %dma_start3A_467 = arith.constant 0 : i32
          %dma_start3A_468 = arith.constant 0 : i32
          %dma_start3A_469 = tpu.memref_slice %arg14[%rem3A_391, %dma_start3A_467, %dma_start3A_468] : memref<6x40x128xf32, #tpu.memory_space<vmem>> -> memref<1x40x128xf32, #tpu.memory_space<vmem>>
          %dma_start3A_470 = tpu.memref_squeeze %dma_start3A_469 : memref<1x40x128xf32, #tpu.memory_space<vmem>> -> memref<40x128xf32, #tpu.memory_space<vmem>>
          %dma_start3A_471 = arith.constant 0 : i32
          %dma_start3A_472 = tpu.memref_slice %arg3[%add3A_466, %dma_start3A_471] : memref<320000x128xf32, #tpu.memory_space<hbm>> -> memref<40x128xf32, #tpu.memory_space<hbm>>
          %dma_start3A_473 = tpu.memref_slice %arg19[%rem3A_391] : memref<6x!tpu.dma_semaphore, #tpu.memory_space<semaphore_mem>> -> memref<1x!tpu.dma_semaphore, #tpu.memory_space<semaphore_mem>>
          %dma_start3A_474 = tpu.memref_squeeze %dma_start3A_473 : memref<1x!tpu.dma_semaphore, #tpu.memory_space<semaphore_mem>> -> memref<!tpu.dma_semaphore, #tpu.memory_space<semaphore_mem>>
          %dma_start3A_475 = arith.constant 0 : i32
          %dma_start3A_476 = arith.constant 0 : i32
          %dma_start3A_477 = tpu.memref_slice %arg14[%rem3A_391, %dma_start3A_475, %dma_start3A_476] : memref<6x40x128xf32, #tpu.memory_space<vmem>> -> memref<1x40x128xf32, #tpu.memory_space<vmem>>
          %dma_start3A_478 = tpu.memref_squeeze %dma_start3A_477 : memref<1x40x128xf32, #tpu.memory_space<vmem>> -> memref<40x128xf32, #tpu.memory_space<vmem>>
          %dma_start3A_479 = arith.constant 0 : i32
          %dma_start3A_480 = tpu.memref_slice %arg3[%add3A_466, %dma_start3A_479] : memref<320000x128xf32, #tpu.memory_space<hbm>> -> memref<40x128xf32, #tpu.memory_space<hbm>>
          tpu.enqueue_dma source(%dma_start3A_480 : memref<40x128xf32, #tpu.memory_space<hbm>>) target(%dma_start3A_478 : memref<40x128xf32, #tpu.memory_space<vmem>>) target_semaphore(%dma_start3A_474 : memref<!tpu.dma_semaphore, #tpu.memory_space<semaphore_mem>>)
        } else {
        }
        %scan3A_445 = arith.constant 0 : i32
        scf.yield %scan3A_445 : i32
      }
      %scan3A_222 = arith.constant 500 : i32
      %dma_wait3A_223 = arith.constant 0 : i32
      %dma_wait3A_224 = arith.constant 0 : i32
      %dma_wait3A_225 = arith.constant 1 : i32
      %dma_wait3A_226 = arith.constant 0 : i32
      %dma_wait3A_227 = arith.constant 0 : i32
      %dma_wait3A_228 = arith.constant 0 : i32
      %dma_wait3A_229 = tpu.memref_slice %arg14[%dma_wait3A_223, %dma_wait3A_227, %dma_wait3A_228] : memref<6x40x128xf32, #tpu.memory_space<vmem>> -> memref<1x40x128xf32, #tpu.memory_space<vmem>>
      %dma_wait3A_230 = tpu.memref_squeeze %dma_wait3A_229 : memref<1x40x128xf32, #tpu.memory_space<vmem>> -> memref<40x128xf32, #tpu.memory_space<vmem>>
      %dma_wait3A_231 = arith.constant 0 : i32
      %dma_wait3A_232 = tpu.memref_slice %arg13[%dma_wait3A_224, %dma_wait3A_225, %dma_wait3A_231] : memref<6x2x40xi32, #tpu.memory_space<vmem>> -> memref<1x1x40xi32, #tpu.memory_space<vmem>>
      %dma_wait3A_233 = tpu.memref_squeeze %dma_wait3A_232 : memref<1x1x40xi32, #tpu.memory_space<vmem>> -> memref<40xi32, #tpu.memory_space<vmem>>
      %dma_wait3A_234 = arith.constant 0 : i32
      %dma_wait3A_235 = arith.constant 0 : i32
      %dma_wait3A_236 = tpu.memref_slice %arg11[%dma_wait3A_234, %dma_wait3A_235] : memref<10000x128xf32, #tpu.memory_space<vmem_shared>> -> memref<10000x128xf32, #tpu.memory_space<vmem_shared>>
      %dma_wait3A_237 = tpu.memref_slice %arg20[%dma_wait3A_226] : memref<6x!tpu.dma_semaphore, #tpu.memory_space<semaphore_mem>> -> memref<1x!tpu.dma_semaphore, #tpu.memory_space<semaphore_mem>>
      %dma_wait3A_238 = tpu.memref_squeeze %dma_wait3A_237 : memref<1x!tpu.dma_semaphore, #tpu.memory_space<semaphore_mem>> -> memref<!tpu.dma_semaphore, #tpu.memory_space<semaphore_mem>>
      tpu.wait_indirect_dma semaphore(%dma_wait3A_238 : memref<!tpu.dma_semaphore, #tpu.memory_space<semaphore_mem>>) src(%dma_wait3A_230 : memref<40x128xf32, #tpu.memory_space<vmem>>) dst(%dma_wait3A_236 : memref<10000x128xf32, #tpu.memory_space<vmem_shared>>)
      %dma_wait3A_239 = arith.constant 0 : i32
      %dma_wait3A_240 = arith.constant 1 : i32
      %dma_wait3A_241 = arith.constant 0 : i32
      %dma_wait3A_242 = arith.constant 0 : i32
      %dma_wait3A_243 = tpu.memref_slice %arg13[%dma_wait3A_239, %dma_wait3A_240, %dma_wait3A_242] : memref<6x2x40xi32, #tpu.memory_space<vmem>> -> memref<1x1x40xi32, #tpu.memory_space<vmem>>
      %dma_wait3A_244 = tpu.memref_squeeze %dma_wait3A_243 : memref<1x1x40xi32, #tpu.memory_space<vmem>> -> memref<40xi32, #tpu.memory_space<vmem>>
      %dma_wait3A_245 = arith.constant 0 : i32
      %dma_wait3A_246 = arith.constant 0 : i32
      %dma_wait3A_247 = tpu.memref_slice %arg12[%dma_wait3A_245, %dma_wait3A_246] : memref<10000x16xf32, #tpu.memory_space<vmem_shared>> -> memref<10000x16xf32, #tpu.memory_space<vmem_shared>>
      %dma_wait3A_248 = tpu.memref_slice %arg21[%dma_wait3A_241] : memref<6x!tpu.dma_semaphore, #tpu.memory_space<semaphore_mem>> -> memref<1x!tpu.dma_semaphore, #tpu.memory_space<semaphore_mem>>
      %dma_wait3A_249 = tpu.memref_squeeze %dma_wait3A_248 : memref<1x!tpu.dma_semaphore, #tpu.memory_space<semaphore_mem>> -> memref<!tpu.dma_semaphore, #tpu.memory_space<semaphore_mem>>
      tpu.wait_indirect_dma semaphore(%dma_wait3A_249 : memref<!tpu.dma_semaphore, #tpu.memory_space<semaphore_mem>>) src(%arg15 : memref<40x16xf32, #tpu.memory_space<vmem>>) dst(%dma_wait3A_247 : memref<10000x16xf32, #tpu.memory_space<vmem_shared>>)
      %dma_wait3A_250 = arith.constant 1 : i32
      %dma_wait3A_251 = arith.constant 1 : i32
      %dma_wait3A_252 = arith.constant 1 : i32
      %dma_wait3A_253 = arith.constant 1 : i32
      %dma_wait3A_254 = arith.constant 0 : i32
      %dma_wait3A_255 = arith.constant 0 : i32
      %dma_wait3A_256 = tpu.memref_slice %arg14[%dma_wait3A_250, %dma_wait3A_254, %dma_wait3A_255] : memref<6x40x128xf32, #tpu.memory_space<vmem>> -> memref<1x40x128xf32, #tpu.memory_space<vmem>>
      %dma_wait3A_257 = tpu.memref_squeeze %dma_wait3A_256 : memref<1x40x128xf32, #tpu.memory_space<vmem>> -> memref<40x128xf32, #tpu.memory_space<vmem>>
      %dma_wait3A_258 = arith.constant 0 : i32
      %dma_wait3A_259 = tpu.memref_slice %arg13[%dma_wait3A_251, %dma_wait3A_252, %dma_wait3A_258] : memref<6x2x40xi32, #tpu.memory_space<vmem>> -> memref<1x1x40xi32, #tpu.memory_space<vmem>>
      %dma_wait3A_260 = tpu.memref_squeeze %dma_wait3A_259 : memref<1x1x40xi32, #tpu.memory_space<vmem>> -> memref<40xi32, #tpu.memory_space<vmem>>
      %dma_wait3A_261 = arith.constant 0 : i32
      %dma_wait3A_262 = arith.constant 0 : i32
      %dma_wait3A_263 = tpu.memref_slice %arg11[%dma_wait3A_261, %dma_wait3A_262] : memref<10000x128xf32, #tpu.memory_space<vmem_shared>> -> memref<10000x128xf32, #tpu.memory_space<vmem_shared>>
      %dma_wait3A_264 = tpu.memref_slice %arg20[%dma_wait3A_253] : memref<6x!tpu.dma_semaphore, #tpu.memory_space<semaphore_mem>> -> memref<1x!tpu.dma_semaphore, #tpu.memory_space<semaphore_mem>>
      %dma_wait3A_265 = tpu.memref_squeeze %dma_wait3A_264 : memref<1x!tpu.dma_semaphore, #tpu.memory_space<semaphore_mem>> -> memref<!tpu.dma_semaphore, #tpu.memory_space<semaphore_mem>>
      tpu.wait_indirect_dma semaphore(%dma_wait3A_265 : memref<!tpu.dma_semaphore, #tpu.memory_space<semaphore_mem>>) src(%dma_wait3A_257 : memref<40x128xf32, #tpu.memory_space<vmem>>) dst(%dma_wait3A_263 : memref<10000x128xf32, #tpu.memory_space<vmem_shared>>)
      %dma_wait3A_266 = arith.constant 1 : i32
      %dma_wait3A_267 = arith.constant 1 : i32
      %dma_wait3A_268 = arith.constant 1 : i32
      %dma_wait3A_269 = arith.constant 0 : i32
      %dma_wait3A_270 = tpu.memref_slice %arg13[%dma_wait3A_266, %dma_wait3A_267, %dma_wait3A_269] : memref<6x2x40xi32, #tpu.memory_space<vmem>> -> memref<1x1x40xi32, #tpu.memory_space<vmem>>
      %dma_wait3A_271 = tpu.memref_squeeze %dma_wait3A_270 : memref<1x1x40xi32, #tpu.memory_space<vmem>> -> memref<40xi32, #tpu.memory_space<vmem>>
      %dma_wait3A_272 = arith.constant 0 : i32
      %dma_wait3A_273 = arith.constant 0 : i32
      %dma_wait3A_274 = tpu.memref_slice %arg12[%dma_wait3A_272, %dma_wait3A_273] : memref<10000x16xf32, #tpu.memory_space<vmem_shared>> -> memref<10000x16xf32, #tpu.memory_space<vmem_shared>>
      %dma_wait3A_275 = tpu.memref_slice %arg21[%dma_wait3A_268] : memref<6x!tpu.dma_semaphore, #tpu.memory_space<semaphore_mem>> -> memref<1x!tpu.dma_semaphore, #tpu.memory_space<semaphore_mem>>
      %dma_wait3A_276 = tpu.memref_squeeze %dma_wait3A_275 : memref<1x!tpu.dma_semaphore, #tpu.memory_space<semaphore_mem>> -> memref<!tpu.dma_semaphore, #tpu.memory_space<semaphore_mem>>
      tpu.wait_indirect_dma semaphore(%dma_wait3A_276 : memref<!tpu.dma_semaphore, #tpu.memory_space<semaphore_mem>>) src(%arg15 : memref<40x16xf32, #tpu.memory_space<vmem>>) dst(%dma_wait3A_274 : memref<10000x16xf32, #tpu.memory_space<vmem_shared>>)
      %dma_wait3A_277 = arith.constant 2 : i32
      %dma_wait3A_278 = arith.constant 2 : i32
      %dma_wait3A_279 = arith.constant 1 : i32
      %dma_wait3A_280 = arith.constant 2 : i32
      %dma_wait3A_281 = arith.constant 0 : i32
      %dma_wait3A_282 = arith.constant 0 : i32
      %dma_wait3A_283 = tpu.memref_slice %arg14[%dma_wait3A_277, %dma_wait3A_281, %dma_wait3A_282] : memref<6x40x128xf32, #tpu.memory_space<vmem>> -> memref<1x40x128xf32, #tpu.memory_space<vmem>>
      %dma_wait3A_284 = tpu.memref_squeeze %dma_wait3A_283 : memref<1x40x128xf32, #tpu.memory_space<vmem>> -> memref<40x128xf32, #tpu.memory_space<vmem>>
      %dma_wait3A_285 = arith.constant 0 : i32
      %dma_wait3A_286 = tpu.memref_slice %arg13[%dma_wait3A_278, %dma_wait3A_279, %dma_wait3A_285] : memref<6x2x40xi32, #tpu.memory_space<vmem>> -> memref<1x1x40xi32, #tpu.memory_space<vmem>>
      %dma_wait3A_287 = tpu.memref_squeeze %dma_wait3A_286 : memref<1x1x40xi32, #tpu.memory_space<vmem>> -> memref<40xi32, #tpu.memory_space<vmem>>
      %dma_wait3A_288 = arith.constant 0 : i32
      %dma_wait3A_289 = arith.constant 0 : i32
      %dma_wait3A_290 = tpu.memref_slice %arg11[%dma_wait3A_288, %dma_wait3A_289] : memref<10000x128xf32, #tpu.memory_space<vmem_shared>> -> memref<10000x128xf32, #tpu.memory_space<vmem_shared>>
      %dma_wait3A_291 = tpu.memref_slice %arg20[%dma_wait3A_280] : memref<6x!tpu.dma_semaphore, #tpu.memory_space<semaphore_mem>> -> memref<1x!tpu.dma_semaphore, #tpu.memory_space<semaphore_mem>>
      %dma_wait3A_292 = tpu.memref_squeeze %dma_wait3A_291 : memref<1x!tpu.dma_semaphore, #tpu.memory_space<semaphore_mem>> -> memref<!tpu.dma_semaphore, #tpu.memory_space<semaphore_mem>>
      tpu.wait_indirect_dma semaphore(%dma_wait3A_292 : memref<!tpu.dma_semaphore, #tpu.memory_space<semaphore_mem>>) src(%dma_wait3A_284 : memref<40x128xf32, #tpu.memory_space<vmem>>) dst(%dma_wait3A_290 : memref<10000x128xf32, #tpu.memory_space<vmem_shared>>)
      %dma_wait3A_293 = arith.constant 2 : i32
      %dma_wait3A_294 = arith.constant 1 : i32
      %dma_wait3A_295 = arith.constant 2 : i32
      %dma_wait3A_296 = arith.constant 0 : i32
      %dma_wait3A_297 = tpu.memref_slice %arg13[%dma_wait3A_293, %dma_wait3A_294, %dma_wait3A_296] : memref<6x2x40xi32, #tpu.memory_space<vmem>> -> memref<1x1x40xi32, #tpu.memory_space<vmem>>
      %dma_wait3A_298 = tpu.memref_squeeze %dma_wait3A_297 : memref<1x1x40xi32, #tpu.memory_space<vmem>> -> memref<40xi32, #tpu.memory_space<vmem>>
      %dma_wait3A_299 = arith.constant 0 : i32
      %dma_wait3A_300 = arith.constant 0 : i32
      %dma_wait3A_301 = tpu.memref_slice %arg12[%dma_wait3A_299, %dma_wait3A_300] : memref<10000x16xf32, #tpu.memory_space<vmem_shared>> -> memref<10000x16xf32, #tpu.memory_space<vmem_shared>>
      %dma_wait3A_302 = tpu.memref_slice %arg21[%dma_wait3A_295] : memref<6x!tpu.dma_semaphore, #tpu.memory_space<semaphore_mem>> -> memref<1x!tpu.dma_semaphore, #tpu.memory_space<semaphore_mem>>
      %dma_wait3A_303 = tpu.memref_squeeze %dma_wait3A_302 : memref<1x!tpu.dma_semaphore, #tpu.memory_space<semaphore_mem>> -> memref<!tpu.dma_semaphore, #tpu.memory_space<semaphore_mem>>
      tpu.wait_indirect_dma semaphore(%dma_wait3A_303 : memref<!tpu.dma_semaphore, #tpu.memory_space<semaphore_mem>>) src(%arg15 : memref<40x16xf32, #tpu.memory_space<vmem>>) dst(%dma_wait3A_301 : memref<10000x16xf32, #tpu.memory_space<vmem_shared>>)
      %dma_wait3A_304 = arith.constant 3 : i32
      %dma_wait3A_305 = arith.constant 3 : i32
      %dma_wait3A_306 = arith.constant 1 : i32
      %dma_wait3A_307 = arith.constant 3 : i32
      %dma_wait3A_308 = arith.constant 0 : i32
      %dma_wait3A_309 = arith.constant 0 : i32
      %dma_wait3A_310 = tpu.memref_slice %arg14[%dma_wait3A_304, %dma_wait3A_308, %dma_wait3A_309] : memref<6x40x128xf32, #tpu.memory_space<vmem>> -> memref<1x40x128xf32, #tpu.memory_space<vmem>>
      %dma_wait3A_311 = tpu.memref_squeeze %dma_wait3A_310 : memref<1x40x128xf32, #tpu.memory_space<vmem>> -> memref<40x128xf32, #tpu.memory_space<vmem>>
      %dma_wait3A_312 = arith.constant 0 : i32
      %dma_wait3A_313 = tpu.memref_slice %arg13[%dma_wait3A_305, %dma_wait3A_306, %dma_wait3A_312] : memref<6x2x40xi32, #tpu.memory_space<vmem>> -> memref<1x1x40xi32, #tpu.memory_space<vmem>>
      %dma_wait3A_314 = tpu.memref_squeeze %dma_wait3A_313 : memref<1x1x40xi32, #tpu.memory_space<vmem>> -> memref<40xi32, #tpu.memory_space<vmem>>
      %dma_wait3A_315 = arith.constant 0 : i32
      %dma_wait3A_316 = arith.constant 0 : i32
      %dma_wait3A_317 = tpu.memref_slice %arg11[%dma_wait3A_315, %dma_wait3A_316] : memref<10000x128xf32, #tpu.memory_space<vmem_shared>> -> memref<10000x128xf32, #tpu.memory_space<vmem_shared>>
      %dma_wait3A_318 = tpu.memref_slice %arg20[%dma_wait3A_307] : memref<6x!tpu.dma_semaphore, #tpu.memory_space<semaphore_mem>> -> memref<1x!tpu.dma_semaphore, #tpu.memory_space<semaphore_mem>>
      %dma_wait3A_319 = tpu.memref_squeeze %dma_wait3A_318 : memref<1x!tpu.dma_semaphore, #tpu.memory_space<semaphore_mem>> -> memref<!tpu.dma_semaphore, #tpu.memory_space<semaphore_mem>>
      tpu.wait_indirect_dma semaphore(%dma_wait3A_319 : memref<!tpu.dma_semaphore, #tpu.memory_space<semaphore_mem>>) src(%dma_wait3A_311 : memref<40x128xf32, #tpu.memory_space<vmem>>) dst(%dma_wait3A_317 : memref<10000x128xf32, #tpu.memory_space<vmem_shared>>)
      %dma_wait3A_320 = arith.constant 3 : i32
      %dma_wait3A_321 = arith.constant 1 : i32
      %dma_wait3A_322 = arith.constant 3 : i32
      %dma_wait3A_323 = arith.constant 0 : i32
      %dma_wait3A_324 = tpu.memref_slice %arg13[%dma_wait3A_320, %dma_wait3A_321, %dma_wait3A_323] : memref<6x2x40xi32, #tpu.memory_space<vmem>> -> memref<1x1x40xi32, #tpu.memory_space<vmem>>
      %dma_wait3A_325 = tpu.memref_squeeze %dma_wait3A_324 : memref<1x1x40xi32, #tpu.memory_space<vmem>> -> memref<40xi32, #tpu.memory_space<vmem>>
      %dma_wait3A_326 = arith.constant 0 : i32
      %dma_wait3A_327 = arith.constant 0 : i32
      %dma_wait3A_328 = tpu.memref_slice %arg12[%dma_wait3A_326, %dma_wait3A_327] : memref<10000x16xf32, #tpu.memory_space<vmem_shared>> -> memref<10000x16xf32, #tpu.memory_space<vmem_shared>>
      %dma_wait3A_329 = tpu.memref_slice %arg21[%dma_wait3A_322] : memref<6x!tpu.dma_semaphore, #tpu.memory_space<semaphore_mem>> -> memref<1x!tpu.dma_semaphore, #tpu.memory_space<semaphore_mem>>
      %dma_wait3A_330 = tpu.memref_squeeze %dma_wait3A_329 : memref<1x!tpu.dma_semaphore, #tpu.memory_space<semaphore_mem>> -> memref<!tpu.dma_semaphore, #tpu.memory_space<semaphore_mem>>
      tpu.wait_indirect_dma semaphore(%dma_wait3A_330 : memref<!tpu.dma_semaphore, #tpu.memory_space<semaphore_mem>>) src(%arg15 : memref<40x16xf32, #tpu.memory_space<vmem>>) dst(%dma_wait3A_328 : memref<10000x16xf32, #tpu.memory_space<vmem_shared>>)
      %dma_wait3A_331 = arith.constant 4 : i32
      %dma_wait3A_332 = arith.constant 4 : i32
      %dma_wait3A_333 = arith.constant 1 : i32
      %dma_wait3A_334 = arith.constant 4 : i32
      %dma_wait3A_335 = arith.constant 0 : i32
      %dma_wait3A_336 = arith.constant 0 : i32
      %dma_wait3A_337 = tpu.memref_slice %arg14[%dma_wait3A_331, %dma_wait3A_335, %dma_wait3A_336] : memref<6x40x128xf32, #tpu.memory_space<vmem>> -> memref<1x40x128xf32, #tpu.memory_space<vmem>>
      %dma_wait3A_338 = tpu.memref_squeeze %dma_wait3A_337 : memref<1x40x128xf32, #tpu.memory_space<vmem>> -> memref<40x128xf32, #tpu.memory_space<vmem>>
      %dma_wait3A_339 = arith.constant 0 : i32
      %dma_wait3A_340 = tpu.memref_slice %arg13[%dma_wait3A_332, %dma_wait3A_333, %dma_wait3A_339] : memref<6x2x40xi32, #tpu.memory_space<vmem>> -> memref<1x1x40xi32, #tpu.memory_space<vmem>>
      %dma_wait3A_341 = tpu.memref_squeeze %dma_wait3A_340 : memref<1x1x40xi32, #tpu.memory_space<vmem>> -> memref<40xi32, #tpu.memory_space<vmem>>
      %dma_wait3A_342 = arith.constant 0 : i32
      %dma_wait3A_343 = arith.constant 0 : i32
      %dma_wait3A_344 = tpu.memref_slice %arg11[%dma_wait3A_342, %dma_wait3A_343] : memref<10000x128xf32, #tpu.memory_space<vmem_shared>> -> memref<10000x128xf32, #tpu.memory_space<vmem_shared>>
      %dma_wait3A_345 = tpu.memref_slice %arg20[%dma_wait3A_334] : memref<6x!tpu.dma_semaphore, #tpu.memory_space<semaphore_mem>> -> memref<1x!tpu.dma_semaphore, #tpu.memory_space<semaphore_mem>>
      %dma_wait3A_346 = tpu.memref_squeeze %dma_wait3A_345 : memref<1x!tpu.dma_semaphore, #tpu.memory_space<semaphore_mem>> -> memref<!tpu.dma_semaphore, #tpu.memory_space<semaphore_mem>>
      tpu.wait_indirect_dma semaphore(%dma_wait3A_346 : memref<!tpu.dma_semaphore, #tpu.memory_space<semaphore_mem>>) src(%dma_wait3A_338 : memref<40x128xf32, #tpu.memory_space<vmem>>) dst(%dma_wait3A_344 : memref<10000x128xf32, #tpu.memory_space<vmem_shared>>)
      %dma_wait3A_347 = arith.constant 4 : i32
      %dma_wait3A_348 = arith.constant 1 : i32
      %dma_wait3A_349 = arith.constant 4 : i32
      %dma_wait3A_350 = arith.constant 0 : i32
      %dma_wait3A_351 = tpu.memref_slice %arg13[%dma_wait3A_347, %dma_wait3A_348, %dma_wait3A_350] : memref<6x2x40xi32, #tpu.memory_space<vmem>> -> memref<1x1x40xi32, #tpu.memory_space<vmem>>
      %dma_wait3A_352 = tpu.memref_squeeze %dma_wait3A_351 : memref<1x1x40xi32, #tpu.memory_space<vmem>> -> memref<40xi32, #tpu.memory_space<vmem>>
      %dma_wait3A_353 = arith.constant 0 : i32
      %dma_wait3A_354 = arith.constant 0 : i32
      %dma_wait3A_355 = tpu.memref_slice %arg12[%dma_wait3A_353, %dma_wait3A_354] : memref<10000x16xf32, #tpu.memory_space<vmem_shared>> -> memref<10000x16xf32, #tpu.memory_space<vmem_shared>>
      %dma_wait3A_356 = tpu.memref_slice %arg21[%dma_wait3A_349] : memref<6x!tpu.dma_semaphore, #tpu.memory_space<semaphore_mem>> -> memref<1x!tpu.dma_semaphore, #tpu.memory_space<semaphore_mem>>
      %dma_wait3A_357 = tpu.memref_squeeze %dma_wait3A_356 : memref<1x!tpu.dma_semaphore, #tpu.memory_space<semaphore_mem>> -> memref<!tpu.dma_semaphore, #tpu.memory_space<semaphore_mem>>
      tpu.wait_indirect_dma semaphore(%dma_wait3A_357 : memref<!tpu.dma_semaphore, #tpu.memory_space<semaphore_mem>>) src(%arg15 : memref<40x16xf32, #tpu.memory_space<vmem>>) dst(%dma_wait3A_355 : memref<10000x16xf32, #tpu.memory_space<vmem_shared>>)
      %dma_wait3A_358 = arith.constant 5 : i32
      %dma_wait3A_359 = arith.constant 5 : i32
      %dma_wait3A_360 = arith.constant 1 : i32
      %dma_wait3A_361 = arith.constant 5 : i32
      %dma_wait3A_362 = arith.constant 0 : i32
      %dma_wait3A_363 = arith.constant 0 : i32
      %dma_wait3A_364 = tpu.memref_slice %arg14[%dma_wait3A_358, %dma_wait3A_362, %dma_wait3A_363] : memref<6x40x128xf32, #tpu.memory_space<vmem>> -> memref<1x40x128xf32, #tpu.memory_space<vmem>>
      %dma_wait3A_365 = tpu.memref_squeeze %dma_wait3A_364 : memref<1x40x128xf32, #tpu.memory_space<vmem>> -> memref<40x128xf32, #tpu.memory_space<vmem>>
      %dma_wait3A_366 = arith.constant 0 : i32
      %dma_wait3A_367 = tpu.memref_slice %arg13[%dma_wait3A_359, %dma_wait3A_360, %dma_wait3A_366] : memref<6x2x40xi32, #tpu.memory_space<vmem>> -> memref<1x1x40xi32, #tpu.memory_space<vmem>>
      %dma_wait3A_368 = tpu.memref_squeeze %dma_wait3A_367 : memref<1x1x40xi32, #tpu.memory_space<vmem>> -> memref<40xi32, #tpu.memory_space<vmem>>
      %dma_wait3A_369 = arith.constant 0 : i32
      %dma_wait3A_370 = arith.constant 0 : i32
      %dma_wait3A_371 = tpu.memref_slice %arg11[%dma_wait3A_369, %dma_wait3A_370] : memref<10000x128xf32, #tpu.memory_space<vmem_shared>> -> memref<10000x128xf32, #tpu.memory_space<vmem_shared>>
      %dma_wait3A_372 = tpu.memref_slice %arg20[%dma_wait3A_361] : memref<6x!tpu.dma_semaphore, #tpu.memory_space<semaphore_mem>> -> memref<1x!tpu.dma_semaphore, #tpu.memory_space<semaphore_mem>>
      %dma_wait3A_373 = tpu.memref_squeeze %dma_wait3A_372 : memref<1x!tpu.dma_semaphore, #tpu.memory_space<semaphore_mem>> -> memref<!tpu.dma_semaphore, #tpu.memory_space<semaphore_mem>>
      tpu.wait_indirect_dma semaphore(%dma_wait3A_373 : memref<!tpu.dma_semaphore, #tpu.memory_space<semaphore_mem>>) src(%dma_wait3A_365 : memref<40x128xf32, #tpu.memory_space<vmem>>) dst(%dma_wait3A_371 : memref<10000x128xf32, #tpu.memory_space<vmem_shared>>)
      %dma_wait3A_374 = arith.constant 5 : i32
      %dma_wait3A_375 = arith.constant 1 : i32
      %dma_wait3A_376 = arith.constant 5 : i32
      %dma_wait3A_377 = arith.constant 0 : i32
      %dma_wait3A_378 = tpu.memref_slice %arg13[%dma_wait3A_374, %dma_wait3A_375, %dma_wait3A_377] : memref<6x2x40xi32, #tpu.memory_space<vmem>> -> memref<1x1x40xi32, #tpu.memory_space<vmem>>
      %dma_wait3A_379 = tpu.memref_squeeze %dma_wait3A_378 : memref<1x1x40xi32, #tpu.memory_space<vmem>> -> memref<40xi32, #tpu.memory_space<vmem>>
      %dma_wait3A_380 = arith.constant 0 : i32
      %dma_wait3A_381 = arith.constant 0 : i32
      %dma_wait3A_382 = tpu.memref_slice %arg12[%dma_wait3A_380, %dma_wait3A_381] : memref<10000x16xf32, #tpu.memory_space<vmem_shared>> -> memref<10000x16xf32, #tpu.memory_space<vmem_shared>>
      %dma_wait3A_383 = tpu.memref_slice %arg21[%dma_wait3A_376] : memref<6x!tpu.dma_semaphore, #tpu.memory_space<semaphore_mem>> -> memref<1x!tpu.dma_semaphore, #tpu.memory_space<semaphore_mem>>
      %dma_wait3A_384 = tpu.memref_squeeze %dma_wait3A_383 : memref<1x!tpu.dma_semaphore, #tpu.memory_space<semaphore_mem>> -> memref<!tpu.dma_semaphore, #tpu.memory_space<semaphore_mem>>
      tpu.wait_indirect_dma semaphore(%dma_wait3A_384 : memref<!tpu.dma_semaphore, #tpu.memory_space<semaphore_mem>>) src(%arg15 : memref<40x16xf32, #tpu.memory_space<vmem>>) dst(%dma_wait3A_382 : memref<10000x16xf32, #tpu.memory_space<vmem_shared>>)
    } else {
    }
    %eq3A_59 = arith.constant 1 : i32
    %eq3A_60 = arith.cmpi eq, %arg0, %eq3A_59 : i32
    %convert_element_type3A_61 = arith.extui %eq3A_60 : i1 to i32
    %cond3A_62 = arith.constant 0 : i32
    %cond3A_63 = arith.cmpi ne, %convert_element_type3A_61, %cond3A_62 : i32
    scf.if %cond3A_63 {
      %add3A_75 = arith.constant 0 : i32
      %add3A_76 = arith.addi %mul3A_2, %add3A_75 : i32
      %dma_start3A = arith.constant 0 : i32
      %dma_start3A_77 = arith.constant 0 : i32
      %dma_start3A_78 = arith.constant 0 : i32
      %dma_start3A_79 = arith.constant 0 : i32
      %dma_start3A_80 = tpu.memref_slice %arg13[%dma_start3A, %dma_start3A_78, %dma_start3A_79] : memref<6x2x40xi32, #tpu.memory_space<vmem>> -> memref<1x2x40xi32, #tpu.memory_space<vmem>>
      %dma_start3A_81 = tpu.memref_squeeze %dma_start3A_80 : memref<1x2x40xi32, #tpu.memory_space<vmem>> -> memref<2x40xi32, #tpu.memory_space<vmem>>
      %dma_start3A_82 = arith.constant 0 : i32
      %dma_start3A_83 = tpu.memref_slice %arg4[%dma_start3A_82, %add3A_76] : memref<2x320000xi32, #tpu.memory_space<hbm>> -> memref<2x40xi32, #tpu.memory_space<hbm>>
      %dma_start3A_84 = tpu.memref_slice %arg18[%dma_start3A_77] : memref<6x!tpu.dma_semaphore, #tpu.memory_space<semaphore_mem>> -> memref<1x!tpu.dma_semaphore, #tpu.memory_space<semaphore_mem>>
      %dma_start3A_85 = tpu.memref_squeeze %dma_start3A_84 : memref<1x!tpu.dma_semaphore, #tpu.memory_space<semaphore_mem>> -> memref<!tpu.dma_semaphore, #tpu.memory_space<semaphore_mem>>
      %dma_start3A_86 = arith.constant 0 : i32
      %dma_start3A_87 = arith.constant 0 : i32
      %dma_start3A_88 = tpu.memref_slice %arg13[%dma_start3A, %dma_start3A_86, %dma_start3A_87] : memref<6x2x40xi32, #tpu.memory_space<vmem>> -> memref<1x2x40xi32, #tpu.memory_space<vmem>>
      %dma_start3A_89 = tpu.memref_squeeze %dma_start3A_88 : memref<1x2x40xi32, #tpu.memory_space<vmem>> -> memref<2x40xi32, #tpu.memory_space<vmem>>
      %dma_start3A_90 = arith.constant 0 : i32
      %dma_start3A_91 = tpu.memref_slice %arg4[%dma_start3A_90, %add3A_76] : memref<2x320000xi32, #tpu.memory_space<hbm>> -> memref<2x40xi32, #tpu.memory_space<hbm>>
      tpu.enqueue_dma source(%dma_start3A_91 : memref<2x40xi32, #tpu.memory_space<hbm>>) target(%dma_start3A_89 : memref<2x40xi32, #tpu.memory_space<vmem>>) target_semaphore(%dma_start3A_85 : memref<!tpu.dma_semaphore, #tpu.memory_space<semaphore_mem>>)
      %add3A_92 = arith.constant 40 : i32
      %add3A_93 = arith.addi %mul3A_2, %add3A_92 : i32
      %dma_start3A_94 = arith.constant 1 : i32
      %dma_start3A_95 = arith.constant 1 : i32
      %dma_start3A_96 = arith.constant 0 : i32
      %dma_start3A_97 = arith.constant 0 : i32
      %dma_start3A_98 = tpu.memref_slice %arg13[%dma_start3A_94, %dma_start3A_96, %dma_start3A_97] : memref<6x2x40xi32, #tpu.memory_space<vmem>> -> memref<1x2x40xi32, #tpu.memory_space<vmem>>
      %dma_start3A_99 = tpu.memref_squeeze %dma_start3A_98 : memref<1x2x40xi32, #tpu.memory_space<vmem>> -> memref<2x40xi32, #tpu.memory_space<vmem>>
      %dma_start3A_100 = arith.constant 0 : i32
      %dma_start3A_101 = tpu.memref_slice %arg4[%dma_start3A_100, %add3A_93] : memref<2x320000xi32, #tpu.memory_space<hbm>> -> memref<2x40xi32, #tpu.memory_space<hbm>>
      %dma_start3A_102 = tpu.memref_slice %arg18[%dma_start3A_95] : memref<6x!tpu.dma_semaphore, #tpu.memory_space<semaphore_mem>> -> memref<1x!tpu.dma_semaphore, #tpu.memory_space<semaphore_mem>>
      %dma_start3A_103 = tpu.memref_squeeze %dma_start3A_102 : memref<1x!tpu.dma_semaphore, #tpu.memory_space<semaphore_mem>> -> memref<!tpu.dma_semaphore, #tpu.memory_space<semaphore_mem>>
      %dma_start3A_104 = arith.constant 0 : i32
      %dma_start3A_105 = arith.constant 0 : i32
      %dma_start3A_106 = tpu.memref_slice %arg13[%dma_start3A_94, %dma_start3A_104, %dma_start3A_105] : memref<6x2x40xi32, #tpu.memory_space<vmem>> -> memref<1x2x40xi32, #tpu.memory_space<vmem>>
      %dma_start3A_107 = tpu.memref_squeeze %dma_start3A_106 : memref<1x2x40xi32, #tpu.memory_space<vmem>> -> memref<2x40xi32, #tpu.memory_space<vmem>>
      %dma_start3A_108 = arith.constant 0 : i32
      %dma_start3A_109 = tpu.memref_slice %arg4[%dma_start3A_108, %add3A_93] : memref<2x320000xi32, #tpu.memory_space<hbm>> -> memref<2x40xi32, #tpu.memory_space<hbm>>
      tpu.enqueue_dma source(%dma_start3A_109 : memref<2x40xi32, #tpu.memory_space<hbm>>) target(%dma_start3A_107 : memref<2x40xi32, #tpu.memory_space<vmem>>) target_semaphore(%dma_start3A_103 : memref<!tpu.dma_semaphore, #tpu.memory_space<semaphore_mem>>)
      %add3A_110 = arith.constant 80 : i32
      %add3A_111 = arith.addi %mul3A_2, %add3A_110 : i32
      %dma_start3A_112 = arith.constant 2 : i32
      %dma_start3A_113 = arith.constant 2 : i32
      %dma_start3A_114 = arith.constant 0 : i32
      %dma_start3A_115 = arith.constant 0 : i32
      %dma_start3A_116 = tpu.memref_slice %arg13[%dma_start3A_112, %dma_start3A_114, %dma_start3A_115] : memref<6x2x40xi32, #tpu.memory_space<vmem>> -> memref<1x2x40xi32, #tpu.memory_space<vmem>>
      %dma_start3A_117 = tpu.memref_squeeze %dma_start3A_116 : memref<1x2x40xi32, #tpu.memory_space<vmem>> -> memref<2x40xi32, #tpu.memory_space<vmem>>
      %dma_start3A_118 = arith.constant 0 : i32
      %dma_start3A_119 = tpu.memref_slice %arg4[%dma_start3A_118, %add3A_111] : memref<2x320000xi32, #tpu.memory_space<hbm>> -> memref<2x40xi32, #tpu.memory_space<hbm>>
      %dma_start3A_120 = tpu.memref_slice %arg18[%dma_start3A_113] : memref<6x!tpu.dma_semaphore, #tpu.memory_space<semaphore_mem>> -> memref<1x!tpu.dma_semaphore, #tpu.memory_space<semaphore_mem>>
      %dma_start3A_121 = tpu.memref_squeeze %dma_start3A_120 : memref<1x!tpu.dma_semaphore, #tpu.memory_space<semaphore_mem>> -> memref<!tpu.dma_semaphore, #tpu.memory_space<semaphore_mem>>
      %dma_start3A_122 = arith.constant 0 : i32
      %dma_start3A_123 = arith.constant 0 : i32
      %dma_start3A_124 = tpu.memref_slice %arg13[%dma_start3A_112, %dma_start3A_122, %dma_start3A_123] : memref<6x2x40xi32, #tpu.memory_space<vmem>> -> memref<1x2x40xi32, #tpu.memory_space<vmem>>
      %dma_start3A_125 = tpu.memref_squeeze %dma_start3A_124 : memref<1x2x40xi32, #tpu.memory_space<vmem>> -> memref<2x40xi32, #tpu.memory_space<vmem>>
      %dma_start3A_126 = arith.constant 0 : i32
      %dma_start3A_127 = tpu.memref_slice %arg4[%dma_start3A_126, %add3A_111] : memref<2x320000xi32, #tpu.memory_space<hbm>> -> memref<2x40xi32, #tpu.memory_space<hbm>>
      tpu.enqueue_dma source(%dma_start3A_127 : memref<2x40xi32, #tpu.memory_space<hbm>>) target(%dma_start3A_125 : memref<2x40xi32, #tpu.memory_space<vmem>>) target_semaphore(%dma_start3A_121 : memref<!tpu.dma_semaphore, #tpu.memory_space<semaphore_mem>>)
      %add3A_128 = arith.constant 120 : i32
      %add3A_129 = arith.addi %mul3A_2, %add3A_128 : i32
      %dma_start3A_130 = arith.constant 3 : i32
      %dma_start3A_131 = arith.constant 3 : i32
      %dma_start3A_132 = arith.constant 0 : i32
      %dma_start3A_133 = arith.constant 0 : i32
      %dma_start3A_134 = tpu.memref_slice %arg13[%dma_start3A_130, %dma_start3A_132, %dma_start3A_133] : memref<6x2x40xi32, #tpu.memory_space<vmem>> -> memref<1x2x40xi32, #tpu.memory_space<vmem>>
      %dma_start3A_135 = tpu.memref_squeeze %dma_start3A_134 : memref<1x2x40xi32, #tpu.memory_space<vmem>> -> memref<2x40xi32, #tpu.memory_space<vmem>>
      %dma_start3A_136 = arith.constant 0 : i32
      %dma_start3A_137 = tpu.memref_slice %arg4[%dma_start3A_136, %add3A_129] : memref<2x320000xi32, #tpu.memory_space<hbm>> -> memref<2x40xi32, #tpu.memory_space<hbm>>
      %dma_start3A_138 = tpu.memref_slice %arg18[%dma_start3A_131] : memref<6x!tpu.dma_semaphore, #tpu.memory_space<semaphore_mem>> -> memref<1x!tpu.dma_semaphore, #tpu.memory_space<semaphore_mem>>
      %dma_start3A_139 = tpu.memref_squeeze %dma_start3A_138 : memref<1x!tpu.dma_semaphore, #tpu.memory_space<semaphore_mem>> -> memref<!tpu.dma_semaphore, #tpu.memory_space<semaphore_mem>>
      %dma_start3A_140 = arith.constant 0 : i32
      %dma_start3A_141 = arith.constant 0 : i32
      %dma_start3A_142 = tpu.memref_slice %arg13[%dma_start3A_130, %dma_start3A_140, %dma_start3A_141] : memref<6x2x40xi32, #tpu.memory_space<vmem>> -> memref<1x2x40xi32, #tpu.memory_space<vmem>>
      %dma_start3A_143 = tpu.memref_squeeze %dma_start3A_142 : memref<1x2x40xi32, #tpu.memory_space<vmem>> -> memref<2x40xi32, #tpu.memory_space<vmem>>
      %dma_start3A_144 = arith.constant 0 : i32
      %dma_start3A_145 = tpu.memref_slice %arg4[%dma_start3A_144, %add3A_129] : memref<2x320000xi32, #tpu.memory_space<hbm>> -> memref<2x40xi32, #tpu.memory_space<hbm>>
      tpu.enqueue_dma source(%dma_start3A_145 : memref<2x40xi32, #tpu.memory_space<hbm>>) target(%dma_start3A_143 : memref<2x40xi32, #tpu.memory_space<vmem>>) target_semaphore(%dma_start3A_139 : memref<!tpu.dma_semaphore, #tpu.memory_space<semaphore_mem>>)
      %add3A_146 = arith.constant 0 : i32
      %add3A_147 = arith.addi %mul3A_2, %add3A_146 : i32
      %dma_wait3A = arith.constant 0 : i32
      %dma_wait3A_148 = arith.constant 0 : i32
      %dma_wait3A_149 = arith.constant 0 : i32
      %dma_wait3A_150 = arith.constant 0 : i32
      %dma_wait3A_151 = tpu.memref_slice %arg13[%dma_wait3A, %dma_wait3A_149, %dma_wait3A_150] : memref<6x2x40xi32, #tpu.memory_space<vmem>> -> memref<1x2x40xi32, #tpu.memory_space<vmem>>
      %dma_wait3A_152 = tpu.memref_squeeze %dma_wait3A_151 : memref<1x2x40xi32, #tpu.memory_space<vmem>> -> memref<2x40xi32, #tpu.memory_space<vmem>>
      %dma_wait3A_153 = arith.constant 0 : i32
      %dma_wait3A_154 = tpu.memref_slice %arg4[%dma_wait3A_153, %add3A_147] : memref<2x320000xi32, #tpu.memory_space<hbm>> -> memref<2x40xi32, #tpu.memory_space<hbm>>
      %dma_wait3A_155 = tpu.memref_slice %arg18[%dma_wait3A_148] : memref<6x!tpu.dma_semaphore, #tpu.memory_space<semaphore_mem>> -> memref<1x!tpu.dma_semaphore, #tpu.memory_space<semaphore_mem>>
      %dma_wait3A_156 = tpu.memref_squeeze %dma_wait3A_155 : memref<1x!tpu.dma_semaphore, #tpu.memory_space<semaphore_mem>> -> memref<!tpu.dma_semaphore, #tpu.memory_space<semaphore_mem>>
      %dma_wait3A_157 = arith.constant 0 : i32
      %dma_wait3A_158 = arith.constant 0 : i32
      %dma_wait3A_159 = tpu.memref_slice %arg13[%dma_wait3A, %dma_wait3A_157, %dma_wait3A_158] : memref<6x2x40xi32, #tpu.memory_space<vmem>> -> memref<1x2x40xi32, #tpu.memory_space<vmem>>
      %dma_wait3A_160 = tpu.memref_squeeze %dma_wait3A_159 : memref<1x2x40xi32, #tpu.memory_space<vmem>> -> memref<2x40xi32, #tpu.memory_space<vmem>>
      %dma_wait3A_161 = arith.constant 0 : i32
      %dma_wait3A_162 = tpu.memref_slice %arg4[%dma_wait3A_161, %add3A_147] : memref<2x320000xi32, #tpu.memory_space<hbm>> -> memref<2x40xi32, #tpu.memory_space<hbm>>
      tpu.wait_dma2 semaphore(%dma_wait3A_156 : memref<!tpu.dma_semaphore, #tpu.memory_space<semaphore_mem>>) src(%dma_wait3A_162 : memref<2x40xi32, #tpu.memory_space<hbm>>) dst(%dma_wait3A_160 : memref<2x40xi32, #tpu.memory_space<vmem>>)
      %dma_start3A_163 = arith.constant 0 : i32
      %dma_start3A_164 = arith.constant 0 : i32
      %dma_start3A_165 = arith.constant 0 : i32
      %dma_start3A_166 = arith.constant 0 : i32
      %dma_start3A_167 = arith.constant 0 : i32
      %dma_start3A_168 = arith.constant 0 : i32
      %dma_start3A_169 = tpu.memref_slice %arg14[%dma_start3A_165, %dma_start3A_167, %dma_start3A_168] : memref<6x40x128xf32, #tpu.memory_space<vmem>> -> memref<1x40x128xf32, #tpu.memory_space<vmem>>
      %dma_start3A_170 = tpu.memref_squeeze %dma_start3A_169 : memref<1x40x128xf32, #tpu.memory_space<vmem>> -> memref<40x128xf32, #tpu.memory_space<vmem>>
      %dma_start3A_171 = arith.constant 0 : i32
      %dma_start3A_172 = tpu.memref_slice %arg13[%dma_start3A_163, %dma_start3A_164, %dma_start3A_171] : memref<6x2x40xi32, #tpu.memory_space<vmem>> -> memref<1x1x40xi32, #tpu.memory_space<vmem>>
      %dma_start3A_173 = tpu.memref_squeeze %dma_start3A_172 : memref<1x1x40xi32, #tpu.memory_space<vmem>> -> memref<40xi32, #tpu.memory_space<vmem>>
      %dma_start3A_174 = arith.constant 0 : i32
      %dma_start3A_175 = arith.constant 0 : i32
      %dma_start3A_176 = tpu.memref_slice %arg2[%dma_start3A_174, %dma_start3A_175] : memref<10000x128xf32, #tpu.memory_space<hbm>> -> memref<10000x128xf32, #tpu.memory_space<hbm>>
      %dma_start3A_177 = tpu.memref_slice %arg19[%dma_start3A_166] : memref<6x!tpu.dma_semaphore, #tpu.memory_space<semaphore_mem>> -> memref<1x!tpu.dma_semaphore, #tpu.memory_space<semaphore_mem>>
      %dma_start3A_178 = tpu.memref_squeeze %dma_start3A_177 : memref<1x!tpu.dma_semaphore, #tpu.memory_space<semaphore_mem>> -> memref<!tpu.dma_semaphore, #tpu.memory_space<semaphore_mem>>
      tpu.enqueue_indirect_dma source(%dma_start3A_176 : memref<10000x128xf32, #tpu.memory_space<hbm>>) target(%dma_start3A_170 : memref<40x128xf32, #tpu.memory_space<vmem>>) offsets(%dma_start3A_173 : memref<40xi32, #tpu.memory_space<vmem>>) semaphore(%dma_start3A_178 : memref<!tpu.dma_semaphore, #tpu.memory_space<semaphore_mem>>)
      %add3A_179 = arith.constant 0 : i32
      %add3A_180 = arith.addi %mul3A_2, %add3A_179 : i32
      %dma_wait3A_181 = arith.constant 1 : i32
      %dma_wait3A_182 = arith.constant 1 : i32
      %dma_wait3A_183 = arith.constant 0 : i32
      %dma_wait3A_184 = arith.constant 0 : i32
      %dma_wait3A_185 = tpu.memref_slice %arg13[%dma_wait3A_181, %dma_wait3A_183, %dma_wait3A_184] : memref<6x2x40xi32, #tpu.memory_space<vmem>> -> memref<1x2x40xi32, #tpu.memory_space<vmem>>
      %dma_wait3A_186 = tpu.memref_squeeze %dma_wait3A_185 : memref<1x2x40xi32, #tpu.memory_space<vmem>> -> memref<2x40xi32, #tpu.memory_space<vmem>>
      %dma_wait3A_187 = arith.constant 0 : i32
      %dma_wait3A_188 = tpu.memref_slice %arg4[%dma_wait3A_187, %add3A_180] : memref<2x320000xi32, #tpu.memory_space<hbm>> -> memref<2x40xi32, #tpu.memory_space<hbm>>
      %dma_wait3A_189 = tpu.memref_slice %arg18[%dma_wait3A_182] : memref<6x!tpu.dma_semaphore, #tpu.memory_space<semaphore_mem>> -> memref<1x!tpu.dma_semaphore, #tpu.memory_space<semaphore_mem>>
      %dma_wait3A_190 = tpu.memref_squeeze %dma_wait3A_189 : memref<1x!tpu.dma_semaphore, #tpu.memory_space<semaphore_mem>> -> memref<!tpu.dma_semaphore, #tpu.memory_space<semaphore_mem>>
      %dma_wait3A_191 = arith.constant 0 : i32
      %dma_wait3A_192 = arith.constant 0 : i32
      %dma_wait3A_193 = tpu.memref_slice %arg13[%dma_wait3A_181, %dma_wait3A_191, %dma_wait3A_192] : memref<6x2x40xi32, #tpu.memory_space<vmem>> -> memref<1x2x40xi32, #tpu.memory_space<vmem>>
      %dma_wait3A_194 = tpu.memref_squeeze %dma_wait3A_193 : memref<1x2x40xi32, #tpu.memory_space<vmem>> -> memref<2x40xi32, #tpu.memory_space<vmem>>
      %dma_wait3A_195 = arith.constant 0 : i32
      %dma_wait3A_196 = tpu.memref_slice %arg4[%dma_wait3A_195, %add3A_180] : memref<2x320000xi32, #tpu.memory_space<hbm>> -> memref<2x40xi32, #tpu.memory_space<hbm>>
      tpu.wait_dma2 semaphore(%dma_wait3A_190 : memref<!tpu.dma_semaphore, #tpu.memory_space<semaphore_mem>>) src(%dma_wait3A_196 : memref<2x40xi32, #tpu.memory_space<hbm>>) dst(%dma_wait3A_194 : memref<2x40xi32, #tpu.memory_space<vmem>>)
      %dma_start3A_197 = arith.constant 1 : i32
      %dma_start3A_198 = arith.constant 0 : i32
      %dma_start3A_199 = arith.constant 1 : i32
      %dma_start3A_200 = arith.constant 1 : i32
      %dma_start3A_201 = arith.constant 0 : i32
      %dma_start3A_202 = arith.constant 0 : i32
      %dma_start3A_203 = tpu.memref_slice %arg14[%dma_start3A_199, %dma_start3A_201, %dma_start3A_202] : memref<6x40x128xf32, #tpu.memory_space<vmem>> -> memref<1x40x128xf32, #tpu.memory_space<vmem>>
      %dma_start3A_204 = tpu.memref_squeeze %dma_start3A_203 : memref<1x40x128xf32, #tpu.memory_space<vmem>> -> memref<40x128xf32, #tpu.memory_space<vmem>>
      %dma_start3A_205 = arith.constant 0 : i32
      %dma_start3A_206 = tpu.memref_slice %arg13[%dma_start3A_197, %dma_start3A_198, %dma_start3A_205] : memref<6x2x40xi32, #tpu.memory_space<vmem>> -> memref<1x1x40xi32, #tpu.memory_space<vmem>>
      %dma_start3A_207 = tpu.memref_squeeze %dma_start3A_206 : memref<1x1x40xi32, #tpu.memory_space<vmem>> -> memref<40xi32, #tpu.memory_space<vmem>>
      %dma_start3A_208 = arith.constant 0 : i32
      %dma_start3A_209 = arith.constant 0 : i32
      %dma_start3A_210 = tpu.memref_slice %arg2[%dma_start3A_208, %dma_start3A_209] : memref<10000x128xf32, #tpu.memory_space<hbm>> -> memref<10000x128xf32, #tpu.memory_space<hbm>>
      %dma_start3A_211 = tpu.memref_slice %arg19[%dma_start3A_200] : memref<6x!tpu.dma_semaphore, #tpu.memory_space<semaphore_mem>> -> memref<1x!tpu.dma_semaphore, #tpu.memory_space<semaphore_mem>>
      %dma_start3A_212 = tpu.memref_squeeze %dma_start3A_211 : memref<1x!tpu.dma_semaphore, #tpu.memory_space<semaphore_mem>> -> memref<!tpu.dma_semaphore, #tpu.memory_space<semaphore_mem>>
      tpu.enqueue_indirect_dma source(%dma_start3A_210 : memref<10000x128xf32, #tpu.memory_space<hbm>>) target(%dma_start3A_204 : memref<40x128xf32, #tpu.memory_space<vmem>>) offsets(%dma_start3A_207 : memref<40xi32, #tpu.memory_space<vmem>>) semaphore(%dma_start3A_212 : memref<!tpu.dma_semaphore, #tpu.memory_space<semaphore_mem>>)
      %scan3A = arith.constant 0 : i32
      %scan3A_213 = arith.constant 0 : i32
      %scan3A_214 = arith.constant 500 : i32
      %scan3A_215 = arith.addi %scan3A_213, %scan3A_214 : i32
      %scan3A_216 = arith.constant 1 : i32
      %scan3A_217 = scf.for %scan3A_315 = %scan3A_213 to %scan3A_215 step %scan3A_216 iter_args(%scan3A_316 = %scan3A) -> (i32)  : i32 {
        %rem3A = arith.constant 6 : i32
        %rem3A_317 = arith.remsi %scan3A_315, %rem3A : i32
        %add3A_318 = arith.constant 2 : i32
        %add3A_319 = arith.addi %scan3A_315, %add3A_318 : i32
        %rem3A_320 = arith.constant 6 : i32
        %rem3A_321 = arith.remsi %add3A_319, %rem3A_320 : i32
        %add3A_322 = arith.constant 4 : i32
        %add3A_323 = arith.addi %scan3A_315, %add3A_322 : i32
        %rem3A_324 = arith.constant 6 : i32
        %rem3A_325 = arith.remsi %add3A_323, %rem3A_324 : i32
        %dma_wait3A_326 = arith.constant 0 : i32
        %dma_wait3A_327 = arith.constant 0 : i32
        %dma_wait3A_328 = arith.constant 0 : i32
        %dma_wait3A_329 = tpu.memref_slice %arg14[%rem3A_317, %dma_wait3A_327, %dma_wait3A_328] : memref<6x40x128xf32, #tpu.memory_space<vmem>> -> memref<1x40x128xf32, #tpu.memory_space<vmem>>
        %dma_wait3A_330 = tpu.memref_squeeze %dma_wait3A_329 : memref<1x40x128xf32, #tpu.memory_space<vmem>> -> memref<40x128xf32, #tpu.memory_space<vmem>>
        %dma_wait3A_331 = arith.constant 0 : i32
        %dma_wait3A_332 = tpu.memref_slice %arg13[%rem3A_317, %dma_wait3A_326, %dma_wait3A_331] : memref<6x2x40xi32, #tpu.memory_space<vmem>> -> memref<1x1x40xi32, #tpu.memory_space<vmem>>
        %dma_wait3A_333 = tpu.memref_squeeze %dma_wait3A_332 : memref<1x1x40xi32, #tpu.memory_space<vmem>> -> memref<40xi32, #tpu.memory_space<vmem>>
        %dma_wait3A_334 = arith.constant 0 : i32
        %dma_wait3A_335 = arith.constant 0 : i32
        %dma_wait3A_336 = tpu.memref_slice %arg2[%dma_wait3A_334, %dma_wait3A_335] : memref<10000x128xf32, #tpu.memory_space<hbm>> -> memref<10000x128xf32, #tpu.memory_space<hbm>>
        %dma_wait3A_337 = tpu.memref_slice %arg19[%rem3A_317] : memref<6x!tpu.dma_semaphore, #tpu.memory_space<semaphore_mem>> -> memref<1x!tpu.dma_semaphore, #tpu.memory_space<semaphore_mem>>
        %dma_wait3A_338 = tpu.memref_squeeze %dma_wait3A_337 : memref<1x!tpu.dma_semaphore, #tpu.memory_space<semaphore_mem>> -> memref<!tpu.dma_semaphore, #tpu.memory_space<semaphore_mem>>
        tpu.wait_indirect_dma semaphore(%dma_wait3A_338 : memref<!tpu.dma_semaphore, #tpu.memory_space<semaphore_mem>>) src(%dma_wait3A_336 : memref<10000x128xf32, #tpu.memory_space<hbm>>) dst(%dma_wait3A_330 : memref<40x128xf32, #tpu.memory_space<vmem>>)
        %dma_start3A_339 = arith.constant 1 : i32
        %dma_start3A_340 = arith.constant 0 : i32
        %dma_start3A_341 = arith.constant 0 : i32
        %dma_start3A_342 = tpu.memref_slice %arg14[%rem3A_317, %dma_start3A_340, %dma_start3A_341] : memref<6x40x128xf32, #tpu.memory_space<vmem>> -> memref<1x40x128xf32, #tpu.memory_space<vmem>>
        %dma_start3A_343 = tpu.memref_squeeze %dma_start3A_342 : memref<1x40x128xf32, #tpu.memory_space<vmem>> -> memref<40x128xf32, #tpu.memory_space<vmem>>
        %dma_start3A_344 = arith.constant 0 : i32
        %dma_start3A_345 = tpu.memref_slice %arg13[%rem3A_317, %dma_start3A_339, %dma_start3A_344] : memref<6x2x40xi32, #tpu.memory_space<vmem>> -> memref<1x1x40xi32, #tpu.memory_space<vmem>>
        %dma_start3A_346 = tpu.memref_squeeze %dma_start3A_345 : memref<1x1x40xi32, #tpu.memory_space<vmem>> -> memref<40xi32, #tpu.memory_space<vmem>>
        %dma_start3A_347 = arith.constant 0 : i32
        %dma_start3A_348 = arith.constant 0 : i32
        %dma_start3A_349 = tpu.memref_slice %arg11[%dma_start3A_347, %dma_start3A_348] : memref<10000x128xf32, #tpu.memory_space<vmem_shared>> -> memref<10000x128xf32, #tpu.memory_space<vmem_shared>>
        %dma_start3A_350 = tpu.memref_slice %arg20[%rem3A_317] : memref<6x!tpu.dma_semaphore, #tpu.memory_space<semaphore_mem>> -> memref<1x!tpu.dma_semaphore, #tpu.memory_space<semaphore_mem>>
        %dma_start3A_351 = tpu.memref_squeeze %dma_start3A_350 : memref<1x!tpu.dma_semaphore, #tpu.memory_space<semaphore_mem>> -> memref<!tpu.dma_semaphore, #tpu.memory_space<semaphore_mem>>
        tpu.enqueue_indirect_dma source(%dma_start3A_343 : memref<40x128xf32, #tpu.memory_space<vmem>>) target(%dma_start3A_349 : memref<10000x128xf32, #tpu.memory_space<vmem_shared>>) offsets(%dma_start3A_346 : memref<40xi32, #tpu.memory_space<vmem>>) semaphore(%dma_start3A_351 : memref<!tpu.dma_semaphore, #tpu.memory_space<semaphore_mem>>) {add = true}
        %add3A_352 = arith.constant 4 : i32
        %add3A_353 = arith.addi %scan3A_315, %add3A_352 : i32
        %lt3A = arith.constant 500 : i32
        %lt3A_354 = arith.cmpi slt, %add3A_353, %lt3A : i32
        %convert_element_type3A_355 = arith.extui %lt3A_354 : i1 to i32
        %cond3A_356 = arith.constant 0 : i32
        %cond3A_357 = arith.cmpi ne, %convert_element_type3A_355, %cond3A_356 : i32
        scf.if %cond3A_357 {
          %add3A_366 = arith.constant 4 : i32
          %add3A_367 = arith.addi %scan3A_315, %add3A_366 : i32
          %ge3A = arith.constant 6 : i32
          %ge3A_368 = arith.cmpi sge, %add3A_367, %ge3A : i32
          %convert_element_type3A_369 = arith.extui %ge3A_368 : i1 to i32
          %cond3A_370 = arith.constant 0 : i32
          %cond3A_371 = arith.cmpi ne, %convert_element_type3A_369, %cond3A_370 : i32
          scf.if %cond3A_371 {
            %dma_wait3A_391 = arith.constant 1 : i32
            %dma_wait3A_392 = arith.constant 0 : i32
            %dma_wait3A_393 = arith.constant 0 : i32
            %dma_wait3A_394 = tpu.memref_slice %arg14[%rem3A_325, %dma_wait3A_392, %dma_wait3A_393] : memref<6x40x128xf32, #tpu.memory_space<vmem>> -> memref<1x40x128xf32, #tpu.memory_space<vmem>>
            %dma_wait3A_395 = tpu.memref_squeeze %dma_wait3A_394 : memref<1x40x128xf32, #tpu.memory_space<vmem>> -> memref<40x128xf32, #tpu.memory_space<vmem>>
            %dma_wait3A_396 = arith.constant 0 : i32
            %dma_wait3A_397 = tpu.memref_slice %arg13[%rem3A_325, %dma_wait3A_391, %dma_wait3A_396] : memref<6x2x40xi32, #tpu.memory_space<vmem>> -> memref<1x1x40xi32, #tpu.memory_space<vmem>>
            %dma_wait3A_398 = tpu.memref_squeeze %dma_wait3A_397 : memref<1x1x40xi32, #tpu.memory_space<vmem>> -> memref<40xi32, #tpu.memory_space<vmem>>
            %dma_wait3A_399 = arith.constant 0 : i32
            %dma_wait3A_400 = arith.constant 0 : i32
            %dma_wait3A_401 = tpu.memref_slice %arg11[%dma_wait3A_399, %dma_wait3A_400] : memref<10000x128xf32, #tpu.memory_space<vmem_shared>> -> memref<10000x128xf32, #tpu.memory_space<vmem_shared>>
            %dma_wait3A_402 = tpu.memref_slice %arg20[%rem3A_325] : memref<6x!tpu.dma_semaphore, #tpu.memory_space<semaphore_mem>> -> memref<1x!tpu.dma_semaphore, #tpu.memory_space<semaphore_mem>>
            %dma_wait3A_403 = tpu.memref_squeeze %dma_wait3A_402 : memref<1x!tpu.dma_semaphore, #tpu.memory_space<semaphore_mem>> -> memref<!tpu.dma_semaphore, #tpu.memory_space<semaphore_mem>>
            tpu.wait_indirect_dma semaphore(%dma_wait3A_403 : memref<!tpu.dma_semaphore, #tpu.memory_space<semaphore_mem>>) src(%dma_wait3A_395 : memref<40x128xf32, #tpu.memory_space<vmem>>) dst(%dma_wait3A_401 : memref<10000x128xf32, #tpu.memory_space<vmem_shared>>)
          } else {
          }
          %add3A_372 = arith.constant 4 : i32
          %add3A_373 = arith.addi %scan3A_315, %add3A_372 : i32
          %mul3A_374 = arith.constant 40 : i32
          %mul3A_375 = arith.muli %add3A_373, %mul3A_374 : i32
          %add3A_376 = arith.addi %mul3A_2, %mul3A_375 : i32
          %dma_start3A_377 = arith.constant 0 : i32
          %dma_start3A_378 = arith.constant 0 : i32
          %dma_start3A_379 = tpu.memref_slice %arg13[%rem3A_325, %dma_start3A_377, %dma_start3A_378] : memref<6x2x40xi32, #tpu.memory_space<vmem>> -> memref<1x2x40xi32, #tpu.memory_space<vmem>>
          %dma_start3A_380 = tpu.memref_squeeze %dma_start3A_379 : memref<1x2x40xi32, #tpu.memory_space<vmem>> -> memref<2x40xi32, #tpu.memory_space<vmem>>
          %dma_start3A_381 = arith.constant 0 : i32
          %dma_start3A_382 = tpu.memref_slice %arg4[%dma_start3A_381, %add3A_376] : memref<2x320000xi32, #tpu.memory_space<hbm>> -> memref<2x40xi32, #tpu.memory_space<hbm>>
          %dma_start3A_383 = tpu.memref_slice %arg18[%rem3A_325] : memref<6x!tpu.dma_semaphore, #tpu.memory_space<semaphore_mem>> -> memref<1x!tpu.dma_semaphore, #tpu.memory_space<semaphore_mem>>
          %dma_start3A_384 = tpu.memref_squeeze %dma_start3A_383 : memref<1x!tpu.dma_semaphore, #tpu.memory_space<semaphore_mem>> -> memref<!tpu.dma_semaphore, #tpu.memory_space<semaphore_mem>>
          %dma_start3A_385 = arith.constant 0 : i32
          %dma_start3A_386 = arith.constant 0 : i32
          %dma_start3A_387 = tpu.memref_slice %arg13[%rem3A_325, %dma_start3A_385, %dma_start3A_386] : memref<6x2x40xi32, #tpu.memory_space<vmem>> -> memref<1x2x40xi32, #tpu.memory_space<vmem>>
          %dma_start3A_388 = tpu.memref_squeeze %dma_start3A_387 : memref<1x2x40xi32, #tpu.memory_space<vmem>> -> memref<2x40xi32, #tpu.memory_space<vmem>>
          %dma_start3A_389 = arith.constant 0 : i32
          %dma_start3A_390 = tpu.memref_slice %arg4[%dma_start3A_389, %add3A_376] : memref<2x320000xi32, #tpu.memory_space<hbm>> -> memref<2x40xi32, #tpu.memory_space<hbm>>
          tpu.enqueue_dma source(%dma_start3A_390 : memref<2x40xi32, #tpu.memory_space<hbm>>) target(%dma_start3A_388 : memref<2x40xi32, #tpu.memory_space<vmem>>) target_semaphore(%dma_start3A_384 : memref<!tpu.dma_semaphore, #tpu.memory_space<semaphore_mem>>)
        } else {
        }
        %add3A_358 = arith.constant 2 : i32
        %add3A_359 = arith.addi %scan3A_315, %add3A_358 : i32
        %lt3A_360 = arith.constant 500 : i32
        %lt3A_361 = arith.cmpi slt, %add3A_359, %lt3A_360 : i32
        %convert_element_type3A_362 = arith.extui %lt3A_361 : i1 to i32
        %cond3A_363 = arith.constant 0 : i32
        %cond3A_364 = arith.cmpi ne, %convert_element_type3A_362, %cond3A_363 : i32
        scf.if %cond3A_364 {
          %add3A_366 = arith.constant 0 : i32
          %add3A_367 = arith.addi %mul3A_2, %add3A_366 : i32
          %dma_wait3A_368 = arith.constant 0 : i32
          %dma_wait3A_369 = arith.constant 0 : i32
          %dma_wait3A_370 = tpu.memref_slice %arg13[%rem3A_321, %dma_wait3A_368, %dma_wait3A_369] : memref<6x2x40xi32, #tpu.memory_space<vmem>> -> memref<1x2x40xi32, #tpu.memory_space<vmem>>
          %dma_wait3A_371 = tpu.memref_squeeze %dma_wait3A_370 : memref<1x2x40xi32, #tpu.memory_space<vmem>> -> memref<2x40xi32, #tpu.memory_space<vmem>>
          %dma_wait3A_372 = arith.constant 0 : i32
          %dma_wait3A_373 = tpu.memref_slice %arg4[%dma_wait3A_372, %add3A_367] : memref<2x320000xi32, #tpu.memory_space<hbm>> -> memref<2x40xi32, #tpu.memory_space<hbm>>
          %dma_wait3A_374 = tpu.memref_slice %arg18[%rem3A_321] : memref<6x!tpu.dma_semaphore, #tpu.memory_space<semaphore_mem>> -> memref<1x!tpu.dma_semaphore, #tpu.memory_space<semaphore_mem>>
          %dma_wait3A_375 = tpu.memref_squeeze %dma_wait3A_374 : memref<1x!tpu.dma_semaphore, #tpu.memory_space<semaphore_mem>> -> memref<!tpu.dma_semaphore, #tpu.memory_space<semaphore_mem>>
          %dma_wait3A_376 = arith.constant 0 : i32
          %dma_wait3A_377 = arith.constant 0 : i32
          %dma_wait3A_378 = tpu.memref_slice %arg13[%rem3A_321, %dma_wait3A_376, %dma_wait3A_377] : memref<6x2x40xi32, #tpu.memory_space<vmem>> -> memref<1x2x40xi32, #tpu.memory_space<vmem>>
          %dma_wait3A_379 = tpu.memref_squeeze %dma_wait3A_378 : memref<1x2x40xi32, #tpu.memory_space<vmem>> -> memref<2x40xi32, #tpu.memory_space<vmem>>
          %dma_wait3A_380 = arith.constant 0 : i32
          %dma_wait3A_381 = tpu.memref_slice %arg4[%dma_wait3A_380, %add3A_367] : memref<2x320000xi32, #tpu.memory_space<hbm>> -> memref<2x40xi32, #tpu.memory_space<hbm>>
          tpu.wait_dma2 semaphore(%dma_wait3A_375 : memref<!tpu.dma_semaphore, #tpu.memory_space<semaphore_mem>>) src(%dma_wait3A_381 : memref<2x40xi32, #tpu.memory_space<hbm>>) dst(%dma_wait3A_379 : memref<2x40xi32, #tpu.memory_space<vmem>>)
          %add3A_382 = arith.constant 2 : i32
          %add3A_383 = arith.addi %scan3A_315, %add3A_382 : i32
          %dma_start3A_384 = arith.constant 0 : i32
          %dma_start3A_385 = arith.constant 0 : i32
          %dma_start3A_386 = arith.constant 0 : i32
          %dma_start3A_387 = tpu.memref_slice %arg14[%rem3A_321, %dma_start3A_385, %dma_start3A_386] : memref<6x40x128xf32, #tpu.memory_space<vmem>> -> memref<1x40x128xf32, #tpu.memory_space<vmem>>
          %dma_start3A_388 = tpu.memref_squeeze %dma_start3A_387 : memref<1x40x128xf32, #tpu.memory_space<vmem>> -> memref<40x128xf32, #tpu.memory_space<vmem>>
          %dma_start3A_389 = arith.constant 0 : i32
          %dma_start3A_390 = tpu.memref_slice %arg13[%rem3A_321, %dma_start3A_384, %dma_start3A_389] : memref<6x2x40xi32, #tpu.memory_space<vmem>> -> memref<1x1x40xi32, #tpu.memory_space<vmem>>
          %dma_start3A_391 = tpu.memref_squeeze %dma_start3A_390 : memref<1x1x40xi32, #tpu.memory_space<vmem>> -> memref<40xi32, #tpu.memory_space<vmem>>
          %dma_start3A_392 = arith.constant 0 : i32
          %dma_start3A_393 = arith.constant 0 : i32
          %dma_start3A_394 = tpu.memref_slice %arg2[%dma_start3A_392, %dma_start3A_393] : memref<10000x128xf32, #tpu.memory_space<hbm>> -> memref<10000x128xf32, #tpu.memory_space<hbm>>
          %dma_start3A_395 = tpu.memref_slice %arg19[%rem3A_321] : memref<6x!tpu.dma_semaphore, #tpu.memory_space<semaphore_mem>> -> memref<1x!tpu.dma_semaphore, #tpu.memory_space<semaphore_mem>>
          %dma_start3A_396 = tpu.memref_squeeze %dma_start3A_395 : memref<1x!tpu.dma_semaphore, #tpu.memory_space<semaphore_mem>> -> memref<!tpu.dma_semaphore, #tpu.memory_space<semaphore_mem>>
          tpu.enqueue_indirect_dma source(%dma_start3A_394 : memref<10000x128xf32, #tpu.memory_space<hbm>>) target(%dma_start3A_388 : memref<40x128xf32, #tpu.memory_space<vmem>>) offsets(%dma_start3A_391 : memref<40xi32, #tpu.memory_space<vmem>>) semaphore(%dma_start3A_396 : memref<!tpu.dma_semaphore, #tpu.memory_space<semaphore_mem>>)
        } else {
        }
        %scan3A_365 = arith.constant 0 : i32
        scf.yield %scan3A_365 : i32
      }
      %scan3A_218 = arith.constant 500 : i32
      %dma_wait3A_219 = arith.constant 0 : i32
      %dma_wait3A_220 = arith.constant 0 : i32
      %dma_wait3A_221 = arith.constant 1 : i32
      %dma_wait3A_222 = arith.constant 0 : i32
      %dma_wait3A_223 = arith.constant 0 : i32
      %dma_wait3A_224 = arith.constant 0 : i32
      %dma_wait3A_225 = tpu.memref_slice %arg14[%dma_wait3A_219, %dma_wait3A_223, %dma_wait3A_224] : memref<6x40x128xf32, #tpu.memory_space<vmem>> -> memref<1x40x128xf32, #tpu.memory_space<vmem>>
      %dma_wait3A_226 = tpu.memref_squeeze %dma_wait3A_225 : memref<1x40x128xf32, #tpu.memory_space<vmem>> -> memref<40x128xf32, #tpu.memory_space<vmem>>
      %dma_wait3A_227 = arith.constant 0 : i32
      %dma_wait3A_228 = tpu.memref_slice %arg13[%dma_wait3A_220, %dma_wait3A_221, %dma_wait3A_227] : memref<6x2x40xi32, #tpu.memory_space<vmem>> -> memref<1x1x40xi32, #tpu.memory_space<vmem>>
      %dma_wait3A_229 = tpu.memref_squeeze %dma_wait3A_228 : memref<1x1x40xi32, #tpu.memory_space<vmem>> -> memref<40xi32, #tpu.memory_space<vmem>>
      %dma_wait3A_230 = arith.constant 0 : i32
      %dma_wait3A_231 = arith.constant 0 : i32
      %dma_wait3A_232 = tpu.memref_slice %arg11[%dma_wait3A_230, %dma_wait3A_231] : memref<10000x128xf32, #tpu.memory_space<vmem_shared>> -> memref<10000x128xf32, #tpu.memory_space<vmem_shared>>
      %dma_wait3A_233 = tpu.memref_slice %arg20[%dma_wait3A_222] : memref<6x!tpu.dma_semaphore, #tpu.memory_space<semaphore_mem>> -> memref<1x!tpu.dma_semaphore, #tpu.memory_space<semaphore_mem>>
      %dma_wait3A_234 = tpu.memref_squeeze %dma_wait3A_233 : memref<1x!tpu.dma_semaphore, #tpu.memory_space<semaphore_mem>> -> memref<!tpu.dma_semaphore, #tpu.memory_space<semaphore_mem>>
      tpu.wait_indirect_dma semaphore(%dma_wait3A_234 : memref<!tpu.dma_semaphore, #tpu.memory_space<semaphore_mem>>) src(%dma_wait3A_226 : memref<40x128xf32, #tpu.memory_space<vmem>>) dst(%dma_wait3A_232 : memref<10000x128xf32, #tpu.memory_space<vmem_shared>>)
      %dma_wait3A_235 = arith.constant 1 : i32
      %dma_wait3A_236 = arith.constant 1 : i32
      %dma_wait3A_237 = arith.constant 1 : i32
      %dma_wait3A_238 = arith.constant 1 : i32
      %dma_wait3A_239 = arith.constant 0 : i32
      %dma_wait3A_240 = arith.constant 0 : i32
      %dma_wait3A_241 = tpu.memref_slice %arg14[%dma_wait3A_235, %dma_wait3A_239, %dma_wait3A_240] : memref<6x40x128xf32, #tpu.memory_space<vmem>> -> memref<1x40x128xf32, #tpu.memory_space<vmem>>
      %dma_wait3A_242 = tpu.memref_squeeze %dma_wait3A_241 : memref<1x40x128xf32, #tpu.memory_space<vmem>> -> memref<40x128xf32, #tpu.memory_space<vmem>>
      %dma_wait3A_243 = arith.constant 0 : i32
      %dma_wait3A_244 = tpu.memref_slice %arg13[%dma_wait3A_236, %dma_wait3A_237, %dma_wait3A_243] : memref<6x2x40xi32, #tpu.memory_space<vmem>> -> memref<1x1x40xi32, #tpu.memory_space<vmem>>
      %dma_wait3A_245 = tpu.memref_squeeze %dma_wait3A_244 : memref<1x1x40xi32, #tpu.memory_space<vmem>> -> memref<40xi32, #tpu.memory_space<vmem>>
      %dma_wait3A_246 = arith.constant 0 : i32
      %dma_wait3A_247 = arith.constant 0 : i32
      %dma_wait3A_248 = tpu.memref_slice %arg11[%dma_wait3A_246, %dma_wait3A_247] : memref<10000x128xf32, #tpu.memory_space<vmem_shared>> -> memref<10000x128xf32, #tpu.memory_space<vmem_shared>>
      %dma_wait3A_249 = tpu.memref_slice %arg20[%dma_wait3A_238] : memref<6x!tpu.dma_semaphore, #tpu.memory_space<semaphore_mem>> -> memref<1x!tpu.dma_semaphore, #tpu.memory_space<semaphore_mem>>
      %dma_wait3A_250 = tpu.memref_squeeze %dma_wait3A_249 : memref<1x!tpu.dma_semaphore, #tpu.memory_space<semaphore_mem>> -> memref<!tpu.dma_semaphore, #tpu.memory_space<semaphore_mem>>
      tpu.wait_indirect_dma semaphore(%dma_wait3A_250 : memref<!tpu.dma_semaphore, #tpu.memory_space<semaphore_mem>>) src(%dma_wait3A_242 : memref<40x128xf32, #tpu.memory_space<vmem>>) dst(%dma_wait3A_248 : memref<10000x128xf32, #tpu.memory_space<vmem_shared>>)
      %dma_wait3A_251 = arith.constant 2 : i32
      %dma_wait3A_252 = arith.constant 2 : i32
      %dma_wait3A_253 = arith.constant 1 : i32
      %dma_wait3A_254 = arith.constant 2 : i32
      %dma_wait3A_255 = arith.constant 0 : i32
      %dma_wait3A_256 = arith.constant 0 : i32
      %dma_wait3A_257 = tpu.memref_slice %arg14[%dma_wait3A_251, %dma_wait3A_255, %dma_wait3A_256] : memref<6x40x128xf32, #tpu.memory_space<vmem>> -> memref<1x40x128xf32, #tpu.memory_space<vmem>>
      %dma_wait3A_258 = tpu.memref_squeeze %dma_wait3A_257 : memref<1x40x128xf32, #tpu.memory_space<vmem>> -> memref<40x128xf32, #tpu.memory_space<vmem>>
      %dma_wait3A_259 = arith.constant 0 : i32
      %dma_wait3A_260 = tpu.memref_slice %arg13[%dma_wait3A_252, %dma_wait3A_253, %dma_wait3A_259] : memref<6x2x40xi32, #tpu.memory_space<vmem>> -> memref<1x1x40xi32, #tpu.memory_space<vmem>>
      %dma_wait3A_261 = tpu.memref_squeeze %dma_wait3A_260 : memref<1x1x40xi32, #tpu.memory_space<vmem>> -> memref<40xi32, #tpu.memory_space<vmem>>
      %dma_wait3A_262 = arith.constant 0 : i32
      %dma_wait3A_263 = arith.constant 0 : i32
      %dma_wait3A_264 = tpu.memref_slice %arg11[%dma_wait3A_262, %dma_wait3A_263] : memref<10000x128xf32, #tpu.memory_space<vmem_shared>> -> memref<10000x128xf32, #tpu.memory_space<vmem_shared>>
      %dma_wait3A_265 = tpu.memref_slice %arg20[%dma_wait3A_254] : memref<6x!tpu.dma_semaphore, #tpu.memory_space<semaphore_mem>> -> memref<1x!tpu.dma_semaphore, #tpu.memory_space<semaphore_mem>>
      %dma_wait3A_266 = tpu.memref_squeeze %dma_wait3A_265 : memref<1x!tpu.dma_semaphore, #tpu.memory_space<semaphore_mem>> -> memref<!tpu.dma_semaphore, #tpu.memory_space<semaphore_mem>>
      tpu.wait_indirect_dma semaphore(%dma_wait3A_266 : memref<!tpu.dma_semaphore, #tpu.memory_space<semaphore_mem>>) src(%dma_wait3A_258 : memref<40x128xf32, #tpu.memory_space<vmem>>) dst(%dma_wait3A_264 : memref<10000x128xf32, #tpu.memory_space<vmem_shared>>)
      %dma_wait3A_267 = arith.constant 3 : i32
      %dma_wait3A_268 = arith.constant 3 : i32
      %dma_wait3A_269 = arith.constant 1 : i32
      %dma_wait3A_270 = arith.constant 3 : i32
      %dma_wait3A_271 = arith.constant 0 : i32
      %dma_wait3A_272 = arith.constant 0 : i32
      %dma_wait3A_273 = tpu.memref_slice %arg14[%dma_wait3A_267, %dma_wait3A_271, %dma_wait3A_272] : memref<6x40x128xf32, #tpu.memory_space<vmem>> -> memref<1x40x128xf32, #tpu.memory_space<vmem>>
      %dma_wait3A_274 = tpu.memref_squeeze %dma_wait3A_273 : memref<1x40x128xf32, #tpu.memory_space<vmem>> -> memref<40x128xf32, #tpu.memory_space<vmem>>
      %dma_wait3A_275 = arith.constant 0 : i32
      %dma_wait3A_276 = tpu.memref_slice %arg13[%dma_wait3A_268, %dma_wait3A_269, %dma_wait3A_275] : memref<6x2x40xi32, #tpu.memory_space<vmem>> -> memref<1x1x40xi32, #tpu.memory_space<vmem>>
      %dma_wait3A_277 = tpu.memref_squeeze %dma_wait3A_276 : memref<1x1x40xi32, #tpu.memory_space<vmem>> -> memref<40xi32, #tpu.memory_space<vmem>>
      %dma_wait3A_278 = arith.constant 0 : i32
      %dma_wait3A_279 = arith.constant 0 : i32
      %dma_wait3A_280 = tpu.memref_slice %arg11[%dma_wait3A_278, %dma_wait3A_279] : memref<10000x128xf32, #tpu.memory_space<vmem_shared>> -> memref<10000x128xf32, #tpu.memory_space<vmem_shared>>
      %dma_wait3A_281 = tpu.memref_slice %arg20[%dma_wait3A_270] : memref<6x!tpu.dma_semaphore, #tpu.memory_space<semaphore_mem>> -> memref<1x!tpu.dma_semaphore, #tpu.memory_space<semaphore_mem>>
      %dma_wait3A_282 = tpu.memref_squeeze %dma_wait3A_281 : memref<1x!tpu.dma_semaphore, #tpu.memory_space<semaphore_mem>> -> memref<!tpu.dma_semaphore, #tpu.memory_space<semaphore_mem>>
      tpu.wait_indirect_dma semaphore(%dma_wait3A_282 : memref<!tpu.dma_semaphore, #tpu.memory_space<semaphore_mem>>) src(%dma_wait3A_274 : memref<40x128xf32, #tpu.memory_space<vmem>>) dst(%dma_wait3A_280 : memref<10000x128xf32, #tpu.memory_space<vmem_shared>>)
      %dma_wait3A_283 = arith.constant 4 : i32
      %dma_wait3A_284 = arith.constant 4 : i32
      %dma_wait3A_285 = arith.constant 1 : i32
      %dma_wait3A_286 = arith.constant 4 : i32
      %dma_wait3A_287 = arith.constant 0 : i32
      %dma_wait3A_288 = arith.constant 0 : i32
      %dma_wait3A_289 = tpu.memref_slice %arg14[%dma_wait3A_283, %dma_wait3A_287, %dma_wait3A_288] : memref<6x40x128xf32, #tpu.memory_space<vmem>> -> memref<1x40x128xf32, #tpu.memory_space<vmem>>
      %dma_wait3A_290 = tpu.memref_squeeze %dma_wait3A_289 : memref<1x40x128xf32, #tpu.memory_space<vmem>> -> memref<40x128xf32, #tpu.memory_space<vmem>>
      %dma_wait3A_291 = arith.constant 0 : i32
      %dma_wait3A_292 = tpu.memref_slice %arg13[%dma_wait3A_284, %dma_wait3A_285, %dma_wait3A_291] : memref<6x2x40xi32, #tpu.memory_space<vmem>> -> memref<1x1x40xi32, #tpu.memory_space<vmem>>
      %dma_wait3A_293 = tpu.memref_squeeze %dma_wait3A_292 : memref<1x1x40xi32, #tpu.memory_space<vmem>> -> memref<40xi32, #tpu.memory_space<vmem>>
      %dma_wait3A_294 = arith.constant 0 : i32
      %dma_wait3A_295 = arith.constant 0 : i32
      %dma_wait3A_296 = tpu.memref_slice %arg11[%dma_wait3A_294, %dma_wait3A_295] : memref<10000x128xf32, #tpu.memory_space<vmem_shared>> -> memref<10000x128xf32, #tpu.memory_space<vmem_shared>>
      %dma_wait3A_297 = tpu.memref_slice %arg20[%dma_wait3A_286] : memref<6x!tpu.dma_semaphore, #tpu.memory_space<semaphore_mem>> -> memref<1x!tpu.dma_semaphore, #tpu.memory_space<semaphore_mem>>
      %dma_wait3A_298 = tpu.memref_squeeze %dma_wait3A_297 : memref<1x!tpu.dma_semaphore, #tpu.memory_space<semaphore_mem>> -> memref<!tpu.dma_semaphore, #tpu.memory_space<semaphore_mem>>
      tpu.wait_indirect_dma semaphore(%dma_wait3A_298 : memref<!tpu.dma_semaphore, #tpu.memory_space<semaphore_mem>>) src(%dma_wait3A_290 : memref<40x128xf32, #tpu.memory_space<vmem>>) dst(%dma_wait3A_296 : memref<10000x128xf32, #tpu.memory_space<vmem_shared>>)
      %dma_wait3A_299 = arith.constant 5 : i32
      %dma_wait3A_300 = arith.constant 5 : i32
      %dma_wait3A_301 = arith.constant 1 : i32
      %dma_wait3A_302 = arith.constant 5 : i32
      %dma_wait3A_303 = arith.constant 0 : i32
      %dma_wait3A_304 = arith.constant 0 : i32
      %dma_wait3A_305 = tpu.memref_slice %arg14[%dma_wait3A_299, %dma_wait3A_303, %dma_wait3A_304] : memref<6x40x128xf32, #tpu.memory_space<vmem>> -> memref<1x40x128xf32, #tpu.memory_space<vmem>>
      %dma_wait3A_306 = tpu.memref_squeeze %dma_wait3A_305 : memref<1x40x128xf32, #tpu.memory_space<vmem>> -> memref<40x128xf32, #tpu.memory_space<vmem>>
      %dma_wait3A_307 = arith.constant 0 : i32
      %dma_wait3A_308 = tpu.memref_slice %arg13[%dma_wait3A_300, %dma_wait3A_301, %dma_wait3A_307] : memref<6x2x40xi32, #tpu.memory_space<vmem>> -> memref<1x1x40xi32, #tpu.memory_space<vmem>>
      %dma_wait3A_309 = tpu.memref_squeeze %dma_wait3A_308 : memref<1x1x40xi32, #tpu.memory_space<vmem>> -> memref<40xi32, #tpu.memory_space<vmem>>
      %dma_wait3A_310 = arith.constant 0 : i32
      %dma_wait3A_311 = arith.constant 0 : i32
      %dma_wait3A_312 = tpu.memref_slice %arg11[%dma_wait3A_310, %dma_wait3A_311] : memref<10000x128xf32, #tpu.memory_space<vmem_shared>> -> memref<10000x128xf32, #tpu.memory_space<vmem_shared>>
      %dma_wait3A_313 = tpu.memref_slice %arg20[%dma_wait3A_302] : memref<6x!tpu.dma_semaphore, #tpu.memory_space<semaphore_mem>> -> memref<1x!tpu.dma_semaphore, #tpu.memory_space<semaphore_mem>>
      %dma_wait3A_314 = tpu.memref_squeeze %dma_wait3A_313 : memref<1x!tpu.dma_semaphore, #tpu.memory_space<semaphore_mem>> -> memref<!tpu.dma_semaphore, #tpu.memory_space<semaphore_mem>>
      tpu.wait_indirect_dma semaphore(%dma_wait3A_314 : memref<!tpu.dma_semaphore, #tpu.memory_space<semaphore_mem>>) src(%dma_wait3A_306 : memref<40x128xf32, #tpu.memory_space<vmem>>) dst(%dma_wait3A_312 : memref<10000x128xf32, #tpu.memory_space<vmem_shared>>)
    } else {
    }
    %barrier3A_64 = arith.constant 0 : index
    tpu.barrier barrier_id(%barrier3A_64)
    %eq3A_65 = arith.constant 0 : i32
    %eq3A_66 = arith.cmpi eq, %arg0, %eq3A_65 : i32
    %convert_element_type3A_67 = arith.extui %eq3A_66 : i1 to i32
    %cond3A_68 = arith.constant 0 : i32
    %cond3A_69 = arith.cmpi ne, %convert_element_type3A_67, %cond3A_68 : i32
    scf.if %cond3A_69 {
      "tpu.region"() ({
        %run_scoped3A = tpu.sem_alloc : memref<!tpu.dma_semaphore, #tpu.memory_space<semaphore_mem>>
        %dma_start3A = arith.constant 0 : i32
        %dma_start3A_75 = tpu.memref_slice %arg8[%mul3A_0, %dma_start3A] : memref<10000x128xf32, #tpu.memory_space<hbm>> -> memref<625x128xf32, #tpu.memory_space<hbm>>
        %dma_start3A_76 = arith.constant 0 : i32
        %dma_start3A_77 = tpu.memref_slice %arg11[%mul3A_0, %dma_start3A_76] : memref<10000x128xf32, #tpu.memory_space<vmem_shared>> -> memref<625x128xf32, #tpu.memory_space<vmem_shared>>
        tpu.enqueue_dma source(%dma_start3A_77 : memref<625x128xf32, #tpu.memory_space<vmem_shared>>) target(%dma_start3A_75 : memref<625x128xf32, #tpu.memory_space<hbm>>) target_semaphore(%run_scoped3A : memref<!tpu.dma_semaphore, #tpu.memory_space<semaphore_mem>>)
        %dma_wait3A = arith.constant 0 : i32
        %dma_wait3A_78 = tpu.memref_slice %arg8[%mul3A_0, %dma_wait3A] : memref<10000x128xf32, #tpu.memory_space<hbm>> -> memref<625x128xf32, #tpu.memory_space<hbm>>
        %dma_wait3A_79 = arith.constant 0 : i32
        %dma_wait3A_80 = tpu.memref_slice %arg11[%mul3A_0, %dma_wait3A_79] : memref<10000x128xf32, #tpu.memory_space<vmem_shared>> -> memref<625x128xf32, #tpu.memory_space<vmem_shared>>
        tpu.wait_dma2 semaphore(%run_scoped3A : memref<!tpu.dma_semaphore, #tpu.memory_space<semaphore_mem>>) src(%dma_wait3A_80 : memref<625x128xf32, #tpu.memory_space<vmem_shared>>) dst(%dma_wait3A_78 : memref<625x128xf32, #tpu.memory_space<hbm>>)
        tpu.yield
      }) : () -> ()
      "tpu.region"() ({
        %run_scoped3A = tpu.sem_alloc : memref<!tpu.dma_semaphore, #tpu.memory_space<semaphore_mem>>
        %dma_start3A = arith.constant 0 : i32
        %dma_start3A_75 = tpu.memref_slice %arg10[%mul3A_0, %dma_start3A] : memref<10000x16xf32, #tpu.memory_space<hbm>> -> memref<625x16xf32, #tpu.memory_space<hbm>>
        %dma_start3A_76 = arith.constant 0 : i32
        %dma_start3A_77 = tpu.memref_slice %arg12[%mul3A_0, %dma_start3A_76] : memref<10000x16xf32, #tpu.memory_space<vmem_shared>> -> memref<625x16xf32, #tpu.memory_space<vmem_shared>>
        tpu.enqueue_dma source(%dma_start3A_77 : memref<625x16xf32, #tpu.memory_space<vmem_shared>>) target(%dma_start3A_75 : memref<625x16xf32, #tpu.memory_space<hbm>>) target_semaphore(%run_scoped3A : memref<!tpu.dma_semaphore, #tpu.memory_space<semaphore_mem>>)
        %dma_wait3A = arith.constant 0 : i32
        %dma_wait3A_78 = tpu.memref_slice %arg10[%mul3A_0, %dma_wait3A] : memref<10000x16xf32, #tpu.memory_space<hbm>> -> memref<625x16xf32, #tpu.memory_space<hbm>>
        %dma_wait3A_79 = arith.constant 0 : i32
        %dma_wait3A_80 = tpu.memref_slice %arg12[%mul3A_0, %dma_wait3A_79] : memref<10000x16xf32, #tpu.memory_space<vmem_shared>> -> memref<625x16xf32, #tpu.memory_space<vmem_shared>>
        tpu.wait_dma2 semaphore(%run_scoped3A : memref<!tpu.dma_semaphore, #tpu.memory_space<semaphore_mem>>) src(%dma_wait3A_80 : memref<625x16xf32, #tpu.memory_space<vmem_shared>>) dst(%dma_wait3A_78 : memref<625x16xf32, #tpu.memory_space<hbm>>)
        tpu.yield
      }) : () -> ()
    } else {
    }
    %eq3A_70 = arith.constant 1 : i32
    %eq3A_71 = arith.cmpi eq, %arg0, %eq3A_70 : i32
    %convert_element_type3A_72 = arith.extui %eq3A_71 : i1 to i32
    %cond3A_73 = arith.constant 0 : i32
    %cond3A_74 = arith.cmpi ne, %convert_element_type3A_72, %cond3A_73 : i32
    scf.if %cond3A_74 {
      "tpu.region"() ({
        %run_scoped3A = tpu.sem_alloc : memref<!tpu.dma_semaphore, #tpu.memory_space<semaphore_mem>>
        %dma_start3A = arith.constant 0 : i32
        %dma_start3A_75 = tpu.memref_slice %arg9[%mul3A_0, %dma_start3A] : memref<10000x128xf32, #tpu.memory_space<hbm>> -> memref<625x128xf32, #tpu.memory_space<hbm>>
        %dma_start3A_76 = arith.constant 0 : i32
        %dma_start3A_77 = tpu.memref_slice %arg11[%mul3A_0, %dma_start3A_76] : memref<10000x128xf32, #tpu.memory_space<vmem_shared>> -> memref<625x128xf32, #tpu.memory_space<vmem_shared>>
        tpu.enqueue_dma source(%dma_start3A_77 : memref<625x128xf32, #tpu.memory_space<vmem_shared>>) target(%dma_start3A_75 : memref<625x128xf32, #tpu.memory_space<hbm>>) target_semaphore(%run_scoped3A : memref<!tpu.dma_semaphore, #tpu.memory_space<semaphore_mem>>)
        %dma_wait3A = arith.constant 0 : i32
        %dma_wait3A_78 = tpu.memref_slice %arg9[%mul3A_0, %dma_wait3A] : memref<10000x128xf32, #tpu.memory_space<hbm>> -> memref<625x128xf32, #tpu.memory_space<hbm>>
        %dma_wait3A_79 = arith.constant 0 : i32
        %dma_wait3A_80 = tpu.memref_slice %arg11[%mul3A_0, %dma_wait3A_79] : memref<10000x128xf32, #tpu.memory_space<vmem_shared>> -> memref<625x128xf32, #tpu.memory_space<vmem_shared>>
        tpu.wait_dma2 semaphore(%run_scoped3A : memref<!tpu.dma_semaphore, #tpu.memory_space<semaphore_mem>>) src(%dma_wait3A_80 : memref<625x128xf32, #tpu.memory_space<vmem_shared>>) dst(%dma_wait3A_78 : memref<625x128xf32, #tpu.memory_space<hbm>>)
        tpu.yield
      }) : () -> ()
    } else {
    }
    return
  }
}

#map = affine_map<(d0, d1) -> (0, 0)>
#map1 = affine_map<(d0, d1) -> (0, 0, 0)>
module attributes {stable_mosaic.version = 14 : i64} {
  func.func @_sc_segsum(%arg0: i32, %arg1: i32, %arg2: memref<10000x128xbf16, #tpu.memory_space<hbm>>, %arg3: memref<2x320000xi32, #tpu.memory_space<hbm>>, %arg4: memref<25x128xbf16, #tpu.memory_space<hbm>>, %arg5: memref<2x10000x128xbf16, #tpu.memory_space<hbm>>, %arg6: memref<10000x128xbf16, #tpu.memory_space<vmem_shared>>, %arg7: memref<8x2x80xi32, #tpu.memory_space<vmem>>, %arg8: memref<8x80x128xbf16, #tpu.memory_space<vmem>>, %arg9: memref<25x128xbf16, #tpu.memory_space<vmem>>, %arg10: memref<8x!tpu.dma_semaphore, #tpu.memory_space<semaphore_mem>>, %arg11: memref<8x!tpu.dma_semaphore, #tpu.memory_space<semaphore_mem>>, %arg12: memref<8x!tpu.dma_semaphore, #tpu.memory_space<semaphore_mem>>) attributes {dimension_semantics = [#tpu.dimension_semantics<core_parallel>, #tpu.dimension_semantics<subcore_parallel>], iteration_bounds = array<i64: 2, 16>, scalar_prefetch = 0 : i64, scratch_operands = 7 : i64, tpu.core_type = #tpu.core_type<sc_vector_subcore>, window_params = [{transform_indices = #map}, {transform_indices = #map}, {transform_indices = #map}, {transform_indices = #map1}]} {
    %mul3A = arith.constant 625 : i32
    %mul3A_0 = arith.muli %arg1, %mul3A : i32
    %mul3A_1 = arith.constant 16 : i32
    %mul3A_2 = arith.muli %arg0, %mul3A_1 : i32
    %add3A = arith.addi %mul3A_2, %arg1 : i32
    %mul3A_3 = arith.constant 10000 : i32
    %mul3A_4 = arith.muli %add3A, %mul3A_3 : i32
    "tpu.region"() ({
      %run_scoped3A = tpu.sem_alloc : memref<!tpu.dma_semaphore, #tpu.memory_space<semaphore_mem>>
      tpu.enqueue_dma source(%arg4 : memref<25x128xbf16, #tpu.memory_space<hbm>>) target(%arg9 : memref<25x128xbf16, #tpu.memory_space<vmem>>) target_semaphore(%run_scoped3A : memref<!tpu.dma_semaphore, #tpu.memory_space<semaphore_mem>>)
      tpu.wait_dma2 semaphore(%run_scoped3A : memref<!tpu.dma_semaphore, #tpu.memory_space<semaphore_mem>>) src(%arg4 : memref<25x128xbf16, #tpu.memory_space<hbm>>) dst(%arg9 : memref<25x128xbf16, #tpu.memory_space<vmem>>)
      tpu.yield
    }) : () -> ()
    %add3A_5 = arith.constant 0 : i32
    %add3A_6 = arith.addi %mul3A_0, %add3A_5 : i32
    "tpu.region"() ({
      %run_scoped3A = tpu.sem_alloc : memref<!tpu.dma_semaphore, #tpu.memory_space<semaphore_mem>>
      %dma_start3A_398 = arith.constant 0 : i32
      %dma_start3A_399 = tpu.memref_slice %arg6[%add3A_6, %dma_start3A_398] : memref<10000x128xbf16, #tpu.memory_space<vmem_shared>> -> memref<25x128xbf16, #tpu.memory_space<vmem_shared>>
      %dma_start3A_400 = arith.constant 0 : i32
      %dma_start3A_401 = tpu.memref_slice %arg6[%add3A_6, %dma_start3A_400] : memref<10000x128xbf16, #tpu.memory_space<vmem_shared>> -> memref<25x128xbf16, #tpu.memory_space<vmem_shared>>
      tpu.enqueue_dma source(%arg9 : memref<25x128xbf16, #tpu.memory_space<vmem>>) target(%dma_start3A_401 : memref<25x128xbf16, #tpu.memory_space<vmem_shared>>) target_semaphore(%run_scoped3A : memref<!tpu.dma_semaphore, #tpu.memory_space<semaphore_mem>>)
      %dma_wait3A_402 = arith.constant 0 : i32
      %dma_wait3A_403 = tpu.memref_slice %arg6[%add3A_6, %dma_wait3A_402] : memref<10000x128xbf16, #tpu.memory_space<vmem_shared>> -> memref<25x128xbf16, #tpu.memory_space<vmem_shared>>
      %dma_wait3A_404 = arith.constant 0 : i32
      %dma_wait3A_405 = tpu.memref_slice %arg6[%add3A_6, %dma_wait3A_404] : memref<10000x128xbf16, #tpu.memory_space<vmem_shared>> -> memref<25x128xbf16, #tpu.memory_space<vmem_shared>>
      tpu.wait_dma2 semaphore(%run_scoped3A : memref<!tpu.dma_semaphore, #tpu.memory_space<semaphore_mem>>) src(%arg9 : memref<25x128xbf16, #tpu.memory_space<vmem>>) dst(%dma_wait3A_405 : memref<25x128xbf16, #tpu.memory_space<vmem_shared>>)
      tpu.yield
    }) : () -> ()
    %add3A_7 = arith.constant 25 : i32
    %add3A_8 = arith.addi %mul3A_0, %add3A_7 : i32
    "tpu.region"() ({
      %run_scoped3A = tpu.sem_alloc : memref<!tpu.dma_semaphore, #tpu.memory_space<semaphore_mem>>
      %dma_start3A_398 = arith.constant 0 : i32
      %dma_start3A_399 = tpu.memref_slice %arg6[%add3A_8, %dma_start3A_398] : memref<10000x128xbf16, #tpu.memory_space<vmem_shared>> -> memref<25x128xbf16, #tpu.memory_space<vmem_shared>>
      %dma_start3A_400 = arith.constant 0 : i32
      %dma_start3A_401 = tpu.memref_slice %arg6[%add3A_8, %dma_start3A_400] : memref<10000x128xbf16, #tpu.memory_space<vmem_shared>> -> memref<25x128xbf16, #tpu.memory_space<vmem_shared>>
      tpu.enqueue_dma source(%arg9 : memref<25x128xbf16, #tpu.memory_space<vmem>>) target(%dma_start3A_401 : memref<25x128xbf16, #tpu.memory_space<vmem_shared>>) target_semaphore(%run_scoped3A : memref<!tpu.dma_semaphore, #tpu.memory_space<semaphore_mem>>)
      %dma_wait3A_402 = arith.constant 0 : i32
      %dma_wait3A_403 = tpu.memref_slice %arg6[%add3A_8, %dma_wait3A_402] : memref<10000x128xbf16, #tpu.memory_space<vmem_shared>> -> memref<25x128xbf16, #tpu.memory_space<vmem_shared>>
      %dma_wait3A_404 = arith.constant 0 : i32
      %dma_wait3A_405 = tpu.memref_slice %arg6[%add3A_8, %dma_wait3A_404] : memref<10000x128xbf16, #tpu.memory_space<vmem_shared>> -> memref<25x128xbf16, #tpu.memory_space<vmem_shared>>
      tpu.wait_dma2 semaphore(%run_scoped3A : memref<!tpu.dma_semaphore, #tpu.memory_space<semaphore_mem>>) src(%arg9 : memref<25x128xbf16, #tpu.memory_space<vmem>>) dst(%dma_wait3A_405 : memref<25x128xbf16, #tpu.memory_space<vmem_shared>>)
      tpu.yield
    }) : () -> ()
    %add3A_9 = arith.constant 50 : i32
    %add3A_10 = arith.addi %mul3A_0, %add3A_9 : i32
    "tpu.region"() ({
      %run_scoped3A = tpu.sem_alloc : memref<!tpu.dma_semaphore, #tpu.memory_space<semaphore_mem>>
      %dma_start3A_398 = arith.constant 0 : i32
      %dma_start3A_399 = tpu.memref_slice %arg6[%add3A_10, %dma_start3A_398] : memref<10000x128xbf16, #tpu.memory_space<vmem_shared>> -> memref<25x128xbf16, #tpu.memory_space<vmem_shared>>
      %dma_start3A_400 = arith.constant 0 : i32
      %dma_start3A_401 = tpu.memref_slice %arg6[%add3A_10, %dma_start3A_400] : memref<10000x128xbf16, #tpu.memory_space<vmem_shared>> -> memref<25x128xbf16, #tpu.memory_space<vmem_shared>>
      tpu.enqueue_dma source(%arg9 : memref<25x128xbf16, #tpu.memory_space<vmem>>) target(%dma_start3A_401 : memref<25x128xbf16, #tpu.memory_space<vmem_shared>>) target_semaphore(%run_scoped3A : memref<!tpu.dma_semaphore, #tpu.memory_space<semaphore_mem>>)
      %dma_wait3A_402 = arith.constant 0 : i32
      %dma_wait3A_403 = tpu.memref_slice %arg6[%add3A_10, %dma_wait3A_402] : memref<10000x128xbf16, #tpu.memory_space<vmem_shared>> -> memref<25x128xbf16, #tpu.memory_space<vmem_shared>>
      %dma_wait3A_404 = arith.constant 0 : i32
      %dma_wait3A_405 = tpu.memref_slice %arg6[%add3A_10, %dma_wait3A_404] : memref<10000x128xbf16, #tpu.memory_space<vmem_shared>> -> memref<25x128xbf16, #tpu.memory_space<vmem_shared>>
      tpu.wait_dma2 semaphore(%run_scoped3A : memref<!tpu.dma_semaphore, #tpu.memory_space<semaphore_mem>>) src(%arg9 : memref<25x128xbf16, #tpu.memory_space<vmem>>) dst(%dma_wait3A_405 : memref<25x128xbf16, #tpu.memory_space<vmem_shared>>)
      tpu.yield
    }) : () -> ()
    %add3A_11 = arith.constant 75 : i32
    %add3A_12 = arith.addi %mul3A_0, %add3A_11 : i32
    "tpu.region"() ({
      %run_scoped3A = tpu.sem_alloc : memref<!tpu.dma_semaphore, #tpu.memory_space<semaphore_mem>>
      %dma_start3A_398 = arith.constant 0 : i32
      %dma_start3A_399 = tpu.memref_slice %arg6[%add3A_12, %dma_start3A_398] : memref<10000x128xbf16, #tpu.memory_space<vmem_shared>> -> memref<25x128xbf16, #tpu.memory_space<vmem_shared>>
      %dma_start3A_400 = arith.constant 0 : i32
      %dma_start3A_401 = tpu.memref_slice %arg6[%add3A_12, %dma_start3A_400] : memref<10000x128xbf16, #tpu.memory_space<vmem_shared>> -> memref<25x128xbf16, #tpu.memory_space<vmem_shared>>
      tpu.enqueue_dma source(%arg9 : memref<25x128xbf16, #tpu.memory_space<vmem>>) target(%dma_start3A_401 : memref<25x128xbf16, #tpu.memory_space<vmem_shared>>) target_semaphore(%run_scoped3A : memref<!tpu.dma_semaphore, #tpu.memory_space<semaphore_mem>>)
      %dma_wait3A_402 = arith.constant 0 : i32
      %dma_wait3A_403 = tpu.memref_slice %arg6[%add3A_12, %dma_wait3A_402] : memref<10000x128xbf16, #tpu.memory_space<vmem_shared>> -> memref<25x128xbf16, #tpu.memory_space<vmem_shared>>
      %dma_wait3A_404 = arith.constant 0 : i32
      %dma_wait3A_405 = tpu.memref_slice %arg6[%add3A_12, %dma_wait3A_404] : memref<10000x128xbf16, #tpu.memory_space<vmem_shared>> -> memref<25x128xbf16, #tpu.memory_space<vmem_shared>>
      tpu.wait_dma2 semaphore(%run_scoped3A : memref<!tpu.dma_semaphore, #tpu.memory_space<semaphore_mem>>) src(%arg9 : memref<25x128xbf16, #tpu.memory_space<vmem>>) dst(%dma_wait3A_405 : memref<25x128xbf16, #tpu.memory_space<vmem_shared>>)
      tpu.yield
    }) : () -> ()
    %add3A_13 = arith.constant 100 : i32
    %add3A_14 = arith.addi %mul3A_0, %add3A_13 : i32
    "tpu.region"() ({
      %run_scoped3A = tpu.sem_alloc : memref<!tpu.dma_semaphore, #tpu.memory_space<semaphore_mem>>
      %dma_start3A_398 = arith.constant 0 : i32
      %dma_start3A_399 = tpu.memref_slice %arg6[%add3A_14, %dma_start3A_398] : memref<10000x128xbf16, #tpu.memory_space<vmem_shared>> -> memref<25x128xbf16, #tpu.memory_space<vmem_shared>>
      %dma_start3A_400 = arith.constant 0 : i32
      %dma_start3A_401 = tpu.memref_slice %arg6[%add3A_14, %dma_start3A_400] : memref<10000x128xbf16, #tpu.memory_space<vmem_shared>> -> memref<25x128xbf16, #tpu.memory_space<vmem_shared>>
      tpu.enqueue_dma source(%arg9 : memref<25x128xbf16, #tpu.memory_space<vmem>>) target(%dma_start3A_401 : memref<25x128xbf16, #tpu.memory_space<vmem_shared>>) target_semaphore(%run_scoped3A : memref<!tpu.dma_semaphore, #tpu.memory_space<semaphore_mem>>)
      %dma_wait3A_402 = arith.constant 0 : i32
      %dma_wait3A_403 = tpu.memref_slice %arg6[%add3A_14, %dma_wait3A_402] : memref<10000x128xbf16, #tpu.memory_space<vmem_shared>> -> memref<25x128xbf16, #tpu.memory_space<vmem_shared>>
      %dma_wait3A_404 = arith.constant 0 : i32
      %dma_wait3A_405 = tpu.memref_slice %arg6[%add3A_14, %dma_wait3A_404] : memref<10000x128xbf16, #tpu.memory_space<vmem_shared>> -> memref<25x128xbf16, #tpu.memory_space<vmem_shared>>
      tpu.wait_dma2 semaphore(%run_scoped3A : memref<!tpu.dma_semaphore, #tpu.memory_space<semaphore_mem>>) src(%arg9 : memref<25x128xbf16, #tpu.memory_space<vmem>>) dst(%dma_wait3A_405 : memref<25x128xbf16, #tpu.memory_space<vmem_shared>>)
      tpu.yield
    }) : () -> ()
    %add3A_15 = arith.constant 125 : i32
    %add3A_16 = arith.addi %mul3A_0, %add3A_15 : i32
    "tpu.region"() ({
      %run_scoped3A = tpu.sem_alloc : memref<!tpu.dma_semaphore, #tpu.memory_space<semaphore_mem>>
      %dma_start3A_398 = arith.constant 0 : i32
      %dma_start3A_399 = tpu.memref_slice %arg6[%add3A_16, %dma_start3A_398] : memref<10000x128xbf16, #tpu.memory_space<vmem_shared>> -> memref<25x128xbf16, #tpu.memory_space<vmem_shared>>
      %dma_start3A_400 = arith.constant 0 : i32
      %dma_start3A_401 = tpu.memref_slice %arg6[%add3A_16, %dma_start3A_400] : memref<10000x128xbf16, #tpu.memory_space<vmem_shared>> -> memref<25x128xbf16, #tpu.memory_space<vmem_shared>>
      tpu.enqueue_dma source(%arg9 : memref<25x128xbf16, #tpu.memory_space<vmem>>) target(%dma_start3A_401 : memref<25x128xbf16, #tpu.memory_space<vmem_shared>>) target_semaphore(%run_scoped3A : memref<!tpu.dma_semaphore, #tpu.memory_space<semaphore_mem>>)
      %dma_wait3A_402 = arith.constant 0 : i32
      %dma_wait3A_403 = tpu.memref_slice %arg6[%add3A_16, %dma_wait3A_402] : memref<10000x128xbf16, #tpu.memory_space<vmem_shared>> -> memref<25x128xbf16, #tpu.memory_space<vmem_shared>>
      %dma_wait3A_404 = arith.constant 0 : i32
      %dma_wait3A_405 = tpu.memref_slice %arg6[%add3A_16, %dma_wait3A_404] : memref<10000x128xbf16, #tpu.memory_space<vmem_shared>> -> memref<25x128xbf16, #tpu.memory_space<vmem_shared>>
      tpu.wait_dma2 semaphore(%run_scoped3A : memref<!tpu.dma_semaphore, #tpu.memory_space<semaphore_mem>>) src(%arg9 : memref<25x128xbf16, #tpu.memory_space<vmem>>) dst(%dma_wait3A_405 : memref<25x128xbf16, #tpu.memory_space<vmem_shared>>)
      tpu.yield
    }) : () -> ()
    %add3A_17 = arith.constant 150 : i32
    %add3A_18 = arith.addi %mul3A_0, %add3A_17 : i32
    "tpu.region"() ({
      %run_scoped3A = tpu.sem_alloc : memref<!tpu.dma_semaphore, #tpu.memory_space<semaphore_mem>>
      %dma_start3A_398 = arith.constant 0 : i32
      %dma_start3A_399 = tpu.memref_slice %arg6[%add3A_18, %dma_start3A_398] : memref<10000x128xbf16, #tpu.memory_space<vmem_shared>> -> memref<25x128xbf16, #tpu.memory_space<vmem_shared>>
      %dma_start3A_400 = arith.constant 0 : i32
      %dma_start3A_401 = tpu.memref_slice %arg6[%add3A_18, %dma_start3A_400] : memref<10000x128xbf16, #tpu.memory_space<vmem_shared>> -> memref<25x128xbf16, #tpu.memory_space<vmem_shared>>
      tpu.enqueue_dma source(%arg9 : memref<25x128xbf16, #tpu.memory_space<vmem>>) target(%dma_start3A_401 : memref<25x128xbf16, #tpu.memory_space<vmem_shared>>) target_semaphore(%run_scoped3A : memref<!tpu.dma_semaphore, #tpu.memory_space<semaphore_mem>>)
      %dma_wait3A_402 = arith.constant 0 : i32
      %dma_wait3A_403 = tpu.memref_slice %arg6[%add3A_18, %dma_wait3A_402] : memref<10000x128xbf16, #tpu.memory_space<vmem_shared>> -> memref<25x128xbf16, #tpu.memory_space<vmem_shared>>
      %dma_wait3A_404 = arith.constant 0 : i32
      %dma_wait3A_405 = tpu.memref_slice %arg6[%add3A_18, %dma_wait3A_404] : memref<10000x128xbf16, #tpu.memory_space<vmem_shared>> -> memref<25x128xbf16, #tpu.memory_space<vmem_shared>>
      tpu.wait_dma2 semaphore(%run_scoped3A : memref<!tpu.dma_semaphore, #tpu.memory_space<semaphore_mem>>) src(%arg9 : memref<25x128xbf16, #tpu.memory_space<vmem>>) dst(%dma_wait3A_405 : memref<25x128xbf16, #tpu.memory_space<vmem_shared>>)
      tpu.yield
    }) : () -> ()
    %add3A_19 = arith.constant 175 : i32
    %add3A_20 = arith.addi %mul3A_0, %add3A_19 : i32
    "tpu.region"() ({
      %run_scoped3A = tpu.sem_alloc : memref<!tpu.dma_semaphore, #tpu.memory_space<semaphore_mem>>
      %dma_start3A_398 = arith.constant 0 : i32
      %dma_start3A_399 = tpu.memref_slice %arg6[%add3A_20, %dma_start3A_398] : memref<10000x128xbf16, #tpu.memory_space<vmem_shared>> -> memref<25x128xbf16, #tpu.memory_space<vmem_shared>>
      %dma_start3A_400 = arith.constant 0 : i32
      %dma_start3A_401 = tpu.memref_slice %arg6[%add3A_20, %dma_start3A_400] : memref<10000x128xbf16, #tpu.memory_space<vmem_shared>> -> memref<25x128xbf16, #tpu.memory_space<vmem_shared>>
      tpu.enqueue_dma source(%arg9 : memref<25x128xbf16, #tpu.memory_space<vmem>>) target(%dma_start3A_401 : memref<25x128xbf16, #tpu.memory_space<vmem_shared>>) target_semaphore(%run_scoped3A : memref<!tpu.dma_semaphore, #tpu.memory_space<semaphore_mem>>)
      %dma_wait3A_402 = arith.constant 0 : i32
      %dma_wait3A_403 = tpu.memref_slice %arg6[%add3A_20, %dma_wait3A_402] : memref<10000x128xbf16, #tpu.memory_space<vmem_shared>> -> memref<25x128xbf16, #tpu.memory_space<vmem_shared>>
      %dma_wait3A_404 = arith.constant 0 : i32
      %dma_wait3A_405 = tpu.memref_slice %arg6[%add3A_20, %dma_wait3A_404] : memref<10000x128xbf16, #tpu.memory_space<vmem_shared>> -> memref<25x128xbf16, #tpu.memory_space<vmem_shared>>
      tpu.wait_dma2 semaphore(%run_scoped3A : memref<!tpu.dma_semaphore, #tpu.memory_space<semaphore_mem>>) src(%arg9 : memref<25x128xbf16, #tpu.memory_space<vmem>>) dst(%dma_wait3A_405 : memref<25x128xbf16, #tpu.memory_space<vmem_shared>>)
      tpu.yield
    }) : () -> ()
    %add3A_21 = arith.constant 200 : i32
    %add3A_22 = arith.addi %mul3A_0, %add3A_21 : i32
    "tpu.region"() ({
      %run_scoped3A = tpu.sem_alloc : memref<!tpu.dma_semaphore, #tpu.memory_space<semaphore_mem>>
      %dma_start3A_398 = arith.constant 0 : i32
      %dma_start3A_399 = tpu.memref_slice %arg6[%add3A_22, %dma_start3A_398] : memref<10000x128xbf16, #tpu.memory_space<vmem_shared>> -> memref<25x128xbf16, #tpu.memory_space<vmem_shared>>
      %dma_start3A_400 = arith.constant 0 : i32
      %dma_start3A_401 = tpu.memref_slice %arg6[%add3A_22, %dma_start3A_400] : memref<10000x128xbf16, #tpu.memory_space<vmem_shared>> -> memref<25x128xbf16, #tpu.memory_space<vmem_shared>>
      tpu.enqueue_dma source(%arg9 : memref<25x128xbf16, #tpu.memory_space<vmem>>) target(%dma_start3A_401 : memref<25x128xbf16, #tpu.memory_space<vmem_shared>>) target_semaphore(%run_scoped3A : memref<!tpu.dma_semaphore, #tpu.memory_space<semaphore_mem>>)
      %dma_wait3A_402 = arith.constant 0 : i32
      %dma_wait3A_403 = tpu.memref_slice %arg6[%add3A_22, %dma_wait3A_402] : memref<10000x128xbf16, #tpu.memory_space<vmem_shared>> -> memref<25x128xbf16, #tpu.memory_space<vmem_shared>>
      %dma_wait3A_404 = arith.constant 0 : i32
      %dma_wait3A_405 = tpu.memref_slice %arg6[%add3A_22, %dma_wait3A_404] : memref<10000x128xbf16, #tpu.memory_space<vmem_shared>> -> memref<25x128xbf16, #tpu.memory_space<vmem_shared>>
      tpu.wait_dma2 semaphore(%run_scoped3A : memref<!tpu.dma_semaphore, #tpu.memory_space<semaphore_mem>>) src(%arg9 : memref<25x128xbf16, #tpu.memory_space<vmem>>) dst(%dma_wait3A_405 : memref<25x128xbf16, #tpu.memory_space<vmem_shared>>)
      tpu.yield
    }) : () -> ()
    %add3A_23 = arith.constant 225 : i32
    %add3A_24 = arith.addi %mul3A_0, %add3A_23 : i32
    "tpu.region"() ({
      %run_scoped3A = tpu.sem_alloc : memref<!tpu.dma_semaphore, #tpu.memory_space<semaphore_mem>>
      %dma_start3A_398 = arith.constant 0 : i32
      %dma_start3A_399 = tpu.memref_slice %arg6[%add3A_24, %dma_start3A_398] : memref<10000x128xbf16, #tpu.memory_space<vmem_shared>> -> memref<25x128xbf16, #tpu.memory_space<vmem_shared>>
      %dma_start3A_400 = arith.constant 0 : i32
      %dma_start3A_401 = tpu.memref_slice %arg6[%add3A_24, %dma_start3A_400] : memref<10000x128xbf16, #tpu.memory_space<vmem_shared>> -> memref<25x128xbf16, #tpu.memory_space<vmem_shared>>
      tpu.enqueue_dma source(%arg9 : memref<25x128xbf16, #tpu.memory_space<vmem>>) target(%dma_start3A_401 : memref<25x128xbf16, #tpu.memory_space<vmem_shared>>) target_semaphore(%run_scoped3A : memref<!tpu.dma_semaphore, #tpu.memory_space<semaphore_mem>>)
      %dma_wait3A_402 = arith.constant 0 : i32
      %dma_wait3A_403 = tpu.memref_slice %arg6[%add3A_24, %dma_wait3A_402] : memref<10000x128xbf16, #tpu.memory_space<vmem_shared>> -> memref<25x128xbf16, #tpu.memory_space<vmem_shared>>
      %dma_wait3A_404 = arith.constant 0 : i32
      %dma_wait3A_405 = tpu.memref_slice %arg6[%add3A_24, %dma_wait3A_404] : memref<10000x128xbf16, #tpu.memory_space<vmem_shared>> -> memref<25x128xbf16, #tpu.memory_space<vmem_shared>>
      tpu.wait_dma2 semaphore(%run_scoped3A : memref<!tpu.dma_semaphore, #tpu.memory_space<semaphore_mem>>) src(%arg9 : memref<25x128xbf16, #tpu.memory_space<vmem>>) dst(%dma_wait3A_405 : memref<25x128xbf16, #tpu.memory_space<vmem_shared>>)
      tpu.yield
    }) : () -> ()
    %add3A_25 = arith.constant 250 : i32
    %add3A_26 = arith.addi %mul3A_0, %add3A_25 : i32
    "tpu.region"() ({
      %run_scoped3A = tpu.sem_alloc : memref<!tpu.dma_semaphore, #tpu.memory_space<semaphore_mem>>
      %dma_start3A_398 = arith.constant 0 : i32
      %dma_start3A_399 = tpu.memref_slice %arg6[%add3A_26, %dma_start3A_398] : memref<10000x128xbf16, #tpu.memory_space<vmem_shared>> -> memref<25x128xbf16, #tpu.memory_space<vmem_shared>>
      %dma_start3A_400 = arith.constant 0 : i32
      %dma_start3A_401 = tpu.memref_slice %arg6[%add3A_26, %dma_start3A_400] : memref<10000x128xbf16, #tpu.memory_space<vmem_shared>> -> memref<25x128xbf16, #tpu.memory_space<vmem_shared>>
      tpu.enqueue_dma source(%arg9 : memref<25x128xbf16, #tpu.memory_space<vmem>>) target(%dma_start3A_401 : memref<25x128xbf16, #tpu.memory_space<vmem_shared>>) target_semaphore(%run_scoped3A : memref<!tpu.dma_semaphore, #tpu.memory_space<semaphore_mem>>)
      %dma_wait3A_402 = arith.constant 0 : i32
      %dma_wait3A_403 = tpu.memref_slice %arg6[%add3A_26, %dma_wait3A_402] : memref<10000x128xbf16, #tpu.memory_space<vmem_shared>> -> memref<25x128xbf16, #tpu.memory_space<vmem_shared>>
      %dma_wait3A_404 = arith.constant 0 : i32
      %dma_wait3A_405 = tpu.memref_slice %arg6[%add3A_26, %dma_wait3A_404] : memref<10000x128xbf16, #tpu.memory_space<vmem_shared>> -> memref<25x128xbf16, #tpu.memory_space<vmem_shared>>
      tpu.wait_dma2 semaphore(%run_scoped3A : memref<!tpu.dma_semaphore, #tpu.memory_space<semaphore_mem>>) src(%arg9 : memref<25x128xbf16, #tpu.memory_space<vmem>>) dst(%dma_wait3A_405 : memref<25x128xbf16, #tpu.memory_space<vmem_shared>>)
      tpu.yield
    }) : () -> ()
    %add3A_27 = arith.constant 275 : i32
    %add3A_28 = arith.addi %mul3A_0, %add3A_27 : i32
    "tpu.region"() ({
      %run_scoped3A = tpu.sem_alloc : memref<!tpu.dma_semaphore, #tpu.memory_space<semaphore_mem>>
      %dma_start3A_398 = arith.constant 0 : i32
      %dma_start3A_399 = tpu.memref_slice %arg6[%add3A_28, %dma_start3A_398] : memref<10000x128xbf16, #tpu.memory_space<vmem_shared>> -> memref<25x128xbf16, #tpu.memory_space<vmem_shared>>
      %dma_start3A_400 = arith.constant 0 : i32
      %dma_start3A_401 = tpu.memref_slice %arg6[%add3A_28, %dma_start3A_400] : memref<10000x128xbf16, #tpu.memory_space<vmem_shared>> -> memref<25x128xbf16, #tpu.memory_space<vmem_shared>>
      tpu.enqueue_dma source(%arg9 : memref<25x128xbf16, #tpu.memory_space<vmem>>) target(%dma_start3A_401 : memref<25x128xbf16, #tpu.memory_space<vmem_shared>>) target_semaphore(%run_scoped3A : memref<!tpu.dma_semaphore, #tpu.memory_space<semaphore_mem>>)
      %dma_wait3A_402 = arith.constant 0 : i32
      %dma_wait3A_403 = tpu.memref_slice %arg6[%add3A_28, %dma_wait3A_402] : memref<10000x128xbf16, #tpu.memory_space<vmem_shared>> -> memref<25x128xbf16, #tpu.memory_space<vmem_shared>>
      %dma_wait3A_404 = arith.constant 0 : i32
      %dma_wait3A_405 = tpu.memref_slice %arg6[%add3A_28, %dma_wait3A_404] : memref<10000x128xbf16, #tpu.memory_space<vmem_shared>> -> memref<25x128xbf16, #tpu.memory_space<vmem_shared>>
      tpu.wait_dma2 semaphore(%run_scoped3A : memref<!tpu.dma_semaphore, #tpu.memory_space<semaphore_mem>>) src(%arg9 : memref<25x128xbf16, #tpu.memory_space<vmem>>) dst(%dma_wait3A_405 : memref<25x128xbf16, #tpu.memory_space<vmem_shared>>)
      tpu.yield
    }) : () -> ()
    %add3A_29 = arith.constant 300 : i32
    %add3A_30 = arith.addi %mul3A_0, %add3A_29 : i32
    "tpu.region"() ({
      %run_scoped3A = tpu.sem_alloc : memref<!tpu.dma_semaphore, #tpu.memory_space<semaphore_mem>>
      %dma_start3A_398 = arith.constant 0 : i32
      %dma_start3A_399 = tpu.memref_slice %arg6[%add3A_30, %dma_start3A_398] : memref<10000x128xbf16, #tpu.memory_space<vmem_shared>> -> memref<25x128xbf16, #tpu.memory_space<vmem_shared>>
      %dma_start3A_400 = arith.constant 0 : i32
      %dma_start3A_401 = tpu.memref_slice %arg6[%add3A_30, %dma_start3A_400] : memref<10000x128xbf16, #tpu.memory_space<vmem_shared>> -> memref<25x128xbf16, #tpu.memory_space<vmem_shared>>
      tpu.enqueue_dma source(%arg9 : memref<25x128xbf16, #tpu.memory_space<vmem>>) target(%dma_start3A_401 : memref<25x128xbf16, #tpu.memory_space<vmem_shared>>) target_semaphore(%run_scoped3A : memref<!tpu.dma_semaphore, #tpu.memory_space<semaphore_mem>>)
      %dma_wait3A_402 = arith.constant 0 : i32
      %dma_wait3A_403 = tpu.memref_slice %arg6[%add3A_30, %dma_wait3A_402] : memref<10000x128xbf16, #tpu.memory_space<vmem_shared>> -> memref<25x128xbf16, #tpu.memory_space<vmem_shared>>
      %dma_wait3A_404 = arith.constant 0 : i32
      %dma_wait3A_405 = tpu.memref_slice %arg6[%add3A_30, %dma_wait3A_404] : memref<10000x128xbf16, #tpu.memory_space<vmem_shared>> -> memref<25x128xbf16, #tpu.memory_space<vmem_shared>>
      tpu.wait_dma2 semaphore(%run_scoped3A : memref<!tpu.dma_semaphore, #tpu.memory_space<semaphore_mem>>) src(%arg9 : memref<25x128xbf16, #tpu.memory_space<vmem>>) dst(%dma_wait3A_405 : memref<25x128xbf16, #tpu.memory_space<vmem_shared>>)
      tpu.yield
    }) : () -> ()
    %add3A_31 = arith.constant 325 : i32
    %add3A_32 = arith.addi %mul3A_0, %add3A_31 : i32
    "tpu.region"() ({
      %run_scoped3A = tpu.sem_alloc : memref<!tpu.dma_semaphore, #tpu.memory_space<semaphore_mem>>
      %dma_start3A_398 = arith.constant 0 : i32
      %dma_start3A_399 = tpu.memref_slice %arg6[%add3A_32, %dma_start3A_398] : memref<10000x128xbf16, #tpu.memory_space<vmem_shared>> -> memref<25x128xbf16, #tpu.memory_space<vmem_shared>>
      %dma_start3A_400 = arith.constant 0 : i32
      %dma_start3A_401 = tpu.memref_slice %arg6[%add3A_32, %dma_start3A_400] : memref<10000x128xbf16, #tpu.memory_space<vmem_shared>> -> memref<25x128xbf16, #tpu.memory_space<vmem_shared>>
      tpu.enqueue_dma source(%arg9 : memref<25x128xbf16, #tpu.memory_space<vmem>>) target(%dma_start3A_401 : memref<25x128xbf16, #tpu.memory_space<vmem_shared>>) target_semaphore(%run_scoped3A : memref<!tpu.dma_semaphore, #tpu.memory_space<semaphore_mem>>)
      %dma_wait3A_402 = arith.constant 0 : i32
      %dma_wait3A_403 = tpu.memref_slice %arg6[%add3A_32, %dma_wait3A_402] : memref<10000x128xbf16, #tpu.memory_space<vmem_shared>> -> memref<25x128xbf16, #tpu.memory_space<vmem_shared>>
      %dma_wait3A_404 = arith.constant 0 : i32
      %dma_wait3A_405 = tpu.memref_slice %arg6[%add3A_32, %dma_wait3A_404] : memref<10000x128xbf16, #tpu.memory_space<vmem_shared>> -> memref<25x128xbf16, #tpu.memory_space<vmem_shared>>
      tpu.wait_dma2 semaphore(%run_scoped3A : memref<!tpu.dma_semaphore, #tpu.memory_space<semaphore_mem>>) src(%arg9 : memref<25x128xbf16, #tpu.memory_space<vmem>>) dst(%dma_wait3A_405 : memref<25x128xbf16, #tpu.memory_space<vmem_shared>>)
      tpu.yield
    }) : () -> ()
    %add3A_33 = arith.constant 350 : i32
    %add3A_34 = arith.addi %mul3A_0, %add3A_33 : i32
    "tpu.region"() ({
      %run_scoped3A = tpu.sem_alloc : memref<!tpu.dma_semaphore, #tpu.memory_space<semaphore_mem>>
      %dma_start3A_398 = arith.constant 0 : i32
      %dma_start3A_399 = tpu.memref_slice %arg6[%add3A_34, %dma_start3A_398] : memref<10000x128xbf16, #tpu.memory_space<vmem_shared>> -> memref<25x128xbf16, #tpu.memory_space<vmem_shared>>
      %dma_start3A_400 = arith.constant 0 : i32
      %dma_start3A_401 = tpu.memref_slice %arg6[%add3A_34, %dma_start3A_400] : memref<10000x128xbf16, #tpu.memory_space<vmem_shared>> -> memref<25x128xbf16, #tpu.memory_space<vmem_shared>>
      tpu.enqueue_dma source(%arg9 : memref<25x128xbf16, #tpu.memory_space<vmem>>) target(%dma_start3A_401 : memref<25x128xbf16, #tpu.memory_space<vmem_shared>>) target_semaphore(%run_scoped3A : memref<!tpu.dma_semaphore, #tpu.memory_space<semaphore_mem>>)
      %dma_wait3A_402 = arith.constant 0 : i32
      %dma_wait3A_403 = tpu.memref_slice %arg6[%add3A_34, %dma_wait3A_402] : memref<10000x128xbf16, #tpu.memory_space<vmem_shared>> -> memref<25x128xbf16, #tpu.memory_space<vmem_shared>>
      %dma_wait3A_404 = arith.constant 0 : i32
      %dma_wait3A_405 = tpu.memref_slice %arg6[%add3A_34, %dma_wait3A_404] : memref<10000x128xbf16, #tpu.memory_space<vmem_shared>> -> memref<25x128xbf16, #tpu.memory_space<vmem_shared>>
      tpu.wait_dma2 semaphore(%run_scoped3A : memref<!tpu.dma_semaphore, #tpu.memory_space<semaphore_mem>>) src(%arg9 : memref<25x128xbf16, #tpu.memory_space<vmem>>) dst(%dma_wait3A_405 : memref<25x128xbf16, #tpu.memory_space<vmem_shared>>)
      tpu.yield
    }) : () -> ()
    %add3A_35 = arith.constant 375 : i32
    %add3A_36 = arith.addi %mul3A_0, %add3A_35 : i32
    "tpu.region"() ({
      %run_scoped3A = tpu.sem_alloc : memref<!tpu.dma_semaphore, #tpu.memory_space<semaphore_mem>>
      %dma_start3A_398 = arith.constant 0 : i32
      %dma_start3A_399 = tpu.memref_slice %arg6[%add3A_36, %dma_start3A_398] : memref<10000x128xbf16, #tpu.memory_space<vmem_shared>> -> memref<25x128xbf16, #tpu.memory_space<vmem_shared>>
      %dma_start3A_400 = arith.constant 0 : i32
      %dma_start3A_401 = tpu.memref_slice %arg6[%add3A_36, %dma_start3A_400] : memref<10000x128xbf16, #tpu.memory_space<vmem_shared>> -> memref<25x128xbf16, #tpu.memory_space<vmem_shared>>
      tpu.enqueue_dma source(%arg9 : memref<25x128xbf16, #tpu.memory_space<vmem>>) target(%dma_start3A_401 : memref<25x128xbf16, #tpu.memory_space<vmem_shared>>) target_semaphore(%run_scoped3A : memref<!tpu.dma_semaphore, #tpu.memory_space<semaphore_mem>>)
      %dma_wait3A_402 = arith.constant 0 : i32
      %dma_wait3A_403 = tpu.memref_slice %arg6[%add3A_36, %dma_wait3A_402] : memref<10000x128xbf16, #tpu.memory_space<vmem_shared>> -> memref<25x128xbf16, #tpu.memory_space<vmem_shared>>
      %dma_wait3A_404 = arith.constant 0 : i32
      %dma_wait3A_405 = tpu.memref_slice %arg6[%add3A_36, %dma_wait3A_404] : memref<10000x128xbf16, #tpu.memory_space<vmem_shared>> -> memref<25x128xbf16, #tpu.memory_space<vmem_shared>>
      tpu.wait_dma2 semaphore(%run_scoped3A : memref<!tpu.dma_semaphore, #tpu.memory_space<semaphore_mem>>) src(%arg9 : memref<25x128xbf16, #tpu.memory_space<vmem>>) dst(%dma_wait3A_405 : memref<25x128xbf16, #tpu.memory_space<vmem_shared>>)
      tpu.yield
    }) : () -> ()
    %add3A_37 = arith.constant 400 : i32
    %add3A_38 = arith.addi %mul3A_0, %add3A_37 : i32
    "tpu.region"() ({
      %run_scoped3A = tpu.sem_alloc : memref<!tpu.dma_semaphore, #tpu.memory_space<semaphore_mem>>
      %dma_start3A_398 = arith.constant 0 : i32
      %dma_start3A_399 = tpu.memref_slice %arg6[%add3A_38, %dma_start3A_398] : memref<10000x128xbf16, #tpu.memory_space<vmem_shared>> -> memref<25x128xbf16, #tpu.memory_space<vmem_shared>>
      %dma_start3A_400 = arith.constant 0 : i32
      %dma_start3A_401 = tpu.memref_slice %arg6[%add3A_38, %dma_start3A_400] : memref<10000x128xbf16, #tpu.memory_space<vmem_shared>> -> memref<25x128xbf16, #tpu.memory_space<vmem_shared>>
      tpu.enqueue_dma source(%arg9 : memref<25x128xbf16, #tpu.memory_space<vmem>>) target(%dma_start3A_401 : memref<25x128xbf16, #tpu.memory_space<vmem_shared>>) target_semaphore(%run_scoped3A : memref<!tpu.dma_semaphore, #tpu.memory_space<semaphore_mem>>)
      %dma_wait3A_402 = arith.constant 0 : i32
      %dma_wait3A_403 = tpu.memref_slice %arg6[%add3A_38, %dma_wait3A_402] : memref<10000x128xbf16, #tpu.memory_space<vmem_shared>> -> memref<25x128xbf16, #tpu.memory_space<vmem_shared>>
      %dma_wait3A_404 = arith.constant 0 : i32
      %dma_wait3A_405 = tpu.memref_slice %arg6[%add3A_38, %dma_wait3A_404] : memref<10000x128xbf16, #tpu.memory_space<vmem_shared>> -> memref<25x128xbf16, #tpu.memory_space<vmem_shared>>
      tpu.wait_dma2 semaphore(%run_scoped3A : memref<!tpu.dma_semaphore, #tpu.memory_space<semaphore_mem>>) src(%arg9 : memref<25x128xbf16, #tpu.memory_space<vmem>>) dst(%dma_wait3A_405 : memref<25x128xbf16, #tpu.memory_space<vmem_shared>>)
      tpu.yield
    }) : () -> ()
    %add3A_39 = arith.constant 425 : i32
    %add3A_40 = arith.addi %mul3A_0, %add3A_39 : i32
    "tpu.region"() ({
      %run_scoped3A = tpu.sem_alloc : memref<!tpu.dma_semaphore, #tpu.memory_space<semaphore_mem>>
      %dma_start3A_398 = arith.constant 0 : i32
      %dma_start3A_399 = tpu.memref_slice %arg6[%add3A_40, %dma_start3A_398] : memref<10000x128xbf16, #tpu.memory_space<vmem_shared>> -> memref<25x128xbf16, #tpu.memory_space<vmem_shared>>
      %dma_start3A_400 = arith.constant 0 : i32
      %dma_start3A_401 = tpu.memref_slice %arg6[%add3A_40, %dma_start3A_400] : memref<10000x128xbf16, #tpu.memory_space<vmem_shared>> -> memref<25x128xbf16, #tpu.memory_space<vmem_shared>>
      tpu.enqueue_dma source(%arg9 : memref<25x128xbf16, #tpu.memory_space<vmem>>) target(%dma_start3A_401 : memref<25x128xbf16, #tpu.memory_space<vmem_shared>>) target_semaphore(%run_scoped3A : memref<!tpu.dma_semaphore, #tpu.memory_space<semaphore_mem>>)
      %dma_wait3A_402 = arith.constant 0 : i32
      %dma_wait3A_403 = tpu.memref_slice %arg6[%add3A_40, %dma_wait3A_402] : memref<10000x128xbf16, #tpu.memory_space<vmem_shared>> -> memref<25x128xbf16, #tpu.memory_space<vmem_shared>>
      %dma_wait3A_404 = arith.constant 0 : i32
      %dma_wait3A_405 = tpu.memref_slice %arg6[%add3A_40, %dma_wait3A_404] : memref<10000x128xbf16, #tpu.memory_space<vmem_shared>> -> memref<25x128xbf16, #tpu.memory_space<vmem_shared>>
      tpu.wait_dma2 semaphore(%run_scoped3A : memref<!tpu.dma_semaphore, #tpu.memory_space<semaphore_mem>>) src(%arg9 : memref<25x128xbf16, #tpu.memory_space<vmem>>) dst(%dma_wait3A_405 : memref<25x128xbf16, #tpu.memory_space<vmem_shared>>)
      tpu.yield
    }) : () -> ()
    %add3A_41 = arith.constant 450 : i32
    %add3A_42 = arith.addi %mul3A_0, %add3A_41 : i32
    "tpu.region"() ({
      %run_scoped3A = tpu.sem_alloc : memref<!tpu.dma_semaphore, #tpu.memory_space<semaphore_mem>>
      %dma_start3A_398 = arith.constant 0 : i32
      %dma_start3A_399 = tpu.memref_slice %arg6[%add3A_42, %dma_start3A_398] : memref<10000x128xbf16, #tpu.memory_space<vmem_shared>> -> memref<25x128xbf16, #tpu.memory_space<vmem_shared>>
      %dma_start3A_400 = arith.constant 0 : i32
      %dma_start3A_401 = tpu.memref_slice %arg6[%add3A_42, %dma_start3A_400] : memref<10000x128xbf16, #tpu.memory_space<vmem_shared>> -> memref<25x128xbf16, #tpu.memory_space<vmem_shared>>
      tpu.enqueue_dma source(%arg9 : memref<25x128xbf16, #tpu.memory_space<vmem>>) target(%dma_start3A_401 : memref<25x128xbf16, #tpu.memory_space<vmem_shared>>) target_semaphore(%run_scoped3A : memref<!tpu.dma_semaphore, #tpu.memory_space<semaphore_mem>>)
      %dma_wait3A_402 = arith.constant 0 : i32
      %dma_wait3A_403 = tpu.memref_slice %arg6[%add3A_42, %dma_wait3A_402] : memref<10000x128xbf16, #tpu.memory_space<vmem_shared>> -> memref<25x128xbf16, #tpu.memory_space<vmem_shared>>
      %dma_wait3A_404 = arith.constant 0 : i32
      %dma_wait3A_405 = tpu.memref_slice %arg6[%add3A_42, %dma_wait3A_404] : memref<10000x128xbf16, #tpu.memory_space<vmem_shared>> -> memref<25x128xbf16, #tpu.memory_space<vmem_shared>>
      tpu.wait_dma2 semaphore(%run_scoped3A : memref<!tpu.dma_semaphore, #tpu.memory_space<semaphore_mem>>) src(%arg9 : memref<25x128xbf16, #tpu.memory_space<vmem>>) dst(%dma_wait3A_405 : memref<25x128xbf16, #tpu.memory_space<vmem_shared>>)
      tpu.yield
    }) : () -> ()
    %add3A_43 = arith.constant 475 : i32
    %add3A_44 = arith.addi %mul3A_0, %add3A_43 : i32
    "tpu.region"() ({
      %run_scoped3A = tpu.sem_alloc : memref<!tpu.dma_semaphore, #tpu.memory_space<semaphore_mem>>
      %dma_start3A_398 = arith.constant 0 : i32
      %dma_start3A_399 = tpu.memref_slice %arg6[%add3A_44, %dma_start3A_398] : memref<10000x128xbf16, #tpu.memory_space<vmem_shared>> -> memref<25x128xbf16, #tpu.memory_space<vmem_shared>>
      %dma_start3A_400 = arith.constant 0 : i32
      %dma_start3A_401 = tpu.memref_slice %arg6[%add3A_44, %dma_start3A_400] : memref<10000x128xbf16, #tpu.memory_space<vmem_shared>> -> memref<25x128xbf16, #tpu.memory_space<vmem_shared>>
      tpu.enqueue_dma source(%arg9 : memref<25x128xbf16, #tpu.memory_space<vmem>>) target(%dma_start3A_401 : memref<25x128xbf16, #tpu.memory_space<vmem_shared>>) target_semaphore(%run_scoped3A : memref<!tpu.dma_semaphore, #tpu.memory_space<semaphore_mem>>)
      %dma_wait3A_402 = arith.constant 0 : i32
      %dma_wait3A_403 = tpu.memref_slice %arg6[%add3A_44, %dma_wait3A_402] : memref<10000x128xbf16, #tpu.memory_space<vmem_shared>> -> memref<25x128xbf16, #tpu.memory_space<vmem_shared>>
      %dma_wait3A_404 = arith.constant 0 : i32
      %dma_wait3A_405 = tpu.memref_slice %arg6[%add3A_44, %dma_wait3A_404] : memref<10000x128xbf16, #tpu.memory_space<vmem_shared>> -> memref<25x128xbf16, #tpu.memory_space<vmem_shared>>
      tpu.wait_dma2 semaphore(%run_scoped3A : memref<!tpu.dma_semaphore, #tpu.memory_space<semaphore_mem>>) src(%arg9 : memref<25x128xbf16, #tpu.memory_space<vmem>>) dst(%dma_wait3A_405 : memref<25x128xbf16, #tpu.memory_space<vmem_shared>>)
      tpu.yield
    }) : () -> ()
    %add3A_45 = arith.constant 500 : i32
    %add3A_46 = arith.addi %mul3A_0, %add3A_45 : i32
    "tpu.region"() ({
      %run_scoped3A = tpu.sem_alloc : memref<!tpu.dma_semaphore, #tpu.memory_space<semaphore_mem>>
      %dma_start3A_398 = arith.constant 0 : i32
      %dma_start3A_399 = tpu.memref_slice %arg6[%add3A_46, %dma_start3A_398] : memref<10000x128xbf16, #tpu.memory_space<vmem_shared>> -> memref<25x128xbf16, #tpu.memory_space<vmem_shared>>
      %dma_start3A_400 = arith.constant 0 : i32
      %dma_start3A_401 = tpu.memref_slice %arg6[%add3A_46, %dma_start3A_400] : memref<10000x128xbf16, #tpu.memory_space<vmem_shared>> -> memref<25x128xbf16, #tpu.memory_space<vmem_shared>>
      tpu.enqueue_dma source(%arg9 : memref<25x128xbf16, #tpu.memory_space<vmem>>) target(%dma_start3A_401 : memref<25x128xbf16, #tpu.memory_space<vmem_shared>>) target_semaphore(%run_scoped3A : memref<!tpu.dma_semaphore, #tpu.memory_space<semaphore_mem>>)
      %dma_wait3A_402 = arith.constant 0 : i32
      %dma_wait3A_403 = tpu.memref_slice %arg6[%add3A_46, %dma_wait3A_402] : memref<10000x128xbf16, #tpu.memory_space<vmem_shared>> -> memref<25x128xbf16, #tpu.memory_space<vmem_shared>>
      %dma_wait3A_404 = arith.constant 0 : i32
      %dma_wait3A_405 = tpu.memref_slice %arg6[%add3A_46, %dma_wait3A_404] : memref<10000x128xbf16, #tpu.memory_space<vmem_shared>> -> memref<25x128xbf16, #tpu.memory_space<vmem_shared>>
      tpu.wait_dma2 semaphore(%run_scoped3A : memref<!tpu.dma_semaphore, #tpu.memory_space<semaphore_mem>>) src(%arg9 : memref<25x128xbf16, #tpu.memory_space<vmem>>) dst(%dma_wait3A_405 : memref<25x128xbf16, #tpu.memory_space<vmem_shared>>)
      tpu.yield
    }) : () -> ()
    %add3A_47 = arith.constant 525 : i32
    %add3A_48 = arith.addi %mul3A_0, %add3A_47 : i32
    "tpu.region"() ({
      %run_scoped3A = tpu.sem_alloc : memref<!tpu.dma_semaphore, #tpu.memory_space<semaphore_mem>>
      %dma_start3A_398 = arith.constant 0 : i32
      %dma_start3A_399 = tpu.memref_slice %arg6[%add3A_48, %dma_start3A_398] : memref<10000x128xbf16, #tpu.memory_space<vmem_shared>> -> memref<25x128xbf16, #tpu.memory_space<vmem_shared>>
      %dma_start3A_400 = arith.constant 0 : i32
      %dma_start3A_401 = tpu.memref_slice %arg6[%add3A_48, %dma_start3A_400] : memref<10000x128xbf16, #tpu.memory_space<vmem_shared>> -> memref<25x128xbf16, #tpu.memory_space<vmem_shared>>
      tpu.enqueue_dma source(%arg9 : memref<25x128xbf16, #tpu.memory_space<vmem>>) target(%dma_start3A_401 : memref<25x128xbf16, #tpu.memory_space<vmem_shared>>) target_semaphore(%run_scoped3A : memref<!tpu.dma_semaphore, #tpu.memory_space<semaphore_mem>>)
      %dma_wait3A_402 = arith.constant 0 : i32
      %dma_wait3A_403 = tpu.memref_slice %arg6[%add3A_48, %dma_wait3A_402] : memref<10000x128xbf16, #tpu.memory_space<vmem_shared>> -> memref<25x128xbf16, #tpu.memory_space<vmem_shared>>
      %dma_wait3A_404 = arith.constant 0 : i32
      %dma_wait3A_405 = tpu.memref_slice %arg6[%add3A_48, %dma_wait3A_404] : memref<10000x128xbf16, #tpu.memory_space<vmem_shared>> -> memref<25x128xbf16, #tpu.memory_space<vmem_shared>>
      tpu.wait_dma2 semaphore(%run_scoped3A : memref<!tpu.dma_semaphore, #tpu.memory_space<semaphore_mem>>) src(%arg9 : memref<25x128xbf16, #tpu.memory_space<vmem>>) dst(%dma_wait3A_405 : memref<25x128xbf16, #tpu.memory_space<vmem_shared>>)
      tpu.yield
    }) : () -> ()
    %add3A_49 = arith.constant 550 : i32
    %add3A_50 = arith.addi %mul3A_0, %add3A_49 : i32
    "tpu.region"() ({
      %run_scoped3A = tpu.sem_alloc : memref<!tpu.dma_semaphore, #tpu.memory_space<semaphore_mem>>
      %dma_start3A_398 = arith.constant 0 : i32
      %dma_start3A_399 = tpu.memref_slice %arg6[%add3A_50, %dma_start3A_398] : memref<10000x128xbf16, #tpu.memory_space<vmem_shared>> -> memref<25x128xbf16, #tpu.memory_space<vmem_shared>>
      %dma_start3A_400 = arith.constant 0 : i32
      %dma_start3A_401 = tpu.memref_slice %arg6[%add3A_50, %dma_start3A_400] : memref<10000x128xbf16, #tpu.memory_space<vmem_shared>> -> memref<25x128xbf16, #tpu.memory_space<vmem_shared>>
      tpu.enqueue_dma source(%arg9 : memref<25x128xbf16, #tpu.memory_space<vmem>>) target(%dma_start3A_401 : memref<25x128xbf16, #tpu.memory_space<vmem_shared>>) target_semaphore(%run_scoped3A : memref<!tpu.dma_semaphore, #tpu.memory_space<semaphore_mem>>)
      %dma_wait3A_402 = arith.constant 0 : i32
      %dma_wait3A_403 = tpu.memref_slice %arg6[%add3A_50, %dma_wait3A_402] : memref<10000x128xbf16, #tpu.memory_space<vmem_shared>> -> memref<25x128xbf16, #tpu.memory_space<vmem_shared>>
      %dma_wait3A_404 = arith.constant 0 : i32
      %dma_wait3A_405 = tpu.memref_slice %arg6[%add3A_50, %dma_wait3A_404] : memref<10000x128xbf16, #tpu.memory_space<vmem_shared>> -> memref<25x128xbf16, #tpu.memory_space<vmem_shared>>
      tpu.wait_dma2 semaphore(%run_scoped3A : memref<!tpu.dma_semaphore, #tpu.memory_space<semaphore_mem>>) src(%arg9 : memref<25x128xbf16, #tpu.memory_space<vmem>>) dst(%dma_wait3A_405 : memref<25x128xbf16, #tpu.memory_space<vmem_shared>>)
      tpu.yield
    }) : () -> ()
    %add3A_51 = arith.constant 575 : i32
    %add3A_52 = arith.addi %mul3A_0, %add3A_51 : i32
    "tpu.region"() ({
      %run_scoped3A = tpu.sem_alloc : memref<!tpu.dma_semaphore, #tpu.memory_space<semaphore_mem>>
      %dma_start3A_398 = arith.constant 0 : i32
      %dma_start3A_399 = tpu.memref_slice %arg6[%add3A_52, %dma_start3A_398] : memref<10000x128xbf16, #tpu.memory_space<vmem_shared>> -> memref<25x128xbf16, #tpu.memory_space<vmem_shared>>
      %dma_start3A_400 = arith.constant 0 : i32
      %dma_start3A_401 = tpu.memref_slice %arg6[%add3A_52, %dma_start3A_400] : memref<10000x128xbf16, #tpu.memory_space<vmem_shared>> -> memref<25x128xbf16, #tpu.memory_space<vmem_shared>>
      tpu.enqueue_dma source(%arg9 : memref<25x128xbf16, #tpu.memory_space<vmem>>) target(%dma_start3A_401 : memref<25x128xbf16, #tpu.memory_space<vmem_shared>>) target_semaphore(%run_scoped3A : memref<!tpu.dma_semaphore, #tpu.memory_space<semaphore_mem>>)
      %dma_wait3A_402 = arith.constant 0 : i32
      %dma_wait3A_403 = tpu.memref_slice %arg6[%add3A_52, %dma_wait3A_402] : memref<10000x128xbf16, #tpu.memory_space<vmem_shared>> -> memref<25x128xbf16, #tpu.memory_space<vmem_shared>>
      %dma_wait3A_404 = arith.constant 0 : i32
      %dma_wait3A_405 = tpu.memref_slice %arg6[%add3A_52, %dma_wait3A_404] : memref<10000x128xbf16, #tpu.memory_space<vmem_shared>> -> memref<25x128xbf16, #tpu.memory_space<vmem_shared>>
      tpu.wait_dma2 semaphore(%run_scoped3A : memref<!tpu.dma_semaphore, #tpu.memory_space<semaphore_mem>>) src(%arg9 : memref<25x128xbf16, #tpu.memory_space<vmem>>) dst(%dma_wait3A_405 : memref<25x128xbf16, #tpu.memory_space<vmem_shared>>)
      tpu.yield
    }) : () -> ()
    %add3A_53 = arith.constant 600 : i32
    %add3A_54 = arith.addi %mul3A_0, %add3A_53 : i32
    "tpu.region"() ({
      %run_scoped3A = tpu.sem_alloc : memref<!tpu.dma_semaphore, #tpu.memory_space<semaphore_mem>>
      %dma_start3A_398 = arith.constant 0 : i32
      %dma_start3A_399 = tpu.memref_slice %arg6[%add3A_54, %dma_start3A_398] : memref<10000x128xbf16, #tpu.memory_space<vmem_shared>> -> memref<25x128xbf16, #tpu.memory_space<vmem_shared>>
      %dma_start3A_400 = arith.constant 0 : i32
      %dma_start3A_401 = tpu.memref_slice %arg6[%add3A_54, %dma_start3A_400] : memref<10000x128xbf16, #tpu.memory_space<vmem_shared>> -> memref<25x128xbf16, #tpu.memory_space<vmem_shared>>
      tpu.enqueue_dma source(%arg9 : memref<25x128xbf16, #tpu.memory_space<vmem>>) target(%dma_start3A_401 : memref<25x128xbf16, #tpu.memory_space<vmem_shared>>) target_semaphore(%run_scoped3A : memref<!tpu.dma_semaphore, #tpu.memory_space<semaphore_mem>>)
      %dma_wait3A_402 = arith.constant 0 : i32
      %dma_wait3A_403 = tpu.memref_slice %arg6[%add3A_54, %dma_wait3A_402] : memref<10000x128xbf16, #tpu.memory_space<vmem_shared>> -> memref<25x128xbf16, #tpu.memory_space<vmem_shared>>
      %dma_wait3A_404 = arith.constant 0 : i32
      %dma_wait3A_405 = tpu.memref_slice %arg6[%add3A_54, %dma_wait3A_404] : memref<10000x128xbf16, #tpu.memory_space<vmem_shared>> -> memref<25x128xbf16, #tpu.memory_space<vmem_shared>>
      tpu.wait_dma2 semaphore(%run_scoped3A : memref<!tpu.dma_semaphore, #tpu.memory_space<semaphore_mem>>) src(%arg9 : memref<25x128xbf16, #tpu.memory_space<vmem>>) dst(%dma_wait3A_405 : memref<25x128xbf16, #tpu.memory_space<vmem_shared>>)
      tpu.yield
    }) : () -> ()
    %barrier3A = arith.constant 0 : index
    tpu.barrier barrier_id(%barrier3A)
    %add3A_55 = arith.constant 0 : i32
    %add3A_56 = arith.addi %mul3A_4, %add3A_55 : i32
    %dma_start3A = arith.constant 0 : i32
    %dma_start3A_57 = arith.constant 0 : i32
    %dma_start3A_58 = arith.constant 0 : i32
    %dma_start3A_59 = arith.constant 0 : i32
    %dma_start3A_60 = tpu.memref_slice %arg7[%dma_start3A, %dma_start3A_58, %dma_start3A_59] : memref<8x2x80xi32, #tpu.memory_space<vmem>> -> memref<1x2x80xi32, #tpu.memory_space<vmem>>
    %dma_start3A_61 = tpu.memref_squeeze %dma_start3A_60 : memref<1x2x80xi32, #tpu.memory_space<vmem>> -> memref<2x80xi32, #tpu.memory_space<vmem>>
    %dma_start3A_62 = arith.constant 0 : i32
    %dma_start3A_63 = tpu.memref_slice %arg3[%dma_start3A_62, %add3A_56] : memref<2x320000xi32, #tpu.memory_space<hbm>> -> memref<2x80xi32, #tpu.memory_space<hbm>>
    %dma_start3A_64 = tpu.memref_slice %arg10[%dma_start3A_57] : memref<8x!tpu.dma_semaphore, #tpu.memory_space<semaphore_mem>> -> memref<1x!tpu.dma_semaphore, #tpu.memory_space<semaphore_mem>>
    %dma_start3A_65 = tpu.memref_squeeze %dma_start3A_64 : memref<1x!tpu.dma_semaphore, #tpu.memory_space<semaphore_mem>> -> memref<!tpu.dma_semaphore, #tpu.memory_space<semaphore_mem>>
    %dma_start3A_66 = arith.constant 0 : i32
    %dma_start3A_67 = arith.constant 0 : i32
    %dma_start3A_68 = tpu.memref_slice %arg7[%dma_start3A, %dma_start3A_66, %dma_start3A_67] : memref<8x2x80xi32, #tpu.memory_space<vmem>> -> memref<1x2x80xi32, #tpu.memory_space<vmem>>
    %dma_start3A_69 = tpu.memref_squeeze %dma_start3A_68 : memref<1x2x80xi32, #tpu.memory_space<vmem>> -> memref<2x80xi32, #tpu.memory_space<vmem>>
    %dma_start3A_70 = arith.constant 0 : i32
    %dma_start3A_71 = tpu.memref_slice %arg3[%dma_start3A_70, %add3A_56] : memref<2x320000xi32, #tpu.memory_space<hbm>> -> memref<2x80xi32, #tpu.memory_space<hbm>>
    tpu.enqueue_dma source(%dma_start3A_71 : memref<2x80xi32, #tpu.memory_space<hbm>>) target(%dma_start3A_69 : memref<2x80xi32, #tpu.memory_space<vmem>>) target_semaphore(%dma_start3A_65 : memref<!tpu.dma_semaphore, #tpu.memory_space<semaphore_mem>>)
    %add3A_72 = arith.constant 80 : i32
    %add3A_73 = arith.addi %mul3A_4, %add3A_72 : i32
    %dma_start3A_74 = arith.constant 1 : i32
    %dma_start3A_75 = arith.constant 1 : i32
    %dma_start3A_76 = arith.constant 0 : i32
    %dma_start3A_77 = arith.constant 0 : i32
    %dma_start3A_78 = tpu.memref_slice %arg7[%dma_start3A_74, %dma_start3A_76, %dma_start3A_77] : memref<8x2x80xi32, #tpu.memory_space<vmem>> -> memref<1x2x80xi32, #tpu.memory_space<vmem>>
    %dma_start3A_79 = tpu.memref_squeeze %dma_start3A_78 : memref<1x2x80xi32, #tpu.memory_space<vmem>> -> memref<2x80xi32, #tpu.memory_space<vmem>>
    %dma_start3A_80 = arith.constant 0 : i32
    %dma_start3A_81 = tpu.memref_slice %arg3[%dma_start3A_80, %add3A_73] : memref<2x320000xi32, #tpu.memory_space<hbm>> -> memref<2x80xi32, #tpu.memory_space<hbm>>
    %dma_start3A_82 = tpu.memref_slice %arg10[%dma_start3A_75] : memref<8x!tpu.dma_semaphore, #tpu.memory_space<semaphore_mem>> -> memref<1x!tpu.dma_semaphore, #tpu.memory_space<semaphore_mem>>
    %dma_start3A_83 = tpu.memref_squeeze %dma_start3A_82 : memref<1x!tpu.dma_semaphore, #tpu.memory_space<semaphore_mem>> -> memref<!tpu.dma_semaphore, #tpu.memory_space<semaphore_mem>>
    %dma_start3A_84 = arith.constant 0 : i32
    %dma_start3A_85 = arith.constant 0 : i32
    %dma_start3A_86 = tpu.memref_slice %arg7[%dma_start3A_74, %dma_start3A_84, %dma_start3A_85] : memref<8x2x80xi32, #tpu.memory_space<vmem>> -> memref<1x2x80xi32, #tpu.memory_space<vmem>>
    %dma_start3A_87 = tpu.memref_squeeze %dma_start3A_86 : memref<1x2x80xi32, #tpu.memory_space<vmem>> -> memref<2x80xi32, #tpu.memory_space<vmem>>
    %dma_start3A_88 = arith.constant 0 : i32
    %dma_start3A_89 = tpu.memref_slice %arg3[%dma_start3A_88, %add3A_73] : memref<2x320000xi32, #tpu.memory_space<hbm>> -> memref<2x80xi32, #tpu.memory_space<hbm>>
    tpu.enqueue_dma source(%dma_start3A_89 : memref<2x80xi32, #tpu.memory_space<hbm>>) target(%dma_start3A_87 : memref<2x80xi32, #tpu.memory_space<vmem>>) target_semaphore(%dma_start3A_83 : memref<!tpu.dma_semaphore, #tpu.memory_space<semaphore_mem>>)
    %add3A_90 = arith.constant 160 : i32
    %add3A_91 = arith.addi %mul3A_4, %add3A_90 : i32
    %dma_start3A_92 = arith.constant 2 : i32
    %dma_start3A_93 = arith.constant 2 : i32
    %dma_start3A_94 = arith.constant 0 : i32
    %dma_start3A_95 = arith.constant 0 : i32
    %dma_start3A_96 = tpu.memref_slice %arg7[%dma_start3A_92, %dma_start3A_94, %dma_start3A_95] : memref<8x2x80xi32, #tpu.memory_space<vmem>> -> memref<1x2x80xi32, #tpu.memory_space<vmem>>
    %dma_start3A_97 = tpu.memref_squeeze %dma_start3A_96 : memref<1x2x80xi32, #tpu.memory_space<vmem>> -> memref<2x80xi32, #tpu.memory_space<vmem>>
    %dma_start3A_98 = arith.constant 0 : i32
    %dma_start3A_99 = tpu.memref_slice %arg3[%dma_start3A_98, %add3A_91] : memref<2x320000xi32, #tpu.memory_space<hbm>> -> memref<2x80xi32, #tpu.memory_space<hbm>>
    %dma_start3A_100 = tpu.memref_slice %arg10[%dma_start3A_93] : memref<8x!tpu.dma_semaphore, #tpu.memory_space<semaphore_mem>> -> memref<1x!tpu.dma_semaphore, #tpu.memory_space<semaphore_mem>>
    %dma_start3A_101 = tpu.memref_squeeze %dma_start3A_100 : memref<1x!tpu.dma_semaphore, #tpu.memory_space<semaphore_mem>> -> memref<!tpu.dma_semaphore, #tpu.memory_space<semaphore_mem>>
    %dma_start3A_102 = arith.constant 0 : i32
    %dma_start3A_103 = arith.constant 0 : i32
    %dma_start3A_104 = tpu.memref_slice %arg7[%dma_start3A_92, %dma_start3A_102, %dma_start3A_103] : memref<8x2x80xi32, #tpu.memory_space<vmem>> -> memref<1x2x80xi32, #tpu.memory_space<vmem>>
    %dma_start3A_105 = tpu.memref_squeeze %dma_start3A_104 : memref<1x2x80xi32, #tpu.memory_space<vmem>> -> memref<2x80xi32, #tpu.memory_space<vmem>>
    %dma_start3A_106 = arith.constant 0 : i32
    %dma_start3A_107 = tpu.memref_slice %arg3[%dma_start3A_106, %add3A_91] : memref<2x320000xi32, #tpu.memory_space<hbm>> -> memref<2x80xi32, #tpu.memory_space<hbm>>
    tpu.enqueue_dma source(%dma_start3A_107 : memref<2x80xi32, #tpu.memory_space<hbm>>) target(%dma_start3A_105 : memref<2x80xi32, #tpu.memory_space<vmem>>) target_semaphore(%dma_start3A_101 : memref<!tpu.dma_semaphore, #tpu.memory_space<semaphore_mem>>)
    %add3A_108 = arith.constant 240 : i32
    %add3A_109 = arith.addi %mul3A_4, %add3A_108 : i32
    %dma_start3A_110 = arith.constant 3 : i32
    %dma_start3A_111 = arith.constant 3 : i32
    %dma_start3A_112 = arith.constant 0 : i32
    %dma_start3A_113 = arith.constant 0 : i32
    %dma_start3A_114 = tpu.memref_slice %arg7[%dma_start3A_110, %dma_start3A_112, %dma_start3A_113] : memref<8x2x80xi32, #tpu.memory_space<vmem>> -> memref<1x2x80xi32, #tpu.memory_space<vmem>>
    %dma_start3A_115 = tpu.memref_squeeze %dma_start3A_114 : memref<1x2x80xi32, #tpu.memory_space<vmem>> -> memref<2x80xi32, #tpu.memory_space<vmem>>
    %dma_start3A_116 = arith.constant 0 : i32
    %dma_start3A_117 = tpu.memref_slice %arg3[%dma_start3A_116, %add3A_109] : memref<2x320000xi32, #tpu.memory_space<hbm>> -> memref<2x80xi32, #tpu.memory_space<hbm>>
    %dma_start3A_118 = tpu.memref_slice %arg10[%dma_start3A_111] : memref<8x!tpu.dma_semaphore, #tpu.memory_space<semaphore_mem>> -> memref<1x!tpu.dma_semaphore, #tpu.memory_space<semaphore_mem>>
    %dma_start3A_119 = tpu.memref_squeeze %dma_start3A_118 : memref<1x!tpu.dma_semaphore, #tpu.memory_space<semaphore_mem>> -> memref<!tpu.dma_semaphore, #tpu.memory_space<semaphore_mem>>
    %dma_start3A_120 = arith.constant 0 : i32
    %dma_start3A_121 = arith.constant 0 : i32
    %dma_start3A_122 = tpu.memref_slice %arg7[%dma_start3A_110, %dma_start3A_120, %dma_start3A_121] : memref<8x2x80xi32, #tpu.memory_space<vmem>> -> memref<1x2x80xi32, #tpu.memory_space<vmem>>
    %dma_start3A_123 = tpu.memref_squeeze %dma_start3A_122 : memref<1x2x80xi32, #tpu.memory_space<vmem>> -> memref<2x80xi32, #tpu.memory_space<vmem>>
    %dma_start3A_124 = arith.constant 0 : i32
    %dma_start3A_125 = tpu.memref_slice %arg3[%dma_start3A_124, %add3A_109] : memref<2x320000xi32, #tpu.memory_space<hbm>> -> memref<2x80xi32, #tpu.memory_space<hbm>>
    tpu.enqueue_dma source(%dma_start3A_125 : memref<2x80xi32, #tpu.memory_space<hbm>>) target(%dma_start3A_123 : memref<2x80xi32, #tpu.memory_space<vmem>>) target_semaphore(%dma_start3A_119 : memref<!tpu.dma_semaphore, #tpu.memory_space<semaphore_mem>>)
    %add3A_126 = arith.constant 320 : i32
    %add3A_127 = arith.addi %mul3A_4, %add3A_126 : i32
    %dma_start3A_128 = arith.constant 4 : i32
    %dma_start3A_129 = arith.constant 4 : i32
    %dma_start3A_130 = arith.constant 0 : i32
    %dma_start3A_131 = arith.constant 0 : i32
    %dma_start3A_132 = tpu.memref_slice %arg7[%dma_start3A_128, %dma_start3A_130, %dma_start3A_131] : memref<8x2x80xi32, #tpu.memory_space<vmem>> -> memref<1x2x80xi32, #tpu.memory_space<vmem>>
    %dma_start3A_133 = tpu.memref_squeeze %dma_start3A_132 : memref<1x2x80xi32, #tpu.memory_space<vmem>> -> memref<2x80xi32, #tpu.memory_space<vmem>>
    %dma_start3A_134 = arith.constant 0 : i32
    %dma_start3A_135 = tpu.memref_slice %arg3[%dma_start3A_134, %add3A_127] : memref<2x320000xi32, #tpu.memory_space<hbm>> -> memref<2x80xi32, #tpu.memory_space<hbm>>
    %dma_start3A_136 = tpu.memref_slice %arg10[%dma_start3A_129] : memref<8x!tpu.dma_semaphore, #tpu.memory_space<semaphore_mem>> -> memref<1x!tpu.dma_semaphore, #tpu.memory_space<semaphore_mem>>
    %dma_start3A_137 = tpu.memref_squeeze %dma_start3A_136 : memref<1x!tpu.dma_semaphore, #tpu.memory_space<semaphore_mem>> -> memref<!tpu.dma_semaphore, #tpu.memory_space<semaphore_mem>>
    %dma_start3A_138 = arith.constant 0 : i32
    %dma_start3A_139 = arith.constant 0 : i32
    %dma_start3A_140 = tpu.memref_slice %arg7[%dma_start3A_128, %dma_start3A_138, %dma_start3A_139] : memref<8x2x80xi32, #tpu.memory_space<vmem>> -> memref<1x2x80xi32, #tpu.memory_space<vmem>>
    %dma_start3A_141 = tpu.memref_squeeze %dma_start3A_140 : memref<1x2x80xi32, #tpu.memory_space<vmem>> -> memref<2x80xi32, #tpu.memory_space<vmem>>
    %dma_start3A_142 = arith.constant 0 : i32
    %dma_start3A_143 = tpu.memref_slice %arg3[%dma_start3A_142, %add3A_127] : memref<2x320000xi32, #tpu.memory_space<hbm>> -> memref<2x80xi32, #tpu.memory_space<hbm>>
    tpu.enqueue_dma source(%dma_start3A_143 : memref<2x80xi32, #tpu.memory_space<hbm>>) target(%dma_start3A_141 : memref<2x80xi32, #tpu.memory_space<vmem>>) target_semaphore(%dma_start3A_137 : memref<!tpu.dma_semaphore, #tpu.memory_space<semaphore_mem>>)
    %add3A_144 = arith.constant 400 : i32
    %add3A_145 = arith.addi %mul3A_4, %add3A_144 : i32
    %dma_start3A_146 = arith.constant 5 : i32
    %dma_start3A_147 = arith.constant 5 : i32
    %dma_start3A_148 = arith.constant 0 : i32
    %dma_start3A_149 = arith.constant 0 : i32
    %dma_start3A_150 = tpu.memref_slice %arg7[%dma_start3A_146, %dma_start3A_148, %dma_start3A_149] : memref<8x2x80xi32, #tpu.memory_space<vmem>> -> memref<1x2x80xi32, #tpu.memory_space<vmem>>
    %dma_start3A_151 = tpu.memref_squeeze %dma_start3A_150 : memref<1x2x80xi32, #tpu.memory_space<vmem>> -> memref<2x80xi32, #tpu.memory_space<vmem>>
    %dma_start3A_152 = arith.constant 0 : i32
    %dma_start3A_153 = tpu.memref_slice %arg3[%dma_start3A_152, %add3A_145] : memref<2x320000xi32, #tpu.memory_space<hbm>> -> memref<2x80xi32, #tpu.memory_space<hbm>>
    %dma_start3A_154 = tpu.memref_slice %arg10[%dma_start3A_147] : memref<8x!tpu.dma_semaphore, #tpu.memory_space<semaphore_mem>> -> memref<1x!tpu.dma_semaphore, #tpu.memory_space<semaphore_mem>>
    %dma_start3A_155 = tpu.memref_squeeze %dma_start3A_154 : memref<1x!tpu.dma_semaphore, #tpu.memory_space<semaphore_mem>> -> memref<!tpu.dma_semaphore, #tpu.memory_space<semaphore_mem>>
    %dma_start3A_156 = arith.constant 0 : i32
    %dma_start3A_157 = arith.constant 0 : i32
    %dma_start3A_158 = tpu.memref_slice %arg7[%dma_start3A_146, %dma_start3A_156, %dma_start3A_157] : memref<8x2x80xi32, #tpu.memory_space<vmem>> -> memref<1x2x80xi32, #tpu.memory_space<vmem>>
    %dma_start3A_159 = tpu.memref_squeeze %dma_start3A_158 : memref<1x2x80xi32, #tpu.memory_space<vmem>> -> memref<2x80xi32, #tpu.memory_space<vmem>>
    %dma_start3A_160 = arith.constant 0 : i32
    %dma_start3A_161 = tpu.memref_slice %arg3[%dma_start3A_160, %add3A_145] : memref<2x320000xi32, #tpu.memory_space<hbm>> -> memref<2x80xi32, #tpu.memory_space<hbm>>
    tpu.enqueue_dma source(%dma_start3A_161 : memref<2x80xi32, #tpu.memory_space<hbm>>) target(%dma_start3A_159 : memref<2x80xi32, #tpu.memory_space<vmem>>) target_semaphore(%dma_start3A_155 : memref<!tpu.dma_semaphore, #tpu.memory_space<semaphore_mem>>)
    %add3A_162 = arith.constant 0 : i32
    %add3A_163 = arith.addi %mul3A_4, %add3A_162 : i32
    %dma_wait3A = arith.constant 0 : i32
    %dma_wait3A_164 = arith.constant 0 : i32
    %dma_wait3A_165 = arith.constant 0 : i32
    %dma_wait3A_166 = arith.constant 0 : i32
    %dma_wait3A_167 = tpu.memref_slice %arg7[%dma_wait3A, %dma_wait3A_165, %dma_wait3A_166] : memref<8x2x80xi32, #tpu.memory_space<vmem>> -> memref<1x2x80xi32, #tpu.memory_space<vmem>>
    %dma_wait3A_168 = tpu.memref_squeeze %dma_wait3A_167 : memref<1x2x80xi32, #tpu.memory_space<vmem>> -> memref<2x80xi32, #tpu.memory_space<vmem>>
    %dma_wait3A_169 = arith.constant 0 : i32
    %dma_wait3A_170 = tpu.memref_slice %arg3[%dma_wait3A_169, %add3A_163] : memref<2x320000xi32, #tpu.memory_space<hbm>> -> memref<2x80xi32, #tpu.memory_space<hbm>>
    %dma_wait3A_171 = tpu.memref_slice %arg10[%dma_wait3A_164] : memref<8x!tpu.dma_semaphore, #tpu.memory_space<semaphore_mem>> -> memref<1x!tpu.dma_semaphore, #tpu.memory_space<semaphore_mem>>
    %dma_wait3A_172 = tpu.memref_squeeze %dma_wait3A_171 : memref<1x!tpu.dma_semaphore, #tpu.memory_space<semaphore_mem>> -> memref<!tpu.dma_semaphore, #tpu.memory_space<semaphore_mem>>
    %dma_wait3A_173 = arith.constant 0 : i32
    %dma_wait3A_174 = arith.constant 0 : i32
    %dma_wait3A_175 = tpu.memref_slice %arg7[%dma_wait3A, %dma_wait3A_173, %dma_wait3A_174] : memref<8x2x80xi32, #tpu.memory_space<vmem>> -> memref<1x2x80xi32, #tpu.memory_space<vmem>>
    %dma_wait3A_176 = tpu.memref_squeeze %dma_wait3A_175 : memref<1x2x80xi32, #tpu.memory_space<vmem>> -> memref<2x80xi32, #tpu.memory_space<vmem>>
    %dma_wait3A_177 = arith.constant 0 : i32
    %dma_wait3A_178 = tpu.memref_slice %arg3[%dma_wait3A_177, %add3A_163] : memref<2x320000xi32, #tpu.memory_space<hbm>> -> memref<2x80xi32, #tpu.memory_space<hbm>>
    tpu.wait_dma2 semaphore(%dma_wait3A_172 : memref<!tpu.dma_semaphore, #tpu.memory_space<semaphore_mem>>) src(%dma_wait3A_178 : memref<2x80xi32, #tpu.memory_space<hbm>>) dst(%dma_wait3A_176 : memref<2x80xi32, #tpu.memory_space<vmem>>)
    %dma_start3A_179 = arith.constant 0 : i32
    %dma_start3A_180 = arith.constant 0 : i32
    %dma_start3A_181 = arith.constant 0 : i32
    %dma_start3A_182 = arith.constant 0 : i32
    %dma_start3A_183 = arith.constant 0 : i32
    %dma_start3A_184 = arith.constant 0 : i32
    %dma_start3A_185 = tpu.memref_slice %arg8[%dma_start3A_181, %dma_start3A_183, %dma_start3A_184] : memref<8x80x128xbf16, #tpu.memory_space<vmem>> -> memref<1x80x128xbf16, #tpu.memory_space<vmem>>
    %dma_start3A_186 = tpu.memref_squeeze %dma_start3A_185 : memref<1x80x128xbf16, #tpu.memory_space<vmem>> -> memref<80x128xbf16, #tpu.memory_space<vmem>>
    %dma_start3A_187 = arith.constant 0 : i32
    %dma_start3A_188 = tpu.memref_slice %arg7[%dma_start3A_179, %dma_start3A_180, %dma_start3A_187] : memref<8x2x80xi32, #tpu.memory_space<vmem>> -> memref<1x1x80xi32, #tpu.memory_space<vmem>>
    %dma_start3A_189 = tpu.memref_squeeze %dma_start3A_188 : memref<1x1x80xi32, #tpu.memory_space<vmem>> -> memref<80xi32, #tpu.memory_space<vmem>>
    %dma_start3A_190 = arith.constant 0 : i32
    %dma_start3A_191 = arith.constant 0 : i32
    %dma_start3A_192 = tpu.memref_slice %arg2[%dma_start3A_190, %dma_start3A_191] : memref<10000x128xbf16, #tpu.memory_space<hbm>> -> memref<10000x128xbf16, #tpu.memory_space<hbm>>
    %dma_start3A_193 = tpu.memref_slice %arg11[%dma_start3A_182] : memref<8x!tpu.dma_semaphore, #tpu.memory_space<semaphore_mem>> -> memref<1x!tpu.dma_semaphore, #tpu.memory_space<semaphore_mem>>
    %dma_start3A_194 = tpu.memref_squeeze %dma_start3A_193 : memref<1x!tpu.dma_semaphore, #tpu.memory_space<semaphore_mem>> -> memref<!tpu.dma_semaphore, #tpu.memory_space<semaphore_mem>>
    tpu.enqueue_indirect_dma source(%dma_start3A_192 : memref<10000x128xbf16, #tpu.memory_space<hbm>>) target(%dma_start3A_186 : memref<80x128xbf16, #tpu.memory_space<vmem>>) offsets(%dma_start3A_189 : memref<80xi32, #tpu.memory_space<vmem>>) semaphore(%dma_start3A_194 : memref<!tpu.dma_semaphore, #tpu.memory_space<semaphore_mem>>)
    %add3A_195 = arith.constant 0 : i32
    %add3A_196 = arith.addi %mul3A_4, %add3A_195 : i32
    %dma_wait3A_197 = arith.constant 1 : i32
    %dma_wait3A_198 = arith.constant 1 : i32
    %dma_wait3A_199 = arith.constant 0 : i32
    %dma_wait3A_200 = arith.constant 0 : i32
    %dma_wait3A_201 = tpu.memref_slice %arg7[%dma_wait3A_197, %dma_wait3A_199, %dma_wait3A_200] : memref<8x2x80xi32, #tpu.memory_space<vmem>> -> memref<1x2x80xi32, #tpu.memory_space<vmem>>
    %dma_wait3A_202 = tpu.memref_squeeze %dma_wait3A_201 : memref<1x2x80xi32, #tpu.memory_space<vmem>> -> memref<2x80xi32, #tpu.memory_space<vmem>>
    %dma_wait3A_203 = arith.constant 0 : i32
    %dma_wait3A_204 = tpu.memref_slice %arg3[%dma_wait3A_203, %add3A_196] : memref<2x320000xi32, #tpu.memory_space<hbm>> -> memref<2x80xi32, #tpu.memory_space<hbm>>
    %dma_wait3A_205 = tpu.memref_slice %arg10[%dma_wait3A_198] : memref<8x!tpu.dma_semaphore, #tpu.memory_space<semaphore_mem>> -> memref<1x!tpu.dma_semaphore, #tpu.memory_space<semaphore_mem>>
    %dma_wait3A_206 = tpu.memref_squeeze %dma_wait3A_205 : memref<1x!tpu.dma_semaphore, #tpu.memory_space<semaphore_mem>> -> memref<!tpu.dma_semaphore, #tpu.memory_space<semaphore_mem>>
    %dma_wait3A_207 = arith.constant 0 : i32
    %dma_wait3A_208 = arith.constant 0 : i32
    %dma_wait3A_209 = tpu.memref_slice %arg7[%dma_wait3A_197, %dma_wait3A_207, %dma_wait3A_208] : memref<8x2x80xi32, #tpu.memory_space<vmem>> -> memref<1x2x80xi32, #tpu.memory_space<vmem>>
    %dma_wait3A_210 = tpu.memref_squeeze %dma_wait3A_209 : memref<1x2x80xi32, #tpu.memory_space<vmem>> -> memref<2x80xi32, #tpu.memory_space<vmem>>
    %dma_wait3A_211 = arith.constant 0 : i32
    %dma_wait3A_212 = tpu.memref_slice %arg3[%dma_wait3A_211, %add3A_196] : memref<2x320000xi32, #tpu.memory_space<hbm>> -> memref<2x80xi32, #tpu.memory_space<hbm>>
    tpu.wait_dma2 semaphore(%dma_wait3A_206 : memref<!tpu.dma_semaphore, #tpu.memory_space<semaphore_mem>>) src(%dma_wait3A_212 : memref<2x80xi32, #tpu.memory_space<hbm>>) dst(%dma_wait3A_210 : memref<2x80xi32, #tpu.memory_space<vmem>>)
    %dma_start3A_213 = arith.constant 1 : i32
    %dma_start3A_214 = arith.constant 0 : i32
    %dma_start3A_215 = arith.constant 1 : i32
    %dma_start3A_216 = arith.constant 1 : i32
    %dma_start3A_217 = arith.constant 0 : i32
    %dma_start3A_218 = arith.constant 0 : i32
    %dma_start3A_219 = tpu.memref_slice %arg8[%dma_start3A_215, %dma_start3A_217, %dma_start3A_218] : memref<8x80x128xbf16, #tpu.memory_space<vmem>> -> memref<1x80x128xbf16, #tpu.memory_space<vmem>>
    %dma_start3A_220 = tpu.memref_squeeze %dma_start3A_219 : memref<1x80x128xbf16, #tpu.memory_space<vmem>> -> memref<80x128xbf16, #tpu.memory_space<vmem>>
    %dma_start3A_221 = arith.constant 0 : i32
    %dma_start3A_222 = tpu.memref_slice %arg7[%dma_start3A_213, %dma_start3A_214, %dma_start3A_221] : memref<8x2x80xi32, #tpu.memory_space<vmem>> -> memref<1x1x80xi32, #tpu.memory_space<vmem>>
    %dma_start3A_223 = tpu.memref_squeeze %dma_start3A_222 : memref<1x1x80xi32, #tpu.memory_space<vmem>> -> memref<80xi32, #tpu.memory_space<vmem>>
    %dma_start3A_224 = arith.constant 0 : i32
    %dma_start3A_225 = arith.constant 0 : i32
    %dma_start3A_226 = tpu.memref_slice %arg2[%dma_start3A_224, %dma_start3A_225] : memref<10000x128xbf16, #tpu.memory_space<hbm>> -> memref<10000x128xbf16, #tpu.memory_space<hbm>>
    %dma_start3A_227 = tpu.memref_slice %arg11[%dma_start3A_216] : memref<8x!tpu.dma_semaphore, #tpu.memory_space<semaphore_mem>> -> memref<1x!tpu.dma_semaphore, #tpu.memory_space<semaphore_mem>>
    %dma_start3A_228 = tpu.memref_squeeze %dma_start3A_227 : memref<1x!tpu.dma_semaphore, #tpu.memory_space<semaphore_mem>> -> memref<!tpu.dma_semaphore, #tpu.memory_space<semaphore_mem>>
    tpu.enqueue_indirect_dma source(%dma_start3A_226 : memref<10000x128xbf16, #tpu.memory_space<hbm>>) target(%dma_start3A_220 : memref<80x128xbf16, #tpu.memory_space<vmem>>) offsets(%dma_start3A_223 : memref<80xi32, #tpu.memory_space<vmem>>) semaphore(%dma_start3A_228 : memref<!tpu.dma_semaphore, #tpu.memory_space<semaphore_mem>>)
    %add3A_229 = arith.constant 0 : i32
    %add3A_230 = arith.addi %mul3A_4, %add3A_229 : i32
    %dma_wait3A_231 = arith.constant 2 : i32
    %dma_wait3A_232 = arith.constant 2 : i32
    %dma_wait3A_233 = arith.constant 0 : i32
    %dma_wait3A_234 = arith.constant 0 : i32
    %dma_wait3A_235 = tpu.memref_slice %arg7[%dma_wait3A_231, %dma_wait3A_233, %dma_wait3A_234] : memref<8x2x80xi32, #tpu.memory_space<vmem>> -> memref<1x2x80xi32, #tpu.memory_space<vmem>>
    %dma_wait3A_236 = tpu.memref_squeeze %dma_wait3A_235 : memref<1x2x80xi32, #tpu.memory_space<vmem>> -> memref<2x80xi32, #tpu.memory_space<vmem>>
    %dma_wait3A_237 = arith.constant 0 : i32
    %dma_wait3A_238 = tpu.memref_slice %arg3[%dma_wait3A_237, %add3A_230] : memref<2x320000xi32, #tpu.memory_space<hbm>> -> memref<2x80xi32, #tpu.memory_space<hbm>>
    %dma_wait3A_239 = tpu.memref_slice %arg10[%dma_wait3A_232] : memref<8x!tpu.dma_semaphore, #tpu.memory_space<semaphore_mem>> -> memref<1x!tpu.dma_semaphore, #tpu.memory_space<semaphore_mem>>
    %dma_wait3A_240 = tpu.memref_squeeze %dma_wait3A_239 : memref<1x!tpu.dma_semaphore, #tpu.memory_space<semaphore_mem>> -> memref<!tpu.dma_semaphore, #tpu.memory_space<semaphore_mem>>
    %dma_wait3A_241 = arith.constant 0 : i32
    %dma_wait3A_242 = arith.constant 0 : i32
    %dma_wait3A_243 = tpu.memref_slice %arg7[%dma_wait3A_231, %dma_wait3A_241, %dma_wait3A_242] : memref<8x2x80xi32, #tpu.memory_space<vmem>> -> memref<1x2x80xi32, #tpu.memory_space<vmem>>
    %dma_wait3A_244 = tpu.memref_squeeze %dma_wait3A_243 : memref<1x2x80xi32, #tpu.memory_space<vmem>> -> memref<2x80xi32, #tpu.memory_space<vmem>>
    %dma_wait3A_245 = arith.constant 0 : i32
    %dma_wait3A_246 = tpu.memref_slice %arg3[%dma_wait3A_245, %add3A_230] : memref<2x320000xi32, #tpu.memory_space<hbm>> -> memref<2x80xi32, #tpu.memory_space<hbm>>
    tpu.wait_dma2 semaphore(%dma_wait3A_240 : memref<!tpu.dma_semaphore, #tpu.memory_space<semaphore_mem>>) src(%dma_wait3A_246 : memref<2x80xi32, #tpu.memory_space<hbm>>) dst(%dma_wait3A_244 : memref<2x80xi32, #tpu.memory_space<vmem>>)
    %dma_start3A_247 = arith.constant 2 : i32
    %dma_start3A_248 = arith.constant 0 : i32
    %dma_start3A_249 = arith.constant 2 : i32
    %dma_start3A_250 = arith.constant 2 : i32
    %dma_start3A_251 = arith.constant 0 : i32
    %dma_start3A_252 = arith.constant 0 : i32
    %dma_start3A_253 = tpu.memref_slice %arg8[%dma_start3A_249, %dma_start3A_251, %dma_start3A_252] : memref<8x80x128xbf16, #tpu.memory_space<vmem>> -> memref<1x80x128xbf16, #tpu.memory_space<vmem>>
    %dma_start3A_254 = tpu.memref_squeeze %dma_start3A_253 : memref<1x80x128xbf16, #tpu.memory_space<vmem>> -> memref<80x128xbf16, #tpu.memory_space<vmem>>
    %dma_start3A_255 = arith.constant 0 : i32
    %dma_start3A_256 = tpu.memref_slice %arg7[%dma_start3A_247, %dma_start3A_248, %dma_start3A_255] : memref<8x2x80xi32, #tpu.memory_space<vmem>> -> memref<1x1x80xi32, #tpu.memory_space<vmem>>
    %dma_start3A_257 = tpu.memref_squeeze %dma_start3A_256 : memref<1x1x80xi32, #tpu.memory_space<vmem>> -> memref<80xi32, #tpu.memory_space<vmem>>
    %dma_start3A_258 = arith.constant 0 : i32
    %dma_start3A_259 = arith.constant 0 : i32
    %dma_start3A_260 = tpu.memref_slice %arg2[%dma_start3A_258, %dma_start3A_259] : memref<10000x128xbf16, #tpu.memory_space<hbm>> -> memref<10000x128xbf16, #tpu.memory_space<hbm>>
    %dma_start3A_261 = tpu.memref_slice %arg11[%dma_start3A_250] : memref<8x!tpu.dma_semaphore, #tpu.memory_space<semaphore_mem>> -> memref<1x!tpu.dma_semaphore, #tpu.memory_space<semaphore_mem>>
    %dma_start3A_262 = tpu.memref_squeeze %dma_start3A_261 : memref<1x!tpu.dma_semaphore, #tpu.memory_space<semaphore_mem>> -> memref<!tpu.dma_semaphore, #tpu.memory_space<semaphore_mem>>
    tpu.enqueue_indirect_dma source(%dma_start3A_260 : memref<10000x128xbf16, #tpu.memory_space<hbm>>) target(%dma_start3A_254 : memref<80x128xbf16, #tpu.memory_space<vmem>>) offsets(%dma_start3A_257 : memref<80xi32, #tpu.memory_space<vmem>>) semaphore(%dma_start3A_262 : memref<!tpu.dma_semaphore, #tpu.memory_space<semaphore_mem>>)
    %scan3A = arith.constant 0 : i32
    %scan3A_263 = arith.constant 0 : i32
    %scan3A_264 = arith.constant 125 : i32
    %scan3A_265 = arith.addi %scan3A_263, %scan3A_264 : i32
    %scan3A_266 = arith.constant 1 : i32
    %scan3A_267 = scf.for %scan3A_398 = %scan3A_263 to %scan3A_265 step %scan3A_266 iter_args(%scan3A_399 = %scan3A) -> (i32)  : i32 {
      %rem3A = arith.constant 8 : i32
      %rem3A_400 = arith.remsi %scan3A_398, %rem3A : i32
      %add3A_401 = arith.constant 3 : i32
      %add3A_402 = arith.addi %scan3A_398, %add3A_401 : i32
      %rem3A_403 = arith.constant 8 : i32
      %rem3A_404 = arith.remsi %add3A_402, %rem3A_403 : i32
      %add3A_405 = arith.constant 6 : i32
      %add3A_406 = arith.addi %scan3A_398, %add3A_405 : i32
      %rem3A_407 = arith.constant 8 : i32
      %rem3A_408 = arith.remsi %add3A_406, %rem3A_407 : i32
      %dma_wait3A_409 = arith.constant 0 : i32
      %dma_wait3A_410 = arith.constant 0 : i32
      %dma_wait3A_411 = arith.constant 0 : i32
      %dma_wait3A_412 = tpu.memref_slice %arg8[%rem3A_400, %dma_wait3A_410, %dma_wait3A_411] : memref<8x80x128xbf16, #tpu.memory_space<vmem>> -> memref<1x80x128xbf16, #tpu.memory_space<vmem>>
      %dma_wait3A_413 = tpu.memref_squeeze %dma_wait3A_412 : memref<1x80x128xbf16, #tpu.memory_space<vmem>> -> memref<80x128xbf16, #tpu.memory_space<vmem>>
      %dma_wait3A_414 = arith.constant 0 : i32
      %dma_wait3A_415 = tpu.memref_slice %arg7[%rem3A_400, %dma_wait3A_409, %dma_wait3A_414] : memref<8x2x80xi32, #tpu.memory_space<vmem>> -> memref<1x1x80xi32, #tpu.memory_space<vmem>>
      %dma_wait3A_416 = tpu.memref_squeeze %dma_wait3A_415 : memref<1x1x80xi32, #tpu.memory_space<vmem>> -> memref<80xi32, #tpu.memory_space<vmem>>
      %dma_wait3A_417 = arith.constant 0 : i32
      %dma_wait3A_418 = arith.constant 0 : i32
      %dma_wait3A_419 = tpu.memref_slice %arg2[%dma_wait3A_417, %dma_wait3A_418] : memref<10000x128xbf16, #tpu.memory_space<hbm>> -> memref<10000x128xbf16, #tpu.memory_space<hbm>>
      %dma_wait3A_420 = tpu.memref_slice %arg11[%rem3A_400] : memref<8x!tpu.dma_semaphore, #tpu.memory_space<semaphore_mem>> -> memref<1x!tpu.dma_semaphore, #tpu.memory_space<semaphore_mem>>
      %dma_wait3A_421 = tpu.memref_squeeze %dma_wait3A_420 : memref<1x!tpu.dma_semaphore, #tpu.memory_space<semaphore_mem>> -> memref<!tpu.dma_semaphore, #tpu.memory_space<semaphore_mem>>
      tpu.wait_indirect_dma semaphore(%dma_wait3A_421 : memref<!tpu.dma_semaphore, #tpu.memory_space<semaphore_mem>>) src(%dma_wait3A_419 : memref<10000x128xbf16, #tpu.memory_space<hbm>>) dst(%dma_wait3A_413 : memref<80x128xbf16, #tpu.memory_space<vmem>>)
      %dma_start3A_422 = arith.constant 1 : i32
      %dma_start3A_423 = arith.constant 0 : i32
      %dma_start3A_424 = arith.constant 0 : i32
      %dma_start3A_425 = tpu.memref_slice %arg8[%rem3A_400, %dma_start3A_423, %dma_start3A_424] : memref<8x80x128xbf16, #tpu.memory_space<vmem>> -> memref<1x80x128xbf16, #tpu.memory_space<vmem>>
      %dma_start3A_426 = tpu.memref_squeeze %dma_start3A_425 : memref<1x80x128xbf16, #tpu.memory_space<vmem>> -> memref<80x128xbf16, #tpu.memory_space<vmem>>
      %dma_start3A_427 = arith.constant 0 : i32
      %dma_start3A_428 = tpu.memref_slice %arg7[%rem3A_400, %dma_start3A_422, %dma_start3A_427] : memref<8x2x80xi32, #tpu.memory_space<vmem>> -> memref<1x1x80xi32, #tpu.memory_space<vmem>>
      %dma_start3A_429 = tpu.memref_squeeze %dma_start3A_428 : memref<1x1x80xi32, #tpu.memory_space<vmem>> -> memref<80xi32, #tpu.memory_space<vmem>>
      %dma_start3A_430 = arith.constant 0 : i32
      %dma_start3A_431 = arith.constant 0 : i32
      %dma_start3A_432 = tpu.memref_slice %arg6[%dma_start3A_430, %dma_start3A_431] : memref<10000x128xbf16, #tpu.memory_space<vmem_shared>> -> memref<10000x128xbf16, #tpu.memory_space<vmem_shared>>
      %dma_start3A_433 = tpu.memref_slice %arg12[%rem3A_400] : memref<8x!tpu.dma_semaphore, #tpu.memory_space<semaphore_mem>> -> memref<1x!tpu.dma_semaphore, #tpu.memory_space<semaphore_mem>>
      %dma_start3A_434 = tpu.memref_squeeze %dma_start3A_433 : memref<1x!tpu.dma_semaphore, #tpu.memory_space<semaphore_mem>> -> memref<!tpu.dma_semaphore, #tpu.memory_space<semaphore_mem>>
      tpu.enqueue_indirect_dma source(%dma_start3A_426 : memref<80x128xbf16, #tpu.memory_space<vmem>>) target(%dma_start3A_432 : memref<10000x128xbf16, #tpu.memory_space<vmem_shared>>) offsets(%dma_start3A_429 : memref<80xi32, #tpu.memory_space<vmem>>) semaphore(%dma_start3A_434 : memref<!tpu.dma_semaphore, #tpu.memory_space<semaphore_mem>>) {add = true}
      %add3A_435 = arith.constant 6 : i32
      %add3A_436 = arith.addi %scan3A_398, %add3A_435 : i32
      %lt3A = arith.constant 125 : i32
      %lt3A_437 = arith.cmpi slt, %add3A_436, %lt3A : i32
      %convert_element_type3A = arith.extui %lt3A_437 : i1 to i32
      %cond3A = arith.constant 0 : i32
      %cond3A_438 = arith.cmpi ne, %convert_element_type3A, %cond3A : i32
      scf.if %cond3A_438 {
        %add3A_447 = arith.constant 6 : i32
        %add3A_448 = arith.addi %scan3A_398, %add3A_447 : i32
        %ge3A = arith.constant 8 : i32
        %ge3A_449 = arith.cmpi sge, %add3A_448, %ge3A : i32
        %convert_element_type3A_450 = arith.extui %ge3A_449 : i1 to i32
        %cond3A_451 = arith.constant 0 : i32
        %cond3A_452 = arith.cmpi ne, %convert_element_type3A_450, %cond3A_451 : i32
        scf.if %cond3A_452 {
          %dma_wait3A_472 = arith.constant 1 : i32
          %dma_wait3A_473 = arith.constant 0 : i32
          %dma_wait3A_474 = arith.constant 0 : i32
          %dma_wait3A_475 = tpu.memref_slice %arg8[%rem3A_408, %dma_wait3A_473, %dma_wait3A_474] : memref<8x80x128xbf16, #tpu.memory_space<vmem>> -> memref<1x80x128xbf16, #tpu.memory_space<vmem>>
          %dma_wait3A_476 = tpu.memref_squeeze %dma_wait3A_475 : memref<1x80x128xbf16, #tpu.memory_space<vmem>> -> memref<80x128xbf16, #tpu.memory_space<vmem>>
          %dma_wait3A_477 = arith.constant 0 : i32
          %dma_wait3A_478 = tpu.memref_slice %arg7[%rem3A_408, %dma_wait3A_472, %dma_wait3A_477] : memref<8x2x80xi32, #tpu.memory_space<vmem>> -> memref<1x1x80xi32, #tpu.memory_space<vmem>>
          %dma_wait3A_479 = tpu.memref_squeeze %dma_wait3A_478 : memref<1x1x80xi32, #tpu.memory_space<vmem>> -> memref<80xi32, #tpu.memory_space<vmem>>
          %dma_wait3A_480 = arith.constant 0 : i32
          %dma_wait3A_481 = arith.constant 0 : i32
          %dma_wait3A_482 = tpu.memref_slice %arg6[%dma_wait3A_480, %dma_wait3A_481] : memref<10000x128xbf16, #tpu.memory_space<vmem_shared>> -> memref<10000x128xbf16, #tpu.memory_space<vmem_shared>>
          %dma_wait3A_483 = tpu.memref_slice %arg12[%rem3A_408] : memref<8x!tpu.dma_semaphore, #tpu.memory_space<semaphore_mem>> -> memref<1x!tpu.dma_semaphore, #tpu.memory_space<semaphore_mem>>
          %dma_wait3A_484 = tpu.memref_squeeze %dma_wait3A_483 : memref<1x!tpu.dma_semaphore, #tpu.memory_space<semaphore_mem>> -> memref<!tpu.dma_semaphore, #tpu.memory_space<semaphore_mem>>
          tpu.wait_indirect_dma semaphore(%dma_wait3A_484 : memref<!tpu.dma_semaphore, #tpu.memory_space<semaphore_mem>>) src(%dma_wait3A_476 : memref<80x128xbf16, #tpu.memory_space<vmem>>) dst(%dma_wait3A_482 : memref<10000x128xbf16, #tpu.memory_space<vmem_shared>>)
        } else {
        }
        %add3A_453 = arith.constant 6 : i32
        %add3A_454 = arith.addi %scan3A_398, %add3A_453 : i32
        %mul3A_455 = arith.constant 80 : i32
        %mul3A_456 = arith.muli %add3A_454, %mul3A_455 : i32
        %add3A_457 = arith.addi %mul3A_4, %mul3A_456 : i32
        %dma_start3A_458 = arith.constant 0 : i32
        %dma_start3A_459 = arith.constant 0 : i32
        %dma_start3A_460 = tpu.memref_slice %arg7[%rem3A_408, %dma_start3A_458, %dma_start3A_459] : memref<8x2x80xi32, #tpu.memory_space<vmem>> -> memref<1x2x80xi32, #tpu.memory_space<vmem>>
        %dma_start3A_461 = tpu.memref_squeeze %dma_start3A_460 : memref<1x2x80xi32, #tpu.memory_space<vmem>> -> memref<2x80xi32, #tpu.memory_space<vmem>>
        %dma_start3A_462 = arith.constant 0 : i32
        %dma_start3A_463 = tpu.memref_slice %arg3[%dma_start3A_462, %add3A_457] : memref<2x320000xi32, #tpu.memory_space<hbm>> -> memref<2x80xi32, #tpu.memory_space<hbm>>
        %dma_start3A_464 = tpu.memref_slice %arg10[%rem3A_408] : memref<8x!tpu.dma_semaphore, #tpu.memory_space<semaphore_mem>> -> memref<1x!tpu.dma_semaphore, #tpu.memory_space<semaphore_mem>>
        %dma_start3A_465 = tpu.memref_squeeze %dma_start3A_464 : memref<1x!tpu.dma_semaphore, #tpu.memory_space<semaphore_mem>> -> memref<!tpu.dma_semaphore, #tpu.memory_space<semaphore_mem>>
        %dma_start3A_466 = arith.constant 0 : i32
        %dma_start3A_467 = arith.constant 0 : i32
        %dma_start3A_468 = tpu.memref_slice %arg7[%rem3A_408, %dma_start3A_466, %dma_start3A_467] : memref<8x2x80xi32, #tpu.memory_space<vmem>> -> memref<1x2x80xi32, #tpu.memory_space<vmem>>
        %dma_start3A_469 = tpu.memref_squeeze %dma_start3A_468 : memref<1x2x80xi32, #tpu.memory_space<vmem>> -> memref<2x80xi32, #tpu.memory_space<vmem>>
        %dma_start3A_470 = arith.constant 0 : i32
        %dma_start3A_471 = tpu.memref_slice %arg3[%dma_start3A_470, %add3A_457] : memref<2x320000xi32, #tpu.memory_space<hbm>> -> memref<2x80xi32, #tpu.memory_space<hbm>>
        tpu.enqueue_dma source(%dma_start3A_471 : memref<2x80xi32, #tpu.memory_space<hbm>>) target(%dma_start3A_469 : memref<2x80xi32, #tpu.memory_space<vmem>>) target_semaphore(%dma_start3A_465 : memref<!tpu.dma_semaphore, #tpu.memory_space<semaphore_mem>>)
      } else {
      }
      %add3A_439 = arith.constant 3 : i32
      %add3A_440 = arith.addi %scan3A_398, %add3A_439 : i32
      %lt3A_441 = arith.constant 125 : i32
      %lt3A_442 = arith.cmpi slt, %add3A_440, %lt3A_441 : i32
      %convert_element_type3A_443 = arith.extui %lt3A_442 : i1 to i32
      %cond3A_444 = arith.constant 0 : i32
      %cond3A_445 = arith.cmpi ne, %convert_element_type3A_443, %cond3A_444 : i32
      scf.if %cond3A_445 {
        %add3A_447 = arith.constant 0 : i32
        %add3A_448 = arith.addi %mul3A_4, %add3A_447 : i32
        %dma_wait3A_449 = arith.constant 0 : i32
        %dma_wait3A_450 = arith.constant 0 : i32
        %dma_wait3A_451 = tpu.memref_slice %arg7[%rem3A_404, %dma_wait3A_449, %dma_wait3A_450] : memref<8x2x80xi32, #tpu.memory_space<vmem>> -> memref<1x2x80xi32, #tpu.memory_space<vmem>>
        %dma_wait3A_452 = tpu.memref_squeeze %dma_wait3A_451 : memref<1x2x80xi32, #tpu.memory_space<vmem>> -> memref<2x80xi32, #tpu.memory_space<vmem>>
        %dma_wait3A_453 = arith.constant 0 : i32
        %dma_wait3A_454 = tpu.memref_slice %arg3[%dma_wait3A_453, %add3A_448] : memref<2x320000xi32, #tpu.memory_space<hbm>> -> memref<2x80xi32, #tpu.memory_space<hbm>>
        %dma_wait3A_455 = tpu.memref_slice %arg10[%rem3A_404] : memref<8x!tpu.dma_semaphore, #tpu.memory_space<semaphore_mem>> -> memref<1x!tpu.dma_semaphore, #tpu.memory_space<semaphore_mem>>
        %dma_wait3A_456 = tpu.memref_squeeze %dma_wait3A_455 : memref<1x!tpu.dma_semaphore, #tpu.memory_space<semaphore_mem>> -> memref<!tpu.dma_semaphore, #tpu.memory_space<semaphore_mem>>
        %dma_wait3A_457 = arith.constant 0 : i32
        %dma_wait3A_458 = arith.constant 0 : i32
        %dma_wait3A_459 = tpu.memref_slice %arg7[%rem3A_404, %dma_wait3A_457, %dma_wait3A_458] : memref<8x2x80xi32, #tpu.memory_space<vmem>> -> memref<1x2x80xi32, #tpu.memory_space<vmem>>
        %dma_wait3A_460 = tpu.memref_squeeze %dma_wait3A_459 : memref<1x2x80xi32, #tpu.memory_space<vmem>> -> memref<2x80xi32, #tpu.memory_space<vmem>>
        %dma_wait3A_461 = arith.constant 0 : i32
        %dma_wait3A_462 = tpu.memref_slice %arg3[%dma_wait3A_461, %add3A_448] : memref<2x320000xi32, #tpu.memory_space<hbm>> -> memref<2x80xi32, #tpu.memory_space<hbm>>
        tpu.wait_dma2 semaphore(%dma_wait3A_456 : memref<!tpu.dma_semaphore, #tpu.memory_space<semaphore_mem>>) src(%dma_wait3A_462 : memref<2x80xi32, #tpu.memory_space<hbm>>) dst(%dma_wait3A_460 : memref<2x80xi32, #tpu.memory_space<vmem>>)
        %add3A_463 = arith.constant 3 : i32
        %add3A_464 = arith.addi %scan3A_398, %add3A_463 : i32
        %dma_start3A_465 = arith.constant 0 : i32
        %dma_start3A_466 = arith.constant 0 : i32
        %dma_start3A_467 = arith.constant 0 : i32
        %dma_start3A_468 = tpu.memref_slice %arg8[%rem3A_404, %dma_start3A_466, %dma_start3A_467] : memref<8x80x128xbf16, #tpu.memory_space<vmem>> -> memref<1x80x128xbf16, #tpu.memory_space<vmem>>
        %dma_start3A_469 = tpu.memref_squeeze %dma_start3A_468 : memref<1x80x128xbf16, #tpu.memory_space<vmem>> -> memref<80x128xbf16, #tpu.memory_space<vmem>>
        %dma_start3A_470 = arith.constant 0 : i32
        %dma_start3A_471 = tpu.memref_slice %arg7[%rem3A_404, %dma_start3A_465, %dma_start3A_470] : memref<8x2x80xi32, #tpu.memory_space<vmem>> -> memref<1x1x80xi32, #tpu.memory_space<vmem>>
        %dma_start3A_472 = tpu.memref_squeeze %dma_start3A_471 : memref<1x1x80xi32, #tpu.memory_space<vmem>> -> memref<80xi32, #tpu.memory_space<vmem>>
        %dma_start3A_473 = arith.constant 0 : i32
        %dma_start3A_474 = arith.constant 0 : i32
        %dma_start3A_475 = tpu.memref_slice %arg2[%dma_start3A_473, %dma_start3A_474] : memref<10000x128xbf16, #tpu.memory_space<hbm>> -> memref<10000x128xbf16, #tpu.memory_space<hbm>>
        %dma_start3A_476 = tpu.memref_slice %arg11[%rem3A_404] : memref<8x!tpu.dma_semaphore, #tpu.memory_space<semaphore_mem>> -> memref<1x!tpu.dma_semaphore, #tpu.memory_space<semaphore_mem>>
        %dma_start3A_477 = tpu.memref_squeeze %dma_start3A_476 : memref<1x!tpu.dma_semaphore, #tpu.memory_space<semaphore_mem>> -> memref<!tpu.dma_semaphore, #tpu.memory_space<semaphore_mem>>
        tpu.enqueue_indirect_dma source(%dma_start3A_475 : memref<10000x128xbf16, #tpu.memory_space<hbm>>) target(%dma_start3A_469 : memref<80x128xbf16, #tpu.memory_space<vmem>>) offsets(%dma_start3A_472 : memref<80xi32, #tpu.memory_space<vmem>>) semaphore(%dma_start3A_477 : memref<!tpu.dma_semaphore, #tpu.memory_space<semaphore_mem>>)
      } else {
      }
      %scan3A_446 = arith.constant 0 : i32
      scf.yield %scan3A_446 : i32
    }
    %scan3A_268 = arith.constant 125 : i32
    %dma_wait3A_269 = arith.constant 0 : i32
    %dma_wait3A_270 = arith.constant 0 : i32
    %dma_wait3A_271 = arith.constant 1 : i32
    %dma_wait3A_272 = arith.constant 0 : i32
    %dma_wait3A_273 = arith.constant 0 : i32
    %dma_wait3A_274 = arith.constant 0 : i32
    %dma_wait3A_275 = tpu.memref_slice %arg8[%dma_wait3A_269, %dma_wait3A_273, %dma_wait3A_274] : memref<8x80x128xbf16, #tpu.memory_space<vmem>> -> memref<1x80x128xbf16, #tpu.memory_space<vmem>>
    %dma_wait3A_276 = tpu.memref_squeeze %dma_wait3A_275 : memref<1x80x128xbf16, #tpu.memory_space<vmem>> -> memref<80x128xbf16, #tpu.memory_space<vmem>>
    %dma_wait3A_277 = arith.constant 0 : i32
    %dma_wait3A_278 = tpu.memref_slice %arg7[%dma_wait3A_270, %dma_wait3A_271, %dma_wait3A_277] : memref<8x2x80xi32, #tpu.memory_space<vmem>> -> memref<1x1x80xi32, #tpu.memory_space<vmem>>
    %dma_wait3A_279 = tpu.memref_squeeze %dma_wait3A_278 : memref<1x1x80xi32, #tpu.memory_space<vmem>> -> memref<80xi32, #tpu.memory_space<vmem>>
    %dma_wait3A_280 = arith.constant 0 : i32
    %dma_wait3A_281 = arith.constant 0 : i32
    %dma_wait3A_282 = tpu.memref_slice %arg6[%dma_wait3A_280, %dma_wait3A_281] : memref<10000x128xbf16, #tpu.memory_space<vmem_shared>> -> memref<10000x128xbf16, #tpu.memory_space<vmem_shared>>
    %dma_wait3A_283 = tpu.memref_slice %arg12[%dma_wait3A_272] : memref<8x!tpu.dma_semaphore, #tpu.memory_space<semaphore_mem>> -> memref<1x!tpu.dma_semaphore, #tpu.memory_space<semaphore_mem>>
    %dma_wait3A_284 = tpu.memref_squeeze %dma_wait3A_283 : memref<1x!tpu.dma_semaphore, #tpu.memory_space<semaphore_mem>> -> memref<!tpu.dma_semaphore, #tpu.memory_space<semaphore_mem>>
    tpu.wait_indirect_dma semaphore(%dma_wait3A_284 : memref<!tpu.dma_semaphore, #tpu.memory_space<semaphore_mem>>) src(%dma_wait3A_276 : memref<80x128xbf16, #tpu.memory_space<vmem>>) dst(%dma_wait3A_282 : memref<10000x128xbf16, #tpu.memory_space<vmem_shared>>)
    %dma_wait3A_285 = arith.constant 1 : i32
    %dma_wait3A_286 = arith.constant 1 : i32
    %dma_wait3A_287 = arith.constant 1 : i32
    %dma_wait3A_288 = arith.constant 1 : i32
    %dma_wait3A_289 = arith.constant 0 : i32
    %dma_wait3A_290 = arith.constant 0 : i32
    %dma_wait3A_291 = tpu.memref_slice %arg8[%dma_wait3A_285, %dma_wait3A_289, %dma_wait3A_290] : memref<8x80x128xbf16, #tpu.memory_space<vmem>> -> memref<1x80x128xbf16, #tpu.memory_space<vmem>>
    %dma_wait3A_292 = tpu.memref_squeeze %dma_wait3A_291 : memref<1x80x128xbf16, #tpu.memory_space<vmem>> -> memref<80x128xbf16, #tpu.memory_space<vmem>>
    %dma_wait3A_293 = arith.constant 0 : i32
    %dma_wait3A_294 = tpu.memref_slice %arg7[%dma_wait3A_286, %dma_wait3A_287, %dma_wait3A_293] : memref<8x2x80xi32, #tpu.memory_space<vmem>> -> memref<1x1x80xi32, #tpu.memory_space<vmem>>
    %dma_wait3A_295 = tpu.memref_squeeze %dma_wait3A_294 : memref<1x1x80xi32, #tpu.memory_space<vmem>> -> memref<80xi32, #tpu.memory_space<vmem>>
    %dma_wait3A_296 = arith.constant 0 : i32
    %dma_wait3A_297 = arith.constant 0 : i32
    %dma_wait3A_298 = tpu.memref_slice %arg6[%dma_wait3A_296, %dma_wait3A_297] : memref<10000x128xbf16, #tpu.memory_space<vmem_shared>> -> memref<10000x128xbf16, #tpu.memory_space<vmem_shared>>
    %dma_wait3A_299 = tpu.memref_slice %arg12[%dma_wait3A_288] : memref<8x!tpu.dma_semaphore, #tpu.memory_space<semaphore_mem>> -> memref<1x!tpu.dma_semaphore, #tpu.memory_space<semaphore_mem>>
    %dma_wait3A_300 = tpu.memref_squeeze %dma_wait3A_299 : memref<1x!tpu.dma_semaphore, #tpu.memory_space<semaphore_mem>> -> memref<!tpu.dma_semaphore, #tpu.memory_space<semaphore_mem>>
    tpu.wait_indirect_dma semaphore(%dma_wait3A_300 : memref<!tpu.dma_semaphore, #tpu.memory_space<semaphore_mem>>) src(%dma_wait3A_292 : memref<80x128xbf16, #tpu.memory_space<vmem>>) dst(%dma_wait3A_298 : memref<10000x128xbf16, #tpu.memory_space<vmem_shared>>)
    %dma_wait3A_301 = arith.constant 2 : i32
    %dma_wait3A_302 = arith.constant 2 : i32
    %dma_wait3A_303 = arith.constant 1 : i32
    %dma_wait3A_304 = arith.constant 2 : i32
    %dma_wait3A_305 = arith.constant 0 : i32
    %dma_wait3A_306 = arith.constant 0 : i32
    %dma_wait3A_307 = tpu.memref_slice %arg8[%dma_wait3A_301, %dma_wait3A_305, %dma_wait3A_306] : memref<8x80x128xbf16, #tpu.memory_space<vmem>> -> memref<1x80x128xbf16, #tpu.memory_space<vmem>>
    %dma_wait3A_308 = tpu.memref_squeeze %dma_wait3A_307 : memref<1x80x128xbf16, #tpu.memory_space<vmem>> -> memref<80x128xbf16, #tpu.memory_space<vmem>>
    %dma_wait3A_309 = arith.constant 0 : i32
    %dma_wait3A_310 = tpu.memref_slice %arg7[%dma_wait3A_302, %dma_wait3A_303, %dma_wait3A_309] : memref<8x2x80xi32, #tpu.memory_space<vmem>> -> memref<1x1x80xi32, #tpu.memory_space<vmem>>
    %dma_wait3A_311 = tpu.memref_squeeze %dma_wait3A_310 : memref<1x1x80xi32, #tpu.memory_space<vmem>> -> memref<80xi32, #tpu.memory_space<vmem>>
    %dma_wait3A_312 = arith.constant 0 : i32
    %dma_wait3A_313 = arith.constant 0 : i32
    %dma_wait3A_314 = tpu.memref_slice %arg6[%dma_wait3A_312, %dma_wait3A_313] : memref<10000x128xbf16, #tpu.memory_space<vmem_shared>> -> memref<10000x128xbf16, #tpu.memory_space<vmem_shared>>
    %dma_wait3A_315 = tpu.memref_slice %arg12[%dma_wait3A_304] : memref<8x!tpu.dma_semaphore, #tpu.memory_space<semaphore_mem>> -> memref<1x!tpu.dma_semaphore, #tpu.memory_space<semaphore_mem>>
    %dma_wait3A_316 = tpu.memref_squeeze %dma_wait3A_315 : memref<1x!tpu.dma_semaphore, #tpu.memory_space<semaphore_mem>> -> memref<!tpu.dma_semaphore, #tpu.memory_space<semaphore_mem>>
    tpu.wait_indirect_dma semaphore(%dma_wait3A_316 : memref<!tpu.dma_semaphore, #tpu.memory_space<semaphore_mem>>) src(%dma_wait3A_308 : memref<80x128xbf16, #tpu.memory_space<vmem>>) dst(%dma_wait3A_314 : memref<10000x128xbf16, #tpu.memory_space<vmem_shared>>)
    %dma_wait3A_317 = arith.constant 3 : i32
    %dma_wait3A_318 = arith.constant 3 : i32
    %dma_wait3A_319 = arith.constant 1 : i32
    %dma_wait3A_320 = arith.constant 3 : i32
    %dma_wait3A_321 = arith.constant 0 : i32
    %dma_wait3A_322 = arith.constant 0 : i32
    %dma_wait3A_323 = tpu.memref_slice %arg8[%dma_wait3A_317, %dma_wait3A_321, %dma_wait3A_322] : memref<8x80x128xbf16, #tpu.memory_space<vmem>> -> memref<1x80x128xbf16, #tpu.memory_space<vmem>>
    %dma_wait3A_324 = tpu.memref_squeeze %dma_wait3A_323 : memref<1x80x128xbf16, #tpu.memory_space<vmem>> -> memref<80x128xbf16, #tpu.memory_space<vmem>>
    %dma_wait3A_325 = arith.constant 0 : i32
    %dma_wait3A_326 = tpu.memref_slice %arg7[%dma_wait3A_318, %dma_wait3A_319, %dma_wait3A_325] : memref<8x2x80xi32, #tpu.memory_space<vmem>> -> memref<1x1x80xi32, #tpu.memory_space<vmem>>
    %dma_wait3A_327 = tpu.memref_squeeze %dma_wait3A_326 : memref<1x1x80xi32, #tpu.memory_space<vmem>> -> memref<80xi32, #tpu.memory_space<vmem>>
    %dma_wait3A_328 = arith.constant 0 : i32
    %dma_wait3A_329 = arith.constant 0 : i32
    %dma_wait3A_330 = tpu.memref_slice %arg6[%dma_wait3A_328, %dma_wait3A_329] : memref<10000x128xbf16, #tpu.memory_space<vmem_shared>> -> memref<10000x128xbf16, #tpu.memory_space<vmem_shared>>
    %dma_wait3A_331 = tpu.memref_slice %arg12[%dma_wait3A_320] : memref<8x!tpu.dma_semaphore, #tpu.memory_space<semaphore_mem>> -> memref<1x!tpu.dma_semaphore, #tpu.memory_space<semaphore_mem>>
    %dma_wait3A_332 = tpu.memref_squeeze %dma_wait3A_331 : memref<1x!tpu.dma_semaphore, #tpu.memory_space<semaphore_mem>> -> memref<!tpu.dma_semaphore, #tpu.memory_space<semaphore_mem>>
    tpu.wait_indirect_dma semaphore(%dma_wait3A_332 : memref<!tpu.dma_semaphore, #tpu.memory_space<semaphore_mem>>) src(%dma_wait3A_324 : memref<80x128xbf16, #tpu.memory_space<vmem>>) dst(%dma_wait3A_330 : memref<10000x128xbf16, #tpu.memory_space<vmem_shared>>)
    %dma_wait3A_333 = arith.constant 4 : i32
    %dma_wait3A_334 = arith.constant 4 : i32
    %dma_wait3A_335 = arith.constant 1 : i32
    %dma_wait3A_336 = arith.constant 4 : i32
    %dma_wait3A_337 = arith.constant 0 : i32
    %dma_wait3A_338 = arith.constant 0 : i32
    %dma_wait3A_339 = tpu.memref_slice %arg8[%dma_wait3A_333, %dma_wait3A_337, %dma_wait3A_338] : memref<8x80x128xbf16, #tpu.memory_space<vmem>> -> memref<1x80x128xbf16, #tpu.memory_space<vmem>>
    %dma_wait3A_340 = tpu.memref_squeeze %dma_wait3A_339 : memref<1x80x128xbf16, #tpu.memory_space<vmem>> -> memref<80x128xbf16, #tpu.memory_space<vmem>>
    %dma_wait3A_341 = arith.constant 0 : i32
    %dma_wait3A_342 = tpu.memref_slice %arg7[%dma_wait3A_334, %dma_wait3A_335, %dma_wait3A_341] : memref<8x2x80xi32, #tpu.memory_space<vmem>> -> memref<1x1x80xi32, #tpu.memory_space<vmem>>
    %dma_wait3A_343 = tpu.memref_squeeze %dma_wait3A_342 : memref<1x1x80xi32, #tpu.memory_space<vmem>> -> memref<80xi32, #tpu.memory_space<vmem>>
    %dma_wait3A_344 = arith.constant 0 : i32
    %dma_wait3A_345 = arith.constant 0 : i32
    %dma_wait3A_346 = tpu.memref_slice %arg6[%dma_wait3A_344, %dma_wait3A_345] : memref<10000x128xbf16, #tpu.memory_space<vmem_shared>> -> memref<10000x128xbf16, #tpu.memory_space<vmem_shared>>
    %dma_wait3A_347 = tpu.memref_slice %arg12[%dma_wait3A_336] : memref<8x!tpu.dma_semaphore, #tpu.memory_space<semaphore_mem>> -> memref<1x!tpu.dma_semaphore, #tpu.memory_space<semaphore_mem>>
    %dma_wait3A_348 = tpu.memref_squeeze %dma_wait3A_347 : memref<1x!tpu.dma_semaphore, #tpu.memory_space<semaphore_mem>> -> memref<!tpu.dma_semaphore, #tpu.memory_space<semaphore_mem>>
    tpu.wait_indirect_dma semaphore(%dma_wait3A_348 : memref<!tpu.dma_semaphore, #tpu.memory_space<semaphore_mem>>) src(%dma_wait3A_340 : memref<80x128xbf16, #tpu.memory_space<vmem>>) dst(%dma_wait3A_346 : memref<10000x128xbf16, #tpu.memory_space<vmem_shared>>)
    %dma_wait3A_349 = arith.constant 5 : i32
    %dma_wait3A_350 = arith.constant 5 : i32
    %dma_wait3A_351 = arith.constant 1 : i32
    %dma_wait3A_352 = arith.constant 5 : i32
    %dma_wait3A_353 = arith.constant 0 : i32
    %dma_wait3A_354 = arith.constant 0 : i32
    %dma_wait3A_355 = tpu.memref_slice %arg8[%dma_wait3A_349, %dma_wait3A_353, %dma_wait3A_354] : memref<8x80x128xbf16, #tpu.memory_space<vmem>> -> memref<1x80x128xbf16, #tpu.memory_space<vmem>>
    %dma_wait3A_356 = tpu.memref_squeeze %dma_wait3A_355 : memref<1x80x128xbf16, #tpu.memory_space<vmem>> -> memref<80x128xbf16, #tpu.memory_space<vmem>>
    %dma_wait3A_357 = arith.constant 0 : i32
    %dma_wait3A_358 = tpu.memref_slice %arg7[%dma_wait3A_350, %dma_wait3A_351, %dma_wait3A_357] : memref<8x2x80xi32, #tpu.memory_space<vmem>> -> memref<1x1x80xi32, #tpu.memory_space<vmem>>
    %dma_wait3A_359 = tpu.memref_squeeze %dma_wait3A_358 : memref<1x1x80xi32, #tpu.memory_space<vmem>> -> memref<80xi32, #tpu.memory_space<vmem>>
    %dma_wait3A_360 = arith.constant 0 : i32
    %dma_wait3A_361 = arith.constant 0 : i32
    %dma_wait3A_362 = tpu.memref_slice %arg6[%dma_wait3A_360, %dma_wait3A_361] : memref<10000x128xbf16, #tpu.memory_space<vmem_shared>> -> memref<10000x128xbf16, #tpu.memory_space<vmem_shared>>
    %dma_wait3A_363 = tpu.memref_slice %arg12[%dma_wait3A_352] : memref<8x!tpu.dma_semaphore, #tpu.memory_space<semaphore_mem>> -> memref<1x!tpu.dma_semaphore, #tpu.memory_space<semaphore_mem>>
    %dma_wait3A_364 = tpu.memref_squeeze %dma_wait3A_363 : memref<1x!tpu.dma_semaphore, #tpu.memory_space<semaphore_mem>> -> memref<!tpu.dma_semaphore, #tpu.memory_space<semaphore_mem>>
    tpu.wait_indirect_dma semaphore(%dma_wait3A_364 : memref<!tpu.dma_semaphore, #tpu.memory_space<semaphore_mem>>) src(%dma_wait3A_356 : memref<80x128xbf16, #tpu.memory_space<vmem>>) dst(%dma_wait3A_362 : memref<10000x128xbf16, #tpu.memory_space<vmem_shared>>)
    %dma_wait3A_365 = arith.constant 6 : i32
    %dma_wait3A_366 = arith.constant 6 : i32
    %dma_wait3A_367 = arith.constant 1 : i32
    %dma_wait3A_368 = arith.constant 6 : i32
    %dma_wait3A_369 = arith.constant 0 : i32
    %dma_wait3A_370 = arith.constant 0 : i32
    %dma_wait3A_371 = tpu.memref_slice %arg8[%dma_wait3A_365, %dma_wait3A_369, %dma_wait3A_370] : memref<8x80x128xbf16, #tpu.memory_space<vmem>> -> memref<1x80x128xbf16, #tpu.memory_space<vmem>>
    %dma_wait3A_372 = tpu.memref_squeeze %dma_wait3A_371 : memref<1x80x128xbf16, #tpu.memory_space<vmem>> -> memref<80x128xbf16, #tpu.memory_space<vmem>>
    %dma_wait3A_373 = arith.constant 0 : i32
    %dma_wait3A_374 = tpu.memref_slice %arg7[%dma_wait3A_366, %dma_wait3A_367, %dma_wait3A_373] : memref<8x2x80xi32, #tpu.memory_space<vmem>> -> memref<1x1x80xi32, #tpu.memory_space<vmem>>
    %dma_wait3A_375 = tpu.memref_squeeze %dma_wait3A_374 : memref<1x1x80xi32, #tpu.memory_space<vmem>> -> memref<80xi32, #tpu.memory_space<vmem>>
    %dma_wait3A_376 = arith.constant 0 : i32
    %dma_wait3A_377 = arith.constant 0 : i32
    %dma_wait3A_378 = tpu.memref_slice %arg6[%dma_wait3A_376, %dma_wait3A_377] : memref<10000x128xbf16, #tpu.memory_space<vmem_shared>> -> memref<10000x128xbf16, #tpu.memory_space<vmem_shared>>
    %dma_wait3A_379 = tpu.memref_slice %arg12[%dma_wait3A_368] : memref<8x!tpu.dma_semaphore, #tpu.memory_space<semaphore_mem>> -> memref<1x!tpu.dma_semaphore, #tpu.memory_space<semaphore_mem>>
    %dma_wait3A_380 = tpu.memref_squeeze %dma_wait3A_379 : memref<1x!tpu.dma_semaphore, #tpu.memory_space<semaphore_mem>> -> memref<!tpu.dma_semaphore, #tpu.memory_space<semaphore_mem>>
    tpu.wait_indirect_dma semaphore(%dma_wait3A_380 : memref<!tpu.dma_semaphore, #tpu.memory_space<semaphore_mem>>) src(%dma_wait3A_372 : memref<80x128xbf16, #tpu.memory_space<vmem>>) dst(%dma_wait3A_378 : memref<10000x128xbf16, #tpu.memory_space<vmem_shared>>)
    %dma_wait3A_381 = arith.constant 7 : i32
    %dma_wait3A_382 = arith.constant 7 : i32
    %dma_wait3A_383 = arith.constant 1 : i32
    %dma_wait3A_384 = arith.constant 7 : i32
    %dma_wait3A_385 = arith.constant 0 : i32
    %dma_wait3A_386 = arith.constant 0 : i32
    %dma_wait3A_387 = tpu.memref_slice %arg8[%dma_wait3A_381, %dma_wait3A_385, %dma_wait3A_386] : memref<8x80x128xbf16, #tpu.memory_space<vmem>> -> memref<1x80x128xbf16, #tpu.memory_space<vmem>>
    %dma_wait3A_388 = tpu.memref_squeeze %dma_wait3A_387 : memref<1x80x128xbf16, #tpu.memory_space<vmem>> -> memref<80x128xbf16, #tpu.memory_space<vmem>>
    %dma_wait3A_389 = arith.constant 0 : i32
    %dma_wait3A_390 = tpu.memref_slice %arg7[%dma_wait3A_382, %dma_wait3A_383, %dma_wait3A_389] : memref<8x2x80xi32, #tpu.memory_space<vmem>> -> memref<1x1x80xi32, #tpu.memory_space<vmem>>
    %dma_wait3A_391 = tpu.memref_squeeze %dma_wait3A_390 : memref<1x1x80xi32, #tpu.memory_space<vmem>> -> memref<80xi32, #tpu.memory_space<vmem>>
    %dma_wait3A_392 = arith.constant 0 : i32
    %dma_wait3A_393 = arith.constant 0 : i32
    %dma_wait3A_394 = tpu.memref_slice %arg6[%dma_wait3A_392, %dma_wait3A_393] : memref<10000x128xbf16, #tpu.memory_space<vmem_shared>> -> memref<10000x128xbf16, #tpu.memory_space<vmem_shared>>
    %dma_wait3A_395 = tpu.memref_slice %arg12[%dma_wait3A_384] : memref<8x!tpu.dma_semaphore, #tpu.memory_space<semaphore_mem>> -> memref<1x!tpu.dma_semaphore, #tpu.memory_space<semaphore_mem>>
    %dma_wait3A_396 = tpu.memref_squeeze %dma_wait3A_395 : memref<1x!tpu.dma_semaphore, #tpu.memory_space<semaphore_mem>> -> memref<!tpu.dma_semaphore, #tpu.memory_space<semaphore_mem>>
    tpu.wait_indirect_dma semaphore(%dma_wait3A_396 : memref<!tpu.dma_semaphore, #tpu.memory_space<semaphore_mem>>) src(%dma_wait3A_388 : memref<80x128xbf16, #tpu.memory_space<vmem>>) dst(%dma_wait3A_394 : memref<10000x128xbf16, #tpu.memory_space<vmem_shared>>)
    %barrier3A_397 = arith.constant 0 : index
    tpu.barrier barrier_id(%barrier3A_397)
    "tpu.region"() ({
      %run_scoped3A = tpu.sem_alloc : memref<!tpu.dma_semaphore, #tpu.memory_space<semaphore_mem>>
      %dma_start3A_398 = arith.constant 0 : i32
      %dma_start3A_399 = tpu.memref_slice %arg5[%arg0, %mul3A_0, %dma_start3A_398] : memref<2x10000x128xbf16, #tpu.memory_space<hbm>> -> memref<1x625x128xbf16, #tpu.memory_space<hbm>>
      %dma_start3A_400 = tpu.memref_squeeze %dma_start3A_399 : memref<1x625x128xbf16, #tpu.memory_space<hbm>> -> memref<625x128xbf16, #tpu.memory_space<hbm>>
      %dma_start3A_401 = arith.constant 0 : i32
      %dma_start3A_402 = tpu.memref_slice %arg6[%mul3A_0, %dma_start3A_401] : memref<10000x128xbf16, #tpu.memory_space<vmem_shared>> -> memref<625x128xbf16, #tpu.memory_space<vmem_shared>>
      tpu.enqueue_dma source(%dma_start3A_402 : memref<625x128xbf16, #tpu.memory_space<vmem_shared>>) target(%dma_start3A_400 : memref<625x128xbf16, #tpu.memory_space<hbm>>) target_semaphore(%run_scoped3A : memref<!tpu.dma_semaphore, #tpu.memory_space<semaphore_mem>>)
      %dma_wait3A_403 = arith.constant 0 : i32
      %dma_wait3A_404 = tpu.memref_slice %arg5[%arg0, %mul3A_0, %dma_wait3A_403] : memref<2x10000x128xbf16, #tpu.memory_space<hbm>> -> memref<1x625x128xbf16, #tpu.memory_space<hbm>>
      %dma_wait3A_405 = tpu.memref_squeeze %dma_wait3A_404 : memref<1x625x128xbf16, #tpu.memory_space<hbm>> -> memref<625x128xbf16, #tpu.memory_space<hbm>>
      %dma_wait3A_406 = arith.constant 0 : i32
      %dma_wait3A_407 = tpu.memref_slice %arg6[%mul3A_0, %dma_wait3A_406] : memref<10000x128xbf16, #tpu.memory_space<vmem_shared>> -> memref<625x128xbf16, #tpu.memory_space<vmem_shared>>
      tpu.wait_dma2 semaphore(%run_scoped3A : memref<!tpu.dma_semaphore, #tpu.memory_space<semaphore_mem>>) src(%dma_wait3A_407 : memref<625x128xbf16, #tpu.memory_space<vmem_shared>>) dst(%dma_wait3A_405 : memref<625x128xbf16, #tpu.memory_space<hbm>>)
      tpu.yield
    }) : () -> ()
    return
  }
}

module attributes {stable_mosaic.version = 14 : i64} {
  func.func @_dense_body(%arg0: i32, %arg1: memref<1000x128xf32, #tpu.memory_space<vmem>>, %arg2: memref<1x1000x128xf32, #tpu.memory_space<vmem>>, %arg3: memref<1000x128xf32, #tpu.memory_space<vmem>>, %arg4: memref<1000x16xf32, #tpu.memory_space<vmem>>, %arg5: memref<128x128xf32, #tpu.memory_space<vmem>>, %arg6: memref<128x128xf32, #tpu.memory_space<vmem>>, %arg7: memref<128x128xf32, #tpu.memory_space<vmem>>, %arg8: memref<1000x128xf32, #tpu.memory_space<vmem>>) attributes {dimension_semantics = [#tpu.dimension_semantics<arbitrary>], iteration_bounds = array<i64: 10>, scalar_prefetch = 0 : i64, scratch_operands = 0 : i64, tpu.core_type = #tpu.core_type<tc>, window_params = [{transform_indices = @transform_0, window_bounds = array<i64: 1000, 128>}, {transform_indices = @transform_1, window_bounds = array<i64: 1, 1000, 128>}, {transform_indices = @transform_2, window_bounds = array<i64: 1000, 128>}, {transform_indices = @transform_3, window_bounds = array<i64: 1000, 16>}, {pipeline_mode = #tpu.pipeline_mode<synchronous>, transform_indices = @transform_4, window_bounds = array<i64: 128, 128>}, {pipeline_mode = #tpu.pipeline_mode<synchronous>, transform_indices = @transform_5, window_bounds = array<i64: 128, 128>}, {pipeline_mode = #tpu.pipeline_mode<synchronous>, transform_indices = @transform_6, window_bounds = array<i64: 128, 128>}, {transform_indices = @transform_7, window_bounds = array<i64: 1000, 128>}]} {
    %get3A = arith.constant 0 : index
    %get3A_0 = arith.constant 0 : index
    %get3A_1 = vector.load %arg1[%get3A, %get3A_0] : memref<1000x128xf32, #tpu.memory_space<vmem>>, vector<1000x128xf32>
    %get3A_2 = arith.constant 0 : index
    %get3A_3 = arith.constant 0 : index
    %get3A_4 = arith.constant 0 : index
    %get3A_5 = vector.load %arg2[%get3A_2, %get3A_3, %get3A_4] : memref<1x1000x128xf32, #tpu.memory_space<vmem>>, vector<1x1000x128xf32>
    %reduce_sum3A = arith.constant dense<0.000000e+00> : vector<1000x128xf32>
    %reduce_sum3A_6 = vector.multi_reduction <add>, %get3A_5, %reduce_sum3A [0] : vector<1x1000x128xf32> to vector<1000x128xf32>
    %get3A_7 = arith.constant 0 : index
    %get3A_8 = arith.constant 0 : index
    %get3A_9 = vector.load %arg4[%get3A_7, %get3A_8] : memref<1000x16xf32, #tpu.memory_space<vmem>>, vector<1000x16xf32>
    %slice3A = vector.extract_strided_slice %get3A_9 {offsets = [0, 0], sizes = [1000, 1], strides = [1, 1]} : vector<1000x16xf32> to vector<1000x1xf32>
    %eq3A = arith.constant 0.000000e+00 : f32
    %eq3A_10 = vector.broadcast %eq3A : f32 to vector<1000x1xf32>
    %eq3A_11 = arith.cmpf oeq, %slice3A, %eq3A_10 : vector<1000x1xf32>
    %get3A_12 = arith.constant 0 : index
    %get3A_13 = arith.constant 0 : index
    %get3A_14 = vector.load %arg3[%get3A_12, %get3A_13] : memref<1000x128xf32, #tpu.memory_space<vmem>>, vector<1000x128xf32>
    %add3A = arith.addf %reduce_sum3A_6, %get3A_14 : vector<1000x128xf32>
    %max3A = arith.constant 1.000000e+00 : f32
    %max3A_15 = vector.broadcast %max3A : f32 to vector<1000x1xf32>
    %max3A_16 = arith.maximumf %slice3A, %max3A_15 : vector<1000x1xf32>
    %div3A = vector.broadcast %max3A_16 : vector<1000x1xf32> to vector<1000x128xf32>
    %div3A_17 = arith.divf %add3A, %div3A : vector<1000x128xf32>
    %get3A_18 = arith.constant 0 : index
    %get3A_19 = arith.constant 0 : index
    %get3A_20 = vector.load %arg5[%get3A_18, %get3A_19] : memref<128x128xf32, #tpu.memory_space<vmem>>, vector<128x128xf32>
    %dot_general3A = arith.constant dense<0.000000e+00> : vector<1000x128xf32>
    %dot_general3A_21 = tpu.matmul %div3A_17, %get3A_20, %dot_general3A {dimension_numbers = #tpu.dot_dimension_numbers<[1], [1], [0], [0], [0, 0, 1, 0], [], []>, transpose_lhs_hint = false} : vector<1000x128xf32>, vector<128x128xf32>, vector<1000x128xf32> -> vector<1000x128xf32>
    %get3A_22 = arith.constant 0 : index
    %get3A_23 = arith.constant 0 : index
    %get3A_24 = vector.load %arg6[%get3A_22, %get3A_23] : memref<128x128xf32, #tpu.memory_space<vmem>>, vector<128x128xf32>
    %dot_general3A_25 = arith.constant dense<0.000000e+00> : vector<1000x128xf32>
    %dot_general3A_26 = tpu.matmul %get3A_1, %get3A_24, %dot_general3A_25 {dimension_numbers = #tpu.dot_dimension_numbers<[1], [1], [0], [0], [0, 0, 1, 0], [], []>, transpose_lhs_hint = false} : vector<1000x128xf32>, vector<128x128xf32>, vector<1000x128xf32> -> vector<1000x128xf32>
    %add3A_27 = arith.addf %dot_general3A_21, %dot_general3A_26 : vector<1000x128xf32>
    %get3A_28 = arith.constant 0 : index
    %get3A_29 = arith.constant 0 : index
    %get3A_30 = vector.load %arg7[%get3A_28, %get3A_29] : memref<128x128xf32, #tpu.memory_space<vmem>>, vector<128x128xf32>
    %dot_general3A_31 = arith.constant dense<0.000000e+00> : vector<1000x128xf32>
    %dot_general3A_32 = tpu.matmul %get3A_1, %get3A_30, %dot_general3A_31 {dimension_numbers = #tpu.dot_dimension_numbers<[1], [1], [0], [0], [0, 0, 1, 0], [], []>, transpose_lhs_hint = false} : vector<1000x128xf32>, vector<128x128xf32>, vector<1000x128xf32> -> vector<1000x128xf32>
    %broadcast_in_dim3A = vector.shape_cast %eq3A_11 : vector<1000x1xi1> to vector<1000x1xi1>
    %broadcast_in_dim3A_33 = vector.broadcast %broadcast_in_dim3A : vector<1000x1xi1> to vector<1000x128xi1>
    %select_n3A = arith.select %broadcast_in_dim3A_33, %dot_general3A_32, %add3A_27 : vector<1000x128xi1>, vector<1000x128xf32>
    %ge3A = arith.constant 0.000000e+00 : f32
    %ge3A_34 = vector.broadcast %ge3A : f32 to vector<1000x128xf32>
    %ge3A_35 = arith.cmpf oge, %select_n3A, %ge3A_34 : vector<1000x128xf32>
    %mul3A = arith.constant 0.229166672 : f32
    %mul3A_36 = vector.broadcast %mul3A : f32 to vector<1000x128xf32>
    %mul3A_37 = arith.mulf %mul3A_36, %select_n3A : vector<1000x128xf32>
    %select_n3A_38 = arith.select %ge3A_35, %select_n3A, %mul3A_37 : vector<1000x128xi1>, vector<1000x128xf32>
    %swap3A = arith.constant 0 : index
    %swap3A_39 = arith.constant 0 : index
    %swap3A_40 = vector.load %arg8[%swap3A, %swap3A_39] : memref<1000x128xf32, #tpu.memory_space<vmem>>, vector<1000x128xf32>
    tpu.vector_store %arg8[%swap3A, %swap3A_39], %select_n3A_38 {strides = array<i32>} : memref<1000x128xf32, #tpu.memory_space<vmem>>, vector<1000x128xf32>,
    return
  }
  func.func @transform_0(%arg0: i32) -> (i32, i32) {
    %c0_i32 = arith.constant 0 : i32
    %c0_i32_0 = arith.constant 0 : i32
    return %arg0, %c0_i32 : i32, i32
  }
  func.func @transform_1(%arg0: i32) -> (i32, i32, i32) {
    %c0_i32 = arith.constant 0 : i32
    %c0_i32_0 = arith.constant 0 : i32
    %c0_i32_1 = arith.constant 0 : i32
    return %c0_i32, %arg0, %c0_i32_0 : i32, i32, i32
  }
  func.func @transform_2(%arg0: i32) -> (i32, i32) {
    %c0_i32 = arith.constant 0 : i32
    %c0_i32_0 = arith.constant 0 : i32
    return %arg0, %c0_i32 : i32, i32
  }
  func.func @transform_3(%arg0: i32) -> (i32, i32) {
    %c0_i32 = arith.constant 0 : i32
    %c0_i32_0 = arith.constant 0 : i32
    return %arg0, %c0_i32 : i32, i32
  }
  func.func @transform_4(%arg0: i32) -> (i32, i32) {
    %c0_i32 = arith.constant 0 : i32
    %c0_i32_0 = arith.constant 0 : i32
    %c0_i32_1 = arith.constant 0 : i32
    return %c0_i32, %c0_i32_0 : i32, i32
  }
  func.func @transform_5(%arg0: i32) -> (i32, i32) {
    %c0_i32 = arith.constant 0 : i32
    %c0_i32_0 = arith.constant 0 : i32
    %c0_i32_1 = arith.constant 0 : i32
    return %c0_i32, %c0_i32_0 : i32, i32
  }
  func.func @transform_6(%arg0: i32) -> (i32, i32) {
    %c0_i32 = arith.constant 0 : i32
    %c0_i32_0 = arith.constant 0 : i32
    %c0_i32_1 = arith.constant 0 : i32
    return %c0_i32, %c0_i32_0 : i32, i32
  }
  func.func @transform_7(%arg0: i32) -> (i32, i32) {
    %c0_i32 = arith.constant 0 : i32
    %c0_i32_0 = arith.constant 0 : i32
    return %arg0, %c0_i32 : i32, i32
  }
}

module attributes {stable_mosaic.version = 14 : i64} {
  func.func @_dense_body(%arg0: i32, %arg1: memref<1000x128xf32, #tpu.memory_space<vmem>>, %arg2: memref<2x1000x128xbf16, #tpu.memory_space<vmem>>, %arg3: memref<1000x128xf32, #tpu.memory_space<vmem>>, %arg4: memref<1000x16xf32, #tpu.memory_space<vmem>>, %arg5: memref<128x128xf32, #tpu.memory_space<vmem>>, %arg6: memref<128x128xf32, #tpu.memory_space<vmem>>, %arg7: memref<128x128xf32, #tpu.memory_space<vmem>>, %arg8: memref<1000x128xf32, #tpu.memory_space<vmem>>) attributes {dimension_semantics = [#tpu.dimension_semantics<arbitrary>], iteration_bounds = array<i64: 10>, scalar_prefetch = 0 : i64, scratch_operands = 0 : i64, tpu.core_type = #tpu.core_type<tc>, window_params = [{transform_indices = @transform_0, window_bounds = array<i64: 1000, 128>}, {transform_indices = @transform_1, window_bounds = array<i64: 2, 1000, 128>}, {transform_indices = @transform_2, window_bounds = array<i64: 1000, 128>}, {transform_indices = @transform_3, window_bounds = array<i64: 1000, 16>}, {pipeline_mode = #tpu.pipeline_mode<synchronous>, transform_indices = @transform_4, window_bounds = array<i64: 128, 128>}, {pipeline_mode = #tpu.pipeline_mode<synchronous>, transform_indices = @transform_5, window_bounds = array<i64: 128, 128>}, {pipeline_mode = #tpu.pipeline_mode<synchronous>, transform_indices = @transform_6, window_bounds = array<i64: 128, 128>}, {transform_indices = @transform_7, window_bounds = array<i64: 1000, 128>}]} {
    %get3A = arith.constant 0 : index
    %get3A_0 = arith.constant 0 : index
    %get3A_1 = vector.load %arg1[%get3A, %get3A_0] : memref<1000x128xf32, #tpu.memory_space<vmem>>, vector<1000x128xf32>
    %get3A_2 = arith.constant 0 : index
    %get3A_3 = arith.constant 0 : index
    %get3A_4 = arith.constant 0 : index
    %get3A_5 = vector.load %arg2[%get3A_2, %get3A_3, %get3A_4] : memref<2x1000x128xbf16, #tpu.memory_space<vmem>>, vector<2x1000x128xbf16>
    %convert_element_type3A = arith.extf %get3A_5 : vector<2x1000x128xbf16> to vector<2x1000x128xf32>
    %reduce_sum3A = arith.constant dense<0.000000e+00> : vector<1000x128xf32>
    %reduce_sum3A_6 = vector.multi_reduction <add>, %convert_element_type3A, %reduce_sum3A [0] : vector<2x1000x128xf32> to vector<1000x128xf32>
    %get3A_7 = arith.constant 0 : index
    %get3A_8 = arith.constant 0 : index
    %get3A_9 = vector.load %arg4[%get3A_7, %get3A_8] : memref<1000x16xf32, #tpu.memory_space<vmem>>, vector<1000x16xf32>
    %slice3A = vector.extract_strided_slice %get3A_9 {offsets = [0, 0], sizes = [1000, 1], strides = [1, 1]} : vector<1000x16xf32> to vector<1000x1xf32>
    %eq3A = arith.constant 0.000000e+00 : f32
    %eq3A_10 = vector.broadcast %eq3A : f32 to vector<1000x1xf32>
    %eq3A_11 = arith.cmpf oeq, %slice3A, %eq3A_10 : vector<1000x1xf32>
    %get3A_12 = arith.constant 0 : index
    %get3A_13 = arith.constant 0 : index
    %get3A_14 = vector.load %arg3[%get3A_12, %get3A_13] : memref<1000x128xf32, #tpu.memory_space<vmem>>, vector<1000x128xf32>
    %add3A = arith.addf %reduce_sum3A_6, %get3A_14 : vector<1000x128xf32>
    %max3A = arith.constant 1.000000e+00 : f32
    %max3A_15 = vector.broadcast %max3A : f32 to vector<1000x1xf32>
    %max3A_16 = arith.maximumf %slice3A, %max3A_15 : vector<1000x1xf32>
    %div3A = vector.broadcast %max3A_16 : vector<1000x1xf32> to vector<1000x128xf32>
    %div3A_17 = arith.divf %add3A, %div3A : vector<1000x128xf32>
    %get3A_18 = arith.constant 0 : index
    %get3A_19 = arith.constant 0 : index
    %get3A_20 = vector.load %arg5[%get3A_18, %get3A_19] : memref<128x128xf32, #tpu.memory_space<vmem>>, vector<128x128xf32>
    %dot_general3A = arith.constant dense<0.000000e+00> : vector<1000x128xf32>
    %dot_general3A_21 = tpu.matmul %div3A_17, %get3A_20, %dot_general3A {dimension_numbers = #tpu.dot_dimension_numbers<[1], [1], [0], [0], [0, 0, 1, 0], [], []>, transpose_lhs_hint = false} : vector<1000x128xf32>, vector<128x128xf32>, vector<1000x128xf32> -> vector<1000x128xf32>
    %get3A_22 = arith.constant 0 : index
    %get3A_23 = arith.constant 0 : index
    %get3A_24 = vector.load %arg6[%get3A_22, %get3A_23] : memref<128x128xf32, #tpu.memory_space<vmem>>, vector<128x128xf32>
    %dot_general3A_25 = arith.constant dense<0.000000e+00> : vector<1000x128xf32>
    %dot_general3A_26 = tpu.matmul %get3A_1, %get3A_24, %dot_general3A_25 {dimension_numbers = #tpu.dot_dimension_numbers<[1], [1], [0], [0], [0, 0, 1, 0], [], []>, transpose_lhs_hint = false} : vector<1000x128xf32>, vector<128x128xf32>, vector<1000x128xf32> -> vector<1000x128xf32>
    %add3A_27 = arith.addf %dot_general3A_21, %dot_general3A_26 : vector<1000x128xf32>
    %get3A_28 = arith.constant 0 : index
    %get3A_29 = arith.constant 0 : index
    %get3A_30 = vector.load %arg7[%get3A_28, %get3A_29] : memref<128x128xf32, #tpu.memory_space<vmem>>, vector<128x128xf32>
    %dot_general3A_31 = arith.constant dense<0.000000e+00> : vector<1000x128xf32>
    %dot_general3A_32 = tpu.matmul %get3A_1, %get3A_30, %dot_general3A_31 {dimension_numbers = #tpu.dot_dimension_numbers<[1], [1], [0], [0], [0, 0, 1, 0], [], []>, transpose_lhs_hint = false} : vector<1000x128xf32>, vector<128x128xf32>, vector<1000x128xf32> -> vector<1000x128xf32>
    %broadcast_in_dim3A = vector.shape_cast %eq3A_11 : vector<1000x1xi1> to vector<1000x1xi1>
    %broadcast_in_dim3A_33 = vector.broadcast %broadcast_in_dim3A : vector<1000x1xi1> to vector<1000x128xi1>
    %select_n3A = arith.select %broadcast_in_dim3A_33, %dot_general3A_32, %add3A_27 : vector<1000x128xi1>, vector<1000x128xf32>
    %ge3A = arith.constant 0.000000e+00 : f32
    %ge3A_34 = vector.broadcast %ge3A : f32 to vector<1000x128xf32>
    %ge3A_35 = arith.cmpf oge, %select_n3A, %ge3A_34 : vector<1000x128xf32>
    %mul3A = arith.constant 0.229166672 : f32
    %mul3A_36 = vector.broadcast %mul3A : f32 to vector<1000x128xf32>
    %mul3A_37 = arith.mulf %mul3A_36, %select_n3A : vector<1000x128xf32>
    %select_n3A_38 = arith.select %ge3A_35, %select_n3A, %mul3A_37 : vector<1000x128xi1>, vector<1000x128xf32>
    %swap3A = arith.constant 0 : index
    %swap3A_39 = arith.constant 0 : index
    %swap3A_40 = vector.load %arg8[%swap3A, %swap3A_39] : memref<1000x128xf32, #tpu.memory_space<vmem>>, vector<1000x128xf32>
    tpu.vector_store %arg8[%swap3A, %swap3A_39], %select_n3A_38 {strides = array<i32>} : memref<1000x128xf32, #tpu.memory_space<vmem>>, vector<1000x128xf32>,
    return
  }
  func.func @transform_0(%arg0: i32) -> (i32, i32) {
    %c0_i32 = arith.constant 0 : i32
    %c0_i32_0 = arith.constant 0 : i32
    return %arg0, %c0_i32 : i32, i32
  }
  func.func @transform_1(%arg0: i32) -> (i32, i32, i32) {
    %c0_i32 = arith.constant 0 : i32
    %c0_i32_0 = arith.constant 0 : i32
    %c0_i32_1 = arith.constant 0 : i32
    return %c0_i32, %arg0, %c0_i32_0 : i32, i32, i32
  }
  func.func @transform_2(%arg0: i32) -> (i32, i32) {
    %c0_i32 = arith.constant 0 : i32
    %c0_i32_0 = arith.constant 0 : i32
    return %arg0, %c0_i32 : i32, i32
  }
  func.func @transform_3(%arg0: i32) -> (i32, i32) {
    %c0_i32 = arith.constant 0 : i32
    %c0_i32_0 = arith.constant 0 : i32
    return %arg0, %c0_i32 : i32, i32
  }
  func.func @transform_4(%arg0: i32) -> (i32, i32) {
    %c0_i32 = arith.constant 0 : i32
    %c0_i32_0 = arith.constant 0 : i32
    %c0_i32_1 = arith.constant 0 : i32
    return %c0_i32, %c0_i32_0 : i32, i32
  }
  func.func @transform_5(%arg0: i32) -> (i32, i32) {
    %c0_i32 = arith.constant 0 : i32
    %c0_i32_0 = arith.constant 0 : i32
    %c0_i32_1 = arith.constant 0 : i32
    return %c0_i32, %c0_i32_0 : i32, i32
  }
  func.func @transform_6(%arg0: i32) -> (i32, i32) {
    %c0_i32 = arith.constant 0 : i32
    %c0_i32_0 = arith.constant 0 : i32
    %c0_i32_1 = arith.constant 0 : i32
    return %c0_i32, %c0_i32_0 : i32, i32
  }
  func.func @transform_7(%arg0: i32) -> (i32, i32) {
    %c0_i32 = arith.constant 0 : i32
    %c0_i32_0 = arith.constant 0 : i32
    return %arg0, %c0_i32 : i32, i32
  }
}

</mosaic_0001>

<sc_bundles>
// kernel: kernel.6.cloned.1.call-start
scs
__scs_entry_jumppad:
0x0: {  	(pc) =	sbr.rel $0x88, $3  }
0x1: {  	(tag) =	ssettag $0x0;
	lr =	simm.s32 $0x1  }
0x2: {  	[smem:$0x3F98] =	sst lr;
	_ =	strace $0xD0000000  }
0x3: {  	_ = 	snop  }
0x4: {  	_ = 	snop  }
0x5: {  	_ = 	snop  }
0x6: {  	_ = 	snop  }
0x7: {  	_ = 	snop  }
__scs_overlays_trampoline_lowered:
0x8: {  	[smem:$0x3FA7] =	sst s0  }
0x9: {  	[smem:$0x3FA8] =	sst s1  }
0xa: {  	[smem:$0x3FA9] =	sst s2  }
0xb: {  	[smem:$0x3FAA] =	sst s3  }
0xc: {  	[smem:$0x3FAB] =	sst s4  }
0xd: {  	[smem:$0x3FAC] =	sst s5  }
0xe: {  	[smem:$0x3FAD] =	sst s6  }
0xf: {  	[smem:$0x3FAE] =	sst s7  }
0x10: {  	[smem:$0x3FAF] =	sst s8  }
0x11: {  	[smem:$0x3FB0] =	sst s9;
	s0 =	simm.s32 @!p0 $0x0  }
0x12: {  	s1 =	sld [smem:$0x3F96];
	s0 =	simm.s32 @p0 $0x1  }
0x13: {  	[smem:$0x3FB1] =	sst s0;
	s0 =	simm.s32 @!p1 $0x0  }
0x14: {  	s2 =	sld [smem:$0x3F95];
	s0 =	simm.s32 @p1 $0x1  }
0x15: {  	[smem:$0x3FB2] =	sst s0;
	s0 =	simm.s32 @!p2 $0x0  }
0x16: {  	s3 =	sld [smem:$0x3FDB];
	s0 =	simm.s32 @p2 $0x1  }
0x17: {  	s4 =	simm.s32 $0x1BF5;
	[smem:$0x3FB4] =	sst s0  }
0x18: {  	s0 =	sld [smem:$0x3F97];
	_ =	swait.ge [sflag:s4], $0x0  }
0x19: {  	s7 =	sld [smem:$0x3F98]  }
0x1a: {  	s8 =	sadd.s32 $0xFFFFE003, lr  }
0x1b: {  	s9 =	sadd.s32 $0xFFFFFEF7, lr;
	s5 =	simm.s32 $0xFFFFFFFF;
	p2 =	slt.u32 s8, $0xFFFFF086  }
0x1c: {  	p1 =	slt.u32 s9, $0xF7A;
	s5 =	simm.s32 @!p2 $0x0  }
0x1d: {  	s5 =	simm.s32 @p1 $0x1;
	p0 =	seq.s32 s7, s2  }
0x1e: {  	s7 =	smul.u32 @!p0 $0xF7A, s2;
	p2 =	seq.s32 @!p0 s5, $0x0  }
0x1f: {  	s9 =	smul.u32 $0xF7A, s1;
	s8 =	simm.s32 @!p0 $0x1BF5;
	p2 =	por !p2, p0  }
0x20: {  	[sflag:s8] =	ssyncset.s32 @!p0 $0xFFFFF086;
	s6 =	sadd.s32 @!p0 s3, s7;
	s7 =	simm.s32 @!p0 $0x108  }
0x21: {  	s3 =	sadd.s32 s3, s9;
	s6 =	sadd.s32 @!p0 $0x88, s6;
	s7 =	simm.s32 @p2 $0x1082  }
0x22: {  	[simem:s7], [sflag:s8] =	dma.local @!p0 [hbm:s6], $0xF7A  }
0x23: {  	s9 =	sor.u32 $0xD0000000, s2;
	s6 =	simm.s32 $0x108;
	_ =	swait.ge @!p0 [sflag:s8], $0x0  }
0x24: {  	s3 =	sadd.s32 $0x88, s3;
	s6 =	simm.s32 @!p1 $0x1082;
	[sflag:s4] =	ssyncset.s32 $0xFFFFF086  }
0x25: {  	[simem:s6], [sflag:s4] =	dma.local [hbm:s3], $0xF7A  }
0x26: {  	[smem:$0x3F98] =	sst s1;
	(tag) =	ssettag s2;
	_ =	strace s9  }
0x27: {  	s1 =	sld [smem:$0x3FA8]  }
0x28: {  	s2 =	sld [smem:$0x3FA9]  }
0x29: {  	s4 =	sld [smem:$0x3FAB]  }
0x2a: {  	p0 =	seq.s32 s5, $0x0;
	s5 =	sld [smem:$0x3FAC]  }
0x2b: {  	s6 =	sld [smem:$0x3FAD]  }
0x2c: {  	s7 =	sld [smem:$0x3FAE]  }
0x2d: {  	s3 =	simm.s32 $0x108;
	s8 =	sld [smem:$0x3FAF]  }
0x2e: {  	s3 =	simm.s32 @!p0 $0x1082;
	s9 =	sld [smem:$0x3FB0]  }
0x2f: {  	lr =	sadd.s32 s0, s3;
	s0 =	sld [smem:$0x3FA7]  }
0x30: {  	s3 =	sld [smem:$0x3FAA]  }
0x31: {  	[smem:$0x3FB3] =	sst s10  }
0x32: {  	s10 =	sld [smem:$0x3FB1];
	_ =	sdelay $0x3  }
0x33: {  	p0 =	seq.s32 s10, $0x1;
	s10 =	sld [smem:$0x3FB3];
	_ =	sdelay $0x3  }
0x34: {  	[smem:$0x3FB3] =	sst s10  }
0x35: {  	s10 =	sld [smem:$0x3FB2];
	_ =	sdelay $0x3  }
0x36: {  	p1 =	seq.s32 s10, $0x1;
	s10 =	sld [smem:$0x3FB3];
	_ =	sdelay $0x3  }
0x37: {  	[smem:$0x3FB3] =	sst s10  }
0x38: {  	s10 =	sld [smem:$0x3FB4]  }
0x39: {  	_ = 	snop;
	(pc) =	sbr.ind lr, $3  }
0x3a: {  	_ = 	snop  }
0x3b: {  	_ = 	snop  }
0x3c: {  	p2 =	seq.s32 s10, $0x1;
	s10 =	sld [smem:$0x3FB3]  }
0x3d: {  	_ =	shalt  }
0x3e: {  	_ =	shalt  }
0x3f: {  	_ =	shalt  }
0x40: {  	_ =	shalt  }
0x41: {  	_ =	shalt  }
0x42: {  	_ =	shalt  }
0x43: {  	_ =	shalt  }
0x44: {  	_ =	shalt  }
0x45: {  	_ =	shalt  }
0x46: {  	_ =	shalt  }
0x47: {  	_ =	shalt  }
0x48: {  	_ =	shalt  }
0x49: {  	_ =	shalt  }
0x4a: {  	_ =	shalt  }
0x4b: {  	_ =	shalt  }
0x4c: {  	_ =	shalt  }
0x4d: {  	_ =	shalt  }
0x4e: {  	_ =	shalt  }
0x4f: {  	_ =	shalt  }
0x50: {  	_ =	shalt  }
0x51: {  	_ =	shalt  }
0x52: {  	_ =	shalt  }
0x53: {  	_ =	shalt  }
0x54: {  	_ =	shalt  }
0x55: {  	_ =	shalt  }
0x56: {  	_ =	shalt  }
0x57: {  	_ =	shalt  }
0x58: {  	_ =	shalt  }
0x59: {  	_ =	shalt  }
0x5a: {  	_ =	shalt  }
0x5b: {  	_ =	shalt  }
0x5c: {  	_ =	shalt  }
0x5d: {  	_ =	shalt  }
0x5e: {  	_ =	shalt  }
0x5f: {  	_ =	shalt  }
0x60: {  	_ =	shalt  }
0x61: {  	_ =	shalt  }
0x62: {  	_ =	shalt  }
0x63: {  	_ =	shalt  }
0x64: {  	_ =	shalt  }
0x65: {  	_ =	shalt  }
0x66: {  	_ =	shalt  }
0x67: {  	_ =	shalt  }
0x68: {  	_ =	shalt  }
0x69: {  	_ =	shalt  }
0x6a: {  	_ =	shalt  }
0x6b: {  	_ =	shalt  }
0x6c: {  	_ =	shalt  }
0x6d: {  	_ =	shalt  }
0x6e: {  	_ =	shalt  }
0x6f: {  	_ =	shalt  }
0x70: {  	_ =	shalt  }
0x71: {  	_ =	shalt  }
0x72: {  	_ =	shalt  }
0x73: {  	_ =	shalt  }
0x74: {  	_ =	shalt  }
0x75: {  	_ =	shalt  }
0x76: {  	_ =	shalt  }
0x77: {  	_ =	shalt  }
0x78: {  	_ =	shalt  }
0x79: {  	_ =	shalt  }
0x7a: {  	_ =	shalt  }
0x7b: {  	_ =	shalt  }
0x7c: {  	_ =	shalt  }
0x7d: {  	_ =	shalt  }
0x7e: {  	_ =	shalt  }
0x7f: {  	_ =	shalt  }
0x80: {  	_ =	shalt  }
0x81: {  	_ =	shalt  }
0x82: {  	_ =	shalt  }
0x83: {  	_ =	shalt  }
0x84: {  	_ =	shalt  }
0x85: {  	_ =	shalt  }
0x86: {  	_ =	shalt  }
0x87: {  	_ =	shalt  }
.Lfunc_end0:
.L_simem_size_0:
called_computation_lowered:
.L_overlay_start_0:
0x88: {  	s2 =	sld [smem:$0x3FD9]  }
0x89: {  	s3 =	sld [smem:$0x3FFE];
	_ =	sdelay $0x1  }
0x8a: {  	s1 =	srdreg.scid  }
0x8b: {  	s0 =	sand.u32 $0x1, s1  }
0x8c: {  	s14 =	sshll.u32 s0, $0xA;
	s2 =	sadd.s32 s3, s2  }
0x8d: {  	s2 =	sadd.s32 s2, s14  }
0x8e: {  	[smem:$0x3FBF] =	sst s2  }
0x8f: {  	_ = 	snop  }
0x90: {  	s2 =	sld [smem:$0x3FD0];
	_ =	sdelay $0x1  }
0x91: {  	s15 =	sld [smem:$0x3FC9]  }
0x92: {  	s5 =	simm.s32 $0xA;
	s6 =	simm.s32 $0x10;
	s4 =	sld [smem:$0x3FC8]  }
0x93: {  	[smem:s6], [sflag:s5] =	dma.local [hbm:s2], $0x1  }
0x94: {  	_ =	swait.eq [sflag:s5], $0x1  }
0x95: {  	[sflag:s5] =	ssyncset.done $0x0  }
0x96: {  	s16 =	sld [smem:$0x10];
	[sflag:s5] =	ssyncadd.s32 $0xFFFFFFFF  }
0x97: {  	s17 =	sld [smem:$0x11];
	(tm) =	ssettm $0x1  }
0x98: {  	s18 =	sld [smem:$0x3FFB];
	_ =	sdelay $0x3  }
0x99: {  	_ =	strace s18  }
0x9a: {  	s6 =	sld [smem:$0x3FFC];
	_ =	sdelay $0x3  }
0x9b: {  	_ =	strace s6  }
0x9c: {  	s6 =	sld [smem:$0x3FFD];
	_ =	sdelay $0x3  }
0x9d: {  	_ =	strace s6  }
0x9e: {  	_ =	strace $0x8FFFFFFF  }
0x9f: {  	s19 =	sld [smem:$0x3FDB];
	_ =	sdelay $0x1  }
0xa0: {  	s7 =	simm.s32 $_scs_section_size  }
0xa1: {  	s8 =	simm.s32 $_size__tile_overlayer_lowered;
	s9 =	simm.s32 $_tile_overlayer_lowered  }
0xa2: {  	s22 =	simm.s32 $0x1BFF;
	s21 =	sshll.u32 s9, $0x1;
	s6 =	sadd.s32 s7, s19  }
0xa3: {  	s10 =	simm.s32 $0x0;
	s20 =	sshll.u32 s8, $0x1;
	s8 =	sadd.s32 s21, s6  }
0xa4: {  	[timem:s10], [sflag:s22] =	dma.local [hbm:s8], s20  }
0xa5: {  	_ =	swait.ge [sflag:s22], s20  }
0xa6: {  	s7 =	ssub.s32 $0x0, s20;
	[sflag:s22] =	ssyncset.done $0x0  }
0xa7: {  	[sflag:s22] =	ssyncadd.s32 s7;
	_ =	sdelay $0x1  }
0xa8: {  	s23 =	simm.s32 $0x1B8B  }
0xa9: {  	_ =	swait.ge [sflag:s23], $0x1  }
0xaa: {  	[sflag:s23] =	ssyncset.done $0x0  }
0xab: {  	s25 =	simm.s32 $0x1B8E;
	s24 =	sld [smem:$0x3FFE];
	[sflag:s23] =	ssyncadd.s32 $0xFFFFFFFF  }
0xac: {  	s26 =	simm.s32 $execute0_lowered;
	[smem:$0x3FD2] =	sst s25  }
0xad: {  	s8 =	sshll.u32 s26, $0x1;
	_ =	strace $0x80000046;
	[dreg:$0x1] =	wrdreg $0xFFFFFFFF  }
0xae: {  	s28 =	simm.s32 $_size_execute0_lowered;
	s6 =	sadd.s32 s6, s8;
	[dreg:$0x0] =	wrdreg $0x0  }
0xaf: {  	s8 =	sshll.u32 s28, $0x1;
	[dreg:$0x2] =	wrdreg s6  }
0xb0: {  	[dreg:$0x3] =	wrdreg s8  }
0xb1: {  	[dreg:$0x4] =	wrdreg $0xC0  }
0xb2: {  	_ =	task [dreg:s10], $0x5FFFF  }
0xb3: {  	[dreg:$0x1] =	wrdreg $0xFFFFFFFF  }
0xb4: {  	[dreg:$0x0] =	wrdreg $0x60  }
0xb5: {  	[dreg:$0x2] =	wrdreg s15  }
0xb6: {  	[dreg:$0x3] =	wrdreg s4  }
0xb7: {  	[dreg:$0x4] =	wrdreg s24  }
0xb8: {  	[dreg:$0x5] =	wrdreg s16  }
0xb9: {  	[dreg:$0x6] =	wrdreg s17  }
0xba: {  	[dreg:$0x7] =	wrdreg $0x0  }
0xbb: {  	[dreg:$0x8] =	wrdreg $0x138800  }
0xbc: {  	[dreg:$0x9] =	wrdreg $0x9  }
0xbd: {  	_ =	task.clear_ibuf [dreg:s10], $0xAFFFF;
	_ =	strace $0x90000046  }
0xbe: {  	s29 =	simm.s32 $0x9;
	_ =	strace $0x80000048  }
0xbf: {  	_ =	swait.ge [sflag:s29], $0x1  }
0xc0: {  	[sflag:s29] =	ssyncadd.s32 $0xFFFFFFFF  }
0xc1: {  	_ =	strace $0x90000048  }
0xc2: {  	_ =	sfence  }
0xc3: {  	s30 =	sld [smem:$0x0];
	_ =	sdelay $0x2  }
0xc4: {  	s31 =	sshll.u32 s1, $0xD;
	s1 =	sshrl.u32 s1, $0x2  }
0xc5: {  	s3 =	sand.u32 $0x4000, s31;
	s1 =	sadd.s32 s1, s30  }
0xc6: {  	s0 =	sor.u32 s3, s0;
	s1 =	sshll.u32 s1, $0x11  }
0xc7: {  	s0 =	sor.u32 s1, s0  }
0xc8: {  	s0 =	sadd.s32 $0x8F2B, s0  }
0xc9: {  	[sflag:s0] =	ssyncadd.remote.s32 $0x1  }
0xca: {  	_ =	sfence.sel $0xFFFF  }
0xcb: {  	[dreg:$0x0] =	wrdreg $0xFFFFFFFF;
	(pc) =	sbr.abs _section_cstart, $3  }
0xcc: {  	[dreg:$0x1] =	wrdreg $0xFFFFFFFF  }
0xcd: {  	_ =	task.clear_ibuf [dreg:s10], $0x2FFFF;
	_ =	strace $0x9FFFFFFF  }
0xce: {  	(tm) =	ssettm $0x7FFFFFFF  }
0xcf: {  	_ =	shalt  }
tec
execute0_lowered:
.L_overlay_start_1:
0x0: {  	(tag) =	ssettag $0x1  }
0x1: {  	s0 =	rddreg [dreg:$0x0]  }
0x2: {  	s4 =	rddreg [dreg:$0x1]  }
0x3: {  	s2 =	rddreg [dreg:$0x2]  }
0x4: {  	s8 =	rddreg [dreg:$0x4]  }
0x5: {  	s3 =	rddreg [dreg:$0x5]  }
0x6: {  	s5 =	rddreg [dreg:$0x6];
	s6 =	simm.s32 $0x0;
	s20 =	stileid.u32  }
0x7: {  	s7 =	srdreg.scid;
	[smem:$0x7FF] =	sst s6  }
0x8: {  	s10 =	sadd.s32 $0x2C00, s2;
	s9 =	smul.u32 $0x13880, s20;
	s1 =	sadd.s32 $0x16800, s2  }
0x9: {  	s22 =	sadd.s32 $0x16600, s2;
	s12 =	sand.u32 $0x1, s7;
	s15 =	smul.u32 $0x4E20, s20  }
0xa: {  	s17 =	smul.u32 $0x4E200, s20;
	_ =	strace $0x80000047;
	[dreg:$0x8] =	wrdreg s1  }
0xb: {  	[dreg:$0x9] =	wrdreg s22;
	s1 =	smul.u32 $0x2710, s20;
	s14 =	ssub.s32 $0x2, s12  }
0xc: {  	p0 =	sne.s32 s12, $0x0;
	s11 =	sshrl.u32 s9, $0x3;
	s16 =	sshrl.u32 s14, $0x1  }
0xd: {  	s18 =	sadd.s32 $0x28, s15;
	s21 =	sadd.s32 s4, s17;
	s25 =	sshrl.u32 s15, $0x3  }
0xe: {  	s15 =	sadd.s32 $0x78, s15;
	s13 =	sadd.s32 s11, s2;
	s23 =	sshrl.u32 s1, $0x3  }
0xf: {  	s24 =	sshll.u32 s18, $0x4;
	s26 =	sshrl.u32 s18, $0x3;
	s8 =	sadd.s32 s8, s11  }
0x10: {  	s11 =	smul.u32 $0x9C4, s20;
	s22 =	sadd.s32 s10, s25;
	s18 =	sshrl.u32 s15, $0x3  }
0x11: {  	s1 =	sadd.s32 s1, s5;
	[dreg:$0xa] =	wrdreg s21;
	s7 =	sadd.s32 s23, s2  }
0x12: {  	s2 =	ssub.s32 s14, s16;
	s4 =	sadd.s32 s4, s24;
	[dreg:$0xc] =	wrdreg s8  }
0x13: {  	s16 =	sshrl.u32 s17, $0x2;
	s17 =	sadd.s32 s10, s26;
	[dreg:$0xb] =	wrdreg s4  }
0x14: {  	s14 =	smul.u32 $0x271, s20;
	s1 =	sshrl.u32 s1, $0x3;
	[dreg:$0xd] =	wrdreg s17  }
0x15: {  	s4 =	sadd.s32 s10, s18;
	s8 =	sadd.s32 s11, s10;
	[smem:$0x7FB] =	sst s1  }
0x16: {  	s11 =	sadd.s32 s16, s3;
	s2 =	smax.u32 s2, $0x1;
	[dreg:$0xe] =	wrdreg s4  }
0x17: {  	s19 =	sadd.s32 $0x7D, s14;
	s18 =	sadd.s32 $0xC80, s11;
	[smem:$0x7FA] =	sst s2  }
0x18: {  	s16 =	sadd.s32 $0x177, s14;
	s12 =	sadd.s32 $0x6400, s11;
	[dreg:$0x13] =	wrdreg s18  }
0x19: {  	s17 =	sadd.s32 $0x1F4, s14;
	[dreg:$0x19] =	wrdreg s12;
	s18 =	sadd.s32 $0x8980, s11  }
0x1a: {  	s23 =	sshll.u32 s19, $0x7;
	s12 =	sadd.s32 $0xE100, s11;
	[dreg:$0x1b] =	wrdreg s18  }
0x1b: {  	s25 =	sshll.u32 s16, $0x7;
	s4 =	sadd.s32 s23, s3;
	[smem:$0x7ED] =	sst s12  }
0x1c: {  	s26 =	sshll.u32 s17, $0x7;
	s10 =	sadd.s32 s25, s3;
	[dreg:$0xf] =	wrdreg s4  }
0x1d: {  	s15 =	sadd.s32 $0xFA, s14;
	s14 =	sadd.s32 s26, s3;
	[dreg:$0x11] =	wrdreg s10  }
0x1e: {  	s23 =	sadd.s32 $0x1900, s11;
	[dreg:$0x12] =	wrdreg s14  }
0x1f: {  	s25 =	sadd.s32 $0x3200, s11;
	[dreg:$0x14] =	wrdreg s23  }
0x20: {  	s26 =	sadd.s32 $0x4B00, s11;
	[dreg:$0x16] =	wrdreg s25  }
0x21: {  	s24 =	sshll.u32 s15, $0x7;
	s18 =	sadd.s32 $0x10680, s11;
	[dreg:$0x17] =	wrdreg s26  }
0x22: {  	s28 =	simm.s32 $0xF;
	s4 =	sadd.s32 s24, s3;
	[smem:$0x7EF] =	sst s18  }
0x23: {  	s29 =	simm.s32 $0x10;
	s24 =	sadd.s32 $0x2580, s11;
	[dreg:$0x10] =	wrdreg s4  }
0x24: {  	s30 =	simm.s32 $0x11;
	s10 =	sadd.s32 $0x5780, s11;
	[dreg:$0x15] =	wrdreg s24  }
0x25: {  	s31 =	simm.s32 $0x12;
	s14 =	sadd.s32 $0x7080, s11;
	[dreg:$0x18] =	wrdreg s10  }
0x26: {  	s9 =	sadd.s32 s9, s3;
	s23 =	sadd.s32 $0x9600, s11;
	[dreg:$0x1a] =	wrdreg s14  }
0x27: {  	s20 =	smul.u32 $0x9C40, s20;
	s25 =	sadd.s32 $0xAF00, s11;
	[dreg:$0x1c] =	wrdreg s23  }
0x28: {  	s1 =	simm.s32 $0x0;
	s26 =	sadd.s32 $0xC800, s11;
	[dreg:$0x1e] =	wrdreg s25  }
0x29: {  	s8 =	sadd.s32 $0x14, s8;
	s24 =	sadd.s32 $0xA280, s11;
	[dreg:$0x1f] =	wrdreg s26  }
0x2a: {  	s18 =	sshll.u32 s16, $0x4;
	s10 =	sadd.s32 $0xD480, s11;
	[dreg:$0x1d] =	wrdreg s24  }
0x2b: {  	s14 =	sadd.s32 $0xED80, s11;
	s23 =	sadd.s32 $0x11300, s11;
	[smem:$0x7EC] =	sst s10  }
0x2c: {  	s25 =	sadd.s32 $0x12C00, s11;
	s26 =	sadd.s32 $0x1BA00, s13;
	[smem:$0x7EE] =	sst s14  }
0x2d: {  	s4 =	sshrl.u32 s20, $0x2;
	s20 =	sadd.s32 s18, s5;
	[smem:$0x7F0] =	sst s23  }
0x2e: {  	s18 =	simm.s32 $0x19;
	s24 =	sadd.s32 $0x11F80, s11;
	[smem:$0x7F2] =	sst s25  }
0x2f: {  	[smem:$0x7F3] =	sst s26;
	s10 =	sshll.u32 s19, $0x4;
	s12 =	sadd.s32 s4, s5  }
0x30: {  	s14 =	sshll.u32 s15, $0x4;
	s19 =	sshll.u32 s17, $0x4;
	[smem:$0x7F7] =	sst s20  }
0x31: {  	s25 =	sadd.s32 $0xA, s22;
	s26 =	sadd.s32 $0x500, s21;
	[smem:$0x7F1] =	sst s24  }
0x32: {  	s17 =	simm.s32 $0x1DBF0;
	s20 =	simm.s32 $0x1D970;
	[smem:$0x7F4] =	sst s12  }
0x33: {  	s21 =	simm.s32 $0x28;
	s13 =	sadd.s32 s10, s5;
	[smem:$0x7FC] =	sst s25  }
0x34: {  	s15 =	sadd.s32 s14, s5;
	s23 =	sadd.s32 s19, s5;
	[smem:$0x7FD] =	sst s26  }
.Ltmp0:
0x35: {  	s24 =	sadd.s32 $0x16A00, s7;
	[smem:$0x7F5] =	sst s13;
	(pc) =	sbr.rel .LBB2_1-.Ltmp0, $4  }
0x36: {  	s14 =	smov.u32 s22;
	s19 =	simm.s32 $0x1E870;
	[smem:$0x7F6] =	sst s15  }
0x37: {  	s22 =	simm.s32 $0x4E200;
	s25 =	simm.s32 $0xD;
	[smem:$0x7F8] =	sst s23  }
0x38: {  	s26 =	simm.s32 $0xE;
	[smem:$0x7F9] =	sst s24;
	s15 =	simm.s32 $0x15F90  }
0x39: {  	s13 =	simm.s32 $0x15FE0;
	s23 =	simm.s32 $0x1;
	s24 =	simm.s32 $0x2  }
.LBB2_15:
0x3a: {  	_ =	swait.ge [sflag:s25], $0x1400  }
0x3b: {  	[sflag:s25] =	ssyncset.done $0x0  }
0x3c: {  	[sflag:s25] =	ssyncadd.s32 $0xFFFFEC00  }
0x3d: {  	_ =	swait.ge [sflag:s26], $0x1400  }
0x3e: {  	[sflag:s26] =	ssyncset.done $0x0  }
0x3f: {  	[sflag:s26] =	ssyncadd.s32 $0xFFFFEC00  }
0x40: {  	_ =	swait.ge [sflag:s28], $0x1400  }
0x41: {  	[sflag:s28] =	ssyncset.done $0x0  }
0x42: {  	[sflag:s28] =	ssyncadd.s32 $0xFFFFEC00  }
0x43: {  	_ =	swait.ge [sflag:s29], $0x1400  }
0x44: {  	[sflag:s29] =	ssyncset.done $0x0  }
0x45: {  	[sflag:s29] =	ssyncadd.s32 $0xFFFFEC00  }
0x46: {  	_ =	swait.ge [sflag:s30], $0x1400  }
0x47: {  	[sflag:s30] =	ssyncset.done $0x0  }
0x48: {  	[sflag:s30] =	ssyncadd.s32 $0xFFFFEC00  }
0x49: {  	_ =	swait.ge [sflag:s31], $0x1400  }
0x4a: {  	[sflag:s31] =	ssyncset.done $0x0  }
0x4b: {  	[sflag:s31] =	ssyncadd.s32 $0xFFFFEC00  }
0x4c: {  	[bflag:$0x0] =	sbarrier.arrive $0xFFFF  }
0x4d: {  	s2 =	stileid.u32;
	s7 =	sld [smem:$0x7F3]  }
0x4e: {  	s2 =	sshll.u32 s2, $0x6  }
0x4f: {  	s4 =	sshrl.u32 s9, $0x3;
	s2 =	sor.u32 $0x1C19, s2  }
0x50: {  	[hbm:s7], [sflag:s2] =	dma.local [spmem:s4], $0x2710  }
0x51: {  	_ =	swait.ge [sflag:s18], $0x2710  }
0x52: {  	[sflag:s18] =	ssyncset.done $0x0  }
0x53: {  	[sflag:s18] =	ssyncadd.s32 $0xFFFFD8F0  }
.LBB2_16:
0x54: {  	s2 =	sld [smem:$0x7FA];
	_ =	sdelay $0x1  }
0x55: {  	s1 =	sadd.s32 $0x1, s1  }
0x56: {  	p1 =	sne.s32 s1, s2  }
.Ltmp1:
0x57: {  	_ = 	snop;
	(pc) =	sbr.rel @!p1 .LBB2_17-.Ltmp1, $1  }
0x58: {  	_ =	sdelay $0x3  }
.LBB2_1:
0x59: {  	s2 =	rddreg [dreg:$0x3]  }
0x5a: {  	[tilespmem:s17], [sflag:$0x19] =	stream.linear.gather [hbm4b:s2+s6], $0xC80, $0x38;
	[tilespmem:$0x1F040] =	vst v63  }
0x5b: {  	_ =	swait.ge [sflag:s18], $0xC80  }
0x5c: {  	[sflag:s18] =	ssyncset.done $0x0  }
0x5d: {  	[sflag:s18] =	ssyncadd.s32 $0xFFFFF380  }
0x5e: {  	[spmem:s9] =	stream.linear.scatter [tilespmem:s17], [sflag:$0x19], $0xC80, $0x38;
	[tilespmem:$0x1F040] =	vst v63  }
0x5f: {  	_ =	swait.ge [sflag:s18], $0xC80  }
0x60: {  	[sflag:s18] =	ssyncset.done $0x0  }
0x61: {  	s4 =	rddreg [dreg:$0x13];
	[sflag:s18] =	ssyncadd.s32 $0xFFFFF380  }
0x62: {  	[spmem:s4] =	stream.linear.scatter [tilespmem:s17], [sflag:$0x19], $0xC80, $0x38;
	[tilespmem:$0x1F040] =	vst v63  }
0x63: {  	_ =	swait.ge [sflag:s18], $0xC80  }
0x64: {  	[sflag:s18] =	ssyncset.done $0x0  }
0x65: {  	s7 =	rddreg [dreg:$0x14];
	[sflag:s18] =	ssyncadd.s32 $0xFFFFF380  }
0x66: {  	[spmem:s7] =	stream.linear.scatter [tilespmem:s17], [sflag:$0x19], $0xC80, $0x38;
	[tilespmem:$0x1F040] =	vst v63  }
0x67: {  	_ =	swait.ge [sflag:s18], $0xC80  }
0x68: {  	[sflag:s18] =	ssyncset.done $0x0  }
0x69: {  	s10 =	rddreg [dreg:$0x15];
	[sflag:s18] =	ssyncadd.s32 $0xFFFFF380  }
0x6a: {  	[spmem:s10] =	stream.linear.scatter [tilespmem:s17], [sflag:$0x19], $0xC80, $0x38;
	[tilespmem:$0x1F040] =	vst v63  }
0x6b: {  	_ =	swait.ge [sflag:s18], $0xC80  }
0x6c: {  	[sflag:s18] =	ssyncset.done $0x0  }
0x6d: {  	s11 =	rddreg [dreg:$0x16];
	[sflag:s18] =	ssyncadd.s32 $0xFFFFF380  }
0x6e: {  	[spmem:s11] =	stream.linear.scatter [tilespmem:s17], [sflag:$0x19], $0xC80, $0x38;
	[tilespmem:$0x1F040] =	vst v63  }
0x6f: {  	_ =	swait.ge [sflag:s18], $0xC80  }
0x70: {  	[sflag:s18] =	ssyncset.done $0x0  }
0x71: {  	s12 =	rddreg [dreg:$0xf];
	[sflag:s18] =	ssyncadd.s32 $0xFFFFF380  }
0x72: {  	[spmem:s12] =	stream.linear.scatter [tilespmem:s17], [sflag:$0x19], $0xC80, $0x38;
	[tilespmem:$0x1F040] =	vst v63  }
0x73: {  	_ =	swait.ge [sflag:s18], $0xC80  }
0x74: {  	[sflag:s18] =	ssyncset.done $0x0  }
0x75: {  	s16 =	rddreg [dreg:$0x17];
	[sflag:s18] =	ssyncadd.s32 $0xFFFFF380  }
0x76: {  	[spmem:s16] =	stream.linear.scatter [tilespmem:s17], [sflag:$0x19], $0xC80, $0x38;
	[tilespmem:$0x1F040] =	vst v63  }
0x77: {  	_ =	swait.ge [sflag:s18], $0xC80  }
0x78: {  	[sflag:s18] =	ssyncset.done $0x0  }
0x79: {  	s4 =	rddreg [dreg:$0x18];
	[sflag:s18] =	ssyncadd.s32 $0xFFFFF380  }
0x7a: {  	[spmem:s4] =	stream.linear.scatter [tilespmem:s17], [sflag:$0x19], $0xC80, $0x38;
	[tilespmem:$0x1F040] =	vst v63  }
0x7b: {  	_ =	swait.ge [sflag:s18], $0xC80  }
0x7c: {  	[sflag:s18] =	ssyncset.done $0x0  }
0x7d: {  	s7 =	rddreg [dreg:$0x19];
	[sflag:s18] =	ssyncadd.s32 $0xFFFFF380  }
0x7e: {  	[spmem:s7] =	stream.linear.scatter [tilespmem:s17], [sflag:$0x19], $0xC80, $0x38;
	[tilespmem:$0x1F040] =	vst v63  }
0x7f: {  	_ =	swait.ge [sflag:s18], $0xC80  }
0x80: {  	[sflag:s18] =	ssyncset.done $0x0  }
0x81: {  	s10 =	rddreg [dreg:$0x1a];
	[sflag:s18] =	ssyncadd.s32 $0xFFFFF380  }
0x82: {  	[spmem:s10] =	stream.linear.scatter [tilespmem:s17], [sflag:$0x19], $0xC80, $0x38;
	[tilespmem:$0x1F040] =	vst v63  }
0x83: {  	_ =	swait.ge [sflag:s18], $0xC80  }
0x84: {  	[sflag:s18] =	ssyncset.done $0x0  }
0x85: {  	s11 =	rddreg [dreg:$0x10];
	[sflag:s18] =	ssyncadd.s32 $0xFFFFF380  }
0x86: {  	[spmem:s11] =	stream.linear.scatter [tilespmem:s17], [sflag:$0x19], $0xC80, $0x38;
	[tilespmem:$0x1F040] =	vst v63  }
0x87: {  	_ =	swait.ge [sflag:s18], $0xC80  }
0x88: {  	[sflag:s18] =	ssyncset.done $0x0  }
0x89: {  	s12 =	rddreg [dreg:$0x1b];
	[sflag:s18] =	ssyncadd.s32 $0xFFFFF380  }
0x8a: {  	[spmem:s12] =	stream.linear.scatter [tilespmem:s17], [sflag:$0x19], $0xC80, $0x38;
	[tilespmem:$0x1F040] =	vst v63  }
0x8b: {  	_ =	swait.ge [sflag:s18], $0xC80  }
0x8c: {  	[sflag:s18] =	ssyncset.done $0x0  }
0x8d: {  	s16 =	rddreg [dreg:$0x1c];
	[sflag:s18] =	ssyncadd.s32 $0xFFFFF380  }
0x8e: {  	[spmem:s16] =	stream.linear.scatter [tilespmem:s17], [sflag:$0x19], $0xC80, $0x38;
	[tilespmem:$0x1F040] =	vst v63  }
0x8f: {  	_ =	swait.ge [sflag:s18], $0xC80  }
0x90: {  	[sflag:s18] =	ssyncset.done $0x0  }
0x91: {  	s4 =	rddreg [dreg:$0x1d];
	[sflag:s18] =	ssyncadd.s32 $0xFFFFF380  }
0x92: {  	[spmem:s4] =	stream.linear.scatter [tilespmem:s17], [sflag:$0x19], $0xC80, $0x38;
	[tilespmem:$0x1F040] =	vst v63  }
0x93: {  	_ =	swait.ge [sflag:s18], $0xC80  }
0x94: {  	[sflag:s18] =	ssyncset.done $0x0  }
0x95: {  	s7 =	rddreg [dreg:$0x1e];
	[sflag:s18] =	ssyncadd.s32 $0xFFFFF380  }
0x96: {  	[spmem:s7] =	stream.linear.scatter [tilespmem:s17], [sflag:$0x19], $0xC80, $0x38;
	[tilespmem:$0x1F040] =	vst v63  }
0x97: {  	_ =	swait.ge [sflag:s18], $0xC80  }
0x98: {  	[sflag:s18] =	ssyncset.done $0x0  }
0x99: {  	s10 =	rddreg [dreg:$0x11];
	[sflag:s18] =	ssyncadd.s32 $0xFFFFF380  }
0x9a: {  	[spmem:s10] =	stream.linear.scatter [tilespmem:s17], [sflag:$0x19], $0xC80, $0x38;
	[tilespmem:$0x1F040] =	vst v63  }
0x9b: {  	_ =	swait.ge [sflag:s18], $0xC80  }
0x9c: {  	[sflag:s18] =	ssyncset.done $0x0  }
0x9d: {  	s11 =	rddreg [dreg:$0x1f];
	[sflag:s18] =	ssyncadd.s32 $0xFFFFF380  }
0x9e: {  	[spmem:s11] =	stream.linear.scatter [tilespmem:s17], [sflag:$0x19], $0xC80, $0x38;
	[tilespmem:$0x1F040] =	vst v63  }
0x9f: {  	_ =	swait.ge [sflag:s18], $0xC80  }
0xa0: {  	s12 =	sld [smem:$0x7EC]  }
0xa1: {  	[sflag:s18] =	ssyncset.done $0x0  }
0xa2: {  	[sflag:s18] =	ssyncadd.s32 $0xFFFFF380  }
0xa3: {  	[spmem:s12] =	stream.linear.scatter [tilespmem:s17], [sflag:$0x19], $0xC80, $0x38;
	[tilespmem:$0x1F040] =	vst v63  }
0xa4: {  	_ =	swait.ge [sflag:s18], $0xC80  }
0xa5: {  	s16 =	sld [smem:$0x7ED]  }
0xa6: {  	[sflag:s18] =	ssyncset.done $0x0  }
0xa7: {  	[sflag:s18] =	ssyncadd.s32 $0xFFFFF380  }
0xa8: {  	[spmem:s16] =	stream.linear.scatter [tilespmem:s17], [sflag:$0x19], $0xC80, $0x38;
	[tilespmem:$0x1F040] =	vst v63  }
0xa9: {  	_ =	swait.ge [sflag:s18], $0xC80  }
0xaa: {  	s4 =	sld [smem:$0x7EE]  }
0xab: {  	[sflag:s18] =	ssyncset.done $0x0  }
0xac: {  	[sflag:s18] =	ssyncadd.s32 $0xFFFFF380  }
0xad: {  	[spmem:s4] =	stream.linear.scatter [tilespmem:s17], [sflag:$0x19], $0xC80, $0x38;
	[tilespmem:$0x1F040] =	vst v63  }
0xae: {  	_ =	swait.ge [sflag:s18], $0xC80  }
0xaf: {  	[sflag:s18] =	ssyncset.done $0x0  }
0xb0: {  	s7 =	rddreg [dreg:$0x12];
	[sflag:s18] =	ssyncadd.s32 $0xFFFFF380  }
0xb1: {  	[spmem:s7] =	stream.linear.scatter [tilespmem:s17], [sflag:$0x19], $0xC80, $0x38;
	[tilespmem:$0x1F040] =	vst v63  }
0xb2: {  	_ =	swait.ge [sflag:s18], $0xC80  }
0xb3: {  	s10 =	sld [smem:$0x7EF]  }
0xb4: {  	[sflag:s18] =	ssyncset.done $0x0  }
0xb5: {  	[sflag:s18] =	ssyncadd.s32 $0xFFFFF380  }
0xb6: {  	[spmem:s10] =	stream.linear.scatter [tilespmem:s17], [sflag:$0x19], $0xC80, $0x38;
	[tilespmem:$0x1F040] =	vst v63  }
0xb7: {  	_ =	swait.ge [sflag:s18], $0xC80  }
0xb8: {  	s11 =	sld [smem:$0x7F0]  }
0xb9: {  	[sflag:s18] =	ssyncset.done $0x0  }
0xba: {  	[sflag:s18] =	ssyncadd.s32 $0xFFFFF380  }
0xbb: {  	[spmem:s11] =	stream.linear.scatter [tilespmem:s17], [sflag:$0x19], $0xC80, $0x38;
	[tilespmem:$0x1F040] =	vst v63  }
0xbc: {  	_ =	swait.ge [sflag:s18], $0xC80  }
0xbd: {  	s12 =	sld [smem:$0x7F1]  }
0xbe: {  	[sflag:s18] =	ssyncset.done $0x0  }
0xbf: {  	[sflag:s18] =	ssyncadd.s32 $0xFFFFF380  }
0xc0: {  	[spmem:s12] =	stream.linear.scatter [tilespmem:s17], [sflag:$0x19], $0xC80, $0x38;
	[tilespmem:$0x1F040] =	vst v63  }
0xc1: {  	_ =	swait.ge [sflag:s18], $0xC80  }
0xc2: {  	s16 =	sld [smem:$0x7F2]  }
0xc3: {  	[sflag:s18] =	ssyncset.done $0x0  }
.Ltmp2:
0xc4: {  	[sflag:s18] =	ssyncadd.s32 $0xFFFFF380;
	(pc) =	sbr.rel @p0 .LBB2_9-.Ltmp2, $4  }
0xc5: {  	[spmem:s16] =	stream.linear.scatter [tilespmem:s17], [sflag:$0x19], $0xC80, $0x38;
	[tilespmem:$0x1F040] =	vst v63  }
0xc6: {  	_ =	swait.ge [sflag:s18], $0xC80  }
0xc7: {  	[sflag:s18] =	ssyncset.done $0x0  }
0xc8: {  	[sflag:s18] =	ssyncadd.s32 $0xFFFFF380  }
0xc9: {  	s2 =	simm.s32 $0x0;
	s4 =	rddreg [dreg:$0x8]  }
0xca: {  	[tilespmem:s19], [sflag:$0x19] =	stream.linear.gather [hbm4b:s4+s2], $0x7D0, $0x38;
	[tilespmem:$0x1F040] =	vst v63  }
0xcb: {  	_ =	swait.ge [sflag:s18], $0x7D0  }
0xcc: {  	s7 =	sld [smem:$0x7F4]  }
0xcd: {  	[sflag:s18] =	ssyncset.done $0x0  }
0xce: {  	[sflag:s18] =	ssyncadd.s32 $0xFFFFF830  }
0xcf: {  	[spmem:s7] =	stream.linear.scatter [tilespmem:s19], [sflag:$0x19], $0x7D0, $0x38;
	[tilespmem:$0x1F040] =	vst v63  }
0xd0: {  	_ =	swait.ge [sflag:s18], $0x7D0  }
0xd1: {  	s10 =	sld [smem:$0x7F5]  }
0xd2: {  	[sflag:s18] =	ssyncset.done $0x0  }
0xd3: {  	[sflag:s18] =	ssyncadd.s32 $0xFFFFF830  }
0xd4: {  	[spmem:s10] =	stream.linear.scatter [tilespmem:s19], [sflag:$0x19], $0x7D0, $0x38;
	[tilespmem:$0x1F040] =	vst v63  }
0xd5: {  	_ =	swait.ge [sflag:s18], $0x7D0  }
0xd6: {  	s11 =	sld [smem:$0x7F6]  }
0xd7: {  	[sflag:s18] =	ssyncset.done $0x0  }
0xd8: {  	[sflag:s18] =	ssyncadd.s32 $0xFFFFF830  }
0xd9: {  	[spmem:s11] =	stream.linear.scatter [tilespmem:s19], [sflag:$0x19], $0x7D0, $0x38;
	[tilespmem:$0x1F040] =	vst v63  }
0xda: {  	_ =	swait.ge [sflag:s18], $0x7D0  }
0xdb: {  	s12 =	sld [smem:$0x7F7]  }
0xdc: {  	[sflag:s18] =	ssyncset.done $0x0  }
0xdd: {  	[sflag:s18] =	ssyncadd.s32 $0xFFFFF830  }
0xde: {  	[spmem:s12] =	stream.linear.scatter [tilespmem:s19], [sflag:$0x19], $0x7D0, $0x38;
	[tilespmem:$0x1F040] =	vst v63  }
0xdf: {  	_ =	swait.ge [sflag:s18], $0x7D0  }
0xe0: {  	s16 =	sld [smem:$0x7F8]  }
0xe1: {  	[sflag:s18] =	ssyncset.done $0x0  }
0xe2: {  	[sflag:s18] =	ssyncadd.s32 $0xFFFFF830  }
0xe3: {  	[spmem:s16] =	stream.linear.scatter [tilespmem:s19], [sflag:$0x19], $0x7D0, $0x38;
	[tilespmem:$0x1F040] =	vst v63  }
0xe4: {  	_ =	swait.ge [sflag:s18], $0x7D0  }
0xe5: {  	[sflag:s18] =	ssyncset.done $0x0  }
0xe6: {  	s7 =	rddreg [dreg:$0x9];
	[sflag:s18] =	ssyncadd.s32 $0xFFFFF830  }
0xe7: {  	[tilespmem:s20], [sflag:$0x19] =	stream.linear.gather [hbm4b:s7+s2], $0x280, $0x38;
	[tilespmem:$0x1F040] =	vst v63  }
0xe8: {  	_ =	swait.ge [sflag:s18], $0x280  }
0xe9: {  	[sflag:s18] =	ssyncset.done $0x0  }
0xea: {  	[sflag:s18] =	ssyncadd.s32 $0xFFFFFD80  }
0xeb: {  	[bflag:$0x0] =	sbarrier.arrive $0xFFFF  }
0xec: {  	[tilespmem:s15], [sflag:$0x1] =	stream.strided.gather [hbm4b:s14+s21], $0x50, s22, s21, $0x38;
	[tilespmem:$0x1F040] =	vst v63  }
0xed: {  	s10 =	rddreg [dreg:$0xd]  }
0xee: {  	s11 =	sld [smem:$0x7FC]  }
0xef: {  	[tilespmem:s13], [sflag:$0x2] =	stream.strided.gather [hbm4b:s10+s21], $0x50, s22, s21, $0x38;
	[tilespmem:$0x1F040] =	vst v63  }
0xf0: {  	s7 =	simm.s32 $0x16030  }
0xf1: {  	[tilespmem:s7], [sflag:$0x3] =	stream.strided.gather [hbm4b:s11+s21], $0x50, s22, s21, $0x38;
	[tilespmem:$0x1F040] =	vst v63  }
0xf2: {  	s16 =	simm.s32 $0x16080;
	s12 =	rddreg [dreg:$0xe]  }
0xf3: {  	[tilespmem:s16], [sflag:$0x4] =	stream.strided.gather [hbm4b:s12+s21], $0x50, s22, s21, $0x38;
	[tilespmem:$0x1F040] =	vst v63  }
0xf4: {  	_ =	swait.ge [sflag:s23], $0x50  }
0xf5: {  	[sflag:s23] =	ssyncset.done $0x0  }
0xf6: {  	s11 =	simm.s32 $0x16170;
	s10 =	rddreg [dreg:$0xa];
	[sflag:s23] =	ssyncadd.s32 $0xFFFFFFB0  }
0xf7: {  	[tilespmem:s11], [sflag:$0x7] =	stream.linear.gather [hbm4b:s10+s2], $0x1400, $0x38;
	[tilespmem:$0x1F040] =	vst v63  }
.Ltmp3:
0xf8: {  	_ =	swait.ge [sflag:s24], $0x50;
	(pc) =	sbr.rel .LBB2_3-.Ltmp3, $4  }
0xf9: {  	[sflag:s24] =	ssyncset.done $0x0  }
0xfa: {  	s16 =	simm.s32 $0x17570;
	s12 =	rddreg [dreg:$0xb];
	[sflag:s24] =	ssyncadd.s32 $0xFFFFFFB0  }
0xfb: {  	[tilespmem:s16], [sflag:$0x8] =	stream.linear.gather [hbm4b:s12+s2], $0x1400, $0x38;
	[tilespmem:$0x1F040] =	vst v63  }
0xfc: {  	s7 =	sld [smem:$0x7FD];
	s16 =	smov.u32 s8  }
.LBB2_4:
0xfd: {  	s4 =	sadd.s32 $0x2AAAC, s11  }
0xfe: {  	s4 =	sshrl.u32 s4, $0x12  }
0xff: {  	s4 =	smul.u32 $0x6, s4;
	_ =	sdelay $0x1  }
0x100: {  	s4 =	ssub.s32 s2, s4  }
0x101: {  	s4 =	sadd.s32 $0x4, s4  }
0x102: {  	p1 =	slt.u32 s2, $0x2;
	s4 =	sand.u32 $0xFFFF, s4  }
0x103: {  	s10 =	sadd.s32 @!p1 $0xD, s4  }
0x104: {  	_ =	swait.ge @!p1 [sflag:s10], $0x1400  }
0x105: {  	[sflag:s10] =	ssyncset.done @!p1 $0x0  }
0x106: {  	s12 =	smul.u32 $0x140, s4;
	[sflag:s10] =	ssyncadd.s32 @!p1 $0xFFFFEC00;
	s10 =	sadd.s32 @!p1 $0x13, s4  }
0x107: {  	_ =	swait.ge @!p1 [sflag:s10], $0x280  }
0x108: {  	s12 =	sshrl.u32 s12, $0x2;
	[sflag:s10] =	ssyncset.done @!p1 $0x0  }
0x109: {  	s12 =	sadd.s32 $0x15F90, s12;
	s4 =	sadd.s32 $0x1, s4;
	[sflag:s10] =	ssyncadd.s32 @!p1 $0xFFFFFD80  }
0x10a: {  	[tilespmem:s12], [sflag:s4] =	stream.strided.gather [hbm4b:s16+s21], $0x50, s22, s21, $0x38;
	[tilespmem:$0x1F040] =	vst v63  }
.LBB2_6:
0x10b: {  	s4 =	sadd.s32 $0x15556, s11  }
0x10c: {  	s4 =	sshrl.u32 s4, $0x12  }
0x10d: {  	s4 =	smul.u32 $0x6, s4;
	_ =	sdelay $0x1  }
0x10e: {  	s4 =	ssub.s32 s2, s4  }
0x10f: {  	s4 =	sadd.s32 $0x2, s4  }
0x110: {  	s4 =	sand.u32 $0xFFFF, s4  }
0x111: {  	s10 =	sadd.s32 $0x1, s4;
	s12 =	smul.u32 $0x5000, s4  }
0x112: {  	_ =	swait.ge [sflag:s10], $0x50  }
0x113: {  	[sflag:s10] =	ssyncset.done $0x0;
	s11 =	sshrl.u32 s12, $0x2  }
0x114: {  	s4 =	sadd.s32 $0x7, s4;
	[sflag:s10] =	ssyncadd.s32 $0xFFFFFFB0;
	s12 =	sadd.s32 $0x16170, s11  }
0x115: {  	[tilespmem:s12], [sflag:s4] =	stream.linear.gather [hbm4b:s7+s6], $0x1400, $0x38;
	[tilespmem:$0x1F040] =	vst v63  }
.LBB2_7:
0x116: {  	s2 =	sadd.s32 $0x1, s2  }
0x117: {  	p1 =	seq.s32 s2, $0x1F4  }
.Ltmp4:
0x118: {  	_ = 	snop;
	(pc) =	sbr.rel @p1 .LBB2_8-.Ltmp4, $2  }
0x119: {  	_ =	sdelay $0x2  }
0x11a: {  	s16 =	sadd.s32 $0x5, s16;
	s7 =	sadd.s32 $0x280, s7  }
.LBB2_3:
0x11b: {  	s11 =	sand.u32 $0xFFFF, s2  }
0x11c: {  	s11 =	smul.u32 $0xAAAB, s11;
	_ =	sdelay $0x1  }
0x11d: {  	s11 =	sshrl.u32 s11, $0x12  }
0x11e: {  	s11 =	smul.u32 $0x6, s11;
	_ =	sdelay $0x1  }
0x11f: {  	s11 =	ssub.s32 s2, s11  }
0x120: {  	s11 =	sand.u32 $0xFFFF, s11  }
0x121: {  	s12 =	smul.u32 $0x5000, s11;
	s10 =	sadd.s32 $0x7, s11  }
0x122: {  	s4 =	smul.u32 $0x140, s11;
	_ =	swait.ge [sflag:s10], $0x1400  }
0x123: {  	p1 =	sgt.u32 s2, $0x1EF;
	s12 =	sshrl.u32 s12, $0x2;
	[sflag:s10] =	ssyncset.done $0x0  }
.Ltmp5:
0x124: {  	s4 =	sshrl.u32 s4, $0x2;
	s12 =	sadd.s32 $0x16170, s12;
	(pc) =	sbr.rel @!p1 .LBB2_4-.Ltmp5, $4  }
0x125: {  	[sflag:s10] =	ssyncadd.s32 $0xFFFFEC00;
	s4 =	sadd.s32 $0x15FB8, s4;
	s10 =	sadd.s32 $0xD, s11  }
0x126: {  	[spmem:s3] =	stream.indirect.scatter.add.f32 [tilespmem:s12], [sflag:s10], $0x80, s4, s21, $0xb8;
	[tilespmem:$0x1F040] =	vst v63  }
0x127: {  	s12 =	sadd.s32 $0x13, s11;
	s11 =	smul.u32 $0xAAAB, s2  }
0x128: {  	[spmem:s5] =	stream.indirect.scatter.add.f32 [tilespmem:s20], [sflag:s12], $0x10, s4, s21, $0xb8;
	[tilespmem:$0x1F040] =	vst v63  }
0x129: {  	p1 =	sgt.u32 s2, $0x1F1  }
.Ltmp6:
0x12a: {  	_ = 	snop;
	(pc) =	sbr.rel @p1 .LBB2_7-.Ltmp6, $4  }
.Ltmp7:
0x12b: {  	_ = 	snop;
	(pc) =	sbr.rel @!p1 .LBB2_6-.Ltmp7, $4  }
0x12c: {  	_ = 	snop  }
0x12d: {  	_ = 	snop  }
0x12e: {  	_ = 	snop  }
0x12f: {  	_ = 	snop  }
.LBB2_9:
0x130: {  	[bflag:$0x0] =	sbarrier.arrive $0xFFFF;
	s4 =	simm.s32 $0x15F90  }
0x131: {  	[tilespmem:s4], [sflag:$0x1] =	stream.strided.gather [hbm4b:s14+s21], $0x50, s22, s21, $0x38;
	[tilespmem:$0x1F040] =	vst v63  }
0x132: {  	s2 =	rddreg [dreg:$0xd]  }
0x133: {  	s7 =	simm.s32 $0x15FE0;
	s16 =	sld [smem:$0x7FC]  }
0x134: {  	[tilespmem:s7], [sflag:$0x2] =	stream.strided.gather [hbm4b:s2+s21], $0x50, s22, s21, $0x38;
	[tilespmem:$0x1F040] =	vst v63  }
0x135: {  	s10 =	simm.s32 $0x16030  }
0x136: {  	[tilespmem:s10], [sflag:$0x3] =	stream.strided.gather [hbm4b:s16+s21], $0x50, s22, s21, $0x38;
	[tilespmem:$0x1F040] =	vst v63  }
0x137: {  	s12 =	simm.s32 $0x16080;
	s11 =	rddreg [dreg:$0xe]  }
0x138: {  	[tilespmem:s12], [sflag:$0x4] =	stream.strided.gather [hbm4b:s11+s21], $0x50, s22, s21, $0x38;
	[tilespmem:$0x1F040] =	vst v63  }
0x139: {  	_ =	swait.ge [sflag:s23], $0x50  }
0x13a: {  	[sflag:s23] =	ssyncset.done $0x0  }
0x13b: {  	s13 =	simm.s32 $0x16170;
	[sflag:s23] =	ssyncadd.s32 $0xFFFFFFB0  }
0x13c: {  	[tilespmem:s13], [sflag:$0x7] =	stream.indirect.gather [hbm4b:s0+s21], $0x80, s4, s21, $0xb8;
	[tilespmem:$0x1F040] =	vst v63  }
.Ltmp8:
0x13d: {  	_ =	swait.ge [sflag:s24], $0x50;
	(pc) =	sbr.rel .LBB2_10-.Ltmp8, $4  }
0x13e: {  	[sflag:s24] =	ssyncset.done $0x0  }
0x13f: {  	s15 =	simm.s32 $0x15F90;
	s16 =	simm.s32 $0x17570;
	[sflag:s24] =	ssyncadd.s32 $0xFFFFFFB0  }
0x140: {  	[tilespmem:s16], [sflag:$0x8] =	stream.indirect.gather [hbm4b:s0+s21], $0x80, s7, s21, $0xb8;
	[tilespmem:$0x1F040] =	vst v63  }
0x141: {  	s2 =	simm.s32 $0x0;
	s13 =	simm.s32 $0x15FE0;
	s7 =	smov.u32 s8  }
.LBB2_11:
0x142: {  	s4 =	sadd.s32 $0x2AAAC, s11  }
0x143: {  	s4 =	sshrl.u32 s4, $0x12  }
0x144: {  	s4 =	smul.u32 $0x6, s4;
	_ =	sdelay $0x1  }
0x145: {  	s4 =	ssub.s32 s2, s4  }
0x146: {  	s4 =	sadd.s32 $0x4, s4  }
0x147: {  	p1 =	slt.u32 s2, $0x2;
	s4 =	sand.u32 $0xFFFF, s4  }
0x148: {  	s10 =	sadd.s32 @!p1 $0xD, s4;
	s12 =	smul.u32 $0x140, s4  }
0x149: {  	_ =	swait.ge @!p1 [sflag:s10], $0x1400  }
0x14a: {  	[sflag:s10] =	ssyncset.done @!p1 $0x0;
	s11 =	sshrl.u32 s12, $0x2  }
0x14b: {  	s4 =	sadd.s32 $0x1, s4;
	[sflag:s10] =	ssyncadd.s32 @!p1 $0xFFFFEC00;
	s16 =	sadd.s32 $0x15F90, s11  }
0x14c: {  	[tilespmem:s16], [sflag:s4] =	stream.strided.gather [hbm4b:s7+s21], $0x50, s22, s21, $0x38;
	[tilespmem:$0x1F040] =	vst v63  }
.LBB2_13:
0x14d: {  	s4 =	sadd.s32 $0x2, s2  }
0x14e: {  	s10 =	sand.u32 $0xFFFF, s4  }
0x14f: {  	s10 =	smul.u32 $0xAAAB, s10;
	_ =	sdelay $0x1  }
0x150: {  	s10 =	sshrl.u32 s10, $0x12  }
0x151: {  	s10 =	smul.u32 $0x6, s10;
	_ =	sdelay $0x1  }
0x152: {  	s4 =	ssub.s32 s4, s10  }
0x153: {  	s4 =	sand.u32 $0xFFFF, s4  }
0x154: {  	s16 =	sadd.s32 $0x1, s4;
	s11 =	smul.u32 $0x5000, s4  }
0x155: {  	s12 =	smul.u32 $0x140, s4;
	_ =	swait.ge [sflag:s16], $0x50  }
0x156: {  	[sflag:s16] =	ssyncset.done $0x0  }
0x157: {  	s11 =	sshrl.u32 s11, $0x2;
	[sflag:s16] =	ssyncadd.s32 $0xFFFFFFB0;
	s16 =	sshrl.u32 s12, $0x2  }
0x158: {  	s4 =	sadd.s32 $0x7, s4;
	s10 =	sadd.s32 $0x16170, s11;
	s11 =	sadd.s32 $0x15F90, s16  }
0x159: {  	[tilespmem:s10], [sflag:s4] =	stream.indirect.gather [hbm4b:s0+s21], $0x80, s11, s21, $0xb8;
	[tilespmem:$0x1F040] =	vst v63  }
.LBB2_14:
0x15a: {  	s2 =	sadd.s32 $0x1, s2  }
0x15b: {  	p1 =	sne.s32 s2, $0x1F4  }
.Ltmp9:
0x15c: {  	_ = 	snop;
	(pc) =	sbr.rel @!p1 .LBB2_15-.Ltmp9, $2  }
0x15d: {  	_ =	sdelay $0x2  }
0x15e: {  	s7 =	sadd.s32 $0x5, s7  }
.LBB2_10:
0x15f: {  	s11 =	smul.u32 $0xAAAB, s2;
	_ =	sdelay $0x1  }
0x160: {  	s4 =	sshrl.u32 s11, $0x12  }
0x161: {  	s4 =	smul.u32 $0x6, s4;
	_ =	sdelay $0x1  }
0x162: {  	s4 =	ssub.s32 s2, s4  }
0x163: {  	s4 =	sand.u32 $0xFFFF, s4  }
0x164: {  	s10 =	smul.u32 $0x5000, s4  }
0x165: {  	p1 =	sgt.u32 s2, $0x1EF;
	s16 =	smul.u32 $0x140, s4  }
.Ltmp10:
0x166: {  	s12 =	sadd.s32 $0x7, s4;
	(pc) =	sbr.rel @!p1 .LBB2_11-.Ltmp10, $4  }
0x167: {  	s4 =	sadd.s32 $0xD, s4;
	_ =	swait.ge [sflag:s12], $0x1400  }
0x168: {  	[sflag:s12] =	ssyncset.done $0x0;
	s10 =	sshrl.u32 s10, $0x2;
	s16 =	sshrl.u32 s16, $0x2  }
0x169: {  	[sflag:s12] =	ssyncadd.s32 $0xFFFFEC00;
	s10 =	sadd.s32 $0x16170, s10;
	s12 =	sadd.s32 $0x15FB8, s16  }
0x16a: {  	[spmem:s3] =	stream.indirect.scatter.add.f32 [tilespmem:s10], [sflag:s4], $0x80, s12, s21, $0xb8;
	[tilespmem:$0x1F040] =	vst v63  }
0x16b: {  	p1 =	sgt.u32 s2, $0x1F1  }
.Ltmp11:
0x16c: {  	_ = 	snop;
	(pc) =	sbr.rel @p1 .LBB2_14-.Ltmp11, $4  }
.Ltmp12:
0x16d: {  	_ = 	snop;
	(pc) =	sbr.rel @!p1 .LBB2_13-.Ltmp12, $4  }
0x16e: {  	_ = 	snop  }
0x16f: {  	_ = 	snop  }
0x170: {  	_ = 	snop  }
0x171: {  	_ = 	snop  }
.LBB2_8:
0x172: {  	_ =	swait.ge [sflag:s25], $0x1400  }
0x173: {  	[sflag:s25] =	ssyncset.done $0x0  }
0x174: {  	s2 =	simm.s32 $0x13;
	[sflag:s25] =	ssyncadd.s32 $0xFFFFEC00  }
0x175: {  	_ =	swait.ge [sflag:s2], $0x280  }
0x176: {  	[sflag:s2] =	ssyncset.done $0x0  }
0x177: {  	[sflag:s2] =	ssyncadd.s32 $0xFFFFFD80  }
0x178: {  	_ =	swait.ge [sflag:s26], $0x1400  }
0x179: {  	[sflag:s26] =	ssyncset.done $0x0  }
0x17a: {  	s12 =	simm.s32 $0x14;
	[sflag:s26] =	ssyncadd.s32 $0xFFFFEC00  }
0x17b: {  	_ =	swait.ge [sflag:s12], $0x280  }
0x17c: {  	[sflag:s12] =	ssyncset.done $0x0  }
0x17d: {  	[sflag:s12] =	ssyncadd.s32 $0xFFFFFD80  }
0x17e: {  	_ =	swait.ge [sflag:s28], $0x1400  }
0x17f: {  	[sflag:s28] =	ssyncset.done $0x0  }
0x180: {  	s16 =	simm.s32 $0x15;
	[sflag:s28] =	ssyncadd.s32 $0xFFFFEC00  }
0x181: {  	_ =	swait.ge [sflag:s16], $0x280  }
0x182: {  	[sflag:s16] =	ssyncset.done $0x0  }
0x183: {  	[sflag:s16] =	ssyncadd.s32 $0xFFFFFD80  }
0x184: {  	_ =	swait.ge [sflag:s29], $0x1400  }
0x185: {  	[sflag:s29] =	ssyncset.done $0x0  }
0x186: {  	s4 =	simm.s32 $0x16;
	[sflag:s29] =	ssyncadd.s32 $0xFFFFEC00  }
0x187: {  	_ =	swait.ge [sflag:s4], $0x280  }
0x188: {  	[sflag:s4] =	ssyncset.done $0x0  }
0x189: {  	[sflag:s4] =	ssyncadd.s32 $0xFFFFFD80  }
0x18a: {  	_ =	swait.ge [sflag:s30], $0x1400  }
0x18b: {  	[sflag:s30] =	ssyncset.done $0x0  }
0x18c: {  	s7 =	simm.s32 $0x17;
	[sflag:s30] =	ssyncadd.s32 $0xFFFFEC00  }
0x18d: {  	_ =	swait.ge [sflag:s7], $0x280  }
0x18e: {  	[sflag:s7] =	ssyncset.done $0x0  }
0x18f: {  	[sflag:s7] =	ssyncadd.s32 $0xFFFFFD80  }
0x190: {  	_ =	swait.ge [sflag:s31], $0x1400  }
0x191: {  	[sflag:s31] =	ssyncset.done $0x0  }
0x192: {  	s10 =	simm.s32 $0x18;
	[sflag:s31] =	ssyncadd.s32 $0xFFFFEC00  }
0x193: {  	_ =	swait.ge [sflag:s10], $0x280  }
0x194: {  	[sflag:s10] =	ssyncset.done $0x0  }
0x195: {  	s11 =	stileid.u32;
	[sflag:s10] =	ssyncadd.s32 $0xFFFFFD80  }
0x196: {  	s2 =	sshll.u32 s11, $0x6;
	[bflag:$0x0] =	sbarrier.arrive $0xFFFF  }
0x197: {  	s2 =	sor.u32 $0x1C19, s2;
	s4 =	sshrl.u32 s9, $0x3;
	s7 =	rddreg [dreg:$0xc]  }
0x198: {  	[hbm:s7], [sflag:s2] =	dma.local [spmem:s4], $0x2710  }
0x199: {  	_ =	swait.ge [sflag:s18], $0x2710  }
0x19a: {  	s12 =	sld [smem:$0x7F9]  }
0x19b: {  	s16 =	sld [smem:$0x7FB]  }
0x19c: {  	[sflag:s18] =	ssyncset.done $0x0  }
.Ltmp13:
0x19d: {  	[sflag:s18] =	ssyncadd.s32 $0xFFFFD8F0;
	(pc) =	sbr.rel .LBB2_16-.Ltmp13, $4  }
0x19e: {  	[hbm:s12], [sflag:s2] =	dma.local [spmem:s16], $0x4E2  }
0x19f: {  	_ =	swait.ge [sflag:s18], $0x4E2  }
0x1a0: {  	[sflag:s18] =	ssyncset.done $0x0  }
0x1a1: {  	[sflag:s18] =	ssyncadd.s32 $0xFFFFFB1E  }
.LBB2_17:
0x1a2: {  	_ =	sfence.sel $0x180000  }
0x1a3: {  	[bflag:$0x0] =	sbarrier.arrive $0xFFFF  }
0x1a4: {  	_ =	strace $0x90000047  }
0x1a5: {  	s0 =	stileid.u32;
	[bflag:$0x2] =	sbarrier.arrive $0xFFFF  }
0x1a6: {  	p0 =	sne.s32 s0, $0x0;
	s0 =	rddreg [dreg:$0x7]  }
0x1a7: {  	s0 =	sadd.s32 @!p0 $0x100000, s0  }
0x1a8: {  	[sflag:s0] =	ssyncadd.tile.s32 @!p0 $0x1;
	_ =	shalt  }
.Lfunc_end2:
_tile_overlayer_lowered:
.L_overlay_start_2:
0x1a9: {  	(tag) =	ssettag $0x2  }
0x1aa: {  	s0 =	rddreg [dreg:$0x0];
	s2 =	stileid.u32  }
0x1ab: {  	s1 =	rddreg [dreg:$0x1];
	p0 =	sne.s32 s2, $0x0  }
0x1ac: {  	s3 =	rddreg [dreg:$0x2];
	[bflag:$0x3] =	sbarrier.arrive $0xFFFF;
	s2 =	simm.s32 @!p0 $0x1C19  }
0x1ad: {  	[timem:s3], [sflag:s2] =	dma.local @!p0 [hbm:s0], s1  }
0x1ae: {  	s0 =	simm.s32 @!p0 $0x19  }
0x1af: {  	_ =	swait.ge @!p0 [sflag:s0], s1  }
0x1b0: {  	s1 =	ssub.s32 @!p0 $0x0, s1;
	[sflag:s0] =	ssyncset.done @!p0 $0x0  }
0x1b1: {  	[sflag:s0] =	ssyncadd.s32 @!p0 s1  }
0x1b2: {  	[bflag:$0x3] =	sbarrier.arrive $0xFFFF  }
0x1b3: {  	_ =	shalt  }

// kernel: kernel.9.cloned.1.call-start
scs
__scs_entry_jumppad:
0x0: {  	(pc) =	sbr.rel $0x88, $3  }
0x1: {  	(tag) =	ssettag $0x0;
	lr =	simm.s32 $0x1  }
0x2: {  	[smem:$0x3F98] =	sst lr;
	_ =	strace $0xD0000000  }
0x3: {  	_ = 	snop  }
0x4: {  	_ = 	snop  }
0x5: {  	_ = 	snop  }
0x6: {  	_ = 	snop  }
0x7: {  	_ = 	snop  }
__scs_overlays_trampoline_lowered:
0x8: {  	[smem:$0x3FA7] =	sst s0  }
0x9: {  	[smem:$0x3FA8] =	sst s1  }
0xa: {  	[smem:$0x3FA9] =	sst s2  }
0xb: {  	[smem:$0x3FAA] =	sst s3  }
0xc: {  	[smem:$0x3FAB] =	sst s4  }
0xd: {  	[smem:$0x3FAC] =	sst s5  }
0xe: {  	[smem:$0x3FAD] =	sst s6  }
0xf: {  	[smem:$0x3FAE] =	sst s7  }
0x10: {  	[smem:$0x3FAF] =	sst s8  }
0x11: {  	[smem:$0x3FB0] =	sst s9;
	s0 =	simm.s32 @!p0 $0x0  }
0x12: {  	s1 =	sld [smem:$0x3F96];
	s0 =	simm.s32 @p0 $0x1  }
0x13: {  	[smem:$0x3FB1] =	sst s0;
	s0 =	simm.s32 @!p1 $0x0  }
0x14: {  	s2 =	sld [smem:$0x3F95];
	s0 =	simm.s32 @p1 $0x1  }
0x15: {  	[smem:$0x3FB2] =	sst s0;
	s0 =	simm.s32 @!p2 $0x0  }
0x16: {  	s3 =	sld [smem:$0x3FDB];
	s0 =	simm.s32 @p2 $0x1  }
0x17: {  	s4 =	simm.s32 $0x1BF5;
	[smem:$0x3FB4] =	sst s0  }
0x18: {  	s0 =	sld [smem:$0x3F97];
	_ =	swait.ge [sflag:s4], $0x0  }
0x19: {  	s7 =	sld [smem:$0x3F98]  }
0x1a: {  	s8 =	sadd.s32 $0xFFFFE003, lr  }
0x1b: {  	s9 =	sadd.s32 $0xFFFFFEF7, lr;
	s5 =	simm.s32 $0xFFFFFFFF;
	p2 =	slt.u32 s8, $0xFFFFF086  }
0x1c: {  	p1 =	slt.u32 s9, $0xF7A;
	s5 =	simm.s32 @!p2 $0x0  }
0x1d: {  	s5 =	simm.s32 @p1 $0x1;
	p0 =	seq.s32 s7, s2  }
0x1e: {  	s7 =	smul.u32 @!p0 $0xF7A, s2;
	p2 =	seq.s32 @!p0 s5, $0x0  }
0x1f: {  	s9 =	smul.u32 $0xF7A, s1;
	s8 =	simm.s32 @!p0 $0x1BF5;
	p2 =	por !p2, p0  }
0x20: {  	[sflag:s8] =	ssyncset.s32 @!p0 $0xFFFFF086;
	s6 =	sadd.s32 @!p0 s3, s7;
	s7 =	simm.s32 @!p0 $0x108  }
0x21: {  	s3 =	sadd.s32 s3, s9;
	s6 =	sadd.s32 @!p0 $0x88, s6;
	s7 =	simm.s32 @p2 $0x1082  }
0x22: {  	[simem:s7], [sflag:s8] =	dma.local @!p0 [hbm:s6], $0xF7A  }
0x23: {  	s9 =	sor.u32 $0xD0000000, s2;
	s6 =	simm.s32 $0x108;
	_ =	swait.ge @!p0 [sflag:s8], $0x0  }
0x24: {  	s3 =	sadd.s32 $0x88, s3;
	s6 =	simm.s32 @!p1 $0x1082;
	[sflag:s4] =	ssyncset.s32 $0xFFFFF086  }
0x25: {  	[simem:s6], [sflag:s4] =	dma.local [hbm:s3], $0xF7A  }
0x26: {  	[smem:$0x3F98] =	sst s1;
	(tag) =	ssettag s2;
	_ =	strace s9  }
0x27: {  	s1 =	sld [smem:$0x3FA8]  }
0x28: {  	s2 =	sld [smem:$0x3FA9]  }
0x29: {  	s4 =	sld [smem:$0x3FAB]  }
0x2a: {  	p0 =	seq.s32 s5, $0x0;
	s5 =	sld [smem:$0x3FAC]  }
0x2b: {  	s6 =	sld [smem:$0x3FAD]  }
0x2c: {  	s7 =	sld [smem:$0x3FAE]  }
0x2d: {  	s3 =	simm.s32 $0x108;
	s8 =	sld [smem:$0x3FAF]  }
0x2e: {  	s3 =	simm.s32 @!p0 $0x1082;
	s9 =	sld [smem:$0x3FB0]  }
0x2f: {  	lr =	sadd.s32 s0, s3;
	s0 =	sld [smem:$0x3FA7]  }
0x30: {  	s3 =	sld [smem:$0x3FAA]  }
0x31: {  	[smem:$0x3FB3] =	sst s10  }
0x32: {  	s10 =	sld [smem:$0x3FB1];
	_ =	sdelay $0x3  }
0x33: {  	p0 =	seq.s32 s10, $0x1;
	s10 =	sld [smem:$0x3FB3];
	_ =	sdelay $0x3  }
0x34: {  	[smem:$0x3FB3] =	sst s10  }
0x35: {  	s10 =	sld [smem:$0x3FB2];
	_ =	sdelay $0x3  }
0x36: {  	p1 =	seq.s32 s10, $0x1;
	s10 =	sld [smem:$0x3FB3];
	_ =	sdelay $0x3  }
0x37: {  	[smem:$0x3FB3] =	sst s10  }
0x38: {  	s10 =	sld [smem:$0x3FB4]  }
0x39: {  	_ = 	snop;
	(pc) =	sbr.ind lr, $3  }
0x3a: {  	_ = 	snop  }
0x3b: {  	_ = 	snop  }
0x3c: {  	p2 =	seq.s32 s10, $0x1;
	s10 =	sld [smem:$0x3FB3]  }
0x3d: {  	_ =	shalt  }
0x3e: {  	_ =	shalt  }
0x3f: {  	_ =	shalt  }
0x40: {  	_ =	shalt  }
0x41: {  	_ =	shalt  }
0x42: {  	_ =	shalt  }
0x43: {  	_ =	shalt  }
0x44: {  	_ =	shalt  }
0x45: {  	_ =	shalt  }
0x46: {  	_ =	shalt  }
0x47: {  	_ =	shalt  }
0x48: {  	_ =	shalt  }
0x49: {  	_ =	shalt  }
0x4a: {  	_ =	shalt  }
0x4b: {  	_ =	shalt  }
0x4c: {  	_ =	shalt  }
0x4d: {  	_ =	shalt  }
0x4e: {  	_ =	shalt  }
0x4f: {  	_ =	shalt  }
0x50: {  	_ =	shalt  }
0x51: {  	_ =	shalt  }
0x52: {  	_ =	shalt  }
0x53: {  	_ =	shalt  }
0x54: {  	_ =	shalt  }
0x55: {  	_ =	shalt  }
0x56: {  	_ =	shalt  }
0x57: {  	_ =	shalt  }
0x58: {  	_ =	shalt  }
0x59: {  	_ =	shalt  }
0x5a: {  	_ =	shalt  }
0x5b: {  	_ =	shalt  }
0x5c: {  	_ =	shalt  }
0x5d: {  	_ =	shalt  }
0x5e: {  	_ =	shalt  }
0x5f: {  	_ =	shalt  }
0x60: {  	_ =	shalt  }
0x61: {  	_ =	shalt  }
0x62: {  	_ =	shalt  }
0x63: {  	_ =	shalt  }
0x64: {  	_ =	shalt  }
0x65: {  	_ =	shalt  }
0x66: {  	_ =	shalt  }
0x67: {  	_ =	shalt  }
0x68: {  	_ =	shalt  }
0x69: {  	_ =	shalt  }
0x6a: {  	_ =	shalt  }
0x6b: {  	_ =	shalt  }
0x6c: {  	_ =	shalt  }
0x6d: {  	_ =	shalt  }
0x6e: {  	_ =	shalt  }
0x6f: {  	_ =	shalt  }
0x70: {  	_ =	shalt  }
0x71: {  	_ =	shalt  }
0x72: {  	_ =	shalt  }
0x73: {  	_ =	shalt  }
0x74: {  	_ =	shalt  }
0x75: {  	_ =	shalt  }
0x76: {  	_ =	shalt  }
0x77: {  	_ =	shalt  }
0x78: {  	_ =	shalt  }
0x79: {  	_ =	shalt  }
0x7a: {  	_ =	shalt  }
0x7b: {  	_ =	shalt  }
0x7c: {  	_ =	shalt  }
0x7d: {  	_ =	shalt  }
0x7e: {  	_ =	shalt  }
0x7f: {  	_ =	shalt  }
0x80: {  	_ =	shalt  }
0x81: {  	_ =	shalt  }
0x82: {  	_ =	shalt  }
0x83: {  	_ =	shalt  }
0x84: {  	_ =	shalt  }
0x85: {  	_ =	shalt  }
0x86: {  	_ =	shalt  }
0x87: {  	_ =	shalt  }
.Lfunc_end0:
.L_simem_size_0:
called_computation.1_lowered:
.L_overlay_start_0:
0x88: {  	s2 =	sld [smem:$0x3FD9]  }
0x89: {  	s3 =	sld [smem:$0x3FFE];
	_ =	sdelay $0x1  }
0x8a: {  	s1 =	srdreg.scid  }
0x8b: {  	s0 =	sand.u32 $0x1, s1  }
0x8c: {  	s14 =	sshll.u32 s0, $0xA;
	s2 =	sadd.s32 s3, s2  }
0x8d: {  	s2 =	sadd.s32 s2, s14  }
0x8e: {  	[smem:$0x3FBF] =	sst s2  }
0x8f: {  	_ = 	snop  }
0x90: {  	s2 =	sld [smem:$0x3FD0];
	_ =	sdelay $0x2  }
0x91: {  	s15 =	simm.s32 $0xA;
	s4 =	simm.s32 $0x10  }
0x92: {  	[smem:s4], [sflag:s15] =	dma.local [hbm:s2], $0x1  }
0x93: {  	_ =	swait.eq [sflag:s15], $0x1  }
0x94: {  	[sflag:s15] =	ssyncset.done $0x0  }
0x95: {  	[sflag:s15] =	ssyncadd.s32 $0xFFFFFFFF  }
0x96: {  	s16 =	sld [smem:$0x11];
	(tm) =	ssettm $0x1  }
0x97: {  	s17 =	sld [smem:$0x3FFB];
	_ =	sdelay $0x3  }
0x98: {  	_ =	strace s17  }
0x99: {  	s3 =	sld [smem:$0x3FFC];
	_ =	sdelay $0x3  }
0x9a: {  	_ =	strace s3  }
0x9b: {  	s3 =	sld [smem:$0x3FFD];
	_ =	sdelay $0x3  }
0x9c: {  	_ =	strace s3  }
0x9d: {  	_ =	strace $0x8FFFFFFF  }
0x9e: {  	s18 =	sld [smem:$0x3FDB];
	_ =	sdelay $0x1  }
0x9f: {  	s19 =	simm.s32 $_scs_section_size  }
0xa0: {  	s5 =	simm.s32 $_size__tile_overlayer_lowered;
	s6 =	simm.s32 $_tile_overlayer_lowered  }
0xa1: {  	s22 =	simm.s32 $0x1BFF;
	s21 =	sshll.u32 s6, $0x1;
	s3 =	sadd.s32 s19, s18  }
0xa2: {  	s7 =	simm.s32 $0x0;
	s20 =	sshll.u32 s5, $0x1;
	s5 =	sadd.s32 s21, s3  }
0xa3: {  	[timem:s7], [sflag:s22] =	dma.local [hbm:s5], s20  }
0xa4: {  	_ =	swait.ge [sflag:s22], s20  }
0xa5: {  	s4 =	ssub.s32 $0x0, s20;
	[sflag:s22] =	ssyncset.done $0x0  }
0xa6: {  	[sflag:s22] =	ssyncadd.s32 s4;
	_ =	sdelay $0x1  }
0xa7: {  	s23 =	simm.s32 $0x1B8B  }
0xa8: {  	_ =	swait.ge [sflag:s23], $0x1  }
0xa9: {  	[sflag:s23] =	ssyncset.done $0x0  }
0xaa: {  	s25 =	simm.s32 $0x1B8E;
	s24 =	sld [smem:$0x3FFE];
	[sflag:s23] =	ssyncadd.s32 $0xFFFFFFFF  }
0xab: {  	s26 =	simm.s32 $execute0_lowered;
	[smem:$0x3FD2] =	sst s25  }
0xac: {  	s5 =	sshll.u32 s26, $0x1;
	_ =	strace $0x80000049;
	[dreg:$0x1] =	wrdreg $0xFFFFFFFF  }
0xad: {  	s28 =	simm.s32 $_size_execute0_lowered;
	s3 =	sadd.s32 s3, s5;
	[dreg:$0x0] =	wrdreg $0x0  }
0xae: {  	s5 =	sshll.u32 s28, $0x1;
	[dreg:$0x2] =	wrdreg s3  }
0xaf: {  	[dreg:$0x3] =	wrdreg s5  }
0xb0: {  	[dreg:$0x4] =	wrdreg $0xC0  }
0xb1: {  	_ =	task [dreg:s7], $0x5FFFF  }
0xb2: {  	[dreg:$0x1] =	wrdreg $0xFFFFFFFF  }
0xb3: {  	[dreg:$0x0] =	wrdreg $0x60  }
0xb4: {  	[dreg:$0x2] =	wrdreg s24  }
0xb5: {  	[dreg:$0x3] =	wrdreg s16  }
0xb6: {  	[dreg:$0x4] =	wrdreg $0x0  }
0xb7: {  	[dreg:$0x5] =	wrdreg $0x9  }
0xb8: {  	_ =	task.clear_ibuf [dreg:s7], $0x6FFFF;
	_ =	strace $0x90000049  }
0xb9: {  	s29 =	simm.s32 $0x9;
	_ =	strace $0x8000004B  }
0xba: {  	_ =	swait.ge [sflag:s29], $0x1  }
0xbb: {  	[sflag:s29] =	ssyncadd.s32 $0xFFFFFFFF  }
0xbc: {  	_ =	strace $0x9000004B  }
0xbd: {  	_ =	sfence  }
0xbe: {  	s30 =	sld [smem:$0x0];
	_ =	sdelay $0x2  }
0xbf: {  	s31 =	sshll.u32 s1, $0xD;
	s1 =	sshrl.u32 s1, $0x2  }
0xc0: {  	s3 =	sand.u32 $0x4000, s31;
	s1 =	sadd.s32 s1, s30  }
0xc1: {  	s0 =	sor.u32 s3, s0;
	s1 =	sshll.u32 s1, $0x11  }
0xc2: {  	s0 =	sor.u32 s1, s0  }
0xc3: {  	s0 =	sadd.s32 $0x8F2B, s0  }
0xc4: {  	[sflag:s0] =	ssyncadd.remote.s32 $0x1  }
0xc5: {  	_ =	sfence.sel $0xFFFF  }
0xc6: {  	[dreg:$0x0] =	wrdreg $0xFFFFFFFF;
	(pc) =	sbr.abs _section_cstart, $3  }
0xc7: {  	[dreg:$0x1] =	wrdreg $0xFFFFFFFF  }
0xc8: {  	_ =	task.clear_ibuf [dreg:s7], $0x2FFFF;
	_ =	strace $0x9FFFFFFF  }
0xc9: {  	(tm) =	ssettm $0x7FFFFFFF  }
tec
execute0_lowered:
.L_overlay_start_1:
0x0: {  	(tag) =	ssettag $0x1  }
0x1: {  	s0 =	rddreg [dreg:$0x0]  }
0x2: {  	s2 =	rddreg [dreg:$0x1];
	s11 =	stileid.u32  }
0x3: {  	s1 =	rddreg [dreg:$0x2];
	s3 =	simm.s32 $0x0;
	s7 =	smul.u32 $0x27100, s11  }
0x4: {  	s10 =	srdreg.scid;
	[smem:$0x7FF] =	sst s3  }
0x5: {  	s4 =	sadd.s32 $0x16600, s0;
	s3 =	sand.u32 $0x1, s10;
	s7 =	sshrl.u32 s7, $0x2  }
0x6: {  	s5 =	sadd.s32 $0x2C00, s0;
	s0 =	sadd.s32 $0x42C00, s0;
	s7 =	sadd.s32 s7, s1  }
0x7: {  	_ =	strace $0x8000004A;
	[dreg:$0x4] =	wrdreg s0;
	s14 =	sadd.s32 $0x640, s7  }
0x8: {  	s6 =	ssub.s32 $0x2, s3;
	s15 =	sadd.s32 $0xC80, s7;
	[dreg:$0x5] =	wrdreg s14  }
0x9: {  	s12 =	sshrl.u32 s6, $0x1;
	s16 =	sadd.s32 $0x12C0, s7;
	[dreg:$0x6] =	wrdreg s15  }
0xa: {  	s0 =	ssub.s32 s6, s12;
	s12 =	sadd.s32 $0x1900, s7;
	[dreg:$0x7] =	wrdreg s16  }
0xb: {  	s18 =	sadd.s32 $0x1F40, s7;
	[dreg:$0x8] =	wrdreg s12  }
0xc: {  	s29 =	simm.s32 $0x3;
	s19 =	sadd.s32 $0x2580, s7;
	[dreg:$0x9] =	wrdreg s18  }
0xd: {  	s8 =	smul.u32 $0x13880, s11;
	s20 =	sadd.s32 $0x2BC0, s7;
	[dreg:$0xa] =	wrdreg s19  }
0xe: {  	s13 =	sshll.u32 s3, $0x4;
	s21 =	sadd.s32 $0x3200, s7;
	[dreg:$0xb] =	wrdreg s20  }
0xf: {  	s17 =	smul.u32 $0x138800, s3;
	s22 =	sadd.s32 $0x3840, s7;
	[dreg:$0xc] =	wrdreg s21  }
0x10: {  	s9 =	sshrl.u32 s8, $0x1;
	s23 =	sadd.s32 $0x3E80, s7;
	[dreg:$0xd] =	wrdreg s22  }
0x11: {  	s6 =	sor.u32 s11, s13;
	s24 =	sadd.s32 $0x44C0, s7;
	[dreg:$0xe] =	wrdreg s23  }
0x12: {  	s10 =	smul.u32 $0x2710, s6;
	s25 =	sadd.s32 $0x4B00, s7;
	[dreg:$0xf] =	wrdreg s24  }
0x13: {  	s6 =	sadd.s32 s9, s1;
	s9 =	sadd.s32 $0x5780, s7;
	[dreg:$0x10] =	wrdreg s25  }
0x14: {  	s3 =	smul.u32 $0x27100, s3;
	s13 =	sadd.s32 $0x7080, s7;
	[dreg:$0x14] =	wrdreg s9  }
0x15: {  	s8 =	sadd.s32 s8, s17;
	s17 =	sadd.s32 $0x8980, s7;
	[dreg:$0x18] =	wrdreg s13  }
0x16: {  	s8 =	sshrl.u32 s8, $0x4;
	s0 =	smax.u32 s0, $0x1;
	[dreg:$0x1c] =	wrdreg s17  }
0x17: {  	s11 =	smul.u32 $0x2710, s11;
	s2 =	sadd.s32 s2, s8;
	[dreg:$0x1f] =	wrdreg s0  }
0x18: {  	s30 =	simm.s32 $0x9;
	s8 =	sadd.s32 $0x5140, s7;
	[dreg:$0x11] =	wrdreg s2  }
0x19: {  	s3 =	sadd.s32 s11, s3;
	s11 =	sadd.s32 $0x6400, s7;
	[dreg:$0x12] =	wrdreg s8  }
0x1a: {  	s31 =	simm.s32 $0x4;
	s12 =	sadd.s32 $0x6A40, s7;
	[dreg:$0x16] =	wrdreg s11  }
0x1b: {  	s14 =	sadd.s32 $0x76C0, s7;
	s15 =	sadd.s32 $0x7D00, s7;
	[dreg:$0x17] =	wrdreg s12  }
0x1c: {  	s16 =	sadd.s32 $0x8340, s7;
	s18 =	sadd.s32 $0x8FC0, s7;
	[dreg:$0x19] =	wrdreg s14  }
0x1d: {  	s19 =	sadd.s32 $0x9600, s7;
	s17 =	simm.s32 $0x4E200;
	[dreg:$0x1a] =	wrdreg s15  }
0x1e: {  	s0 =	simm.s32 $0xA;
	s9 =	simm.s32 $0x15;
	[dreg:$0x1b] =	wrdreg s16  }
0x1f: {  	s13 =	simm.s32 $0x0;
	s3 =	sadd.s32 $0x280, s3;
	[dreg:$0x1d] =	wrdreg s18  }
0x20: {  	s26 =	sshrl.u32 s10, $0x3;
	s10 =	sadd.s32 $0x5DC0, s7;
	[dreg:$0x1e] =	wrdreg s19  }
0x21: {  	s14 =	simm.s32 $0x14140;
	s15 =	simm.s32 $0x19;
	s28 =	sshrl.u32 s3, $0x3  }
0x22: {  	s21 =	sadd.s32 s5, s26;
	[dreg:$0x15] =	wrdreg s10;
	s2 =	sadd.s32 s28, s5  }
0x23: {  	s16 =	simm.s32 $0x50;
	s20 =	sadd.s32 $0xA, s21;
	[dreg:$0x13] =	wrdreg s2  }
0x24: {  	s7 =	simm.s32 $0x13;
	s22 =	sadd.s32 $0x14, s21;
	[smem:$0x7F7] =	sst s20  }
0x25: {  	s8 =	simm.s32 $0x14;
	s23 =	sadd.s32 $0x1E, s21;
	[smem:$0x7F8] =	sst s22  }
0x26: {  	s11 =	simm.s32 $0x17;
	s24 =	sadd.s32 $0x28, s21;
	[smem:$0x7F9] =	sst s23  }
.Ltmp0:
0x27: {  	s25 =	sadd.s32 $0x32, s21;
	[smem:$0x7FA] =	sst s24;
	(pc) =	sbr.rel .LBB2_1-.Ltmp0, $4  }
0x28: {  	s12 =	simm.s32 $0x18;
	s26 =	sadd.s32 $0x3C, s21;
	[smem:$0x7FB] =	sst s25  }
0x29: {  	s3 =	simm.s32 $0x11;
	s28 =	sadd.s32 $0x46, s21;
	[smem:$0x7FC] =	sst s26  }
0x2a: {  	s10 =	simm.s32 $0x16;
	s5 =	simm.s32 $0x12;
	[smem:$0x7FD] =	sst s28  }
0x2b: {  	s25 =	simm.s32 $0x1;
	s26 =	simm.s32 $0x2;
	s2 =	simm.s32 $0x5  }
.LBB2_7:
0x2c: {  	_ =	swait.ge [sflag:s3], $0x1400  }
0x2d: {  	[sflag:s3] =	ssyncset.done $0x0  }
0x2e: {  	[sflag:s3] =	ssyncadd.s32 $0xFFFFEC00  }
0x2f: {  	_ =	swait.ge [sflag:s5], $0x1400  }
0x30: {  	[sflag:s5] =	ssyncset.done $0x0  }
0x31: {  	[sflag:s5] =	ssyncadd.s32 $0xFFFFEC00  }
0x32: {  	_ =	swait.ge [sflag:s7], $0x1400  }
0x33: {  	[sflag:s7] =	ssyncset.done $0x0  }
0x34: {  	[sflag:s7] =	ssyncadd.s32 $0xFFFFEC00  }
0x35: {  	_ =	swait.ge [sflag:s8], $0x1400  }
0x36: {  	[sflag:s8] =	ssyncset.done $0x0  }
0x37: {  	[sflag:s8] =	ssyncadd.s32 $0xFFFFEC00  }
0x38: {  	_ =	swait.ge [sflag:s9], $0x1400  }
0x39: {  	[sflag:s9] =	ssyncset.done $0x0  }
0x3a: {  	[sflag:s9] =	ssyncadd.s32 $0xFFFFEC00  }
0x3b: {  	_ =	swait.ge [sflag:s10], $0x1400  }
0x3c: {  	[sflag:s10] =	ssyncset.done $0x0  }
0x3d: {  	[sflag:s10] =	ssyncadd.s32 $0xFFFFEC00  }
0x3e: {  	_ =	swait.ge [sflag:s11], $0x1400  }
0x3f: {  	[sflag:s11] =	ssyncset.done $0x0  }
0x40: {  	[sflag:s11] =	ssyncadd.s32 $0xFFFFEC00  }
0x41: {  	_ =	swait.ge [sflag:s12], $0x1400  }
0x42: {  	[sflag:s12] =	ssyncset.done $0x0  }
0x43: {  	s18 =	stileid.u32;
	[sflag:s12] =	ssyncadd.s32 $0xFFFFEC00  }
0x44: {  	s18 =	sshll.u32 s18, $0x6;
	[bflag:$0x0] =	sbarrier.arrive $0xFFFF  }
0x45: {  	s19 =	sshrl.u32 s6, $0x3;
	s18 =	sor.u32 $0x1C19, s18;
	s20 =	rddreg [dreg:$0x11]  }
0x46: {  	[hbm:s20], [sflag:s18] =	dma.local [spmem:s19], $0x1388  }
0x47: {  	_ =	swait.ge [sflag:s15], $0x1388  }
0x48: {  	s13 =	sadd.s32 $0x1, s13;
	s28 =	rddreg [dreg:$0x1f]  }
0x49: {  	p0 =	sne.s32 s13, s28  }
.Ltmp1:
0x4a: {  	_ = 	snop;
	(pc) =	sbr.rel @!p0 .LBB2_8-.Ltmp1, $3  }
0x4b: {  	_ =	sdelay $0x1  }
0x4c: {  	[sflag:s15] =	ssyncset.done $0x0  }
0x4d: {  	[sflag:s15] =	ssyncadd.s32 $0xFFFFEC78  }
.LBB2_1:
0x4e: {  	s18 =	simm.s32 $0x0;
	s19 =	rddreg [dreg:$0x4]  }
0x4f: {  	[tilespmem:s14], [sflag:$0x19] =	stream.linear.gather [hbm4b:s19+s18], $0x640, $0x38;
	[tilespmem:$0x14780] =	vst v63  }
0x50: {  	_ =	swait.ge [sflag:s15], $0x640  }
0x51: {  	[sflag:s15] =	ssyncset.done $0x0  }
0x52: {  	[sflag:s15] =	ssyncadd.s32 $0xFFFFF9C0  }
0x53: {  	[spmem:s6] =	stream.linear.scatter [tilespmem:s14], [sflag:$0x19], $0x640, $0x38;
	[tilespmem:$0x14780] =	vst v63  }
0x54: {  	_ =	swait.ge [sflag:s15], $0x640  }
0x55: {  	[sflag:s15] =	ssyncset.done $0x0  }
0x56: {  	s22 =	rddreg [dreg:$0x5];
	[sflag:s15] =	ssyncadd.s32 $0xFFFFF9C0  }
0x57: {  	[spmem:s22] =	stream.linear.scatter [tilespmem:s14], [sflag:$0x19], $0x640, $0x38;
	[tilespmem:$0x14780] =	vst v63  }
0x58: {  	_ =	swait.ge [sflag:s15], $0x640  }
0x59: {  	[sflag:s15] =	ssyncset.done $0x0  }
0x5a: {  	s23 =	rddreg [dreg:$0x6];
	[sflag:s15] =	ssyncadd.s32 $0xFFFFF9C0  }
0x5b: {  	[spmem:s23] =	stream.linear.scatter [tilespmem:s14], [sflag:$0x19], $0x640, $0x38;
	[tilespmem:$0x14780] =	vst v63  }
0x5c: {  	_ =	swait.ge [sflag:s15], $0x640  }
0x5d: {  	[sflag:s15] =	ssyncset.done $0x0  }
0x5e: {  	s24 =	rddreg [dreg:$0x7];
	[sflag:s15] =	ssyncadd.s32 $0xFFFFF9C0  }
0x5f: {  	[spmem:s24] =	stream.linear.scatter [tilespmem:s14], [sflag:$0x19], $0x640, $0x38;
	[tilespmem:$0x14780] =	vst v63  }
0x60: {  	_ =	swait.ge [sflag:s15], $0x640  }
0x61: {  	[sflag:s15] =	ssyncset.done $0x0  }
0x62: {  	s28 =	rddreg [dreg:$0x8];
	[sflag:s15] =	ssyncadd.s32 $0xFFFFF9C0  }
0x63: {  	[spmem:s28] =	stream.linear.scatter [tilespmem:s14], [sflag:$0x19], $0x640, $0x38;
	[tilespmem:$0x14780] =	vst v63  }
0x64: {  	_ =	swait.ge [sflag:s15], $0x640  }
0x65: {  	[sflag:s15] =	ssyncset.done $0x0  }
0x66: {  	s19 =	rddreg [dreg:$0x9];
	[sflag:s15] =	ssyncadd.s32 $0xFFFFF9C0  }
0x67: {  	[spmem:s19] =	stream.linear.scatter [tilespmem:s14], [sflag:$0x19], $0x640, $0x38;
	[tilespmem:$0x14780] =	vst v63  }
0x68: {  	_ =	swait.ge [sflag:s15], $0x640  }
0x69: {  	[sflag:s15] =	ssyncset.done $0x0  }
0x6a: {  	s20 =	rddreg [dreg:$0xa];
	[sflag:s15] =	ssyncadd.s32 $0xFFFFF9C0  }
0x6b: {  	[spmem:s20] =	stream.linear.scatter [tilespmem:s14], [sflag:$0x19], $0x640, $0x38;
	[tilespmem:$0x14780] =	vst v63  }
0x6c: {  	_ =	swait.ge [sflag:s15], $0x640  }
0x6d: {  	[sflag:s15] =	ssyncset.done $0x0  }
0x6e: {  	s22 =	rddreg [dreg:$0xb];
	[sflag:s15] =	ssyncadd.s32 $0xFFFFF9C0  }
0x6f: {  	[spmem:s22] =	stream.linear.scatter [tilespmem:s14], [sflag:$0x19], $0x640, $0x38;
	[tilespmem:$0x14780] =	vst v63  }
0x70: {  	_ =	swait.ge [sflag:s15], $0x640  }
0x71: {  	[sflag:s15] =	ssyncset.done $0x0  }
0x72: {  	s23 =	rddreg [dreg:$0xc];
	[sflag:s15] =	ssyncadd.s32 $0xFFFFF9C0  }
0x73: {  	[spmem:s23] =	stream.linear.scatter [tilespmem:s14], [sflag:$0x19], $0x640, $0x38;
	[tilespmem:$0x14780] =	vst v63  }
0x74: {  	_ =	swait.ge [sflag:s15], $0x640  }
0x75: {  	[sflag:s15] =	ssyncset.done $0x0  }
0x76: {  	s24 =	rddreg [dreg:$0xd];
	[sflag:s15] =	ssyncadd.s32 $0xFFFFF9C0  }
0x77: {  	[spmem:s24] =	stream.linear.scatter [tilespmem:s14], [sflag:$0x19], $0x640, $0x38;
	[tilespmem:$0x14780] =	vst v63  }
0x78: {  	_ =	swait.ge [sflag:s15], $0x640  }
0x79: {  	[sflag:s15] =	ssyncset.done $0x0  }
0x7a: {  	s28 =	rddreg [dreg:$0xe];
	[sflag:s15] =	ssyncadd.s32 $0xFFFFF9C0  }
0x7b: {  	[spmem:s28] =	stream.linear.scatter [tilespmem:s14], [sflag:$0x19], $0x640, $0x38;
	[tilespmem:$0x14780] =	vst v63  }
0x7c: {  	_ =	swait.ge [sflag:s15], $0x640  }
0x7d: {  	[sflag:s15] =	ssyncset.done $0x0  }
0x7e: {  	s19 =	rddreg [dreg:$0xf];
	[sflag:s15] =	ssyncadd.s32 $0xFFFFF9C0  }
0x7f: {  	[spmem:s19] =	stream.linear.scatter [tilespmem:s14], [sflag:$0x19], $0x640, $0x38;
	[tilespmem:$0x14780] =	vst v63  }
0x80: {  	_ =	swait.ge [sflag:s15], $0x640  }
0x81: {  	[sflag:s15] =	ssyncset.done $0x0  }
0x82: {  	s20 =	rddreg [dreg:$0x10];
	[sflag:s15] =	ssyncadd.s32 $0xFFFFF9C0  }
0x83: {  	[spmem:s20] =	stream.linear.scatter [tilespmem:s14], [sflag:$0x19], $0x640, $0x38;
	[tilespmem:$0x14780] =	vst v63  }
0x84: {  	_ =	swait.ge [sflag:s15], $0x640  }
0x85: {  	[sflag:s15] =	ssyncset.done $0x0  }
0x86: {  	s22 =	rddreg [dreg:$0x12];
	[sflag:s15] =	ssyncadd.s32 $0xFFFFF9C0  }
0x87: {  	[spmem:s22] =	stream.linear.scatter [tilespmem:s14], [sflag:$0x19], $0x640, $0x38;
	[tilespmem:$0x14780] =	vst v63  }
0x88: {  	_ =	swait.ge [sflag:s15], $0x640  }
0x89: {  	[sflag:s15] =	ssyncset.done $0x0  }
0x8a: {  	s23 =	rddreg [dreg:$0x14];
	[sflag:s15] =	ssyncadd.s32 $0xFFFFF9C0  }
0x8b: {  	[spmem:s23] =	stream.linear.scatter [tilespmem:s14], [sflag:$0x19], $0x640, $0x38;
	[tilespmem:$0x14780] =	vst v63  }
0x8c: {  	_ =	swait.ge [sflag:s15], $0x640  }
0x8d: {  	[sflag:s15] =	ssyncset.done $0x0  }
0x8e: {  	s24 =	rddreg [dreg:$0x15];
	[sflag:s15] =	ssyncadd.s32 $0xFFFFF9C0  }
0x8f: {  	[spmem:s24] =	stream.linear.scatter [tilespmem:s14], [sflag:$0x19], $0x640, $0x38;
	[tilespmem:$0x14780] =	vst v63  }
0x90: {  	_ =	swait.ge [sflag:s15], $0x640  }
0x91: {  	[sflag:s15] =	ssyncset.done $0x0  }
0x92: {  	s28 =	rddreg [dreg:$0x16];
	[sflag:s15] =	ssyncadd.s32 $0xFFFFF9C0  }
0x93: {  	[spmem:s28] =	stream.linear.scatter [tilespmem:s14], [sflag:$0x19], $0x640, $0x38;
	[tilespmem:$0x14780] =	vst v63  }
0x94: {  	_ =	swait.ge [sflag:s15], $0x640  }
0x95: {  	[sflag:s15] =	ssyncset.done $0x0  }
0x96: {  	s19 =	rddreg [dreg:$0x17];
	[sflag:s15] =	ssyncadd.s32 $0xFFFFF9C0  }
0x97: {  	[spmem:s19] =	stream.linear.scatter [tilespmem:s14], [sflag:$0x19], $0x640, $0x38;
	[tilespmem:$0x14780] =	vst v63  }
0x98: {  	_ =	swait.ge [sflag:s15], $0x640  }
0x99: {  	[sflag:s15] =	ssyncset.done $0x0  }
0x9a: {  	s20 =	rddreg [dreg:$0x18];
	[sflag:s15] =	ssyncadd.s32 $0xFFFFF9C0  }
0x9b: {  	[spmem:s20] =	stream.linear.scatter [tilespmem:s14], [sflag:$0x19], $0x640, $0x38;
	[tilespmem:$0x14780] =	vst v63  }
0x9c: {  	_ =	swait.ge [sflag:s15], $0x640  }
0x9d: {  	[sflag:s15] =	ssyncset.done $0x0  }
0x9e: {  	s22 =	rddreg [dreg:$0x19];
	[sflag:s15] =	ssyncadd.s32 $0xFFFFF9C0  }
0x9f: {  	[spmem:s22] =	stream.linear.scatter [tilespmem:s14], [sflag:$0x19], $0x640, $0x38;
	[tilespmem:$0x14780] =	vst v63  }
0xa0: {  	_ =	swait.ge [sflag:s15], $0x640  }
0xa1: {  	[sflag:s15] =	ssyncset.done $0x0  }
0xa2: {  	s23 =	rddreg [dreg:$0x1a];
	[sflag:s15] =	ssyncadd.s32 $0xFFFFF9C0  }
0xa3: {  	[spmem:s23] =	stream.linear.scatter [tilespmem:s14], [sflag:$0x19], $0x640, $0x38;
	[tilespmem:$0x14780] =	vst v63  }
0xa4: {  	_ =	swait.ge [sflag:s15], $0x640  }
0xa5: {  	[sflag:s15] =	ssyncset.done $0x0  }
0xa6: {  	s24 =	rddreg [dreg:$0x1b];
	[sflag:s15] =	ssyncadd.s32 $0xFFFFF9C0  }
0xa7: {  	[spmem:s24] =	stream.linear.scatter [tilespmem:s14], [sflag:$0x19], $0x640, $0x38;
	[tilespmem:$0x14780] =	vst v63  }
0xa8: {  	_ =	swait.ge [sflag:s15], $0x640  }
0xa9: {  	[sflag:s15] =	ssyncset.done $0x0  }
0xaa: {  	s28 =	rddreg [dreg:$0x1c];
	[sflag:s15] =	ssyncadd.s32 $0xFFFFF9C0  }
0xab: {  	[spmem:s28] =	stream.linear.scatter [tilespmem:s14], [sflag:$0x19], $0x640, $0x38;
	[tilespmem:$0x14780] =	vst v63  }
0xac: {  	_ =	swait.ge [sflag:s15], $0x640  }
0xad: {  	[sflag:s15] =	ssyncset.done $0x0  }
0xae: {  	s19 =	rddreg [dreg:$0x1d];
	[sflag:s15] =	ssyncadd.s32 $0xFFFFF9C0  }
0xaf: {  	[spmem:s19] =	stream.linear.scatter [tilespmem:s14], [sflag:$0x19], $0x640, $0x38;
	[tilespmem:$0x14780] =	vst v63  }
0xb0: {  	_ =	swait.ge [sflag:s15], $0x640  }
0xb1: {  	[sflag:s15] =	ssyncset.done $0x0  }
0xb2: {  	s20 =	rddreg [dreg:$0x1e];
	[sflag:s15] =	ssyncadd.s32 $0xFFFFF9C0  }
0xb3: {  	[spmem:s20] =	stream.linear.scatter [tilespmem:s14], [sflag:$0x19], $0x640, $0x38;
	[tilespmem:$0x14780] =	vst v63  }
0xb4: {  	_ =	swait.ge [sflag:s15], $0x640  }
0xb5: {  	[sflag:s15] =	ssyncset.done $0x0  }
0xb6: {  	[sflag:s15] =	ssyncadd.s32 $0xFFFFF9C0  }
0xb7: {  	[bflag:$0x0] =	sbarrier.arrive $0xFFFF  }
0xb8: {  	s19 =	simm.s32 $0x9C40;
	s22 =	sld [smem:$0x7F7]  }
0xb9: {  	[tilespmem:s19], [sflag:$0x1] =	stream.strided.gather [hbm4b:s21+s16], $0xA0, s17, s16, $0x38;
	[tilespmem:$0x14780] =	vst v63  }
0xba: {  	s20 =	simm.s32 $0x9CE0;
	s23 =	sld [smem:$0x7F8]  }
0xbb: {  	[tilespmem:s20], [sflag:$0x2] =	stream.strided.gather [hbm4b:s22+s16], $0xA0, s17, s16, $0x38;
	[tilespmem:$0x14780] =	vst v63  }
0xbc: {  	s24 =	sld [smem:$0x7F9];
	s22 =	simm.s32 $0x9D80  }
0xbd: {  	[tilespmem:s22], [sflag:$0x3] =	stream.strided.gather [hbm4b:s23+s16], $0xA0, s17, s16, $0x38;
	[tilespmem:$0x14780] =	vst v63  }
0xbe: {  	s28 =	sld [smem:$0x7FA];
	s23 =	simm.s32 $0x9E20  }
0xbf: {  	[tilespmem:s23], [sflag:$0x4] =	stream.strided.gather [hbm4b:s24+s16], $0xA0, s17, s16, $0x38;
	[tilespmem:$0x14780] =	vst v63  }
0xc0: {  	s18 =	sld [smem:$0x7FB];
	s24 =	simm.s32 $0x9EC0  }
0xc1: {  	[tilespmem:s24], [sflag:$0x5] =	stream.strided.gather [hbm4b:s28+s16], $0xA0, s17, s16, $0x38;
	[tilespmem:$0x14780] =	vst v63  }
0xc2: {  	s28 =	simm.s32 $0x9F60  }
0xc3: {  	[tilespmem:s28], [sflag:$0x6] =	stream.strided.gather [hbm4b:s18+s16], $0xA0, s17, s16, $0x38;
	[tilespmem:$0x14780] =	vst v63  }
0xc4: {  	_ =	swait.ge [sflag:s25], $0xA0  }
0xc5: {  	[sflag:s25] =	ssyncset.done $0x0  }
0xc6: {  	s18 =	simm.s32 $0xA140;
	[sflag:s25] =	ssyncadd.s32 $0xFFFFFF60  }
0xc7: {  	[tilespmem:s18], [sflag:$0x9] =	stream.indirect.gather [hbm4b:s4+s16], $0x40, s19, s16, $0xb8;
	[tilespmem:$0x14780] =	vst v63  }
0xc8: {  	_ =	swait.ge [sflag:s26], $0xA0  }
0xc9: {  	[sflag:s26] =	ssyncset.done $0x0  }
0xca: {  	s19 =	simm.s32 $0xB540;
	[sflag:s26] =	ssyncadd.s32 $0xFFFFFF60  }
0xcb: {  	[tilespmem:s19], [sflag:$0xA] =	stream.indirect.gather [hbm4b:s4+s16], $0x40, s20, s16, $0xb8;
	[tilespmem:$0x14780] =	vst v63  }
0xcc: {  	_ =	swait.ge [sflag:s29], $0xA0  }
0xcd: {  	[sflag:s29] =	ssyncset.done $0x0  }
0xce: {  	s28 =	simm.s32 $0xC940;
	[sflag:s29] =	ssyncadd.s32 $0xFFFFFF60  }
0xcf: {  	[tilespmem:s28], [sflag:$0xB] =	stream.indirect.gather [hbm4b:s4+s16], $0x40, s22, s16, $0xb8;
	[tilespmem:$0x14780] =	vst v63  }
0xd0: {  	_ =	swait.ge [sflag:s30], $0x1400  }
0xd1: {  	[sflag:s30] =	ssyncset.done $0x0  }
0xd2: {  	s28 =	simm.s32 $0x9C90;
	s20 =	sld [smem:$0x7FC];
	[sflag:s30] =	ssyncadd.s32 $0xFFFFEC00  }
0xd3: {  	[spmem:s1] =	stream.indirect.scatter.add.bf16 [tilespmem:s18], [sflag:$0x11], $0x40, s28, s16, $0xb8;
	[tilespmem:$0x14780] =	vst v63  }
0xd4: {  	s22 =	simm.s32 $0xA000  }
0xd5: {  	[tilespmem:s22], [sflag:$0x7] =	stream.strided.gather [hbm4b:s20+s16], $0xA0, s17, s16, $0x38;
	[tilespmem:$0x14780] =	vst v63  }
0xd6: {  	_ =	swait.ge [sflag:s31], $0xA0  }
0xd7: {  	[sflag:s31] =	ssyncset.done $0x0  }
0xd8: {  	s28 =	simm.s32 $0xDD40;
	[sflag:s31] =	ssyncadd.s32 $0xFFFFFF60  }
0xd9: {  	[tilespmem:s28], [sflag:$0xC] =	stream.indirect.gather [hbm4b:s4+s16], $0x40, s23, s16, $0xb8;
	[tilespmem:$0x14780] =	vst v63  }
0xda: {  	_ =	swait.ge [sflag:s0], $0x1400  }
0xdb: {  	[sflag:s0] =	ssyncset.done $0x0  }
0xdc: {  	s20 =	simm.s32 $0x9D30;
	s22 =	sld [smem:$0x7FD];
	[sflag:s0] =	ssyncadd.s32 $0xFFFFEC00  }
0xdd: {  	[spmem:s1] =	stream.indirect.scatter.add.bf16 [tilespmem:s19], [sflag:$0x12], $0x40, s20, s16, $0xb8;
	[tilespmem:$0x14780] =	vst v63  }
0xde: {  	s23 =	simm.s32 $0xA0A0  }
0xdf: {  	[tilespmem:s23], [sflag:$0x8] =	stream.strided.gather [hbm4b:s22+s16], $0xA0, s17, s16, $0x38;
	[tilespmem:$0x14780] =	vst v63  }
.Ltmp2:
0xe0: {  	_ = 	snop;
	(pc) =	sbr.rel .LBB2_2-.Ltmp2, $4  }
0xe1: {  	_ =	swait.ge [sflag:s2], $0xA0  }
0xe2: {  	s18 =	simm.s32 $0x8;
	[sflag:s2] =	ssyncset.done $0x0  }
0xe3: {  	s28 =	simm.s32 $0xF140;
	s19 =	rddreg [dreg:$0x13];
	[sflag:s2] =	ssyncadd.s32 $0xFFFFFF60  }
0xe4: {  	[tilespmem:s28], [sflag:$0xD] =	stream.indirect.gather [hbm4b:s4+s16], $0x40, s24, s16, $0xb8;
	[tilespmem:$0x14780] =	vst v63  }
.LBB2_3:
0xe5: {  	s20 =	sand.u32 $0x7, s18  }
0xe6: {  	s22 =	sadd.s32 $0x11, s20;
	s23 =	smul.u32 $0x280, s20  }
0xe7: {  	_ =	swait.ge [sflag:s22], $0x1400  }
0xe8: {  	[sflag:s22] =	ssyncset.done $0x0;
	s23 =	sshrl.u32 s23, $0x2  }
0xe9: {  	s20 =	sadd.s32 $0x1, s20;
	[sflag:s22] =	ssyncadd.s32 $0xFFFFEC00;
	s28 =	sadd.s32 $0x9C40, s23  }
0xea: {  	[tilespmem:s28], [sflag:s20] =	stream.strided.gather [hbm4b:s19+s16], $0xA0, s17, s16, $0x38;
	[tilespmem:$0x14780] =	vst v63  }
.LBB2_5:
0xeb: {  	s20 =	sadd.s32 $0xFFFFFFFD, s18  }
0xec: {  	s20 =	sand.u32 $0x7, s20  }
0xed: {  	s23 =	smul.u32 $0x5000, s20  }
0xee: {  	s22 =	sadd.s32 $0x1, s20;
	s24 =	smul.u32 $0x280, s20  }
0xef: {  	s20 =	sadd.s32 $0x9, s20;
	_ =	swait.ge [sflag:s22], $0xA0  }
0xf0: {  	[sflag:s22] =	ssyncset.done $0x0;
	s23 =	sshrl.u32 s23, $0x2;
	s28 =	sshrl.u32 s24, $0x2  }
0xf1: {  	[sflag:s22] =	ssyncadd.s32 $0xFFFFFF60;
	s22 =	sadd.s32 $0xA140, s23;
	s23 =	sadd.s32 $0x9C40, s28  }
0xf2: {  	[tilespmem:s22], [sflag:s20] =	stream.indirect.gather [hbm4b:s4+s16], $0x40, s23, s16, $0xb8;
	[tilespmem:$0x14780] =	vst v63  }
.LBB2_6:
0xf3: {  	s18 =	sadd.s32 $0x1, s18  }
0xf4: {  	p0 =	sne.s32 s18, $0x83  }
.Ltmp3:
0xf5: {  	_ = 	snop;
	(pc) =	sbr.rel @!p0 .LBB2_7-.Ltmp3, $2  }
0xf6: {  	_ =	sdelay $0x2  }
0xf7: {  	s19 =	sadd.s32 $0xA, s19  }
.LBB2_2:
0xf8: {  	s20 =	sadd.s32 $0xFFFFFFFA, s18  }
0xf9: {  	s23 =	sand.u32 $0x7, s20  }
0xfa: {  	s24 =	smul.u32 $0x5000, s23  }
0xfb: {  	p0 =	sgt.u32 s20, $0x76;
	s28 =	smul.u32 $0x280, s23  }
.Ltmp4:
0xfc: {  	s22 =	sadd.s32 $0x9, s23;
	(pc) =	sbr.rel @!p0 .LBB2_3-.Ltmp4, $4  }
0xfd: {  	s23 =	sadd.s32 $0x11, s23;
	_ =	swait.ge [sflag:s22], $0x1400  }
0xfe: {  	s24 =	sshrl.u32 s24, $0x2;
	[sflag:s22] =	ssyncset.done $0x0;
	s28 =	sshrl.u32 s28, $0x2  }
0xff: {  	s24 =	sadd.s32 $0xA140, s24;
	[sflag:s22] =	ssyncadd.s32 $0xFFFFEC00;
	s28 =	sadd.s32 $0x9C90, s28  }
0x100: {  	[spmem:s1] =	stream.indirect.scatter.add.bf16 [tilespmem:s24], [sflag:s23], $0x40, s28, s16, $0xb8;
	[tilespmem:$0x14780] =	vst v63  }
0x101: {  	p0 =	sgt.u32 s20, $0x79  }
.Ltmp5:
0x102: {  	_ = 	snop;
	(pc) =	sbr.rel @p0 .LBB2_6-.Ltmp5, $4  }
.Ltmp6:
0x103: {  	_ = 	snop;
	(pc) =	sbr.rel @!p0 .LBB2_5-.Ltmp6, $4  }
0x104: {  	_ = 	snop  }
0x105: {  	_ = 	snop  }
0x106: {  	_ = 	snop  }
0x107: {  	_ = 	snop  }
.LBB2_8:
0x108: {  	_ =	sfence.sel $0x180000  }
0x109: {  	[bflag:$0x0] =	sbarrier.arrive $0xFFFF  }
0x10a: {  	_ =	strace $0x9000004A  }
0x10b: {  	s0 =	stileid.u32;
	[bflag:$0x2] =	sbarrier.arrive $0xFFFF  }
0x10c: {  	p0 =	sne.s32 s0, $0x0;
	s0 =	rddreg [dreg:$0x3]  }
0x10d: {  	s0 =	sadd.s32 @!p0 $0x100000, s0  }
0x10e: {  	[sflag:s0] =	ssyncadd.tile.s32 @!p0 $0x1;
	_ =	shalt  }
.Lfunc_end2:
_tile_overlayer_lowered:
.L_overlay_start_2:
0x10f: {  	(tag) =	ssettag $0x2  }
0x110: {  	s0 =	rddreg [dreg:$0x0];
	s2 =	stileid.u32  }
0x111: {  	s1 =	rddreg [dreg:$0x1];
	p0 =	sne.s32 s2, $0x0  }
0x112: {  	s3 =	rddreg [dreg:$0x2];
	[bflag:$0x3] =	sbarrier.arrive $0xFFFF;
	s2 =	simm.s32 @!p0 $0x1C19  }
0x113: {  	[timem:s3], [sflag:s2] =	dma.local @!p0 [hbm:s0], s1  }
0x114: {  	s0 =	simm.s32 @!p0 $0x19  }
0x115: {  	_ =	swait.ge @!p0 [sflag:s0], s1  }
0x116: {  	s1 =	ssub.s32 @!p0 $0x0, s1;
	[sflag:s0] =	ssyncset.done @!p0 $0x0  }
0x117: {  	[sflag:s0] =	ssyncadd.s32 @!p0 s1  }
0x118: {  	[bflag:$0x3] =	sbarrier.arrive $0xFFFF  }
0x119: {  	_ =	shalt  }

</sc_bundles>
